<compile_context>
chip_gen: v7x
topology: tpu7x:2x2x1
jax: 0.10.2.dev20260603
libtpu: 0.0.44.dev20260713+nightly
codegen_flags: <defaults>
</compile_context>

<pallas_src>
import numpy as np
import jax
import jax.numpy as jnp
from jax import lax
from jax.experimental import pallas as pl
from jax.experimental.pallas import tpu as pltpu
from jax.experimental.pallas import tpu_sc as plsc

C = 16
N = 1024
ND = 32
D = 384
NAUG = 7

NC = 2
NS = 16
NW = NC * NS

ROWS = C * N
ROWS_PER_W = ROWS // NW
CHUNK = 128
NCH = ROWS_PER_W // CHUNK


def _build_tables():
    g = np.arange(N, dtype=np.int32).reshape(ND, ND)
    perms = [np.flip(g, 1).reshape(-1)]
    for k in range(1, 4):
        r = np.rot90(g, k)
        perms.append(r.reshape(-1))
        perms.append(np.flip(r, 1).reshape(-1))
    perm = np.stack(perms).astype(np.int32)
    inv = np.argsort(perm, axis=1).astype(np.int32)

    r = np.arange(ROWS, dtype=np.int64)
    c = r // N
    n = r % N
    dest = (np.arange(NAUG, dtype=np.int64)[:, None] * ROWS
            + c[None, :] * N + inv[:, n])
    dest = dest.transpose(1, 0).reshape(NW, NCH, CHUNK, NAUG)
    sidx = dest.transpose(0, 1, 3, 2).reshape(NW, NCH * NAUG, CHUNK)
    return np.asarray(sidx, dtype=np.int32), inv


_SIDX_NP, _INV_NP = _build_tables()


def _sc_body(patch_hbm, sidx_hbm, inv_hbm, out_hbm, invout_hbm,
             buf0, buf1, idx_v, inv_v, sem_in, sem_out):
    wid = lax.axis_index("c") * NS + lax.axis_index("s")
    base = wid * ROWS_PER_W

    pltpu.sync_copy(sidx_hbm.at[wid], idx_v)

    @pl.when(wid < NAUG)
    def _():
        pltpu.sync_copy(inv_hbm.at[wid], inv_v)
        pltpu.sync_copy(inv_v, invout_hbm.at[wid])

    bufs = (buf0, buf1)

    def load(j, buf):
        return pltpu.async_copy(
            patch_hbm.at[pl.ds(base + j * CHUNK, CHUNK)], buf, sem_in)

    scat = [None] * NCH
    ld = load(0, bufs[0])
    for j in range(NCH):
        ld.wait()
        buf = bufs[j % 2]
        if j + 1 < NCH:
            if j >= 1:
                for d in scat[j - 1]:
                    d.wait()
            ld = load(j + 1, bufs[(j + 1) % 2])
        scat[j] = [
            pltpu.async_copy(buf, out_hbm.at[idx_v.at[j * NAUG + a]], sem_out)
            for a in range(NAUG)
        ]
    for j in (NCH - 2, NCH - 1):
        for d in scat[j]:
            d.wait()


def kernel(patch):
    patch2d = patch.reshape(ROWS, D)
    sidx = jnp.asarray(_SIDX_NP)
    inv = jnp.asarray(_INV_NP)

    mesh = plsc.VectorSubcoreMesh(
        core_axis_name="c", subcore_axis_name="s",
        num_cores=NC, num_subcores=NS)

    out2d, invout = pl.kernel(
        _sc_body,
        out_type=(
            jax.ShapeDtypeStruct((NAUG * ROWS, D), jnp.float32),
            jax.ShapeDtypeStruct((NAUG, N), jnp.int32),
        ),
        mesh=mesh,
        scratch_types=[
            pltpu.VMEM((CHUNK, D), jnp.float32),
            pltpu.VMEM((CHUNK, D), jnp.float32),
            pltpu.VMEM((NCH * NAUG, CHUNK), jnp.int32),
            pltpu.VMEM((N,), jnp.int32),
            pltpu.SemaphoreType.DMA,
            pltpu.SemaphoreType.DMA,
        ],
    )(patch2d, sidx, inv)

    return out2d.reshape(NAUG, C, N, D), invout

# --- scband reference (transcript-rebuilt; emitter-appended) ---
"""Pipeline reference for scband-patch-augmentations-55044300866148 (READ-ONLY COPY).

The authoritative reference and input builder live on the scoring server;
editing this copy changes nothing except your own understanding.
"""

import jax, jax.numpy as jnp
import numpy as np

SIZE = 512
PATCH = 16
ND = SIZE // PATCH  # 32
N = ND * ND         # 1024
C = 16
D = 384


def setup_inputs(seed: int = 0) -> dict:
    key = jax.random.key(seed)
    patch = jax.random.normal(key, (C, N, D), dtype=jnp.float32)
    return {"patch": patch}


def reference(patch):
    # grid buffer: arange(nd^2).reshape(nd, nd)
    grid = jnp.arange(N, dtype=jnp.int32).reshape(ND, ND)

    aug_list = []
    argsort_aug_list = []

    # hflip of identity grid (TF.hflip flips the last / width dim)
    flat_flipped_idx = jnp.flip(grid, axis=1).reshape(-1)
    aug_list.append(patch[:, flat_flipped_idx, :])
    argsort_aug_list.append(jnp.argsort(flat_flipped_idx))

    for k in range(1, 4):
        rotated_grid = jnp.rot90(grid, k=k, axes=(0, 1))
        flat_rotated_idx = rotated_grid.reshape(-1)
        aug_list.append(patch[:, flat_rotated_idx, :])
        flipped_grid = jnp.flip(rotated_grid, axis=1)
        flat_flipped_idx = flipped_grid.reshape(-1)
        aug_list.append(patch[:, flat_flipped_idx, :])
        argsort_aug_list.append(jnp.argsort(flat_rotated_idx))
        argsort_aug_list.append(jnp.argsort(flat_flipped_idx))

    aug_tensor = jnp.stack(aug_list, axis=0)          # [7, C, N, D]
    argsort_tensor = jnp.stack(argsort_aug_list, 0)   # [7, N]
    # is_validation=True path: return unshuffled stacks
    return aug_tensor, argsort_tensor

if __name__ == "__main__":
    import jax
    _d = setup_inputs()
    print(jax.jit(kernel)(*tuple(_d.values())))

</pallas_src>

<mosaic_0001>
#map = affine_map<(d0, d1) -> (0, 0)>
#map1 = affine_map<(d0, d1) -> (0, 0, 0)>
module attributes {stable_mosaic.version = 14 : i64} {
  func.func @_sc_body(%arg0: i32, %arg1: i32, %arg2: memref<16384x384xf32, #tpu.memory_space<hbm>>, %arg3: memref<32x28x128xi32, #tpu.memory_space<hbm>>, %arg4: memref<7x1024xi32, #tpu.memory_space<hbm>>, %arg5: memref<114688x384xf32, #tpu.memory_space<hbm>>, %arg6: memref<7x1024xi32, #tpu.memory_space<hbm>>, %arg7: memref<128x384xf32, #tpu.memory_space<vmem>>, %arg8: memref<128x384xf32, #tpu.memory_space<vmem>>, %arg9: memref<28x128xi32, #tpu.memory_space<vmem>>, %arg10: memref<1024xi32, #tpu.memory_space<vmem>>, %arg11: memref<!tpu.dma_semaphore, #tpu.memory_space<semaphore_mem>>, %arg12: memref<!tpu.dma_semaphore, #tpu.memory_space<semaphore_mem>>) attributes {dimension_semantics = [#tpu.dimension_semantics<core_parallel>, #tpu.dimension_semantics<subcore_parallel>], iteration_bounds = array<i64: 2, 16>, scalar_prefetch = 0 : i64, scratch_operands = 6 : i64, tpu.core_type = #tpu.core_type<sc_vector_subcore>, window_params = [{transform_indices = #map}, {transform_indices = #map1}, {transform_indices = #map}, {transform_indices = #map}, {transform_indices = #map}]} {
    %mul3A = arith.constant 16 : i32
    %mul3A_0 = arith.muli %arg0, %mul3A : i32
    %add3A = arith.addi %mul3A_0, %arg1 : i32
    %mul3A_1 = arith.constant 512 : i32
    %mul3A_2 = arith.muli %add3A, %mul3A_1 : i32
    "tpu.region"() ({
      %run_scoped3A = tpu.sem_alloc : memref<!tpu.dma_semaphore, #tpu.memory_space<semaphore_mem>>
      %dma_start3A_435 = arith.constant 0 : i32
      %dma_start3A_436 = arith.constant 0 : i32
      %dma_start3A_437 = tpu.memref_slice %arg3[%add3A, %dma_start3A_435, %dma_start3A_436] : memref<32x28x128xi32, #tpu.memory_space<hbm>> -> memref<1x28x128xi32, #tpu.memory_space<hbm>>
      %dma_start3A_438 = tpu.memref_squeeze %dma_start3A_437 : memref<1x28x128xi32, #tpu.memory_space<hbm>> -> memref<28x128xi32, #tpu.memory_space<hbm>>
      %dma_start3A_439 = arith.constant 0 : i32
      %dma_start3A_440 = arith.constant 0 : i32
      %dma_start3A_441 = tpu.memref_slice %arg3[%add3A, %dma_start3A_439, %dma_start3A_440] : memref<32x28x128xi32, #tpu.memory_space<hbm>> -> memref<1x28x128xi32, #tpu.memory_space<hbm>>
      %dma_start3A_442 = tpu.memref_squeeze %dma_start3A_441 : memref<1x28x128xi32, #tpu.memory_space<hbm>> -> memref<28x128xi32, #tpu.memory_space<hbm>>
      tpu.enqueue_dma source(%dma_start3A_442 : memref<28x128xi32, #tpu.memory_space<hbm>>) target(%arg9 : memref<28x128xi32, #tpu.memory_space<vmem>>) target_semaphore(%run_scoped3A : memref<!tpu.dma_semaphore, #tpu.memory_space<semaphore_mem>>)
      %dma_wait3A_443 = arith.constant 0 : i32
      %dma_wait3A_444 = arith.constant 0 : i32
      %dma_wait3A_445 = tpu.memref_slice %arg3[%add3A, %dma_wait3A_443, %dma_wait3A_444] : memref<32x28x128xi32, #tpu.memory_space<hbm>> -> memref<1x28x128xi32, #tpu.memory_space<hbm>>
      %dma_wait3A_446 = tpu.memref_squeeze %dma_wait3A_445 : memref<1x28x128xi32, #tpu.memory_space<hbm>> -> memref<28x128xi32, #tpu.memory_space<hbm>>
      %dma_wait3A_447 = arith.constant 0 : i32
      %dma_wait3A_448 = arith.constant 0 : i32
      %dma_wait3A_449 = tpu.memref_slice %arg3[%add3A, %dma_wait3A_447, %dma_wait3A_448] : memref<32x28x128xi32, #tpu.memory_space<hbm>> -> memref<1x28x128xi32, #tpu.memory_space<hbm>>
      %dma_wait3A_450 = tpu.memref_squeeze %dma_wait3A_449 : memref<1x28x128xi32, #tpu.memory_space<hbm>> -> memref<28x128xi32, #tpu.memory_space<hbm>>
      tpu.wait_dma2 semaphore(%run_scoped3A : memref<!tpu.dma_semaphore, #tpu.memory_space<semaphore_mem>>) src(%dma_wait3A_450 : memref<28x128xi32, #tpu.memory_space<hbm>>) dst(%arg9 : memref<28x128xi32, #tpu.memory_space<vmem>>)
      tpu.yield
    }) : () -> ()
    %lt3A = arith.constant 7 : i32
    %lt3A_3 = arith.cmpi slt, %add3A, %lt3A : i32
    %convert_element_type3A = arith.extui %lt3A_3 : i1 to i32
    %cond3A = arith.constant 0 : i32
    %cond3A_4 = arith.cmpi ne, %convert_element_type3A, %cond3A : i32
    scf.if %cond3A_4 {
      "tpu.region"() ({
        %run_scoped3A = tpu.sem_alloc : memref<!tpu.dma_semaphore, #tpu.memory_space<semaphore_mem>>
        %dma_start3A_435 = arith.constant 0 : i32
        %dma_start3A_436 = tpu.memref_slice %arg4[%add3A, %dma_start3A_435] : memref<7x1024xi32, #tpu.memory_space<hbm>> -> memref<1x1024xi32, #tpu.memory_space<hbm>>
        %dma_start3A_437 = tpu.memref_squeeze %dma_start3A_436 : memref<1x1024xi32, #tpu.memory_space<hbm>> -> memref<1024xi32, #tpu.memory_space<hbm>>
        %dma_start3A_438 = arith.constant 0 : i32
        %dma_start3A_439 = tpu.memref_slice %arg4[%add3A, %dma_start3A_438] : memref<7x1024xi32, #tpu.memory_space<hbm>> -> memref<1x1024xi32, #tpu.memory_space<hbm>>
        %dma_start3A_440 = tpu.memref_squeeze %dma_start3A_439 : memref<1x1024xi32, #tpu.memory_space<hbm>> -> memref<1024xi32, #tpu.memory_space<hbm>>
        tpu.enqueue_dma source(%dma_start3A_440 : memref<1024xi32, #tpu.memory_space<hbm>>) target(%arg10 : memref<1024xi32, #tpu.memory_space<vmem>>) target_semaphore(%run_scoped3A : memref<!tpu.dma_semaphore, #tpu.memory_space<semaphore_mem>>)
        %dma_wait3A_441 = arith.constant 0 : i32
        %dma_wait3A_442 = tpu.memref_slice %arg4[%add3A, %dma_wait3A_441] : memref<7x1024xi32, #tpu.memory_space<hbm>> -> memref<1x1024xi32, #tpu.memory_space<hbm>>
        %dma_wait3A_443 = tpu.memref_squeeze %dma_wait3A_442 : memref<1x1024xi32, #tpu.memory_space<hbm>> -> memref<1024xi32, #tpu.memory_space<hbm>>
        %dma_wait3A_444 = arith.constant 0 : i32
        %dma_wait3A_445 = tpu.memref_slice %arg4[%add3A, %dma_wait3A_444] : memref<7x1024xi32, #tpu.memory_space<hbm>> -> memref<1x1024xi32, #tpu.memory_space<hbm>>
        %dma_wait3A_446 = tpu.memref_squeeze %dma_wait3A_445 : memref<1x1024xi32, #tpu.memory_space<hbm>> -> memref<1024xi32, #tpu.memory_space<hbm>>
        tpu.wait_dma2 semaphore(%run_scoped3A : memref<!tpu.dma_semaphore, #tpu.memory_space<semaphore_mem>>) src(%dma_wait3A_446 : memref<1024xi32, #tpu.memory_space<hbm>>) dst(%arg10 : memref<1024xi32, #tpu.memory_space<vmem>>)
        tpu.yield
      }) : () -> ()
      "tpu.region"() ({
        %run_scoped3A = tpu.sem_alloc : memref<!tpu.dma_semaphore, #tpu.memory_space<semaphore_mem>>
        %dma_start3A_435 = arith.constant 0 : i32
        %dma_start3A_436 = tpu.memref_slice %arg6[%add3A, %dma_start3A_435] : memref<7x1024xi32, #tpu.memory_space<hbm>> -> memref<1x1024xi32, #tpu.memory_space<hbm>>
        %dma_start3A_437 = tpu.memref_squeeze %dma_start3A_436 : memref<1x1024xi32, #tpu.memory_space<hbm>> -> memref<1024xi32, #tpu.memory_space<hbm>>
        %dma_start3A_438 = arith.constant 0 : i32
        %dma_start3A_439 = tpu.memref_slice %arg6[%add3A, %dma_start3A_438] : memref<7x1024xi32, #tpu.memory_space<hbm>> -> memref<1x1024xi32, #tpu.memory_space<hbm>>
        %dma_start3A_440 = tpu.memref_squeeze %dma_start3A_439 : memref<1x1024xi32, #tpu.memory_space<hbm>> -> memref<1024xi32, #tpu.memory_space<hbm>>
        tpu.enqueue_dma source(%arg10 : memref<1024xi32, #tpu.memory_space<vmem>>) target(%dma_start3A_440 : memref<1024xi32, #tpu.memory_space<hbm>>) target_semaphore(%run_scoped3A : memref<!tpu.dma_semaphore, #tpu.memory_space<semaphore_mem>>)
        %dma_wait3A_441 = arith.constant 0 : i32
        %dma_wait3A_442 = tpu.memref_slice %arg6[%add3A, %dma_wait3A_441] : memref<7x1024xi32, #tpu.memory_space<hbm>> -> memref<1x1024xi32, #tpu.memory_space<hbm>>
        %dma_wait3A_443 = tpu.memref_squeeze %dma_wait3A_442 : memref<1x1024xi32, #tpu.memory_space<hbm>> -> memref<1024xi32, #tpu.memory_space<hbm>>
        %dma_wait3A_444 = arith.constant 0 : i32
        %dma_wait3A_445 = tpu.memref_slice %arg6[%add3A, %dma_wait3A_444] : memref<7x1024xi32, #tpu.memory_space<hbm>> -> memref<1x1024xi32, #tpu.memory_space<hbm>>
        %dma_wait3A_446 = tpu.memref_squeeze %dma_wait3A_445 : memref<1x1024xi32, #tpu.memory_space<hbm>> -> memref<1024xi32, #tpu.memory_space<hbm>>
        tpu.wait_dma2 semaphore(%run_scoped3A : memref<!tpu.dma_semaphore, #tpu.memory_space<semaphore_mem>>) src(%arg10 : memref<1024xi32, #tpu.memory_space<vmem>>) dst(%dma_wait3A_446 : memref<1024xi32, #tpu.memory_space<hbm>>)
        tpu.yield
      }) : () -> ()
    } else {
    }
    %add3A_5 = arith.constant 0 : i32
    %add3A_6 = arith.addi %mul3A_2, %add3A_5 : i32
    %dma_start3A = arith.constant 0 : i32
    %dma_start3A_7 = tpu.memref_slice %arg2[%add3A_6, %dma_start3A] : memref<16384x384xf32, #tpu.memory_space<hbm>> -> memref<128x384xf32, #tpu.memory_space<hbm>>
    %dma_start3A_8 = arith.constant 0 : i32
    %dma_start3A_9 = tpu.memref_slice %arg2[%add3A_6, %dma_start3A_8] : memref<16384x384xf32, #tpu.memory_space<hbm>> -> memref<128x384xf32, #tpu.memory_space<hbm>>
    tpu.enqueue_dma source(%dma_start3A_9 : memref<128x384xf32, #tpu.memory_space<hbm>>) target(%arg7 : memref<128x384xf32, #tpu.memory_space<vmem>>) target_semaphore(%arg11 : memref<!tpu.dma_semaphore, #tpu.memory_space<semaphore_mem>>)
    %dma_wait3A = arith.constant 0 : i32
    %dma_wait3A_10 = tpu.memref_slice %arg2[%add3A_6, %dma_wait3A] : memref<16384x384xf32, #tpu.memory_space<hbm>> -> memref<128x384xf32, #tpu.memory_space<hbm>>
    %dma_wait3A_11 = arith.constant 0 : i32
    %dma_wait3A_12 = tpu.memref_slice %arg2[%add3A_6, %dma_wait3A_11] : memref<16384x384xf32, #tpu.memory_space<hbm>> -> memref<128x384xf32, #tpu.memory_space<hbm>>
    tpu.wait_dma2 semaphore(%arg11 : memref<!tpu.dma_semaphore, #tpu.memory_space<semaphore_mem>>) src(%dma_wait3A_12 : memref<128x384xf32, #tpu.memory_space<hbm>>) dst(%arg7 : memref<128x384xf32, #tpu.memory_space<vmem>>)
    %add3A_13 = arith.constant 128 : i32
    %add3A_14 = arith.addi %mul3A_2, %add3A_13 : i32
    %dma_start3A_15 = arith.constant 0 : i32
    %dma_start3A_16 = tpu.memref_slice %arg2[%add3A_14, %dma_start3A_15] : memref<16384x384xf32, #tpu.memory_space<hbm>> -> memref<128x384xf32, #tpu.memory_space<hbm>>
    %dma_start3A_17 = arith.constant 0 : i32
    %dma_start3A_18 = tpu.memref_slice %arg2[%add3A_14, %dma_start3A_17] : memref<16384x384xf32, #tpu.memory_space<hbm>> -> memref<128x384xf32, #tpu.memory_space<hbm>>
    tpu.enqueue_dma source(%dma_start3A_18 : memref<128x384xf32, #tpu.memory_space<hbm>>) target(%arg8 : memref<128x384xf32, #tpu.memory_space<vmem>>) target_semaphore(%arg11 : memref<!tpu.dma_semaphore, #tpu.memory_space<semaphore_mem>>)
    %dma_start3A_19 = arith.constant 0 : i32
    %dma_start3A_20 = arith.constant 0 : i32
    %dma_start3A_21 = tpu.memref_slice %arg9[%dma_start3A_19, %dma_start3A_20] : memref<28x128xi32, #tpu.memory_space<vmem>> -> memref<1x128xi32, #tpu.memory_space<vmem>>
    %dma_start3A_22 = tpu.memref_squeeze %dma_start3A_21 : memref<1x128xi32, #tpu.memory_space<vmem>> -> memref<128xi32, #tpu.memory_space<vmem>>
    %dma_start3A_23 = arith.constant 0 : i32
    %dma_start3A_24 = arith.constant 0 : i32
    %dma_start3A_25 = tpu.memref_slice %arg5[%dma_start3A_23, %dma_start3A_24] : memref<114688x384xf32, #tpu.memory_space<hbm>> -> memref<114688x384xf32, #tpu.memory_space<hbm>>
    tpu.enqueue_indirect_dma source(%arg7 : memref<128x384xf32, #tpu.memory_space<vmem>>) target(%dma_start3A_25 : memref<114688x384xf32, #tpu.memory_space<hbm>>) offsets(%dma_start3A_22 : memref<128xi32, #tpu.memory_space<vmem>>) semaphore(%arg12 : memref<!tpu.dma_semaphore, #tpu.memory_space<semaphore_mem>>)
    %dma_start3A_26 = arith.constant 1 : i32
    %dma_start3A_27 = arith.constant 0 : i32
    %dma_start3A_28 = tpu.memref_slice %arg9[%dma_start3A_26, %dma_start3A_27] : memref<28x128xi32, #tpu.memory_space<vmem>> -> memref<1x128xi32, #tpu.memory_space<vmem>>
    %dma_start3A_29 = tpu.memref_squeeze %dma_start3A_28 : memref<1x128xi32, #tpu.memory_space<vmem>> -> memref<128xi32, #tpu.memory_space<vmem>>
    %dma_start3A_30 = arith.constant 0 : i32
    %dma_start3A_31 = arith.constant 0 : i32
    %dma_start3A_32 = tpu.memref_slice %arg5[%dma_start3A_30, %dma_start3A_31] : memref<114688x384xf32, #tpu.memory_space<hbm>> -> memref<114688x384xf32, #tpu.memory_space<hbm>>
    tpu.enqueue_indirect_dma source(%arg7 : memref<128x384xf32, #tpu.memory_space<vmem>>) target(%dma_start3A_32 : memref<114688x384xf32, #tpu.memory_space<hbm>>) offsets(%dma_start3A_29 : memref<128xi32, #tpu.memory_space<vmem>>) semaphore(%arg12 : memref<!tpu.dma_semaphore, #tpu.memory_space<semaphore_mem>>)
    %dma_start3A_33 = arith.constant 2 : i32
    %dma_start3A_34 = arith.constant 0 : i32
    %dma_start3A_35 = tpu.memref_slice %arg9[%dma_start3A_33, %dma_start3A_34] : memref<28x128xi32, #tpu.memory_space<vmem>> -> memref<1x128xi32, #tpu.memory_space<vmem>>
    %dma_start3A_36 = tpu.memref_squeeze %dma_start3A_35 : memref<1x128xi32, #tpu.memory_space<vmem>> -> memref<128xi32, #tpu.memory_space<vmem>>
    %dma_start3A_37 = arith.constant 0 : i32
    %dma_start3A_38 = arith.constant 0 : i32
    %dma_start3A_39 = tpu.memref_slice %arg5[%dma_start3A_37, %dma_start3A_38] : memref<114688x384xf32, #tpu.memory_space<hbm>> -> memref<114688x384xf32, #tpu.memory_space<hbm>>
    tpu.enqueue_indirect_dma source(%arg7 : memref<128x384xf32, #tpu.memory_space<vmem>>) target(%dma_start3A_39 : memref<114688x384xf32, #tpu.memory_space<hbm>>) offsets(%dma_start3A_36 : memref<128xi32, #tpu.memory_space<vmem>>) semaphore(%arg12 : memref<!tpu.dma_semaphore, #tpu.memory_space<semaphore_mem>>)
    %dma_start3A_40 = arith.constant 3 : i32
    %dma_start3A_41 = arith.constant 0 : i32
    %dma_start3A_42 = tpu.memref_slice %arg9[%dma_start3A_40, %dma_start3A_41] : memref<28x128xi32, #tpu.memory_space<vmem>> -> memref<1x128xi32, #tpu.memory_space<vmem>>
    %dma_start3A_43 = tpu.memref_squeeze %dma_start3A_42 : memref<1x128xi32, #tpu.memory_space<vmem>> -> memref<128xi32, #tpu.memory_space<vmem>>
    %dma_start3A_44 = arith.constant 0 : i32
    %dma_start3A_45 = arith.constant 0 : i32
    %dma_start3A_46 = tpu.memref_slice %arg5[%dma_start3A_44, %dma_start3A_45] : memref<114688x384xf32, #tpu.memory_space<hbm>> -> memref<114688x384xf32, #tpu.memory_space<hbm>>
    tpu.enqueue_indirect_dma source(%arg7 : memref<128x384xf32, #tpu.memory_space<vmem>>) target(%dma_start3A_46 : memref<114688x384xf32, #tpu.memory_space<hbm>>) offsets(%dma_start3A_43 : memref<128xi32, #tpu.memory_space<vmem>>) semaphore(%arg12 : memref<!tpu.dma_semaphore, #tpu.memory_space<semaphore_mem>>)
    %dma_start3A_47 = arith.constant 4 : i32
    %dma_start3A_48 = arith.constant 0 : i32
    %dma_start3A_49 = tpu.memref_slice %arg9[%dma_start3A_47, %dma_start3A_48] : memref<28x128xi32, #tpu.memory_space<vmem>> -> memref<1x128xi32, #tpu.memory_space<vmem>>
    %dma_start3A_50 = tpu.memref_squeeze %dma_start3A_49 : memref<1x128xi32, #tpu.memory_space<vmem>> -> memref<128xi32, #tpu.memory_space<vmem>>
    %dma_start3A_51 = arith.constant 0 : i32
    %dma_start3A_52 = arith.constant 0 : i32
    %dma_start3A_53 = tpu.memref_slice %arg5[%dma_start3A_51, %dma_start3A_52] : memref<114688x384xf32, #tpu.memory_space<hbm>> -> memref<114688x384xf32, #tpu.memory_space<hbm>>
    tpu.enqueue_indirect_dma source(%arg7 : memref<128x384xf32, #tpu.memory_space<vmem>>) target(%dma_start3A_53 : memref<114688x384xf32, #tpu.memory_space<hbm>>) offsets(%dma_start3A_50 : memref<128xi32, #tpu.memory_space<vmem>>) semaphore(%arg12 : memref<!tpu.dma_semaphore, #tpu.memory_space<semaphore_mem>>)
    %dma_start3A_54 = arith.constant 5 : i32
    %dma_start3A_55 = arith.constant 0 : i32
    %dma_start3A_56 = tpu.memref_slice %arg9[%dma_start3A_54, %dma_start3A_55] : memref<28x128xi32, #tpu.memory_space<vmem>> -> memref<1x128xi32, #tpu.memory_space<vmem>>
    %dma_start3A_57 = tpu.memref_squeeze %dma_start3A_56 : memref<1x128xi32, #tpu.memory_space<vmem>> -> memref<128xi32, #tpu.memory_space<vmem>>
    %dma_start3A_58 = arith.constant 0 : i32
    %dma_start3A_59 = arith.constant 0 : i32
    %dma_start3A_60 = tpu.memref_slice %arg5[%dma_start3A_58, %dma_start3A_59] : memref<114688x384xf32, #tpu.memory_space<hbm>> -> memref<114688x384xf32, #tpu.memory_space<hbm>>
    tpu.enqueue_indirect_dma source(%arg7 : memref<128x384xf32, #tpu.memory_space<vmem>>) target(%dma_start3A_60 : memref<114688x384xf32, #tpu.memory_space<hbm>>) offsets(%dma_start3A_57 : memref<128xi32, #tpu.memory_space<vmem>>) semaphore(%arg12 : memref<!tpu.dma_semaphore, #tpu.memory_space<semaphore_mem>>)
    %dma_start3A_61 = arith.constant 6 : i32
    %dma_start3A_62 = arith.constant 0 : i32
    %dma_start3A_63 = tpu.memref_slice %arg9[%dma_start3A_61, %dma_start3A_62] : memref<28x128xi32, #tpu.memory_space<vmem>> -> memref<1x128xi32, #tpu.memory_space<vmem>>
    %dma_start3A_64 = tpu.memref_squeeze %dma_start3A_63 : memref<1x128xi32, #tpu.memory_space<vmem>> -> memref<128xi32, #tpu.memory_space<vmem>>
    %dma_start3A_65 = arith.constant 0 : i32
    %dma_start3A_66 = arith.constant 0 : i32
    %dma_start3A_67 = tpu.memref_slice %arg5[%dma_start3A_65, %dma_start3A_66] : memref<114688x384xf32, #tpu.memory_space<hbm>> -> memref<114688x384xf32, #tpu.memory_space<hbm>>
    tpu.enqueue_indirect_dma source(%arg7 : memref<128x384xf32, #tpu.memory_space<vmem>>) target(%dma_start3A_67 : memref<114688x384xf32, #tpu.memory_space<hbm>>) offsets(%dma_start3A_64 : memref<128xi32, #tpu.memory_space<vmem>>) semaphore(%arg12 : memref<!tpu.dma_semaphore, #tpu.memory_space<semaphore_mem>>)
    %dma_wait3A_68 = arith.constant 0 : i32
    %dma_wait3A_69 = tpu.memref_slice %arg2[%add3A_14, %dma_wait3A_68] : memref<16384x384xf32, #tpu.memory_space<hbm>> -> memref<128x384xf32, #tpu.memory_space<hbm>>
    %dma_wait3A_70 = arith.constant 0 : i32
    %dma_wait3A_71 = tpu.memref_slice %arg2[%add3A_14, %dma_wait3A_70] : memref<16384x384xf32, #tpu.memory_space<hbm>> -> memref<128x384xf32, #tpu.memory_space<hbm>>
    tpu.wait_dma2 semaphore(%arg11 : memref<!tpu.dma_semaphore, #tpu.memory_space<semaphore_mem>>) src(%dma_wait3A_71 : memref<128x384xf32, #tpu.memory_space<hbm>>) dst(%arg8 : memref<128x384xf32, #tpu.memory_space<vmem>>)
    %dma_wait3A_72 = arith.constant 0 : i32
    %dma_wait3A_73 = arith.constant 0 : i32
    %dma_wait3A_74 = tpu.memref_slice %arg9[%dma_wait3A_72, %dma_wait3A_73] : memref<28x128xi32, #tpu.memory_space<vmem>> -> memref<1x128xi32, #tpu.memory_space<vmem>>
    %dma_wait3A_75 = tpu.memref_squeeze %dma_wait3A_74 : memref<1x128xi32, #tpu.memory_space<vmem>> -> memref<128xi32, #tpu.memory_space<vmem>>
    %dma_wait3A_76 = arith.constant 0 : i32
    %dma_wait3A_77 = arith.constant 0 : i32
    %dma_wait3A_78 = tpu.memref_slice %arg5[%dma_wait3A_76, %dma_wait3A_77] : memref<114688x384xf32, #tpu.memory_space<hbm>> -> memref<114688x384xf32, #tpu.memory_space<hbm>>
    tpu.wait_indirect_dma semaphore(%arg12 : memref<!tpu.dma_semaphore, #tpu.memory_space<semaphore_mem>>) src(%arg7 : memref<128x384xf32, #tpu.memory_space<vmem>>) dst(%dma_wait3A_78 : memref<114688x384xf32, #tpu.memory_space<hbm>>)
    %dma_wait3A_79 = arith.constant 1 : i32
    %dma_wait3A_80 = arith.constant 0 : i32
    %dma_wait3A_81 = tpu.memref_slice %arg9[%dma_wait3A_79, %dma_wait3A_80] : memref<28x128xi32, #tpu.memory_space<vmem>> -> memref<1x128xi32, #tpu.memory_space<vmem>>
    %dma_wait3A_82 = tpu.memref_squeeze %dma_wait3A_81 : memref<1x128xi32, #tpu.memory_space<vmem>> -> memref<128xi32, #tpu.memory_space<vmem>>
    %dma_wait3A_83 = arith.constant 0 : i32
    %dma_wait3A_84 = arith.constant 0 : i32
    %dma_wait3A_85 = tpu.memref_slice %arg5[%dma_wait3A_83, %dma_wait3A_84] : memref<114688x384xf32, #tpu.memory_space<hbm>> -> memref<114688x384xf32, #tpu.memory_space<hbm>>
    tpu.wait_indirect_dma semaphore(%arg12 : memref<!tpu.dma_semaphore, #tpu.memory_space<semaphore_mem>>) src(%arg7 : memref<128x384xf32, #tpu.memory_space<vmem>>) dst(%dma_wait3A_85 : memref<114688x384xf32, #tpu.memory_space<hbm>>)
    %dma_wait3A_86 = arith.constant 2 : i32
    %dma_wait3A_87 = arith.constant 0 : i32
    %dma_wait3A_88 = tpu.memref_slice %arg9[%dma_wait3A_86, %dma_wait3A_87] : memref<28x128xi32, #tpu.memory_space<vmem>> -> memref<1x128xi32, #tpu.memory_space<vmem>>
    %dma_wait3A_89 = tpu.memref_squeeze %dma_wait3A_88 : memref<1x128xi32, #tpu.memory_space<vmem>> -> memref<128xi32, #tpu.memory_space<vmem>>
    %dma_wait3A_90 = arith.constant 0 : i32
    %dma_wait3A_91 = arith.constant 0 : i32
    %dma_wait3A_92 = tpu.memref_slice %arg5[%dma_wait3A_90, %dma_wait3A_91] : memref<114688x384xf32, #tpu.memory_space<hbm>> -> memref<114688x384xf32, #tpu.memory_space<hbm>>
    tpu.wait_indirect_dma semaphore(%arg12 : memref<!tpu.dma_semaphore, #tpu.memory_space<semaphore_mem>>) src(%arg7 : memref<128x384xf32, #tpu.memory_space<vmem>>) dst(%dma_wait3A_92 : memref<114688x384xf32, #tpu.memory_space<hbm>>)
    %dma_wait3A_93 = arith.constant 3 : i32
    %dma_wait3A_94 = arith.constant 0 : i32
    %dma_wait3A_95 = tpu.memref_slice %arg9[%dma_wait3A_93, %dma_wait3A_94] : memref<28x128xi32, #tpu.memory_space<vmem>> -> memref<1x128xi32, #tpu.memory_space<vmem>>
    %dma_wait3A_96 = tpu.memref_squeeze %dma_wait3A_95 : memref<1x128xi32, #tpu.memory_space<vmem>> -> memref<128xi32, #tpu.memory_space<vmem>>
    %dma_wait3A_97 = arith.constant 0 : i32
    %dma_wait3A_98 = arith.constant 0 : i32
    %dma_wait3A_99 = tpu.memref_slice %arg5[%dma_wait3A_97, %dma_wait3A_98] : memref<114688x384xf32, #tpu.memory_space<hbm>> -> memref<114688x384xf32, #tpu.memory_space<hbm>>
    tpu.wait_indirect_dma semaphore(%arg12 : memref<!tpu.dma_semaphore, #tpu.memory_space<semaphore_mem>>) src(%arg7 : memref<128x384xf32, #tpu.memory_space<vmem>>) dst(%dma_wait3A_99 : memref<114688x384xf32, #tpu.memory_space<hbm>>)
    %dma_wait3A_100 = arith.constant 4 : i32
    %dma_wait3A_101 = arith.constant 0 : i32
    %dma_wait3A_102 = tpu.memref_slice %arg9[%dma_wait3A_100, %dma_wait3A_101] : memref<28x128xi32, #tpu.memory_space<vmem>> -> memref<1x128xi32, #tpu.memory_space<vmem>>
    %dma_wait3A_103 = tpu.memref_squeeze %dma_wait3A_102 : memref<1x128xi32, #tpu.memory_space<vmem>> -> memref<128xi32, #tpu.memory_space<vmem>>
    %dma_wait3A_104 = arith.constant 0 : i32
    %dma_wait3A_105 = arith.constant 0 : i32
    %dma_wait3A_106 = tpu.memref_slice %arg5[%dma_wait3A_104, %dma_wait3A_105] : memref<114688x384xf32, #tpu.memory_space<hbm>> -> memref<114688x384xf32, #tpu.memory_space<hbm>>
    tpu.wait_indirect_dma semaphore(%arg12 : memref<!tpu.dma_semaphore, #tpu.memory_space<semaphore_mem>>) src(%arg7 : memref<128x384xf32, #tpu.memory_space<vmem>>) dst(%dma_wait3A_106 : memref<114688x384xf32, #tpu.memory_space<hbm>>)
    %dma_wait3A_107 = arith.constant 5 : i32
    %dma_wait3A_108 = arith.constant 0 : i32
    %dma_wait3A_109 = tpu.memref_slice %arg9[%dma_wait3A_107, %dma_wait3A_108] : memref<28x128xi32, #tpu.memory_space<vmem>> -> memref<1x128xi32, #tpu.memory_space<vmem>>
    %dma_wait3A_110 = tpu.memref_squeeze %dma_wait3A_109 : memref<1x128xi32, #tpu.memory_space<vmem>> -> memref<128xi32, #tpu.memory_space<vmem>>
    %dma_wait3A_111 = arith.constant 0 : i32
    %dma_wait3A_112 = arith.constant 0 : i32
    %dma_wait3A_113 = tpu.memref_slice %arg5[%dma_wait3A_111, %dma_wait3A_112] : memref<114688x384xf32, #tpu.memory_space<hbm>> -> memref<114688x384xf32, #tpu.memory_space<hbm>>
    tpu.wait_indirect_dma semaphore(%arg12 : memref<!tpu.dma_semaphore, #tpu.memory_space<semaphore_mem>>) src(%arg7 : memref<128x384xf32, #tpu.memory_space<vmem>>) dst(%dma_wait3A_113 : memref<114688x384xf32, #tpu.memory_space<hbm>>)
    %dma_wait3A_114 = arith.constant 6 : i32
    %dma_wait3A_115 = arith.constant 0 : i32
    %dma_wait3A_116 = tpu.memref_slice %arg9[%dma_wait3A_114, %dma_wait3A_115] : memref<28x128xi32, #tpu.memory_space<vmem>> -> memref<1x128xi32, #tpu.memory_space<vmem>>
    %dma_wait3A_117 = tpu.memref_squeeze %dma_wait3A_116 : memref<1x128xi32, #tpu.memory_space<vmem>> -> memref<128xi32, #tpu.memory_space<vmem>>
    %dma_wait3A_118 = arith.constant 0 : i32
    %dma_wait3A_119 = arith.constant 0 : i32
    %dma_wait3A_120 = tpu.memref_slice %arg5[%dma_wait3A_118, %dma_wait3A_119] : memref<114688x384xf32, #tpu.memory_space<hbm>> -> memref<114688x384xf32, #tpu.memory_space<hbm>>
    tpu.wait_indirect_dma semaphore(%arg12 : memref<!tpu.dma_semaphore, #tpu.memory_space<semaphore_mem>>) src(%arg7 : memref<128x384xf32, #tpu.memory_space<vmem>>) dst(%dma_wait3A_120 : memref<114688x384xf32, #tpu.memory_space<hbm>>)
    %add3A_121 = arith.constant 256 : i32
    %add3A_122 = arith.addi %mul3A_2, %add3A_121 : i32
    %dma_start3A_123 = arith.constant 0 : i32
    %dma_start3A_124 = tpu.memref_slice %arg2[%add3A_122, %dma_start3A_123] : memref<16384x384xf32, #tpu.memory_space<hbm>> -> memref<128x384xf32, #tpu.memory_space<hbm>>
    %dma_start3A_125 = arith.constant 0 : i32
    %dma_start3A_126 = tpu.memref_slice %arg2[%add3A_122, %dma_start3A_125] : memref<16384x384xf32, #tpu.memory_space<hbm>> -> memref<128x384xf32, #tpu.memory_space<hbm>>
    tpu.enqueue_dma source(%dma_start3A_126 : memref<128x384xf32, #tpu.memory_space<hbm>>) target(%arg7 : memref<128x384xf32, #tpu.memory_space<vmem>>) target_semaphore(%arg11 : memref<!tpu.dma_semaphore, #tpu.memory_space<semaphore_mem>>)
    %dma_start3A_127 = arith.constant 7 : i32
    %dma_start3A_128 = arith.constant 0 : i32
    %dma_start3A_129 = tpu.memref_slice %arg9[%dma_start3A_127, %dma_start3A_128] : memref<28x128xi32, #tpu.memory_space<vmem>> -> memref<1x128xi32, #tpu.memory_space<vmem>>
    %dma_start3A_130 = tpu.memref_squeeze %dma_start3A_129 : memref<1x128xi32, #tpu.memory_space<vmem>> -> memref<128xi32, #tpu.memory_space<vmem>>
    %dma_start3A_131 = arith.constant 0 : i32
    %dma_start3A_132 = arith.constant 0 : i32
    %dma_start3A_133 = tpu.memref_slice %arg5[%dma_start3A_131, %dma_start3A_132] : memref<114688x384xf32, #tpu.memory_space<hbm>> -> memref<114688x384xf32, #tpu.memory_space<hbm>>
    tpu.enqueue_indirect_dma source(%arg8 : memref<128x384xf32, #tpu.memory_space<vmem>>) target(%dma_start3A_133 : memref<114688x384xf32, #tpu.memory_space<hbm>>) offsets(%dma_start3A_130 : memref<128xi32, #tpu.memory_space<vmem>>) semaphore(%arg12 : memref<!tpu.dma_semaphore, #tpu.memory_space<semaphore_mem>>)
    %dma_start3A_134 = arith.constant 8 : i32
    %dma_start3A_135 = arith.constant 0 : i32
    %dma_start3A_136 = tpu.memref_slice %arg9[%dma_start3A_134, %dma_start3A_135] : memref<28x128xi32, #tpu.memory_space<vmem>> -> memref<1x128xi32, #tpu.memory_space<vmem>>
    %dma_start3A_137 = tpu.memref_squeeze %dma_start3A_136 : memref<1x128xi32, #tpu.memory_space<vmem>> -> memref<128xi32, #tpu.memory_space<vmem>>
    %dma_start3A_138 = arith.constant 0 : i32
    %dma_start3A_139 = arith.constant 0 : i32
    %dma_start3A_140 = tpu.memref_slice %arg5[%dma_start3A_138, %dma_start3A_139] : memref<114688x384xf32, #tpu.memory_space<hbm>> -> memref<114688x384xf32, #tpu.memory_space<hbm>>
    tpu.enqueue_indirect_dma source(%arg8 : memref<128x384xf32, #tpu.memory_space<vmem>>) target(%dma_start3A_140 : memref<114688x384xf32, #tpu.memory_space<hbm>>) offsets(%dma_start3A_137 : memref<128xi32, #tpu.memory_space<vmem>>) semaphore(%arg12 : memref<!tpu.dma_semaphore, #tpu.memory_space<semaphore_mem>>)
    %dma_start3A_141 = arith.constant 9 : i32
    %dma_start3A_142 = arith.constant 0 : i32
    %dma_start3A_143 = tpu.memref_slice %arg9[%dma_start3A_141, %dma_start3A_142] : memref<28x128xi32, #tpu.memory_space<vmem>> -> memref<1x128xi32, #tpu.memory_space<vmem>>
    %dma_start3A_144 = tpu.memref_squeeze %dma_start3A_143 : memref<1x128xi32, #tpu.memory_space<vmem>> -> memref<128xi32, #tpu.memory_space<vmem>>
    %dma_start3A_145 = arith.constant 0 : i32
    %dma_start3A_146 = arith.constant 0 : i32
    %dma_start3A_147 = tpu.memref_slice %arg5[%dma_start3A_145, %dma_start3A_146] : memref<114688x384xf32, #tpu.memory_space<hbm>> -> memref<114688x384xf32, #tpu.memory_space<hbm>>
    tpu.enqueue_indirect_dma source(%arg8 : memref<128x384xf32, #tpu.memory_space<vmem>>) target(%dma_start3A_147 : memref<114688x384xf32, #tpu.memory_space<hbm>>) offsets(%dma_start3A_144 : memref<128xi32, #tpu.memory_space<vmem>>) semaphore(%arg12 : memref<!tpu.dma_semaphore, #tpu.memory_space<semaphore_mem>>)
    %dma_start3A_148 = arith.constant 10 : i32
    %dma_start3A_149 = arith.constant 0 : i32
    %dma_start3A_150 = tpu.memref_slice %arg9[%dma_start3A_148, %dma_start3A_149] : memref<28x128xi32, #tpu.memory_space<vmem>> -> memref<1x128xi32, #tpu.memory_space<vmem>>
    %dma_start3A_151 = tpu.memref_squeeze %dma_start3A_150 : memref<1x128xi32, #tpu.memory_space<vmem>> -> memref<128xi32, #tpu.memory_space<vmem>>
    %dma_start3A_152 = arith.constant 0 : i32
    %dma_start3A_153 = arith.constant 0 : i32
    %dma_start3A_154 = tpu.memref_slice %arg5[%dma_start3A_152, %dma_start3A_153] : memref<114688x384xf32, #tpu.memory_space<hbm>> -> memref<114688x384xf32, #tpu.memory_space<hbm>>
    tpu.enqueue_indirect_dma source(%arg8 : memref<128x384xf32, #tpu.memory_space<vmem>>) target(%dma_start3A_154 : memref<114688x384xf32, #tpu.memory_space<hbm>>) offsets(%dma_start3A_151 : memref<128xi32, #tpu.memory_space<vmem>>) semaphore(%arg12 : memref<!tpu.dma_semaphore, #tpu.memory_space<semaphore_mem>>)
    %dma_start3A_155 = arith.constant 11 : i32
    %dma_start3A_156 = arith.constant 0 : i32
    %dma_start3A_157 = tpu.memref_slice %arg9[%dma_start3A_155, %dma_start3A_156] : memref<28x128xi32, #tpu.memory_space<vmem>> -> memref<1x128xi32, #tpu.memory_space<vmem>>
    %dma_start3A_158 = tpu.memref_squeeze %dma_start3A_157 : memref<1x128xi32, #tpu.memory_space<vmem>> -> memref<128xi32, #tpu.memory_space<vmem>>
    %dma_start3A_159 = arith.constant 0 : i32
    %dma_start3A_160 = arith.constant 0 : i32
    %dma_start3A_161 = tpu.memref_slice %arg5[%dma_start3A_159, %dma_start3A_160] : memref<114688x384xf32, #tpu.memory_space<hbm>> -> memref<114688x384xf32, #tpu.memory_space<hbm>>
    tpu.enqueue_indirect_dma source(%arg8 : memref<128x384xf32, #tpu.memory_space<vmem>>) target(%dma_start3A_161 : memref<114688x384xf32, #tpu.memory_space<hbm>>) offsets(%dma_start3A_158 : memref<128xi32, #tpu.memory_space<vmem>>) semaphore(%arg12 : memref<!tpu.dma_semaphore, #tpu.memory_space<semaphore_mem>>)
    %dma_start3A_162 = arith.constant 12 : i32
    %dma_start3A_163 = arith.constant 0 : i32
    %dma_start3A_164 = tpu.memref_slice %arg9[%dma_start3A_162, %dma_start3A_163] : memref<28x128xi32, #tpu.memory_space<vmem>> -> memref<1x128xi32, #tpu.memory_space<vmem>>
    %dma_start3A_165 = tpu.memref_squeeze %dma_start3A_164 : memref<1x128xi32, #tpu.memory_space<vmem>> -> memref<128xi32, #tpu.memory_space<vmem>>
    %dma_start3A_166 = arith.constant 0 : i32
    %dma_start3A_167 = arith.constant 0 : i32
    %dma_start3A_168 = tpu.memref_slice %arg5[%dma_start3A_166, %dma_start3A_167] : memref<114688x384xf32, #tpu.memory_space<hbm>> -> memref<114688x384xf32, #tpu.memory_space<hbm>>
    tpu.enqueue_indirect_dma source(%arg8 : memref<128x384xf32, #tpu.memory_space<vmem>>) target(%dma_start3A_168 : memref<114688x384xf32, #tpu.memory_space<hbm>>) offsets(%dma_start3A_165 : memref<128xi32, #tpu.memory_space<vmem>>) semaphore(%arg12 : memref<!tpu.dma_semaphore, #tpu.memory_space<semaphore_mem>>)
    %dma_start3A_169 = arith.constant 13 : i32
    %dma_start3A_170 = arith.constant 0 : i32
    %dma_start3A_171 = tpu.memref_slice %arg9[%dma_start3A_169, %dma_start3A_170] : memref<28x128xi32, #tpu.memory_space<vmem>> -> memref<1x128xi32, #tpu.memory_space<vmem>>
    %dma_start3A_172 = tpu.memref_squeeze %dma_start3A_171 : memref<1x128xi32, #tpu.memory_space<vmem>> -> memref<128xi32, #tpu.memory_space<vmem>>
    %dma_start3A_173 = arith.constant 0 : i32
    %dma_start3A_174 = arith.constant 0 : i32
    %dma_start3A_175 = tpu.memref_slice %arg5[%dma_start3A_173, %dma_start3A_174] : memref<114688x384xf32, #tpu.memory_space<hbm>> -> memref<114688x384xf32, #tpu.memory_space<hbm>>
    tpu.enqueue_indirect_dma source(%arg8 : memref<128x384xf32, #tpu.memory_space<vmem>>) target(%dma_start3A_175 : memref<114688x384xf32, #tpu.memory_space<hbm>>) offsets(%dma_start3A_172 : memref<128xi32, #tpu.memory_space<vmem>>) semaphore(%arg12 : memref<!tpu.dma_semaphore, #tpu.memory_space<semaphore_mem>>)
    %dma_wait3A_176 = arith.constant 0 : i32
    %dma_wait3A_177 = tpu.memref_slice %arg2[%add3A_122, %dma_wait3A_176] : memref<16384x384xf32, #tpu.memory_space<hbm>> -> memref<128x384xf32, #tpu.memory_space<hbm>>
    %dma_wait3A_178 = arith.constant 0 : i32
    %dma_wait3A_179 = tpu.memref_slice %arg2[%add3A_122, %dma_wait3A_178] : memref<16384x384xf32, #tpu.memory_space<hbm>> -> memref<128x384xf32, #tpu.memory_space<hbm>>
    tpu.wait_dma2 semaphore(%arg11 : memref<!tpu.dma_semaphore, #tpu.memory_space<semaphore_mem>>) src(%dma_wait3A_179 : memref<128x384xf32, #tpu.memory_space<hbm>>) dst(%arg7 : memref<128x384xf32, #tpu.memory_space<vmem>>)
    %dma_wait3A_180 = arith.constant 7 : i32
    %dma_wait3A_181 = arith.constant 0 : i32
    %dma_wait3A_182 = tpu.memref_slice %arg9[%dma_wait3A_180, %dma_wait3A_181] : memref<28x128xi32, #tpu.memory_space<vmem>> -> memref<1x128xi32, #tpu.memory_space<vmem>>
    %dma_wait3A_183 = tpu.memref_squeeze %dma_wait3A_182 : memref<1x128xi32, #tpu.memory_space<vmem>> -> memref<128xi32, #tpu.memory_space<vmem>>
    %dma_wait3A_184 = arith.constant 0 : i32
    %dma_wait3A_185 = arith.constant 0 : i32
    %dma_wait3A_186 = tpu.memref_slice %arg5[%dma_wait3A_184, %dma_wait3A_185] : memref<114688x384xf32, #tpu.memory_space<hbm>> -> memref<114688x384xf32, #tpu.memory_space<hbm>>
    tpu.wait_indirect_dma semaphore(%arg12 : memref<!tpu.dma_semaphore, #tpu.memory_space<semaphore_mem>>) src(%arg8 : memref<128x384xf32, #tpu.memory_space<vmem>>) dst(%dma_wait3A_186 : memref<114688x384xf32, #tpu.memory_space<hbm>>)
    %dma_wait3A_187 = arith.constant 8 : i32
    %dma_wait3A_188 = arith.constant 0 : i32
    %dma_wait3A_189 = tpu.memref_slice %arg9[%dma_wait3A_187, %dma_wait3A_188] : memref<28x128xi32, #tpu.memory_space<vmem>> -> memref<1x128xi32, #tpu.memory_space<vmem>>
    %dma_wait3A_190 = tpu.memref_squeeze %dma_wait3A_189 : memref<1x128xi32, #tpu.memory_space<vmem>> -> memref<128xi32, #tpu.memory_space<vmem>>
    %dma_wait3A_191 = arith.constant 0 : i32
    %dma_wait3A_192 = arith.constant 0 : i32
    %dma_wait3A_193 = tpu.memref_slice %arg5[%dma_wait3A_191, %dma_wait3A_192] : memref<114688x384xf32, #tpu.memory_space<hbm>> -> memref<114688x384xf32, #tpu.memory_space<hbm>>
    tpu.wait_indirect_dma semaphore(%arg12 : memref<!tpu.dma_semaphore, #tpu.memory_space<semaphore_mem>>) src(%arg8 : memref<128x384xf32, #tpu.memory_space<vmem>>) dst(%dma_wait3A_193 : memref<114688x384xf32, #tpu.memory_space<hbm>>)
    %dma_wait3A_194 = arith.constant 9 : i32
    %dma_wait3A_195 = arith.constant 0 : i32
    %dma_wait3A_196 = tpu.memref_slice %arg9[%dma_wait3A_194, %dma_wait3A_195] : memref<28x128xi32, #tpu.memory_space<vmem>> -> memref<1x128xi32, #tpu.memory_space<vmem>>
    %dma_wait3A_197 = tpu.memref_squeeze %dma_wait3A_196 : memref<1x128xi32, #tpu.memory_space<vmem>> -> memref<128xi32, #tpu.memory_space<vmem>>
    %dma_wait3A_198 = arith.constant 0 : i32
    %dma_wait3A_199 = arith.constant 0 : i32
    %dma_wait3A_200 = tpu.memref_slice %arg5[%dma_wait3A_198, %dma_wait3A_199] : memref<114688x384xf32, #tpu.memory_space<hbm>> -> memref<114688x384xf32, #tpu.memory_space<hbm>>
    tpu.wait_indirect_dma semaphore(%arg12 : memref<!tpu.dma_semaphore, #tpu.memory_space<semaphore_mem>>) src(%arg8 : memref<128x384xf32, #tpu.memory_space<vmem>>) dst(%dma_wait3A_200 : memref<114688x384xf32, #tpu.memory_space<hbm>>)
    %dma_wait3A_201 = arith.constant 10 : i32
    %dma_wait3A_202 = arith.constant 0 : i32
    %dma_wait3A_203 = tpu.memref_slice %arg9[%dma_wait3A_201, %dma_wait3A_202] : memref<28x128xi32, #tpu.memory_space<vmem>> -> memref<1x128xi32, #tpu.memory_space<vmem>>
    %dma_wait3A_204 = tpu.memref_squeeze %dma_wait3A_203 : memref<1x128xi32, #tpu.memory_space<vmem>> -> memref<128xi32, #tpu.memory_space<vmem>>
    %dma_wait3A_205 = arith.constant 0 : i32
    %dma_wait3A_206 = arith.constant 0 : i32
    %dma_wait3A_207 = tpu.memref_slice %arg5[%dma_wait3A_205, %dma_wait3A_206] : memref<114688x384xf32, #tpu.memory_space<hbm>> -> memref<114688x384xf32, #tpu.memory_space<hbm>>
    tpu.wait_indirect_dma semaphore(%arg12 : memref<!tpu.dma_semaphore, #tpu.memory_space<semaphore_mem>>) src(%arg8 : memref<128x384xf32, #tpu.memory_space<vmem>>) dst(%dma_wait3A_207 : memref<114688x384xf32, #tpu.memory_space<hbm>>)
    %dma_wait3A_208 = arith.constant 11 : i32
    %dma_wait3A_209 = arith.constant 0 : i32
    %dma_wait3A_210 = tpu.memref_slice %arg9[%dma_wait3A_208, %dma_wait3A_209] : memref<28x128xi32, #tpu.memory_space<vmem>> -> memref<1x128xi32, #tpu.memory_space<vmem>>
    %dma_wait3A_211 = tpu.memref_squeeze %dma_wait3A_210 : memref<1x128xi32, #tpu.memory_space<vmem>> -> memref<128xi32, #tpu.memory_space<vmem>>
    %dma_wait3A_212 = arith.constant 0 : i32
    %dma_wait3A_213 = arith.constant 0 : i32
    %dma_wait3A_214 = tpu.memref_slice %arg5[%dma_wait3A_212, %dma_wait3A_213] : memref<114688x384xf32, #tpu.memory_space<hbm>> -> memref<114688x384xf32, #tpu.memory_space<hbm>>
    tpu.wait_indirect_dma semaphore(%arg12 : memref<!tpu.dma_semaphore, #tpu.memory_space<semaphore_mem>>) src(%arg8 : memref<128x384xf32, #tpu.memory_space<vmem>>) dst(%dma_wait3A_214 : memref<114688x384xf32, #tpu.memory_space<hbm>>)
    %dma_wait3A_215 = arith.constant 12 : i32
    %dma_wait3A_216 = arith.constant 0 : i32
    %dma_wait3A_217 = tpu.memref_slice %arg9[%dma_wait3A_215, %dma_wait3A_216] : memref<28x128xi32, #tpu.memory_space<vmem>> -> memref<1x128xi32, #tpu.memory_space<vmem>>
    %dma_wait3A_218 = tpu.memref_squeeze %dma_wait3A_217 : memref<1x128xi32, #tpu.memory_space<vmem>> -> memref<128xi32, #tpu.memory_space<vmem>>
    %dma_wait3A_219 = arith.constant 0 : i32
    %dma_wait3A_220 = arith.constant 0 : i32
    %dma_wait3A_221 = tpu.memref_slice %arg5[%dma_wait3A_219, %dma_wait3A_220] : memref<114688x384xf32, #tpu.memory_space<hbm>> -> memref<114688x384xf32, #tpu.memory_space<hbm>>
    tpu.wait_indirect_dma semaphore(%arg12 : memref<!tpu.dma_semaphore, #tpu.memory_space<semaphore_mem>>) src(%arg8 : memref<128x384xf32, #tpu.memory_space<vmem>>) dst(%dma_wait3A_221 : memref<114688x384xf32, #tpu.memory_space<hbm>>)
    %dma_wait3A_222 = arith.constant 13 : i32
    %dma_wait3A_223 = arith.constant 0 : i32
    %dma_wait3A_224 = tpu.memref_slice %arg9[%dma_wait3A_222, %dma_wait3A_223] : memref<28x128xi32, #tpu.memory_space<vmem>> -> memref<1x128xi32, #tpu.memory_space<vmem>>
    %dma_wait3A_225 = tpu.memref_squeeze %dma_wait3A_224 : memref<1x128xi32, #tpu.memory_space<vmem>> -> memref<128xi32, #tpu.memory_space<vmem>>
    %dma_wait3A_226 = arith.constant 0 : i32
    %dma_wait3A_227 = arith.constant 0 : i32
    %dma_wait3A_228 = tpu.memref_slice %arg5[%dma_wait3A_226, %dma_wait3A_227] : memref<114688x384xf32, #tpu.memory_space<hbm>> -> memref<114688x384xf32, #tpu.memory_space<hbm>>
    tpu.wait_indirect_dma semaphore(%arg12 : memref<!tpu.dma_semaphore, #tpu.memory_space<semaphore_mem>>) src(%arg8 : memref<128x384xf32, #tpu.memory_space<vmem>>) dst(%dma_wait3A_228 : memref<114688x384xf32, #tpu.memory_space<hbm>>)
    %add3A_229 = arith.constant 384 : i32
    %add3A_230 = arith.addi %mul3A_2, %add3A_229 : i32
    %dma_start3A_231 = arith.constant 0 : i32
    %dma_start3A_232 = tpu.memref_slice %arg2[%add3A_230, %dma_start3A_231] : memref<16384x384xf32, #tpu.memory_space<hbm>> -> memref<128x384xf32, #tpu.memory_space<hbm>>
    %dma_start3A_233 = arith.constant 0 : i32
    %dma_start3A_234 = tpu.memref_slice %arg2[%add3A_230, %dma_start3A_233] : memref<16384x384xf32, #tpu.memory_space<hbm>> -> memref<128x384xf32, #tpu.memory_space<hbm>>
    tpu.enqueue_dma source(%dma_start3A_234 : memref<128x384xf32, #tpu.memory_space<hbm>>) target(%arg8 : memref<128x384xf32, #tpu.memory_space<vmem>>) target_semaphore(%arg11 : memref<!tpu.dma_semaphore, #tpu.memory_space<semaphore_mem>>)
    %dma_start3A_235 = arith.constant 14 : i32
    %dma_start3A_236 = arith.constant 0 : i32
    %dma_start3A_237 = tpu.memref_slice %arg9[%dma_start3A_235, %dma_start3A_236] : memref<28x128xi32, #tpu.memory_space<vmem>> -> memref<1x128xi32, #tpu.memory_space<vmem>>
    %dma_start3A_238 = tpu.memref_squeeze %dma_start3A_237 : memref<1x128xi32, #tpu.memory_space<vmem>> -> memref<128xi32, #tpu.memory_space<vmem>>
    %dma_start3A_239 = arith.constant 0 : i32
    %dma_start3A_240 = arith.constant 0 : i32
    %dma_start3A_241 = tpu.memref_slice %arg5[%dma_start3A_239, %dma_start3A_240] : memref<114688x384xf32, #tpu.memory_space<hbm>> -> memref<114688x384xf32, #tpu.memory_space<hbm>>
    tpu.enqueue_indirect_dma source(%arg7 : memref<128x384xf32, #tpu.memory_space<vmem>>) target(%dma_start3A_241 : memref<114688x384xf32, #tpu.memory_space<hbm>>) offsets(%dma_start3A_238 : memref<128xi32, #tpu.memory_space<vmem>>) semaphore(%arg12 : memref<!tpu.dma_semaphore, #tpu.memory_space<semaphore_mem>>)
    %dma_start3A_242 = arith.constant 15 : i32
    %dma_start3A_243 = arith.constant 0 : i32
    %dma_start3A_244 = tpu.memref_slice %arg9[%dma_start3A_242, %dma_start3A_243] : memref<28x128xi32, #tpu.memory_space<vmem>> -> memref<1x128xi32, #tpu.memory_space<vmem>>
    %dma_start3A_245 = tpu.memref_squeeze %dma_start3A_244 : memref<1x128xi32, #tpu.memory_space<vmem>> -> memref<128xi32, #tpu.memory_space<vmem>>
    %dma_start3A_246 = arith.constant 0 : i32
    %dma_start3A_247 = arith.constant 0 : i32
    %dma_start3A_248 = tpu.memref_slice %arg5[%dma_start3A_246, %dma_start3A_247] : memref<114688x384xf32, #tpu.memory_space<hbm>> -> memref<114688x384xf32, #tpu.memory_space<hbm>>
    tpu.enqueue_indirect_dma source(%arg7 : memref<128x384xf32, #tpu.memory_space<vmem>>) target(%dma_start3A_248 : memref<114688x384xf32, #tpu.memory_space<hbm>>) offsets(%dma_start3A_245 : memref<128xi32, #tpu.memory_space<vmem>>) semaphore(%arg12 : memref<!tpu.dma_semaphore, #tpu.memory_space<semaphore_mem>>)
    %dma_start3A_249 = arith.constant 16 : i32
    %dma_start3A_250 = arith.constant 0 : i32
    %dma_start3A_251 = tpu.memref_slice %arg9[%dma_start3A_249, %dma_start3A_250] : memref<28x128xi32, #tpu.memory_space<vmem>> -> memref<1x128xi32, #tpu.memory_space<vmem>>
    %dma_start3A_252 = tpu.memref_squeeze %dma_start3A_251 : memref<1x128xi32, #tpu.memory_space<vmem>> -> memref<128xi32, #tpu.memory_space<vmem>>
    %dma_start3A_253 = arith.constant 0 : i32
    %dma_start3A_254 = arith.constant 0 : i32
    %dma_start3A_255 = tpu.memref_slice %arg5[%dma_start3A_253, %dma_start3A_254] : memref<114688x384xf32, #tpu.memory_space<hbm>> -> memref<114688x384xf32, #tpu.memory_space<hbm>>
    tpu.enqueue_indirect_dma source(%arg7 : memref<128x384xf32, #tpu.memory_space<vmem>>) target(%dma_start3A_255 : memref<114688x384xf32, #tpu.memory_space<hbm>>) offsets(%dma_start3A_252 : memref<128xi32, #tpu.memory_space<vmem>>) semaphore(%arg12 : memref<!tpu.dma_semaphore, #tpu.memory_space<semaphore_mem>>)
    %dma_start3A_256 = arith.constant 17 : i32
    %dma_start3A_257 = arith.constant 0 : i32
    %dma_start3A_258 = tpu.memref_slice %arg9[%dma_start3A_256, %dma_start3A_257] : memref<28x128xi32, #tpu.memory_space<vmem>> -> memref<1x128xi32, #tpu.memory_space<vmem>>
    %dma_start3A_259 = tpu.memref_squeeze %dma_start3A_258 : memref<1x128xi32, #tpu.memory_space<vmem>> -> memref<128xi32, #tpu.memory_space<vmem>>
    %dma_start3A_260 = arith.constant 0 : i32
    %dma_start3A_261 = arith.constant 0 : i32
    %dma_start3A_262 = tpu.memref_slice %arg5[%dma_start3A_260, %dma_start3A_261] : memref<114688x384xf32, #tpu.memory_space<hbm>> -> memref<114688x384xf32, #tpu.memory_space<hbm>>
    tpu.enqueue_indirect_dma source(%arg7 : memref<128x384xf32, #tpu.memory_space<vmem>>) target(%dma_start3A_262 : memref<114688x384xf32, #tpu.memory_space<hbm>>) offsets(%dma_start3A_259 : memref<128xi32, #tpu.memory_space<vmem>>) semaphore(%arg12 : memref<!tpu.dma_semaphore, #tpu.memory_space<semaphore_mem>>)
    %dma_start3A_263 = arith.constant 18 : i32
    %dma_start3A_264 = arith.constant 0 : i32
    %dma_start3A_265 = tpu.memref_slice %arg9[%dma_start3A_263, %dma_start3A_264] : memref<28x128xi32, #tpu.memory_space<vmem>> -> memref<1x128xi32, #tpu.memory_space<vmem>>
    %dma_start3A_266 = tpu.memref_squeeze %dma_start3A_265 : memref<1x128xi32, #tpu.memory_space<vmem>> -> memref<128xi32, #tpu.memory_space<vmem>>
    %dma_start3A_267 = arith.constant 0 : i32
    %dma_start3A_268 = arith.constant 0 : i32
    %dma_start3A_269 = tpu.memref_slice %arg5[%dma_start3A_267, %dma_start3A_268] : memref<114688x384xf32, #tpu.memory_space<hbm>> -> memref<114688x384xf32, #tpu.memory_space<hbm>>
    tpu.enqueue_indirect_dma source(%arg7 : memref<128x384xf32, #tpu.memory_space<vmem>>) target(%dma_start3A_269 : memref<114688x384xf32, #tpu.memory_space<hbm>>) offsets(%dma_start3A_266 : memref<128xi32, #tpu.memory_space<vmem>>) semaphore(%arg12 : memref<!tpu.dma_semaphore, #tpu.memory_space<semaphore_mem>>)
    %dma_start3A_270 = arith.constant 19 : i32
    %dma_start3A_271 = arith.constant 0 : i32
    %dma_start3A_272 = tpu.memref_slice %arg9[%dma_start3A_270, %dma_start3A_271] : memref<28x128xi32, #tpu.memory_space<vmem>> -> memref<1x128xi32, #tpu.memory_space<vmem>>
    %dma_start3A_273 = tpu.memref_squeeze %dma_start3A_272 : memref<1x128xi32, #tpu.memory_space<vmem>> -> memref<128xi32, #tpu.memory_space<vmem>>
    %dma_start3A_274 = arith.constant 0 : i32
    %dma_start3A_275 = arith.constant 0 : i32
    %dma_start3A_276 = tpu.memref_slice %arg5[%dma_start3A_274, %dma_start3A_275] : memref<114688x384xf32, #tpu.memory_space<hbm>> -> memref<114688x384xf32, #tpu.memory_space<hbm>>
    tpu.enqueue_indirect_dma source(%arg7 : memref<128x384xf32, #tpu.memory_space<vmem>>) target(%dma_start3A_276 : memref<114688x384xf32, #tpu.memory_space<hbm>>) offsets(%dma_start3A_273 : memref<128xi32, #tpu.memory_space<vmem>>) semaphore(%arg12 : memref<!tpu.dma_semaphore, #tpu.memory_space<semaphore_mem>>)
    %dma_start3A_277 = arith.constant 20 : i32
    %dma_start3A_278 = arith.constant 0 : i32
    %dma_start3A_279 = tpu.memref_slice %arg9[%dma_start3A_277, %dma_start3A_278] : memref<28x128xi32, #tpu.memory_space<vmem>> -> memref<1x128xi32, #tpu.memory_space<vmem>>
    %dma_start3A_280 = tpu.memref_squeeze %dma_start3A_279 : memref<1x128xi32, #tpu.memory_space<vmem>> -> memref<128xi32, #tpu.memory_space<vmem>>
    %dma_start3A_281 = arith.constant 0 : i32
    %dma_start3A_282 = arith.constant 0 : i32
    %dma_start3A_283 = tpu.memref_slice %arg5[%dma_start3A_281, %dma_start3A_282] : memref<114688x384xf32, #tpu.memory_space<hbm>> -> memref<114688x384xf32, #tpu.memory_space<hbm>>
    tpu.enqueue_indirect_dma source(%arg7 : memref<128x384xf32, #tpu.memory_space<vmem>>) target(%dma_start3A_283 : memref<114688x384xf32, #tpu.memory_space<hbm>>) offsets(%dma_start3A_280 : memref<128xi32, #tpu.memory_space<vmem>>) semaphore(%arg12 : memref<!tpu.dma_semaphore, #tpu.memory_space<semaphore_mem>>)
    %dma_wait3A_284 = arith.constant 0 : i32
    %dma_wait3A_285 = tpu.memref_slice %arg2[%add3A_230, %dma_wait3A_284] : memref<16384x384xf32, #tpu.memory_space<hbm>> -> memref<128x384xf32, #tpu.memory_space<hbm>>
    %dma_wait3A_286 = arith.constant 0 : i32
    %dma_wait3A_287 = tpu.memref_slice %arg2[%add3A_230, %dma_wait3A_286] : memref<16384x384xf32, #tpu.memory_space<hbm>> -> memref<128x384xf32, #tpu.memory_space<hbm>>
    tpu.wait_dma2 semaphore(%arg11 : memref<!tpu.dma_semaphore, #tpu.memory_space<semaphore_mem>>) src(%dma_wait3A_287 : memref<128x384xf32, #tpu.memory_space<hbm>>) dst(%arg8 : memref<128x384xf32, #tpu.memory_space<vmem>>)
    %dma_start3A_288 = arith.constant 21 : i32
    %dma_start3A_289 = arith.constant 0 : i32
    %dma_start3A_290 = tpu.memref_slice %arg9[%dma_start3A_288, %dma_start3A_289] : memref<28x128xi32, #tpu.memory_space<vmem>> -> memref<1x128xi32, #tpu.memory_space<vmem>>
    %dma_start3A_291 = tpu.memref_squeeze %dma_start3A_290 : memref<1x128xi32, #tpu.memory_space<vmem>> -> memref<128xi32, #tpu.memory_space<vmem>>
    %dma_start3A_292 = arith.constant 0 : i32
    %dma_start3A_293 = arith.constant 0 : i32
    %dma_start3A_294 = tpu.memref_slice %arg5[%dma_start3A_292, %dma_start3A_293] : memref<114688x384xf32, #tpu.memory_space<hbm>> -> memref<114688x384xf32, #tpu.memory_space<hbm>>
    tpu.enqueue_indirect_dma source(%arg8 : memref<128x384xf32, #tpu.memory_space<vmem>>) target(%dma_start3A_294 : memref<114688x384xf32, #tpu.memory_space<hbm>>) offsets(%dma_start3A_291 : memref<128xi32, #tpu.memory_space<vmem>>) semaphore(%arg12 : memref<!tpu.dma_semaphore, #tpu.memory_space<semaphore_mem>>)
    %dma_start3A_295 = arith.constant 22 : i32
    %dma_start3A_296 = arith.constant 0 : i32
    %dma_start3A_297 = tpu.memref_slice %arg9[%dma_start3A_295, %dma_start3A_296] : memref<28x128xi32, #tpu.memory_space<vmem>> -> memref<1x128xi32, #tpu.memory_space<vmem>>
    %dma_start3A_298 = tpu.memref_squeeze %dma_start3A_297 : memref<1x128xi32, #tpu.memory_space<vmem>> -> memref<128xi32, #tpu.memory_space<vmem>>
    %dma_start3A_299 = arith.constant 0 : i32
    %dma_start3A_300 = arith.constant 0 : i32
    %dma_start3A_301 = tpu.memref_slice %arg5[%dma_start3A_299, %dma_start3A_300] : memref<114688x384xf32, #tpu.memory_space<hbm>> -> memref<114688x384xf32, #tpu.memory_space<hbm>>
    tpu.enqueue_indirect_dma source(%arg8 : memref<128x384xf32, #tpu.memory_space<vmem>>) target(%dma_start3A_301 : memref<114688x384xf32, #tpu.memory_space<hbm>>) offsets(%dma_start3A_298 : memref<128xi32, #tpu.memory_space<vmem>>) semaphore(%arg12 : memref<!tpu.dma_semaphore, #tpu.memory_space<semaphore_mem>>)
    %dma_start3A_302 = arith.constant 23 : i32
    %dma_start3A_303 = arith.constant 0 : i32
    %dma_start3A_304 = tpu.memref_slice %arg9[%dma_start3A_302, %dma_start3A_303] : memref<28x128xi32, #tpu.memory_space<vmem>> -> memref<1x128xi32, #tpu.memory_space<vmem>>
    %dma_start3A_305 = tpu.memref_squeeze %dma_start3A_304 : memref<1x128xi32, #tpu.memory_space<vmem>> -> memref<128xi32, #tpu.memory_space<vmem>>
    %dma_start3A_306 = arith.constant 0 : i32
    %dma_start3A_307 = arith.constant 0 : i32
    %dma_start3A_308 = tpu.memref_slice %arg5[%dma_start3A_306, %dma_start3A_307] : memref<114688x384xf32, #tpu.memory_space<hbm>> -> memref<114688x384xf32, #tpu.memory_space<hbm>>
    tpu.enqueue_indirect_dma source(%arg8 : memref<128x384xf32, #tpu.memory_space<vmem>>) target(%dma_start3A_308 : memref<114688x384xf32, #tpu.memory_space<hbm>>) offsets(%dma_start3A_305 : memref<128xi32, #tpu.memory_space<vmem>>) semaphore(%arg12 : memref<!tpu.dma_semaphore, #tpu.memory_space<semaphore_mem>>)
    %dma_start3A_309 = arith.constant 24 : i32
    %dma_start3A_310 = arith.constant 0 : i32
    %dma_start3A_311 = tpu.memref_slice %arg9[%dma_start3A_309, %dma_start3A_310] : memref<28x128xi32, #tpu.memory_space<vmem>> -> memref<1x128xi32, #tpu.memory_space<vmem>>
    %dma_start3A_312 = tpu.memref_squeeze %dma_start3A_311 : memref<1x128xi32, #tpu.memory_space<vmem>> -> memref<128xi32, #tpu.memory_space<vmem>>
    %dma_start3A_313 = arith.constant 0 : i32
    %dma_start3A_314 = arith.constant 0 : i32
    %dma_start3A_315 = tpu.memref_slice %arg5[%dma_start3A_313, %dma_start3A_314] : memref<114688x384xf32, #tpu.memory_space<hbm>> -> memref<114688x384xf32, #tpu.memory_space<hbm>>
    tpu.enqueue_indirect_dma source(%arg8 : memref<128x384xf32, #tpu.memory_space<vmem>>) target(%dma_start3A_315 : memref<114688x384xf32, #tpu.memory_space<hbm>>) offsets(%dma_start3A_312 : memref<128xi32, #tpu.memory_space<vmem>>) semaphore(%arg12 : memref<!tpu.dma_semaphore, #tpu.memory_space<semaphore_mem>>)
    %dma_start3A_316 = arith.constant 25 : i32
    %dma_start3A_317 = arith.constant 0 : i32
    %dma_start3A_318 = tpu.memref_slice %arg9[%dma_start3A_316, %dma_start3A_317] : memref<28x128xi32, #tpu.memory_space<vmem>> -> memref<1x128xi32, #tpu.memory_space<vmem>>
    %dma_start3A_319 = tpu.memref_squeeze %dma_start3A_318 : memref<1x128xi32, #tpu.memory_space<vmem>> -> memref<128xi32, #tpu.memory_space<vmem>>
    %dma_start3A_320 = arith.constant 0 : i32
    %dma_start3A_321 = arith.constant 0 : i32
    %dma_start3A_322 = tpu.memref_slice %arg5[%dma_start3A_320, %dma_start3A_321] : memref<114688x384xf32, #tpu.memory_space<hbm>> -> memref<114688x384xf32, #tpu.memory_space<hbm>>
    tpu.enqueue_indirect_dma source(%arg8 : memref<128x384xf32, #tpu.memory_space<vmem>>) target(%dma_start3A_322 : memref<114688x384xf32, #tpu.memory_space<hbm>>) offsets(%dma_start3A_319 : memref<128xi32, #tpu.memory_space<vmem>>) semaphore(%arg12 : memref<!tpu.dma_semaphore, #tpu.memory_space<semaphore_mem>>)
    %dma_start3A_323 = arith.constant 26 : i32
    %dma_start3A_324 = arith.constant 0 : i32
    %dma_start3A_325 = tpu.memref_slice %arg9[%dma_start3A_323, %dma_start3A_324] : memref<28x128xi32, #tpu.memory_space<vmem>> -> memref<1x128xi32, #tpu.memory_space<vmem>>
    %dma_start3A_326 = tpu.memref_squeeze %dma_start3A_325 : memref<1x128xi32, #tpu.memory_space<vmem>> -> memref<128xi32, #tpu.memory_space<vmem>>
    %dma_start3A_327 = arith.constant 0 : i32
    %dma_start3A_328 = arith.constant 0 : i32
    %dma_start3A_329 = tpu.memref_slice %arg5[%dma_start3A_327, %dma_start3A_328] : memref<114688x384xf32, #tpu.memory_space<hbm>> -> memref<114688x384xf32, #tpu.memory_space<hbm>>
    tpu.enqueue_indirect_dma source(%arg8 : memref<128x384xf32, #tpu.memory_space<vmem>>) target(%dma_start3A_329 : memref<114688x384xf32, #tpu.memory_space<hbm>>) offsets(%dma_start3A_326 : memref<128xi32, #tpu.memory_space<vmem>>) semaphore(%arg12 : memref<!tpu.dma_semaphore, #tpu.memory_space<semaphore_mem>>)
    %dma_start3A_330 = arith.constant 27 : i32
    %dma_start3A_331 = arith.constant 0 : i32
    %dma_start3A_332 = tpu.memref_slice %arg9[%dma_start3A_330, %dma_start3A_331] : memref<28x128xi32, #tpu.memory_space<vmem>> -> memref<1x128xi32, #tpu.memory_space<vmem>>
    %dma_start3A_333 = tpu.memref_squeeze %dma_start3A_332 : memref<1x128xi32, #tpu.memory_space<vmem>> -> memref<128xi32, #tpu.memory_space<vmem>>
    %dma_start3A_334 = arith.constant 0 : i32
    %dma_start3A_335 = arith.constant 0 : i32
    %dma_start3A_336 = tpu.memref_slice %arg5[%dma_start3A_334, %dma_start3A_335] : memref<114688x384xf32, #tpu.memory_space<hbm>> -> memref<114688x384xf32, #tpu.memory_space<hbm>>
    tpu.enqueue_indirect_dma source(%arg8 : memref<128x384xf32, #tpu.memory_space<vmem>>) target(%dma_start3A_336 : memref<114688x384xf32, #tpu.memory_space<hbm>>) offsets(%dma_start3A_333 : memref<128xi32, #tpu.memory_space<vmem>>) semaphore(%arg12 : memref<!tpu.dma_semaphore, #tpu.memory_space<semaphore_mem>>)
    %dma_wait3A_337 = arith.constant 14 : i32
    %dma_wait3A_338 = arith.constant 0 : i32
    %dma_wait3A_339 = tpu.memref_slice %arg9[%dma_wait3A_337, %dma_wait3A_338] : memref<28x128xi32, #tpu.memory_space<vmem>> -> memref<1x128xi32, #tpu.memory_space<vmem>>
    %dma_wait3A_340 = tpu.memref_squeeze %dma_wait3A_339 : memref<1x128xi32, #tpu.memory_space<vmem>> -> memref<128xi32, #tpu.memory_space<vmem>>
    %dma_wait3A_341 = arith.constant 0 : i32
    %dma_wait3A_342 = arith.constant 0 : i32
    %dma_wait3A_343 = tpu.memref_slice %arg5[%dma_wait3A_341, %dma_wait3A_342] : memref<114688x384xf32, #tpu.memory_space<hbm>> -> memref<114688x384xf32, #tpu.memory_space<hbm>>
    tpu.wait_indirect_dma semaphore(%arg12 : memref<!tpu.dma_semaphore, #tpu.memory_space<semaphore_mem>>) src(%arg7 : memref<128x384xf32, #tpu.memory_space<vmem>>) dst(%dma_wait3A_343 : memref<114688x384xf32, #tpu.memory_space<hbm>>)
    %dma_wait3A_344 = arith.constant 15 : i32
    %dma_wait3A_345 = arith.constant 0 : i32
    %dma_wait3A_346 = tpu.memref_slice %arg9[%dma_wait3A_344, %dma_wait3A_345] : memref<28x128xi32, #tpu.memory_space<vmem>> -> memref<1x128xi32, #tpu.memory_space<vmem>>
    %dma_wait3A_347 = tpu.memref_squeeze %dma_wait3A_346 : memref<1x128xi32, #tpu.memory_space<vmem>> -> memref<128xi32, #tpu.memory_space<vmem>>
    %dma_wait3A_348 = arith.constant 0 : i32
    %dma_wait3A_349 = arith.constant 0 : i32
    %dma_wait3A_350 = tpu.memref_slice %arg5[%dma_wait3A_348, %dma_wait3A_349] : memref<114688x384xf32, #tpu.memory_space<hbm>> -> memref<114688x384xf32, #tpu.memory_space<hbm>>
    tpu.wait_indirect_dma semaphore(%arg12 : memref<!tpu.dma_semaphore, #tpu.memory_space<semaphore_mem>>) src(%arg7 : memref<128x384xf32, #tpu.memory_space<vmem>>) dst(%dma_wait3A_350 : memref<114688x384xf32, #tpu.memory_space<hbm>>)
    %dma_wait3A_351 = arith.constant 16 : i32
    %dma_wait3A_352 = arith.constant 0 : i32
    %dma_wait3A_353 = tpu.memref_slice %arg9[%dma_wait3A_351, %dma_wait3A_352] : memref<28x128xi32, #tpu.memory_space<vmem>> -> memref<1x128xi32, #tpu.memory_space<vmem>>
    %dma_wait3A_354 = tpu.memref_squeeze %dma_wait3A_353 : memref<1x128xi32, #tpu.memory_space<vmem>> -> memref<128xi32, #tpu.memory_space<vmem>>
    %dma_wait3A_355 = arith.constant 0 : i32
    %dma_wait3A_356 = arith.constant 0 : i32
    %dma_wait3A_357 = tpu.memref_slice %arg5[%dma_wait3A_355, %dma_wait3A_356] : memref<114688x384xf32, #tpu.memory_space<hbm>> -> memref<114688x384xf32, #tpu.memory_space<hbm>>
    tpu.wait_indirect_dma semaphore(%arg12 : memref<!tpu.dma_semaphore, #tpu.memory_space<semaphore_mem>>) src(%arg7 : memref<128x384xf32, #tpu.memory_space<vmem>>) dst(%dma_wait3A_357 : memref<114688x384xf32, #tpu.memory_space<hbm>>)
    %dma_wait3A_358 = arith.constant 17 : i32
    %dma_wait3A_359 = arith.constant 0 : i32
    %dma_wait3A_360 = tpu.memref_slice %arg9[%dma_wait3A_358, %dma_wait3A_359] : memref<28x128xi32, #tpu.memory_space<vmem>> -> memref<1x128xi32, #tpu.memory_space<vmem>>
    %dma_wait3A_361 = tpu.memref_squeeze %dma_wait3A_360 : memref<1x128xi32, #tpu.memory_space<vmem>> -> memref<128xi32, #tpu.memory_space<vmem>>
    %dma_wait3A_362 = arith.constant 0 : i32
    %dma_wait3A_363 = arith.constant 0 : i32
    %dma_wait3A_364 = tpu.memref_slice %arg5[%dma_wait3A_362, %dma_wait3A_363] : memref<114688x384xf32, #tpu.memory_space<hbm>> -> memref<114688x384xf32, #tpu.memory_space<hbm>>
    tpu.wait_indirect_dma semaphore(%arg12 : memref<!tpu.dma_semaphore, #tpu.memory_space<semaphore_mem>>) src(%arg7 : memref<128x384xf32, #tpu.memory_space<vmem>>) dst(%dma_wait3A_364 : memref<114688x384xf32, #tpu.memory_space<hbm>>)
    %dma_wait3A_365 = arith.constant 18 : i32
    %dma_wait3A_366 = arith.constant 0 : i32
    %dma_wait3A_367 = tpu.memref_slice %arg9[%dma_wait3A_365, %dma_wait3A_366] : memref<28x128xi32, #tpu.memory_space<vmem>> -> memref<1x128xi32, #tpu.memory_space<vmem>>
    %dma_wait3A_368 = tpu.memref_squeeze %dma_wait3A_367 : memref<1x128xi32, #tpu.memory_space<vmem>> -> memref<128xi32, #tpu.memory_space<vmem>>
    %dma_wait3A_369 = arith.constant 0 : i32
    %dma_wait3A_370 = arith.constant 0 : i32
    %dma_wait3A_371 = tpu.memref_slice %arg5[%dma_wait3A_369, %dma_wait3A_370] : memref<114688x384xf32, #tpu.memory_space<hbm>> -> memref<114688x384xf32, #tpu.memory_space<hbm>>
    tpu.wait_indirect_dma semaphore(%arg12 : memref<!tpu.dma_semaphore, #tpu.memory_space<semaphore_mem>>) src(%arg7 : memref<128x384xf32, #tpu.memory_space<vmem>>) dst(%dma_wait3A_371 : memref<114688x384xf32, #tpu.memory_space<hbm>>)
    %dma_wait3A_372 = arith.constant 19 : i32
    %dma_wait3A_373 = arith.constant 0 : i32
    %dma_wait3A_374 = tpu.memref_slice %arg9[%dma_wait3A_372, %dma_wait3A_373] : memref<28x128xi32, #tpu.memory_space<vmem>> -> memref<1x128xi32, #tpu.memory_space<vmem>>
    %dma_wait3A_375 = tpu.memref_squeeze %dma_wait3A_374 : memref<1x128xi32, #tpu.memory_space<vmem>> -> memref<128xi32, #tpu.memory_space<vmem>>
    %dma_wait3A_376 = arith.constant 0 : i32
    %dma_wait3A_377 = arith.constant 0 : i32
    %dma_wait3A_378 = tpu.memref_slice %arg5[%dma_wait3A_376, %dma_wait3A_377] : memref<114688x384xf32, #tpu.memory_space<hbm>> -> memref<114688x384xf32, #tpu.memory_space<hbm>>
    tpu.wait_indirect_dma semaphore(%arg12 : memref<!tpu.dma_semaphore, #tpu.memory_space<semaphore_mem>>) src(%arg7 : memref<128x384xf32, #tpu.memory_space<vmem>>) dst(%dma_wait3A_378 : memref<114688x384xf32, #tpu.memory_space<hbm>>)
    %dma_wait3A_379 = arith.constant 20 : i32
    %dma_wait3A_380 = arith.constant 0 : i32
    %dma_wait3A_381 = tpu.memref_slice %arg9[%dma_wait3A_379, %dma_wait3A_380] : memref<28x128xi32, #tpu.memory_space<vmem>> -> memref<1x128xi32, #tpu.memory_space<vmem>>
    %dma_wait3A_382 = tpu.memref_squeeze %dma_wait3A_381 : memref<1x128xi32, #tpu.memory_space<vmem>> -> memref<128xi32, #tpu.memory_space<vmem>>
    %dma_wait3A_383 = arith.constant 0 : i32
    %dma_wait3A_384 = arith.constant 0 : i32
    %dma_wait3A_385 = tpu.memref_slice %arg5[%dma_wait3A_383, %dma_wait3A_384] : memref<114688x384xf32, #tpu.memory_space<hbm>> -> memref<114688x384xf32, #tpu.memory_space<hbm>>
    tpu.wait_indirect_dma semaphore(%arg12 : memref<!tpu.dma_semaphore, #tpu.memory_space<semaphore_mem>>) src(%arg7 : memref<128x384xf32, #tpu.memory_space<vmem>>) dst(%dma_wait3A_385 : memref<114688x384xf32, #tpu.memory_space<hbm>>)
    %dma_wait3A_386 = arith.constant 21 : i32
    %dma_wait3A_387 = arith.constant 0 : i32
    %dma_wait3A_388 = tpu.memref_slice %arg9[%dma_wait3A_386, %dma_wait3A_387] : memref<28x128xi32, #tpu.memory_space<vmem>> -> memref<1x128xi32, #tpu.memory_space<vmem>>
    %dma_wait3A_389 = tpu.memref_squeeze %dma_wait3A_388 : memref<1x128xi32, #tpu.memory_space<vmem>> -> memref<128xi32, #tpu.memory_space<vmem>>
    %dma_wait3A_390 = arith.constant 0 : i32
    %dma_wait3A_391 = arith.constant 0 : i32
    %dma_wait3A_392 = tpu.memref_slice %arg5[%dma_wait3A_390, %dma_wait3A_391] : memref<114688x384xf32, #tpu.memory_space<hbm>> -> memref<114688x384xf32, #tpu.memory_space<hbm>>
    tpu.wait_indirect_dma semaphore(%arg12 : memref<!tpu.dma_semaphore, #tpu.memory_space<semaphore_mem>>) src(%arg8 : memref<128x384xf32, #tpu.memory_space<vmem>>) dst(%dma_wait3A_392 : memref<114688x384xf32, #tpu.memory_space<hbm>>)
    %dma_wait3A_393 = arith.constant 22 : i32
    %dma_wait3A_394 = arith.constant 0 : i32
    %dma_wait3A_395 = tpu.memref_slice %arg9[%dma_wait3A_393, %dma_wait3A_394] : memref<28x128xi32, #tpu.memory_space<vmem>> -> memref<1x128xi32, #tpu.memory_space<vmem>>
    %dma_wait3A_396 = tpu.memref_squeeze %dma_wait3A_395 : memref<1x128xi32, #tpu.memory_space<vmem>> -> memref<128xi32, #tpu.memory_space<vmem>>
    %dma_wait3A_397 = arith.constant 0 : i32
    %dma_wait3A_398 = arith.constant 0 : i32
    %dma_wait3A_399 = tpu.memref_slice %arg5[%dma_wait3A_397, %dma_wait3A_398] : memref<114688x384xf32, #tpu.memory_space<hbm>> -> memref<114688x384xf32, #tpu.memory_space<hbm>>
    tpu.wait_indirect_dma semaphore(%arg12 : memref<!tpu.dma_semaphore, #tpu.memory_space<semaphore_mem>>) src(%arg8 : memref<128x384xf32, #tpu.memory_space<vmem>>) dst(%dma_wait3A_399 : memref<114688x384xf32, #tpu.memory_space<hbm>>)
    %dma_wait3A_400 = arith.constant 23 : i32
    %dma_wait3A_401 = arith.constant 0 : i32
    %dma_wait3A_402 = tpu.memref_slice %arg9[%dma_wait3A_400, %dma_wait3A_401] : memref<28x128xi32, #tpu.memory_space<vmem>> -> memref<1x128xi32, #tpu.memory_space<vmem>>
    %dma_wait3A_403 = tpu.memref_squeeze %dma_wait3A_402 : memref<1x128xi32, #tpu.memory_space<vmem>> -> memref<128xi32, #tpu.memory_space<vmem>>
    %dma_wait3A_404 = arith.constant 0 : i32
    %dma_wait3A_405 = arith.constant 0 : i32
    %dma_wait3A_406 = tpu.memref_slice %arg5[%dma_wait3A_404, %dma_wait3A_405] : memref<114688x384xf32, #tpu.memory_space<hbm>> -> memref<114688x384xf32, #tpu.memory_space<hbm>>
    tpu.wait_indirect_dma semaphore(%arg12 : memref<!tpu.dma_semaphore, #tpu.memory_space<semaphore_mem>>) src(%arg8 : memref<128x384xf32, #tpu.memory_space<vmem>>) dst(%dma_wait3A_406 : memref<114688x384xf32, #tpu.memory_space<hbm>>)
    %dma_wait3A_407 = arith.constant 24 : i32
    %dma_wait3A_408 = arith.constant 0 : i32
    %dma_wait3A_409 = tpu.memref_slice %arg9[%dma_wait3A_407, %dma_wait3A_408] : memref<28x128xi32, #tpu.memory_space<vmem>> -> memref<1x128xi32, #tpu.memory_space<vmem>>
    %dma_wait3A_410 = tpu.memref_squeeze %dma_wait3A_409 : memref<1x128xi32, #tpu.memory_space<vmem>> -> memref<128xi32, #tpu.memory_space<vmem>>
    %dma_wait3A_411 = arith.constant 0 : i32
    %dma_wait3A_412 = arith.constant 0 : i32
    %dma_wait3A_413 = tpu.memref_slice %arg5[%dma_wait3A_411, %dma_wait3A_412] : memref<114688x384xf32, #tpu.memory_space<hbm>> -> memref<114688x384xf32, #tpu.memory_space<hbm>>
    tpu.wait_indirect_dma semaphore(%arg12 : memref<!tpu.dma_semaphore, #tpu.memory_space<semaphore_mem>>) src(%arg8 : memref<128x384xf32, #tpu.memory_space<vmem>>) dst(%dma_wait3A_413 : memref<114688x384xf32, #tpu.memory_space<hbm>>)
    %dma_wait3A_414 = arith.constant 25 : i32
    %dma_wait3A_415 = arith.constant 0 : i32
    %dma_wait3A_416 = tpu.memref_slice %arg9[%dma_wait3A_414, %dma_wait3A_415] : memref<28x128xi32, #tpu.memory_space<vmem>> -> memref<1x128xi32, #tpu.memory_space<vmem>>
    %dma_wait3A_417 = tpu.memref_squeeze %dma_wait3A_416 : memref<1x128xi32, #tpu.memory_space<vmem>> -> memref<128xi32, #tpu.memory_space<vmem>>
    %dma_wait3A_418 = arith.constant 0 : i32
    %dma_wait3A_419 = arith.constant 0 : i32
    %dma_wait3A_420 = tpu.memref_slice %arg5[%dma_wait3A_418, %dma_wait3A_419] : memref<114688x384xf32, #tpu.memory_space<hbm>> -> memref<114688x384xf32, #tpu.memory_space<hbm>>
    tpu.wait_indirect_dma semaphore(%arg12 : memref<!tpu.dma_semaphore, #tpu.memory_space<semaphore_mem>>) src(%arg8 : memref<128x384xf32, #tpu.memory_space<vmem>>) dst(%dma_wait3A_420 : memref<114688x384xf32, #tpu.memory_space<hbm>>)
    %dma_wait3A_421 = arith.constant 26 : i32
    %dma_wait3A_422 = arith.constant 0 : i32
    %dma_wait3A_423 = tpu.memref_slice %arg9[%dma_wait3A_421, %dma_wait3A_422] : memref<28x128xi32, #tpu.memory_space<vmem>> -> memref<1x128xi32, #tpu.memory_space<vmem>>
    %dma_wait3A_424 = tpu.memref_squeeze %dma_wait3A_423 : memref<1x128xi32, #tpu.memory_space<vmem>> -> memref<128xi32, #tpu.memory_space<vmem>>
    %dma_wait3A_425 = arith.constant 0 : i32
    %dma_wait3A_426 = arith.constant 0 : i32
    %dma_wait3A_427 = tpu.memref_slice %arg5[%dma_wait3A_425, %dma_wait3A_426] : memref<114688x384xf32, #tpu.memory_space<hbm>> -> memref<114688x384xf32, #tpu.memory_space<hbm>>
    tpu.wait_indirect_dma semaphore(%arg12 : memref<!tpu.dma_semaphore, #tpu.memory_space<semaphore_mem>>) src(%arg8 : memref<128x384xf32, #tpu.memory_space<vmem>>) dst(%dma_wait3A_427 : memref<114688x384xf32, #tpu.memory_space<hbm>>)
    %dma_wait3A_428 = arith.constant 27 : i32
    %dma_wait3A_429 = arith.constant 0 : i32
    %dma_wait3A_430 = tpu.memref_slice %arg9[%dma_wait3A_428, %dma_wait3A_429] : memref<28x128xi32, #tpu.memory_space<vmem>> -> memref<1x128xi32, #tpu.memory_space<vmem>>
    %dma_wait3A_431 = tpu.memref_squeeze %dma_wait3A_430 : memref<1x128xi32, #tpu.memory_space<vmem>> -> memref<128xi32, #tpu.memory_space<vmem>>
    %dma_wait3A_432 = arith.constant 0 : i32
    %dma_wait3A_433 = arith.constant 0 : i32
    %dma_wait3A_434 = tpu.memref_slice %arg5[%dma_wait3A_432, %dma_wait3A_433] : memref<114688x384xf32, #tpu.memory_space<hbm>> -> memref<114688x384xf32, #tpu.memory_space<hbm>>
    tpu.wait_indirect_dma semaphore(%arg12 : memref<!tpu.dma_semaphore, #tpu.memory_space<semaphore_mem>>) src(%arg8 : memref<128x384xf32, #tpu.memory_space<vmem>>) dst(%dma_wait3A_434 : memref<114688x384xf32, #tpu.memory_space<hbm>>)
    return
  }
}

</mosaic_0001>

<sc_bundles>
// kernel: kernel.3.cloned.1.call-start
scs
__scs_entry_jumppad:
0x0: {  	(pc) =	sbr.rel $0x88, $3  }
0x1: {  	(tag) =	ssettag $0x0;
	lr =	simm.s32 $0x1  }
0x2: {  	[smem:$0x3FA0] =	sst lr;
	_ =	strace $0xD0000000  }
0x3: {  	_ = 	snop  }
0x4: {  	_ = 	snop  }
0x5: {  	_ = 	snop  }
0x6: {  	_ = 	snop  }
0x7: {  	_ = 	snop  }
__scs_overlays_trampoline_lowered:
0x8: {  	[smem:$0x3FAF] =	sst s0  }
0x9: {  	[smem:$0x3FB0] =	sst s1  }
0xa: {  	[smem:$0x3FB1] =	sst s2  }
0xb: {  	[smem:$0x3FB2] =	sst s3  }
0xc: {  	[smem:$0x3FB3] =	sst s4  }
0xd: {  	[smem:$0x3FB4] =	sst s5  }
0xe: {  	[smem:$0x3FB5] =	sst s6  }
0xf: {  	[smem:$0x3FB6] =	sst s7  }
0x10: {  	[smem:$0x3FB7] =	sst s8  }
0x11: {  	[smem:$0x3FB8] =	sst s9;
	s0 =	simm.s32 @!p0 $0x0  }
0x12: {  	s1 =	sld [smem:$0x3F9E];
	s0 =	simm.s32 @p0 $0x1  }
0x13: {  	[smem:$0x3FB9] =	sst s0;
	s0 =	simm.s32 @!p1 $0x0  }
0x14: {  	s2 =	sld [smem:$0x3F9D];
	s0 =	simm.s32 @p1 $0x1  }
0x15: {  	[smem:$0x3FBA] =	sst s0;
	s0 =	simm.s32 @!p2 $0x0  }
0x16: {  	s3 =	sld [smem:$0x3FDB];
	s0 =	simm.s32 @p2 $0x1  }
0x17: {  	s4 =	simm.s32 $0x1BF5;
	[smem:$0x3FBC] =	sst s0  }
0x18: {  	s0 =	sld [smem:$0x3F9F];
	_ =	swait.ge [sflag:s4], $0x0  }
0x19: {  	s7 =	sld [smem:$0x3FA0]  }
0x1a: {  	s8 =	sadd.s32 $0xFFFFE003, lr  }
0x1b: {  	s9 =	sadd.s32 $0xFFFFFEF7, lr;
	s5 =	simm.s32 $0xFFFFFFFF;
	p2 =	slt.u32 s8, $0xFFFFF086  }
0x1c: {  	p1 =	slt.u32 s9, $0xF7A;
	s5 =	simm.s32 @!p2 $0x0  }
0x1d: {  	s5 =	simm.s32 @p1 $0x1;
	p0 =	seq.s32 s7, s2  }
0x1e: {  	s7 =	smul.u32 @!p0 $0xF7A, s2;
	p2 =	seq.s32 @!p0 s5, $0x0  }
0x1f: {  	s9 =	smul.u32 $0xF7A, s1;
	s8 =	simm.s32 @!p0 $0x1BF5;
	p2 =	por !p2, p0  }
0x20: {  	[sflag:s8] =	ssyncset.s32 @!p0 $0xFFFFF086;
	s6 =	sadd.s32 @!p0 s3, s7;
	s7 =	simm.s32 @!p0 $0x108  }
0x21: {  	s3 =	sadd.s32 s3, s9;
	s6 =	sadd.s32 @!p0 $0x88, s6;
	s7 =	simm.s32 @p2 $0x1082  }
0x22: {  	[simem:s7], [sflag:s8] =	dma.local @!p0 [hbm:s6], $0xF7A  }
0x23: {  	s9 =	sor.u32 $0xD0000000, s2;
	s6 =	simm.s32 $0x108;
	_ =	swait.ge @!p0 [sflag:s8], $0x0  }
0x24: {  	s3 =	sadd.s32 $0x88, s3;
	s6 =	simm.s32 @!p1 $0x1082;
	[sflag:s4] =	ssyncset.s32 $0xFFFFF086  }
0x25: {  	[simem:s6], [sflag:s4] =	dma.local [hbm:s3], $0xF7A  }
0x26: {  	[smem:$0x3FA0] =	sst s1;
	(tag) =	ssettag s2;
	_ =	strace s9  }
0x27: {  	s1 =	sld [smem:$0x3FB0]  }
0x28: {  	s2 =	sld [smem:$0x3FB1]  }
0x29: {  	s4 =	sld [smem:$0x3FB3]  }
0x2a: {  	p0 =	seq.s32 s5, $0x0;
	s5 =	sld [smem:$0x3FB4]  }
0x2b: {  	s6 =	sld [smem:$0x3FB5]  }
0x2c: {  	s7 =	sld [smem:$0x3FB6]  }
0x2d: {  	s3 =	simm.s32 $0x108;
	s8 =	sld [smem:$0x3FB7]  }
0x2e: {  	s3 =	simm.s32 @!p0 $0x1082;
	s9 =	sld [smem:$0x3FB8]  }
0x2f: {  	lr =	sadd.s32 s0, s3;
	s0 =	sld [smem:$0x3FAF]  }
0x30: {  	s3 =	sld [smem:$0x3FB2]  }
0x31: {  	[smem:$0x3FBB] =	sst s10  }
0x32: {  	s10 =	sld [smem:$0x3FB9];
	_ =	sdelay $0x3  }
0x33: {  	p0 =	seq.s32 s10, $0x1;
	s10 =	sld [smem:$0x3FBB];
	_ =	sdelay $0x3  }
0x34: {  	[smem:$0x3FBB] =	sst s10  }
0x35: {  	s10 =	sld [smem:$0x3FBA];
	_ =	sdelay $0x3  }
0x36: {  	p1 =	seq.s32 s10, $0x1;
	s10 =	sld [smem:$0x3FBB];
	_ =	sdelay $0x3  }
0x37: {  	[smem:$0x3FBB] =	sst s10  }
0x38: {  	s10 =	sld [smem:$0x3FBC]  }
0x39: {  	_ = 	snop;
	(pc) =	sbr.ind lr, $3  }
0x3a: {  	_ = 	snop  }
0x3b: {  	_ = 	snop  }
0x3c: {  	p2 =	seq.s32 s10, $0x1;
	s10 =	sld [smem:$0x3FBB]  }
0x3d: {  	_ =	shalt  }
0x3e: {  	_ =	shalt  }
0x3f: {  	_ =	shalt  }
0x40: {  	_ =	shalt  }
0x41: {  	_ =	shalt  }
0x42: {  	_ =	shalt  }
0x43: {  	_ =	shalt  }
0x44: {  	_ =	shalt  }
0x45: {  	_ =	shalt  }
0x46: {  	_ =	shalt  }
0x47: {  	_ =	shalt  }
0x48: {  	_ =	shalt  }
0x49: {  	_ =	shalt  }
0x4a: {  	_ =	shalt  }
0x4b: {  	_ =	shalt  }
0x4c: {  	_ =	shalt  }
0x4d: {  	_ =	shalt  }
0x4e: {  	_ =	shalt  }
0x4f: {  	_ =	shalt  }
0x50: {  	_ =	shalt  }
0x51: {  	_ =	shalt  }
0x52: {  	_ =	shalt  }
0x53: {  	_ =	shalt  }
0x54: {  	_ =	shalt  }
0x55: {  	_ =	shalt  }
0x56: {  	_ =	shalt  }
0x57: {  	_ =	shalt  }
0x58: {  	_ =	shalt  }
0x59: {  	_ =	shalt  }
0x5a: {  	_ =	shalt  }
0x5b: {  	_ =	shalt  }
0x5c: {  	_ =	shalt  }
0x5d: {  	_ =	shalt  }
0x5e: {  	_ =	shalt  }
0x5f: {  	_ =	shalt  }
0x60: {  	_ =	shalt  }
0x61: {  	_ =	shalt  }
0x62: {  	_ =	shalt  }
0x63: {  	_ =	shalt  }
0x64: {  	_ =	shalt  }
0x65: {  	_ =	shalt  }
0x66: {  	_ =	shalt  }
0x67: {  	_ =	shalt  }
0x68: {  	_ =	shalt  }
0x69: {  	_ =	shalt  }
0x6a: {  	_ =	shalt  }
0x6b: {  	_ =	shalt  }
0x6c: {  	_ =	shalt  }
0x6d: {  	_ =	shalt  }
0x6e: {  	_ =	shalt  }
0x6f: {  	_ =	shalt  }
0x70: {  	_ =	shalt  }
0x71: {  	_ =	shalt  }
0x72: {  	_ =	shalt  }
0x73: {  	_ =	shalt  }
0x74: {  	_ =	shalt  }
0x75: {  	_ =	shalt  }
0x76: {  	_ =	shalt  }
0x77: {  	_ =	shalt  }
0x78: {  	_ =	shalt  }
0x79: {  	_ =	shalt  }
0x7a: {  	_ =	shalt  }
0x7b: {  	_ =	shalt  }
0x7c: {  	_ =	shalt  }
0x7d: {  	_ =	shalt  }
0x7e: {  	_ =	shalt  }
0x7f: {  	_ =	shalt  }
0x80: {  	_ =	shalt  }
0x81: {  	_ =	shalt  }
0x82: {  	_ =	shalt  }
0x83: {  	_ =	shalt  }
0x84: {  	_ =	shalt  }
0x85: {  	_ =	shalt  }
0x86: {  	_ =	shalt  }
0x87: {  	_ =	shalt  }
.Lfunc_end0:
.L_simem_size_0:
called_computation_lowered:
.L_overlay_start_0:
0x88: {  	s2 =	sld [smem:$0x3FD9]  }
0x89: {  	s3 =	sld [smem:$0x3FFE];
	_ =	sdelay $0x1  }
0x8a: {  	s1 =	srdreg.scid  }
0x8b: {  	s0 =	sand.u32 $0x1, s1  }
0x8c: {  	s14 =	sshll.u32 s0, $0xA;
	s2 =	sadd.s32 s3, s2  }
0x8d: {  	s2 =	sadd.s32 s2, s14  }
0x8e: {  	[smem:$0x3FC7] =	sst s2  }
0x8f: {  	_ = 	snop  }
0x90: {  	s2 =	sld [smem:$0x3FD0];
	_ =	sdelay $0x2  }
0x91: {  	s4 =	simm.s32 $0xA;
	s5 =	simm.s32 $0x10;
	s15 =	sld [smem:$0x3FC9]  }
0x92: {  	[smem:s5], [sflag:s4] =	dma.local [hbm:s2], $0x1  }
0x93: {  	_ =	swait.eq [sflag:s4], $0x1  }
0x94: {  	[sflag:s4] =	ssyncset.done $0x0  }
0x95: {  	s16 =	sld [smem:$0x10];
	[sflag:s4] =	ssyncadd.s32 $0xFFFFFFFF  }
0x96: {  	s17 =	sld [smem:$0x11];
	(tm) =	ssettm $0x1  }
0x97: {  	s18 =	sld [smem:$0x3FFB];
	_ =	sdelay $0x3  }
0x98: {  	_ =	strace s18  }
0x99: {  	s5 =	sld [smem:$0x3FFC];
	_ =	sdelay $0x3  }
0x9a: {  	_ =	strace s5  }
0x9b: {  	s5 =	sld [smem:$0x3FFD];
	_ =	sdelay $0x3  }
0x9c: {  	_ =	strace s5  }
0x9d: {  	_ =	strace $0x8FFFFFFF  }
0x9e: {  	s19 =	sld [smem:$0x3FDB];
	_ =	sdelay $0x1  }
0x9f: {  	s6 =	simm.s32 $_scs_section_size  }
0xa0: {  	s7 =	simm.s32 $_size__tile_overlayer_lowered;
	s8 =	simm.s32 $_tile_overlayer_lowered  }
0xa1: {  	s22 =	simm.s32 $0x1BFF;
	s21 =	sshll.u32 s8, $0x1;
	s5 =	sadd.s32 s6, s19  }
0xa2: {  	s9 =	simm.s32 $0x0;
	s20 =	sshll.u32 s7, $0x1;
	s7 =	sadd.s32 s21, s5  }
0xa3: {  	[timem:s9], [sflag:s22] =	dma.local [hbm:s7], s20  }
0xa4: {  	_ =	swait.ge [sflag:s22], s20  }
0xa5: {  	s6 =	ssub.s32 $0x0, s20;
	[sflag:s22] =	ssyncset.done $0x0  }
0xa6: {  	[sflag:s22] =	ssyncadd.s32 s6;
	_ =	sdelay $0x1  }
0xa7: {  	s23 =	simm.s32 $0x1B8B  }
0xa8: {  	_ =	swait.ge [sflag:s23], $0x1  }
0xa9: {  	[sflag:s23] =	ssyncset.done $0x0  }
0xaa: {  	s25 =	simm.s32 $0x1B8E;
	s24 =	sld [smem:$0x3FFE];
	[sflag:s23] =	ssyncadd.s32 $0xFFFFFFFF  }
0xab: {  	s26 =	simm.s32 $execute0_lowered;
	[smem:$0x3FD2] =	sst s25  }
0xac: {  	s7 =	sshll.u32 s26, $0x1;
	_ =	strace $0x80000046;
	[dreg:$0x1] =	wrdreg $0xFFFFFFFF  }
0xad: {  	s28 =	simm.s32 $_size_execute0_lowered;
	s5 =	sadd.s32 s5, s7;
	[dreg:$0x0] =	wrdreg $0x0  }
0xae: {  	s7 =	sshll.u32 s28, $0x1;
	[dreg:$0x2] =	wrdreg s5  }
0xaf: {  	[dreg:$0x3] =	wrdreg s7  }
0xb0: {  	[dreg:$0x4] =	wrdreg $0xC0  }
0xb1: {  	_ =	task [dreg:s9], $0x5FFFF  }
0xb2: {  	[dreg:$0x1] =	wrdreg $0xFFFFFFFF  }
0xb3: {  	[dreg:$0x0] =	wrdreg $0x60  }
0xb4: {  	[dreg:$0x2] =	wrdreg s15  }
0xb5: {  	[dreg:$0x3] =	wrdreg s24  }
0xb6: {  	[dreg:$0x4] =	wrdreg s16  }
0xb7: {  	[dreg:$0x5] =	wrdreg s17  }
0xb8: {  	[dreg:$0x6] =	wrdreg $0x9  }
0xb9: {  	_ =	task.clear_ibuf [dreg:s9], $0x7FFFF;
	_ =	strace $0x90000046  }
0xba: {  	s29 =	simm.s32 $0x9;
	_ =	strace $0x80000048  }
0xbb: {  	_ =	swait.ge [sflag:s29], $0x1  }
0xbc: {  	[sflag:s29] =	ssyncadd.s32 $0xFFFFFFFF  }
0xbd: {  	_ =	strace $0x90000048  }
0xbe: {  	_ =	sfence  }
0xbf: {  	s30 =	sld [smem:$0x0];
	_ =	sdelay $0x2  }
0xc0: {  	s31 =	sshll.u32 s1, $0xD;
	s1 =	sshrl.u32 s1, $0x2  }
0xc1: {  	s3 =	sand.u32 $0x4000, s31;
	s1 =	sadd.s32 s1, s30  }
0xc2: {  	s0 =	sor.u32 s3, s0;
	s1 =	sshll.u32 s1, $0x11  }
0xc3: {  	s0 =	sor.u32 s1, s0  }
0xc4: {  	s0 =	sadd.s32 $0x8F2B, s0  }
0xc5: {  	[sflag:s0] =	ssyncadd.remote.s32 $0x1  }
0xc6: {  	_ =	sfence.sel $0xFFFF  }
0xc7: {  	[dreg:$0x0] =	wrdreg $0xFFFFFFFF;
	(pc) =	sbr.abs _section_cstart, $3  }
0xc8: {  	[dreg:$0x1] =	wrdreg $0xFFFFFFFF  }
0xc9: {  	_ =	task.clear_ibuf [dreg:s9], $0x2FFFF;
	_ =	strace $0x9FFFFFFF  }
0xca: {  	(tm) =	ssettm $0x7FFFFFFF  }
0xcb: {  	_ =	shalt  }
tec
execute0_lowered:
.L_overlay_start_1:
0x0: {  	(tag) =	ssettag $0x1  }
0x1: {  	s0 =	rddreg [dreg:$0x0]  }
0x2: {  	s1 =	rddreg [dreg:$0x1]  }
0x3: {  	s3 =	srdreg.scid;
	s2 =	rddreg [dreg:$0x2]  }
0x4: {  	s5 =	rddreg [dreg:$0x3];
	s8 =	stileid.u32;
	s31 =	simm.s32 $0x18000  }
0x5: {  	s14 =	simm.s32 $0x2;
	s4 =	sand.u32 $0x1, s3;
	s3 =	simm.s32 $0x0  }
0x6: {  	s6 =	sshll.u32 s4, $0x4;
	[smem:$0x7FF] =	sst s3;
	s4 =	ssub.s32 $0x2, s4  }
0x7: {  	s6 =	sor.u32 s8, s6;
	_ =	strace $0x80000047;
	s8 =	sshll.u32 s8, $0x4  }
0x8: {  	[dreg:$0xb] =	wrdreg s31;
	s7 =	sshll.u32 s6, $0x9;
	s9 =	smul.u32 $0x6000, s6  }
0x9: {  	s23 =	smul.u32 $0x30000, s6;
	s24 =	sadd.s32 s5, s8;
	s7 =	sadd.s32 s7, s1  }
0xa: {  	s1 =	sadd.s32 s8, s1;
	[dreg:$0x7] =	wrdreg s24;
	s7 =	sadd.s32 $0xC00, s7  }
0xb: {  	s29 =	sshrl.u32 s4, $0x1;
	s1 =	sadd.s32 $0x800, s1;
	[dreg:$0x5] =	wrdreg s7  }
0xc: {  	s25 =	sadd.s32 s0, s9;
	s26 =	sshrl.u32 s23, $0x3;
	[dreg:$0x6] =	wrdreg s1  }
0xd: {  	[dreg:$0xc] =	wrdreg s25;
	s28 =	sadd.s32 $0x1800, s25;
	s0 =	sadd.s32 s0, s26  }
0xe: {  	v2 =	vlaneseq.u32;
	s4 =	ssub.s32 s4, s29;
	[dreg:$0x8] =	wrdreg s28;
	s30 =	sadd.s32 $0x3000, s0  }
0xf: {  	vm0 =	vmmov $0xffff;
	vm1 =	vmmov $0xff;
	v1 =	vshrl.u32 v2, $0x3;
	s5 =	sadd.s32 $0x100, s2;
	s0 =	sadd.s32 $0x4800, s0;
	[dreg:$0x9] =	wrdreg s30  }
0x10: {  	v0 =	vand.u32 $0x7, v2;
	v2 =	vor.u32 $0x8, v2;
	v1 =	vmul.u32 $0x8, v1;
	p0 =	sgt.u32 s6, $0x6;
	s1 =	smax.u32 s4, $0x1;
	[dreg:$0xa] =	wrdreg s0  }
.LBB2_1:
0x11: {  	[dreg:$0xd] =	wrdreg s1  }
0x12: {  	s20 =	rddreg [dreg:$0x5]  }
0x13: {  	s21 =	rddreg [dreg:$0xb];
	s11 =	simm.s32 $0x3  }
0x14: {  	[tilespmem:s21], [sflag:$0x3] =	stream.linear.gather [hbm4b:s20+s3], $0xE00, $0x38;
	[tilespmem:$0x19400] =	vst v63  }
0x15: {  	_ =	swait.ge [sflag:s11], $0xE00  }
0x16: {  	s22 =	simm.s32 @!p0 $0x400;
	s23 =	simm.s32 @!p0 $0x19000;
	[sflag:s11] =	ssyncset.done $0x0  }
0x17: {  	s21 =	simm.s32 @!p0 $0x80;
	s20 =	rddreg [dreg:$0x6];
	[sflag:s11] =	ssyncadd.s32 $0xFFFFF200  }
0x18: {  	[tilespmem:s23], [sflag:$0x3] =	stream.strided.gather @!p0 [hbm4b:s20+s21], $0x400, s22, s21, $0x38;
	[tilespmem:$0x19400] =	vst v63  }
0x19: {  	s20 =	simm.s32 @!p0 $0x3  }
0x1a: {  	_ =	swait.ge @!p0 [sflag:s20], $0x400  }
0x1b: {  	[sflag:s20] =	ssyncset.done @!p0 $0x0  }
0x1c: {  	s24 =	rddreg [dreg:$0x7];
	[sflag:s20] =	ssyncadd.s32 @!p0 $0xFFFFFC00  }
0x1d: {  	[hbm4b:s24+s21] =	stream.strided.scatter @!p0 [tilespmem:s23], [sflag:$0x3], $0x400, s22, s21, $0x38;
	[tilespmem:$0x19400] =	vst v63  }
0x1e: {  	_ =	swait.ge @!p0 [sflag:s20], $0x400  }
0x1f: {  	[sflag:s20] =	ssyncset.done @!p0 $0x0  }
0x20: {  	s0 =	simm.s32 $0x1;
	s12 =	rddreg [dreg:$0xc];
	[sflag:s20] =	ssyncadd.s32 @!p0 $0xFFFFFC00  }
0x21: {  	[tilespmem:s3], [sflag:$0x1] =	stream.linear.gather [hbm4b:s12+s3], $0xC000, $0x38;
	[tilespmem:$0x19400] =	vst v63  }
0x22: {  	_ =	swait.ge [sflag:s0], $0xC000  }
0x23: {  	[sflag:s0] =	ssyncset.done $0x0  }
0x24: {  	s15 =	simm.s32 $0xC000;
	s13 =	rddreg [dreg:$0x8];
	[sflag:s0] =	ssyncadd.s32 $0xFFFF4000  }
0x25: {  	[tilespmem:s15], [sflag:$0x1] =	stream.linear.gather [hbm4b:s13+s3], $0xC000, $0x38;
	[tilespmem:$0x19400] =	vst v63  }
0x26: {  	v3 =	vld [tilespmem:$0x18000];
	_ =	sdelay $0x4  }
0x27: {  	v4 =	vshrl.u32 v3, $0x3  }
0x28: {  	v4 =	vmul.u32 $0x18, v4  }
0x29: {  	v3 =	vand.u32 $0x7, v3  }
0x2a: {  	v3 =	vor.u32 v3, v4  }
0x2b: {  	v4 =	vperm.xlane v3, v0;
	_ =	sdelay $0x1  }
0x2c: {  	v4 =	vadd.s32 v1, v4;
	_ =	sdelay $0x1  }
0x2d: {  	v3 =	vperm.xlane v3, v2;
	_ =	sdelay $0x1  }
0x2e: {  	v3 =	vadd.s32 v1, v3  }
0x2f: {  	[hbm4b:s2+s3] =	stream.indirect_vreg.scatter [tilespmem:s3], [sflag:$0x2], $0x80, v4, vm0, $0xb8;
	[tilespmem:$0x19400] =	vst v63  }
0x30: {  	s16 =	simm.s32 $0x800  }
0x31: {  	[hbm4b:s5+s3] =	stream.indirect_vreg.scatter [tilespmem:s16], [sflag:$0x2], $0x80, v4, vm1, $0xb8;
	[tilespmem:$0x19400] =	vst v63  }
0x32: {  	s17 =	simm.s32 $0xC00  }
0x33: {  	[hbm4b:s2+s3] =	stream.indirect_vreg.scatter [tilespmem:s17], [sflag:$0x2], $0x80, v3, vm0, $0xb8;
	[tilespmem:$0x19400] =	vst v63  }
0x34: {  	s18 =	simm.s32 $0x1400  }
0x35: {  	[hbm4b:s5+s3] =	stream.indirect_vreg.scatter [tilespmem:s18], [sflag:$0x2], $0x80, v3, vm1, $0xb8;
	[tilespmem:$0x19400] =	vst v63  }
0x36: {  	v3 =	vld [tilespmem:$0x18010];
	_ =	sdelay $0x4  }
0x37: {  	v9 =	vshrl.u32 v3, $0x3  }
0x38: {  	v4 =	vmul.u32 $0x18, v9  }
0x39: {  	v3 =	vand.u32 $0x7, v3  }
0x3a: {  	v3 =	vor.u32 v3, v4  }
0x3b: {  	v4 =	vperm.xlane v3, v0;
	_ =	sdelay $0x1  }
0x3c: {  	v4 =	vadd.s32 v1, v4;
	_ =	sdelay $0x1  }
0x3d: {  	v3 =	vperm.xlane v3, v2;
	_ =	sdelay $0x1  }
0x3e: {  	s19 =	simm.s32 $0x1800;
	v3 =	vadd.s32 v1, v3  }
0x3f: {  	[hbm4b:s2+s3] =	stream.indirect_vreg.scatter [tilespmem:s19], [sflag:$0x2], $0x80, v4, vm0, $0xb8;
	[tilespmem:$0x19400] =	vst v63  }
0x40: {  	s20 =	simm.s32 $0x2000  }
0x41: {  	[hbm4b:s5+s3] =	stream.indirect_vreg.scatter [tilespmem:s20], [sflag:$0x2], $0x80, v4, vm1, $0xb8;
	[tilespmem:$0x19400] =	vst v63  }
0x42: {  	s21 =	simm.s32 $0x2400  }
0x43: {  	[hbm4b:s2+s3] =	stream.indirect_vreg.scatter [tilespmem:s21], [sflag:$0x2], $0x80, v3, vm0, $0xb8;
	[tilespmem:$0x19400] =	vst v63  }
0x44: {  	s22 =	simm.s32 $0x2C00  }
0x45: {  	[hbm4b:s5+s3] =	stream.indirect_vreg.scatter [tilespmem:s22], [sflag:$0x2], $0x80, v3, vm1, $0xb8;
	[tilespmem:$0x19400] =	vst v63  }
0x46: {  	v3 =	vld [tilespmem:$0x18020];
	_ =	sdelay $0x4  }
0x47: {  	v10 =	vshrl.u32 v3, $0x3  }
0x48: {  	v4 =	vmul.u32 $0x18, v10  }
0x49: {  	v3 =	vand.u32 $0x7, v3  }
0x4a: {  	v3 =	vor.u32 v3, v4  }
0x4b: {  	v4 =	vperm.xlane v3, v0;
	_ =	sdelay $0x1  }
0x4c: {  	v4 =	vadd.s32 v1, v4;
	_ =	sdelay $0x1  }
0x4d: {  	v3 =	vperm.xlane v3, v2;
	_ =	sdelay $0x1  }
0x4e: {  	s23 =	simm.s32 $0x3000;
	v3 =	vadd.s32 v1, v3  }
0x4f: {  	[hbm4b:s2+s3] =	stream.indirect_vreg.scatter [tilespmem:s23], [sflag:$0x2], $0x80, v4, vm0, $0xb8;
	[tilespmem:$0x19400] =	vst v63  }
0x50: {  	s24 =	simm.s32 $0x3800  }
0x51: {  	[hbm4b:s5+s3] =	stream.indirect_vreg.scatter [tilespmem:s24], [sflag:$0x2], $0x80, v4, vm1, $0xb8;
	[tilespmem:$0x19400] =	vst v63  }
0x52: {  	s25 =	simm.s32 $0x3C00  }
0x53: {  	[hbm4b:s2+s3] =	stream.indirect_vreg.scatter [tilespmem:s25], [sflag:$0x2], $0x80, v3, vm0, $0xb8;
	[tilespmem:$0x19400] =	vst v63  }
0x54: {  	s26 =	simm.s32 $0x4400  }
0x55: {  	[hbm4b:s5+s3] =	stream.indirect_vreg.scatter [tilespmem:s26], [sflag:$0x2], $0x80, v3, vm1, $0xb8;
	[tilespmem:$0x19400] =	vst v63  }
0x56: {  	v3 =	vld [tilespmem:$0x18030];
	_ =	sdelay $0x4  }
0x57: {  	v11 =	vshrl.u32 v3, $0x3  }
0x58: {  	v4 =	vmul.u32 $0x18, v11  }
0x59: {  	v3 =	vand.u32 $0x7, v3  }
0x5a: {  	v3 =	vor.u32 v3, v4  }
0x5b: {  	v4 =	vperm.xlane v3, v0;
	_ =	sdelay $0x1  }
0x5c: {  	v4 =	vadd.s32 v1, v4;
	_ =	sdelay $0x1  }
0x5d: {  	v3 =	vperm.xlane v3, v2;
	_ =	sdelay $0x1  }
0x5e: {  	s28 =	simm.s32 $0x4800;
	v3 =	vadd.s32 v1, v3  }
0x5f: {  	[hbm4b:s2+s3] =	stream.indirect_vreg.scatter [tilespmem:s28], [sflag:$0x2], $0x80, v4, vm0, $0xb8;
	[tilespmem:$0x19400] =	vst v63  }
0x60: {  	s1 =	simm.s32 $0x5000  }
0x61: {  	[hbm4b:s5+s3] =	stream.indirect_vreg.scatter [tilespmem:s1], [sflag:$0x2], $0x80, v4, vm1, $0xb8;
	[tilespmem:$0x19400] =	vst v63  }
0x62: {  	s4 =	simm.s32 $0x5400  }
0x63: {  	[hbm4b:s2+s3] =	stream.indirect_vreg.scatter [tilespmem:s4], [sflag:$0x2], $0x80, v3, vm0, $0xb8;
	[tilespmem:$0x19400] =	vst v63  }
0x64: {  	s6 =	simm.s32 $0x5C00  }
0x65: {  	[hbm4b:s5+s3] =	stream.indirect_vreg.scatter [tilespmem:s6], [sflag:$0x2], $0x80, v3, vm1, $0xb8;
	[tilespmem:$0x19400] =	vst v63  }
0x66: {  	v3 =	vld [tilespmem:$0x18040];
	_ =	sdelay $0x4  }
0x67: {  	v12 =	vshrl.u32 v3, $0x3  }
0x68: {  	v4 =	vmul.u32 $0x18, v12  }
0x69: {  	v3 =	vand.u32 $0x7, v3  }
0x6a: {  	v3 =	vor.u32 v3, v4  }
0x6b: {  	v4 =	vperm.xlane v3, v0;
	_ =	sdelay $0x1  }
0x6c: {  	v4 =	vadd.s32 v1, v4;
	_ =	sdelay $0x1  }
0x6d: {  	v3 =	vperm.xlane v3, v2;
	_ =	sdelay $0x1  }
0x6e: {  	s7 =	simm.s32 $0x6000;
	v3 =	vadd.s32 v1, v3  }
0x6f: {  	[hbm4b:s2+s3] =	stream.indirect_vreg.scatter [tilespmem:s7], [sflag:$0x2], $0x80, v4, vm0, $0xb8;
	[tilespmem:$0x19400] =	vst v63  }
0x70: {  	s8 =	simm.s32 $0x6800  }
0x71: {  	[hbm4b:s5+s3] =	stream.indirect_vreg.scatter [tilespmem:s8], [sflag:$0x2], $0x80, v4, vm1, $0xb8;
	[tilespmem:$0x19400] =	vst v63  }
0x72: {  	s9 =	simm.s32 $0x6C00  }
0x73: {  	[hbm4b:s2+s3] =	stream.indirect_vreg.scatter [tilespmem:s9], [sflag:$0x2], $0x80, v3, vm0, $0xb8;
	[tilespmem:$0x19400] =	vst v63  }
0x74: {  	s10 =	simm.s32 $0x7400  }
0x75: {  	[hbm4b:s5+s3] =	stream.indirect_vreg.scatter [tilespmem:s10], [sflag:$0x2], $0x80, v3, vm1, $0xb8;
	[tilespmem:$0x19400] =	vst v63  }
0x76: {  	v3 =	vld [tilespmem:$0x18050];
	_ =	sdelay $0x4  }
0x77: {  	v13 =	vshrl.u32 v3, $0x3  }
0x78: {  	v4 =	vmul.u32 $0x18, v13  }
0x79: {  	v3 =	vand.u32 $0x7, v3  }
0x7a: {  	v3 =	vor.u32 v3, v4  }
0x7b: {  	v4 =	vperm.xlane v3, v0;
	_ =	sdelay $0x1  }
0x7c: {  	v4 =	vadd.s32 v1, v4;
	_ =	sdelay $0x1  }
0x7d: {  	v3 =	vperm.xlane v3, v2;
	_ =	sdelay $0x1  }
0x7e: {  	s11 =	simm.s32 $0x7800;
	v3 =	vadd.s32 v1, v3  }
0x7f: {  	[hbm4b:s2+s3] =	stream.indirect_vreg.scatter [tilespmem:s11], [sflag:$0x2], $0x80, v4, vm0, $0xb8;
	[tilespmem:$0x19400] =	vst v63  }
0x80: {  	s12 =	simm.s32 $0x8000  }
0x81: {  	[hbm4b:s5+s3] =	stream.indirect_vreg.scatter [tilespmem:s12], [sflag:$0x2], $0x80, v4, vm1, $0xb8;
	[tilespmem:$0x19400] =	vst v63  }
0x82: {  	s13 =	simm.s32 $0x8400  }
0x83: {  	[hbm4b:s2+s3] =	stream.indirect_vreg.scatter [tilespmem:s13], [sflag:$0x2], $0x80, v3, vm0, $0xb8;
	[tilespmem:$0x19400] =	vst v63  }
0x84: {  	s16 =	simm.s32 $0x8C00  }
0x85: {  	[hbm4b:s5+s3] =	stream.indirect_vreg.scatter [tilespmem:s16], [sflag:$0x2], $0x80, v3, vm1, $0xb8;
	[tilespmem:$0x19400] =	vst v63  }
0x86: {  	v3 =	vld [tilespmem:$0x18060];
	_ =	sdelay $0x4  }
0x87: {  	v14 =	vshrl.u32 v3, $0x3  }
0x88: {  	v4 =	vmul.u32 $0x18, v14  }
0x89: {  	v3 =	vand.u32 $0x7, v3  }
0x8a: {  	v3 =	vor.u32 v3, v4  }
0x8b: {  	v4 =	vperm.xlane v3, v0;
	_ =	sdelay $0x1  }
0x8c: {  	v4 =	vadd.s32 v1, v4;
	_ =	sdelay $0x1  }
0x8d: {  	v3 =	vperm.xlane v3, v2;
	_ =	sdelay $0x1  }
0x8e: {  	s17 =	simm.s32 $0x9000;
	v3 =	vadd.s32 v1, v3  }
0x8f: {  	[hbm4b:s2+s3] =	stream.indirect_vreg.scatter [tilespmem:s17], [sflag:$0x2], $0x80, v4, vm0, $0xb8;
	[tilespmem:$0x19400] =	vst v63  }
0x90: {  	s19 =	simm.s32 $0x9800  }
0x91: {  	[hbm4b:s5+s3] =	stream.indirect_vreg.scatter [tilespmem:s19], [sflag:$0x2], $0x80, v4, vm1, $0xb8;
	[tilespmem:$0x19400] =	vst v63  }
0x92: {  	s20 =	simm.s32 $0x9C00  }
0x93: {  	[hbm4b:s2+s3] =	stream.indirect_vreg.scatter [tilespmem:s20], [sflag:$0x2], $0x80, v3, vm0, $0xb8;
	[tilespmem:$0x19400] =	vst v63  }
0x94: {  	s22 =	simm.s32 $0xA400  }
0x95: {  	[hbm4b:s5+s3] =	stream.indirect_vreg.scatter [tilespmem:s22], [sflag:$0x2], $0x80, v3, vm1, $0xb8;
	[tilespmem:$0x19400] =	vst v63  }
0x96: {  	v3 =	vld [tilespmem:$0x18070];
	_ =	sdelay $0x4  }
0x97: {  	v15 =	vshrl.u32 v3, $0x3  }
0x98: {  	v4 =	vmul.u32 $0x18, v15  }
0x99: {  	v3 =	vand.u32 $0x7, v3  }
0x9a: {  	v3 =	vor.u32 v3, v4  }
0x9b: {  	v4 =	vperm.xlane v3, v0;
	_ =	sdelay $0x1  }
0x9c: {  	v4 =	vadd.s32 v1, v4;
	_ =	sdelay $0x1  }
0x9d: {  	v3 =	vperm.xlane v3, v2;
	_ =	sdelay $0x1  }
0x9e: {  	s23 =	simm.s32 $0xA800;
	v3 =	vadd.s32 v1, v3  }
0x9f: {  	[hbm4b:s2+s3] =	stream.indirect_vreg.scatter [tilespmem:s23], [sflag:$0x2], $0x80, v4, vm0, $0xb8;
	[tilespmem:$0x19400] =	vst v63  }
0xa0: {  	s25 =	simm.s32 $0xB000  }
0xa1: {  	[hbm4b:s5+s3] =	stream.indirect_vreg.scatter [tilespmem:s25], [sflag:$0x2], $0x80, v4, vm1, $0xb8;
	[tilespmem:$0x19400] =	vst v63  }
0xa2: {  	s26 =	simm.s32 $0xB400  }
0xa3: {  	[hbm4b:s2+s3] =	stream.indirect_vreg.scatter [tilespmem:s26], [sflag:$0x2], $0x80, v3, vm0, $0xb8;
	[tilespmem:$0x19400] =	vst v63  }
0xa4: {  	s28 =	simm.s32 $0xBC00  }
0xa5: {  	[hbm4b:s5+s3] =	stream.indirect_vreg.scatter [tilespmem:s28], [sflag:$0x2], $0x80, v3, vm1, $0xb8;
	[tilespmem:$0x19400] =	vst v63  }
0xa6: {  	v3 =	vld [tilespmem:$0x18080];
	_ =	sdelay $0x4  }
0xa7: {  	v16 =	vshrl.u32 v3, $0x3  }
0xa8: {  	v4 =	vmul.u32 $0x18, v16  }
0xa9: {  	v3 =	vand.u32 $0x7, v3  }
0xaa: {  	v3 =	vor.u32 v3, v4  }
0xab: {  	v4 =	vperm.xlane v3, v0;
	_ =	sdelay $0x1  }
0xac: {  	v4 =	vadd.s32 v1, v4;
	_ =	sdelay $0x1  }
0xad: {  	v3 =	vperm.xlane v3, v2;
	_ =	sdelay $0x1  }
0xae: {  	v3 =	vadd.s32 v1, v3  }
0xaf: {  	[hbm4b:s2+s3] =	stream.indirect_vreg.scatter [tilespmem:s3], [sflag:$0x2], $0x80, v4, vm0, $0xb8;
	[tilespmem:$0x19400] =	vst v63  }
0xb0: {  	s0 =	simm.s32 $0x800  }
0xb1: {  	[hbm4b:s5+s3] =	stream.indirect_vreg.scatter [tilespmem:s0], [sflag:$0x2], $0x80, v4, vm1, $0xb8;
	[tilespmem:$0x19400] =	vst v63  }
0xb2: {  	s1 =	simm.s32 $0xC00  }
0xb3: {  	[hbm4b:s2+s3] =	stream.indirect_vreg.scatter [tilespmem:s1], [sflag:$0x2], $0x80, v3, vm0, $0xb8;
	[tilespmem:$0x19400] =	vst v63  }
0xb4: {  	s29 =	simm.s32 $0x1400  }
0xb5: {  	[hbm4b:s5+s3] =	stream.indirect_vreg.scatter [tilespmem:s29], [sflag:$0x2], $0x80, v3, vm1, $0xb8;
	[tilespmem:$0x19400] =	vst v63  }
0xb6: {  	v3 =	vld [tilespmem:$0x18090];
	_ =	sdelay $0x4  }
0xb7: {  	v17 =	vshrl.u32 v3, $0x3  }
0xb8: {  	v4 =	vmul.u32 $0x18, v17  }
0xb9: {  	v3 =	vand.u32 $0x7, v3  }
0xba: {  	v3 =	vor.u32 v3, v4  }
0xbb: {  	v4 =	vperm.xlane v3, v0;
	_ =	sdelay $0x1  }
0xbc: {  	v4 =	vadd.s32 v1, v4;
	_ =	sdelay $0x1  }
0xbd: {  	v3 =	vperm.xlane v3, v2;
	_ =	sdelay $0x1  }
0xbe: {  	s4 =	simm.s32 $0x1800;
	v3 =	vadd.s32 v1, v3  }
0xbf: {  	[hbm4b:s2+s3] =	stream.indirect_vreg.scatter [tilespmem:s4], [sflag:$0x2], $0x80, v4, vm0, $0xb8;
	[tilespmem:$0x19400] =	vst v63  }
0xc0: {  	s6 =	simm.s32 $0x2000  }
0xc1: {  	[hbm4b:s5+s3] =	stream.indirect_vreg.scatter [tilespmem:s6], [sflag:$0x2], $0x80, v4, vm1, $0xb8;
	[tilespmem:$0x19400] =	vst v63  }
0xc2: {  	s7 =	simm.s32 $0x2400  }
0xc3: {  	[hbm4b:s2+s3] =	stream.indirect_vreg.scatter [tilespmem:s7], [sflag:$0x2], $0x80, v3, vm0, $0xb8;
	[tilespmem:$0x19400] =	vst v63  }
0xc4: {  	s30 =	simm.s32 $0x2C00  }
0xc5: {  	[hbm4b:s5+s3] =	stream.indirect_vreg.scatter [tilespmem:s30], [sflag:$0x2], $0x80, v3, vm1, $0xb8;
	[tilespmem:$0x19400] =	vst v63  }
0xc6: {  	v3 =	vld [tilespmem:$0x180A0];
	_ =	sdelay $0x4  }
0xc7: {  	v18 =	vshrl.u32 v3, $0x3  }
0xc8: {  	v4 =	vmul.u32 $0x18, v18  }
0xc9: {  	v3 =	vand.u32 $0x7, v3  }
0xca: {  	v3 =	vor.u32 v3, v4  }
0xcb: {  	v4 =	vperm.xlane v3, v0;
	_ =	sdelay $0x1  }
0xcc: {  	v4 =	vadd.s32 v1, v4;
	_ =	sdelay $0x1  }
0xcd: {  	v3 =	vperm.xlane v3, v2;
	_ =	sdelay $0x1  }
0xce: {  	s8 =	simm.s32 $0x3000;
	v3 =	vadd.s32 v1, v3  }
0xcf: {  	[hbm4b:s2+s3] =	stream.indirect_vreg.scatter [tilespmem:s8], [sflag:$0x2], $0x80, v4, vm0, $0xb8;
	[tilespmem:$0x19400] =	vst v63  }
0xd0: {  	s9 =	simm.s32 $0x3800  }
0xd1: {  	[hbm4b:s5+s3] =	stream.indirect_vreg.scatter [tilespmem:s9], [sflag:$0x2], $0x80, v4, vm1, $0xb8;
	[tilespmem:$0x19400] =	vst v63  }
0xd2: {  	s10 =	simm.s32 $0x3C00  }
0xd3: {  	[hbm4b:s2+s3] =	stream.indirect_vreg.scatter [tilespmem:s10], [sflag:$0x2], $0x80, v3, vm0, $0xb8;
	[tilespmem:$0x19400] =	vst v63  }
0xd4: {  	s31 =	simm.s32 $0x4400  }
0xd5: {  	[hbm4b:s5+s3] =	stream.indirect_vreg.scatter [tilespmem:s31], [sflag:$0x2], $0x80, v3, vm1, $0xb8;
	[tilespmem:$0x19400] =	vst v63  }
0xd6: {  	v3 =	vld [tilespmem:$0x180B0];
	_ =	sdelay $0x4  }
0xd7: {  	v19 =	vshrl.u32 v3, $0x3  }
0xd8: {  	v4 =	vmul.u32 $0x18, v19  }
0xd9: {  	v3 =	vand.u32 $0x7, v3  }
0xda: {  	v3 =	vor.u32 v3, v4  }
0xdb: {  	v4 =	vperm.xlane v3, v0;
	_ =	sdelay $0x1  }
0xdc: {  	v4 =	vadd.s32 v1, v4;
	_ =	sdelay $0x1  }
0xdd: {  	v3 =	vperm.xlane v3, v2;
	_ =	sdelay $0x1  }
0xde: {  	s11 =	simm.s32 $0x4800;
	v3 =	vadd.s32 v1, v3  }
0xdf: {  	[hbm4b:s2+s3] =	stream.indirect_vreg.scatter [tilespmem:s11], [sflag:$0x2], $0x80, v4, vm0, $0xb8;
	[tilespmem:$0x19400] =	vst v63  }
0xe0: {  	s12 =	simm.s32 $0x5000  }
0xe1: {  	[hbm4b:s5+s3] =	stream.indirect_vreg.scatter [tilespmem:s12], [sflag:$0x2], $0x80, v4, vm1, $0xb8;
	[tilespmem:$0x19400] =	vst v63  }
0xe2: {  	s13 =	simm.s32 $0x5400  }
0xe3: {  	[hbm4b:s2+s3] =	stream.indirect_vreg.scatter [tilespmem:s13], [sflag:$0x2], $0x80, v3, vm0, $0xb8;
	[tilespmem:$0x19400] =	vst v63  }
0xe4: {  	s15 =	simm.s32 $0x5C00  }
0xe5: {  	[hbm4b:s5+s3] =	stream.indirect_vreg.scatter [tilespmem:s15], [sflag:$0x2], $0x80, v3, vm1, $0xb8;
	[tilespmem:$0x19400] =	vst v63  }
0xe6: {  	v3 =	vld [tilespmem:$0x180C0];
	_ =	sdelay $0x4  }
0xe7: {  	v20 =	vshrl.u32 v3, $0x3  }
0xe8: {  	v4 =	vmul.u32 $0x18, v20  }
0xe9: {  	v3 =	vand.u32 $0x7, v3  }
0xea: {  	v3 =	vor.u32 v3, v4  }
0xeb: {  	v4 =	vperm.xlane v3, v0;
	_ =	sdelay $0x1  }
0xec: {  	v4 =	vadd.s32 v1, v4;
	_ =	sdelay $0x1  }
0xed: {  	v3 =	vperm.xlane v3, v2;
	_ =	sdelay $0x1  }
0xee: {  	s15 =	simm.s32 $0x6000;
	v3 =	vadd.s32 v1, v3  }
0xef: {  	[hbm4b:s2+s3] =	stream.indirect_vreg.scatter [tilespmem:s15], [sflag:$0x2], $0x80, v4, vm0, $0xb8;
	[tilespmem:$0x19400] =	vst v63  }
0xf0: {  	s16 =	simm.s32 $0x6800  }
0xf1: {  	[hbm4b:s5+s3] =	stream.indirect_vreg.scatter [tilespmem:s16], [sflag:$0x2], $0x80, v4, vm1, $0xb8;
	[tilespmem:$0x19400] =	vst v63  }
0xf2: {  	s17 =	simm.s32 $0x6C00  }
0xf3: {  	[hbm4b:s2+s3] =	stream.indirect_vreg.scatter [tilespmem:s17], [sflag:$0x2], $0x80, v3, vm0, $0xb8;
	[tilespmem:$0x19400] =	vst v63  }
0xf4: {  	s18 =	simm.s32 $0x7400  }
0xf5: {  	[hbm4b:s5+s3] =	stream.indirect_vreg.scatter [tilespmem:s18], [sflag:$0x2], $0x80, v3, vm1, $0xb8;
	[tilespmem:$0x19400] =	vst v63  }
0xf6: {  	v3 =	vld [tilespmem:$0x180D0];
	_ =	sdelay $0x4  }
0xf7: {  	v21 =	vshrl.u32 v3, $0x3  }
0xf8: {  	v4 =	vmul.u32 $0x18, v21  }
0xf9: {  	v3 =	vand.u32 $0x7, v3  }
0xfa: {  	v3 =	vor.u32 v3, v4  }
0xfb: {  	v4 =	vperm.xlane v3, v0;
	_ =	sdelay $0x1  }
0xfc: {  	v4 =	vadd.s32 v1, v4;
	_ =	sdelay $0x1  }
0xfd: {  	v3 =	vperm.xlane v3, v2;
	_ =	sdelay $0x1  }
0xfe: {  	s18 =	simm.s32 $0x7800;
	v3 =	vadd.s32 v1, v3  }
0xff: {  	[hbm4b:s2+s3] =	stream.indirect_vreg.scatter [tilespmem:s18], [sflag:$0x2], $0x80, v4, vm0, $0xb8;
	[tilespmem:$0x19400] =	vst v63  }
0x100: {  	s19 =	simm.s32 $0x8000  }
0x101: {  	[hbm4b:s5+s3] =	stream.indirect_vreg.scatter [tilespmem:s19], [sflag:$0x2], $0x80, v4, vm1, $0xb8;
	[tilespmem:$0x19400] =	vst v63  }
0x102: {  	s20 =	simm.s32 $0x8400  }
0x103: {  	[hbm4b:s2+s3] =	stream.indirect_vreg.scatter [tilespmem:s20], [sflag:$0x2], $0x80, v3, vm0, $0xb8;
	[tilespmem:$0x19400] =	vst v63  }
0x104: {  	s21 =	simm.s32 $0x8C00  }
0x105: {  	[hbm4b:s5+s3] =	stream.indirect_vreg.scatter [tilespmem:s21], [sflag:$0x2], $0x80, v3, vm1, $0xb8;
	[tilespmem:$0x19400] =	vst v63  }
0x106: {  	v3 =	vld [tilespmem:$0x180E0];
	_ =	sdelay $0x4  }
0x107: {  	v22 =	vshrl.u32 v3, $0x3  }
0x108: {  	v4 =	vmul.u32 $0x18, v22  }
0x109: {  	v3 =	vand.u32 $0x7, v3  }
0x10a: {  	v3 =	vor.u32 v3, v4  }
0x10b: {  	v4 =	vperm.xlane v3, v0;
	_ =	sdelay $0x1  }
0x10c: {  	v4 =	vadd.s32 v1, v4;
	_ =	sdelay $0x1  }
0x10d: {  	v3 =	vperm.xlane v3, v2;
	_ =	sdelay $0x1  }
0x10e: {  	s21 =	simm.s32 $0x9000;
	v3 =	vadd.s32 v1, v3  }
0x10f: {  	[hbm4b:s2+s3] =	stream.indirect_vreg.scatter [tilespmem:s21], [sflag:$0x2], $0x80, v4, vm0, $0xb8;
	[tilespmem:$0x19400] =	vst v63  }
0x110: {  	s22 =	simm.s32 $0x9800  }
0x111: {  	[hbm4b:s5+s3] =	stream.indirect_vreg.scatter [tilespmem:s22], [sflag:$0x2], $0x80, v4, vm1, $0xb8;
	[tilespmem:$0x19400] =	vst v63  }
0x112: {  	s23 =	simm.s32 $0x9C00  }
0x113: {  	[hbm4b:s2+s3] =	stream.indirect_vreg.scatter [tilespmem:s23], [sflag:$0x2], $0x80, v3, vm0, $0xb8;
	[tilespmem:$0x19400] =	vst v63  }
0x114: {  	s24 =	simm.s32 $0xA400  }
0x115: {  	[hbm4b:s5+s3] =	stream.indirect_vreg.scatter [tilespmem:s24], [sflag:$0x2], $0x80, v3, vm1, $0xb8;
	[tilespmem:$0x19400] =	vst v63  }
0x116: {  	v3 =	vld [tilespmem:$0x180F0];
	_ =	sdelay $0x4  }
0x117: {  	v23 =	vshrl.u32 v3, $0x3  }
0x118: {  	v4 =	vmul.u32 $0x18, v23  }
0x119: {  	v3 =	vand.u32 $0x7, v3  }
0x11a: {  	v3 =	vor.u32 v3, v4  }
0x11b: {  	v4 =	vperm.xlane v3, v0;
	_ =	sdelay $0x1  }
0x11c: {  	v4 =	vadd.s32 v1, v4;
	_ =	sdelay $0x1  }
0x11d: {  	v3 =	vperm.xlane v3, v2;
	_ =	sdelay $0x1  }
0x11e: {  	s24 =	simm.s32 $0xA800;
	v3 =	vadd.s32 v1, v3  }
0x11f: {  	[hbm4b:s2+s3] =	stream.indirect_vreg.scatter [tilespmem:s24], [sflag:$0x2], $0x80, v4, vm0, $0xb8;
	[tilespmem:$0x19400] =	vst v63  }
0x120: {  	s25 =	simm.s32 $0xB000  }
0x121: {  	[hbm4b:s5+s3] =	stream.indirect_vreg.scatter [tilespmem:s25], [sflag:$0x2], $0x80, v4, vm1, $0xb8;
	[tilespmem:$0x19400] =	vst v63  }
0x122: {  	s26 =	simm.s32 $0xB400  }
0x123: {  	[hbm4b:s2+s3] =	stream.indirect_vreg.scatter [tilespmem:s26], [sflag:$0x2], $0x80, v3, vm0, $0xb8;
	[tilespmem:$0x19400] =	vst v63  }
0x124: {  	s28 =	simm.s32 $0xBC00  }
0x125: {  	[hbm4b:s5+s3] =	stream.indirect_vreg.scatter [tilespmem:s28], [sflag:$0x2], $0x80, v3, vm1, $0xb8;
	[tilespmem:$0x19400] =	vst v63  }
0x126: {  	v3 =	vld [tilespmem:$0x18100];
	_ =	sdelay $0x4  }
0x127: {  	v24 =	vshrl.u32 v3, $0x3  }
0x128: {  	v4 =	vmul.u32 $0x18, v24  }
0x129: {  	v3 =	vand.u32 $0x7, v3  }
0x12a: {  	v3 =	vor.u32 v3, v4  }
0x12b: {  	v4 =	vperm.xlane v3, v0;
	_ =	sdelay $0x1  }
0x12c: {  	v4 =	vadd.s32 v1, v4;
	_ =	sdelay $0x1  }
0x12d: {  	v3 =	vperm.xlane v3, v2;
	_ =	sdelay $0x1  }
0x12e: {  	v3 =	vadd.s32 v1, v3  }
0x12f: {  	[hbm4b:s2+s3] =	stream.indirect_vreg.scatter [tilespmem:s3], [sflag:$0x2], $0x80, v4, vm0, $0xb8;
	[tilespmem:$0x19400] =	vst v63  }
0x130: {  	_ = 	snop  }
0x131: {  	[hbm4b:s5+s3] =	stream.indirect_vreg.scatter [tilespmem:s0], [sflag:$0x2], $0x80, v4, vm1, $0xb8;
	[tilespmem:$0x19400] =	vst v63  }
0x132: {  	_ = 	snop  }
0x133: {  	[hbm4b:s2+s3] =	stream.indirect_vreg.scatter [tilespmem:s1], [sflag:$0x2], $0x80, v3, vm0, $0xb8;
	[tilespmem:$0x19400] =	vst v63  }
0x134: {  	s29 =	simm.s32 $0x1400  }
0x135: {  	[hbm4b:s5+s3] =	stream.indirect_vreg.scatter [tilespmem:s29], [sflag:$0x2], $0x80, v3, vm1, $0xb8;
	[tilespmem:$0x19400] =	vst v63  }
0x136: {  	v3 =	vld [tilespmem:$0x18110];
	_ =	sdelay $0x4  }
0x137: {  	v25 =	vshrl.u32 v3, $0x3  }
0x138: {  	v4 =	vmul.u32 $0x18, v25  }
0x139: {  	v3 =	vand.u32 $0x7, v3  }
0x13a: {  	v3 =	vor.u32 v3, v4  }
0x13b: {  	v4 =	vperm.xlane v3, v0;
	_ =	sdelay $0x1  }
0x13c: {  	v4 =	vadd.s32 v1, v4;
	_ =	sdelay $0x1  }
0x13d: {  	v3 =	vperm.xlane v3, v2;
	_ =	sdelay $0x1  }
0x13e: {  	v3 =	vadd.s32 v1, v3  }
0x13f: {  	[hbm4b:s2+s3] =	stream.indirect_vreg.scatter [tilespmem:s4], [sflag:$0x2], $0x80, v4, vm0, $0xb8;
	[tilespmem:$0x19400] =	vst v63  }
0x140: {  	_ = 	snop  }
0x141: {  	[hbm4b:s5+s3] =	stream.indirect_vreg.scatter [tilespmem:s6], [sflag:$0x2], $0x80, v4, vm1, $0xb8;
	[tilespmem:$0x19400] =	vst v63  }
0x142: {  	_ = 	snop  }
0x143: {  	[hbm4b:s2+s3] =	stream.indirect_vreg.scatter [tilespmem:s7], [sflag:$0x2], $0x80, v3, vm0, $0xb8;
	[tilespmem:$0x19400] =	vst v63  }
0x144: {  	s30 =	simm.s32 $0x2C00  }
0x145: {  	[hbm4b:s5+s3] =	stream.indirect_vreg.scatter [tilespmem:s30], [sflag:$0x2], $0x80, v3, vm1, $0xb8;
	[tilespmem:$0x19400] =	vst v63  }
0x146: {  	v3 =	vld [tilespmem:$0x18120];
	_ =	sdelay $0x4  }
0x147: {  	v26 =	vshrl.u32 v3, $0x3  }
0x148: {  	v4 =	vmul.u32 $0x18, v26  }
0x149: {  	v3 =	vand.u32 $0x7, v3  }
0x14a: {  	v3 =	vor.u32 v3, v4  }
0x14b: {  	v4 =	vperm.xlane v3, v0;
	_ =	sdelay $0x1  }
0x14c: {  	v4 =	vadd.s32 v1, v4;
	_ =	sdelay $0x1  }
0x14d: {  	v3 =	vperm.xlane v3, v2;
	_ =	sdelay $0x1  }
0x14e: {  	v3 =	vadd.s32 v1, v3  }
0x14f: {  	[hbm4b:s2+s3] =	stream.indirect_vreg.scatter [tilespmem:s8], [sflag:$0x2], $0x80, v4, vm0, $0xb8;
	[tilespmem:$0x19400] =	vst v63  }
0x150: {  	_ = 	snop  }
0x151: {  	[hbm4b:s5+s3] =	stream.indirect_vreg.scatter [tilespmem:s9], [sflag:$0x2], $0x80, v4, vm1, $0xb8;
	[tilespmem:$0x19400] =	vst v63  }
0x152: {  	_ = 	snop  }
0x153: {  	[hbm4b:s2+s3] =	stream.indirect_vreg.scatter [tilespmem:s10], [sflag:$0x2], $0x80, v3, vm0, $0xb8;
	[tilespmem:$0x19400] =	vst v63  }
0x154: {  	s31 =	simm.s32 $0x4400  }
0x155: {  	[hbm4b:s5+s3] =	stream.indirect_vreg.scatter [tilespmem:s31], [sflag:$0x2], $0x80, v3, vm1, $0xb8;
	[tilespmem:$0x19400] =	vst v63  }
0x156: {  	v3 =	vld [tilespmem:$0x18130];
	_ =	sdelay $0x4  }
0x157: {  	v27 =	vshrl.u32 v3, $0x3  }
0x158: {  	v4 =	vmul.u32 $0x18, v27  }
0x159: {  	v3 =	vand.u32 $0x7, v3  }
0x15a: {  	v3 =	vor.u32 v3, v4  }
0x15b: {  	v4 =	vperm.xlane v3, v0;
	_ =	sdelay $0x1  }
0x15c: {  	v4 =	vadd.s32 v1, v4;
	_ =	sdelay $0x1  }
0x15d: {  	v3 =	vperm.xlane v3, v2;
	_ =	sdelay $0x1  }
0x15e: {  	v3 =	vadd.s32 v1, v3  }
0x15f: {  	[hbm4b:s2+s3] =	stream.indirect_vreg.scatter [tilespmem:s11], [sflag:$0x2], $0x80, v4, vm0, $0xb8;
	[tilespmem:$0x19400] =	vst v63  }
0x160: {  	_ = 	snop  }
0x161: {  	[hbm4b:s5+s3] =	stream.indirect_vreg.scatter [tilespmem:s12], [sflag:$0x2], $0x80, v4, vm1, $0xb8;
	[tilespmem:$0x19400] =	vst v63  }
0x162: {  	_ = 	snop  }
0x163: {  	[hbm4b:s2+s3] =	stream.indirect_vreg.scatter [tilespmem:s13], [sflag:$0x2], $0x80, v3, vm0, $0xb8;
	[tilespmem:$0x19400] =	vst v63  }
0x164: {  	s0 =	simm.s32 $0x5C00  }
0x165: {  	[hbm4b:s5+s3] =	stream.indirect_vreg.scatter [tilespmem:s0], [sflag:$0x2], $0x80, v3, vm1, $0xb8;
	[tilespmem:$0x19400] =	vst v63  }
0x166: {  	v3 =	vld [tilespmem:$0x18140];
	_ =	sdelay $0x4  }
0x167: {  	v28 =	vshrl.u32 v3, $0x3  }
0x168: {  	v4 =	vmul.u32 $0x18, v28  }
0x169: {  	v3 =	vand.u32 $0x7, v3  }
0x16a: {  	v3 =	vor.u32 v3, v4  }
0x16b: {  	v4 =	vperm.xlane v3, v0;
	_ =	sdelay $0x1  }
0x16c: {  	v4 =	vadd.s32 v1, v4;
	_ =	sdelay $0x1  }
0x16d: {  	v3 =	vperm.xlane v3, v2;
	_ =	sdelay $0x1  }
0x16e: {  	v3 =	vadd.s32 v1, v3  }
0x16f: {  	[hbm4b:s2+s3] =	stream.indirect_vreg.scatter [tilespmem:s15], [sflag:$0x2], $0x80, v4, vm0, $0xb8;
	[tilespmem:$0x19400] =	vst v63  }
0x170: {  	_ = 	snop  }
0x171: {  	[hbm4b:s5+s3] =	stream.indirect_vreg.scatter [tilespmem:s16], [sflag:$0x2], $0x80, v4, vm1, $0xb8;
	[tilespmem:$0x19400] =	vst v63  }
0x172: {  	_ = 	snop  }
0x173: {  	[hbm4b:s2+s3] =	stream.indirect_vreg.scatter [tilespmem:s17], [sflag:$0x2], $0x80, v3, vm0, $0xb8;
	[tilespmem:$0x19400] =	vst v63  }
0x174: {  	s0 =	simm.s32 $0x7400  }
0x175: {  	[hbm4b:s5+s3] =	stream.indirect_vreg.scatter [tilespmem:s0], [sflag:$0x2], $0x80, v3, vm1, $0xb8;
	[tilespmem:$0x19400] =	vst v63  }
0x176: {  	v3 =	vld [tilespmem:$0x18150];
	_ =	sdelay $0x4  }
0x177: {  	v29 =	vshrl.u32 v3, $0x3  }
0x178: {  	v4 =	vmul.u32 $0x18, v29  }
0x179: {  	v3 =	vand.u32 $0x7, v3  }
0x17a: {  	v3 =	vor.u32 v3, v4  }
0x17b: {  	v4 =	vperm.xlane v3, v0;
	_ =	sdelay $0x1  }
0x17c: {  	v4 =	vadd.s32 v1, v4;
	_ =	sdelay $0x1  }
0x17d: {  	v3 =	vperm.xlane v3, v2;
	_ =	sdelay $0x1  }
0x17e: {  	v3 =	vadd.s32 v1, v3  }
0x17f: {  	[hbm4b:s2+s3] =	stream.indirect_vreg.scatter [tilespmem:s18], [sflag:$0x2], $0x80, v4, vm0, $0xb8;
	[tilespmem:$0x19400] =	vst v63  }
0x180: {  	_ = 	snop  }
0x181: {  	[hbm4b:s5+s3] =	stream.indirect_vreg.scatter [tilespmem:s19], [sflag:$0x2], $0x80, v4, vm1, $0xb8;
	[tilespmem:$0x19400] =	vst v63  }
0x182: {  	_ = 	snop  }
0x183: {  	[hbm4b:s2+s3] =	stream.indirect_vreg.scatter [tilespmem:s20], [sflag:$0x2], $0x80, v3, vm0, $0xb8;
	[tilespmem:$0x19400] =	vst v63  }
0x184: {  	s0 =	simm.s32 $0x8C00  }
0x185: {  	[hbm4b:s5+s3] =	stream.indirect_vreg.scatter [tilespmem:s0], [sflag:$0x2], $0x80, v3, vm1, $0xb8;
	[tilespmem:$0x19400] =	vst v63  }
0x186: {  	v3 =	vld [tilespmem:$0x18160];
	_ =	sdelay $0x4  }
0x187: {  	v30 =	vshrl.u32 v3, $0x3  }
0x188: {  	v4 =	vmul.u32 $0x18, v30  }
0x189: {  	v3 =	vand.u32 $0x7, v3  }
0x18a: {  	v3 =	vor.u32 v3, v4  }
0x18b: {  	v4 =	vperm.xlane v3, v0;
	_ =	sdelay $0x1  }
0x18c: {  	v4 =	vadd.s32 v1, v4;
	_ =	sdelay $0x1  }
0x18d: {  	v3 =	vperm.xlane v3, v2;
	_ =	sdelay $0x1  }
0x18e: {  	v3 =	vadd.s32 v1, v3  }
0x18f: {  	[hbm4b:s2+s3] =	stream.indirect_vreg.scatter [tilespmem:s21], [sflag:$0x2], $0x80, v4, vm0, $0xb8;
	[tilespmem:$0x19400] =	vst v63  }
0x190: {  	_ = 	snop  }
0x191: {  	[hbm4b:s5+s3] =	stream.indirect_vreg.scatter [tilespmem:s22], [sflag:$0x2], $0x80, v4, vm1, $0xb8;
	[tilespmem:$0x19400] =	vst v63  }
0x192: {  	_ = 	snop  }
0x193: {  	[hbm4b:s2+s3] =	stream.indirect_vreg.scatter [tilespmem:s23], [sflag:$0x2], $0x80, v3, vm0, $0xb8;
	[tilespmem:$0x19400] =	vst v63  }
0x194: {  	s0 =	simm.s32 $0xA400  }
0x195: {  	[hbm4b:s5+s3] =	stream.indirect_vreg.scatter [tilespmem:s0], [sflag:$0x2], $0x80, v3, vm1, $0xb8;
	[tilespmem:$0x19400] =	vst v63  }
0x196: {  	v3 =	vld [tilespmem:$0x18170];
	_ =	sdelay $0x4  }
0x197: {  	v31 =	vshrl.u32 v3, $0x3  }
0x198: {  	v4 =	vmul.u32 $0x18, v31  }
0x199: {  	v3 =	vand.u32 $0x7, v3  }
0x19a: {  	v3 =	vor.u32 v3, v4  }
0x19b: {  	v4 =	vperm.xlane v3, v0;
	_ =	sdelay $0x1  }
0x19c: {  	v4 =	vadd.s32 v1, v4;
	_ =	sdelay $0x1  }
0x19d: {  	v3 =	vperm.xlane v3, v2;
	_ =	sdelay $0x1  }
0x19e: {  	v3 =	vadd.s32 v1, v3  }
0x19f: {  	[hbm4b:s2+s3] =	stream.indirect_vreg.scatter [tilespmem:s24], [sflag:$0x2], $0x80, v4, vm0, $0xb8;
	[tilespmem:$0x19400] =	vst v63  }
0x1a0: {  	_ = 	snop  }
0x1a1: {  	[hbm4b:s5+s3] =	stream.indirect_vreg.scatter [tilespmem:s25], [sflag:$0x2], $0x80, v4, vm1, $0xb8;
	[tilespmem:$0x19400] =	vst v63  }
0x1a2: {  	_ = 	snop  }
0x1a3: {  	[hbm4b:s2+s3] =	stream.indirect_vreg.scatter [tilespmem:s26], [sflag:$0x2], $0x80, v3, vm0, $0xb8;
	[tilespmem:$0x19400] =	vst v63  }
0x1a4: {  	s28 =	simm.s32 $0xBC00  }
0x1a5: {  	[hbm4b:s5+s3] =	stream.indirect_vreg.scatter [tilespmem:s28], [sflag:$0x2], $0x80, v3, vm1, $0xb8;
	[tilespmem:$0x19400] =	vst v63  }
0x1a6: {  	v3 =	vld [tilespmem:$0x18180];
	_ =	sdelay $0x4  }
0x1a7: {  	v32 =	vshrl.u32 v3, $0x3  }
0x1a8: {  	v4 =	vmul.u32 $0x18, v32  }
0x1a9: {  	v3 =	vand.u32 $0x7, v3  }
0x1aa: {  	v3 =	vor.u32 v3, v4  }
0x1ab: {  	v4 =	vperm.xlane v3, v0;
	_ =	sdelay $0x1  }
0x1ac: {  	v4 =	vadd.s32 v1, v4;
	_ =	sdelay $0x1  }
0x1ad: {  	v3 =	vperm.xlane v3, v2;
	_ =	sdelay $0x1  }
0x1ae: {  	v3 =	vadd.s32 v1, v3  }
0x1af: {  	[hbm4b:s2+s3] =	stream.indirect_vreg.scatter [tilespmem:s3], [sflag:$0x2], $0x80, v4, vm0, $0xb8;
	[tilespmem:$0x19400] =	vst v63  }
0x1b0: {  	s0 =	simm.s32 $0x800  }
0x1b1: {  	[hbm4b:s5+s3] =	stream.indirect_vreg.scatter [tilespmem:s0], [sflag:$0x2], $0x80, v4, vm1, $0xb8;
	[tilespmem:$0x19400] =	vst v63  }
0x1b2: {  	s0 =	simm.s32 $0xC00  }
0x1b3: {  	[hbm4b:s2+s3] =	stream.indirect_vreg.scatter [tilespmem:s0], [sflag:$0x2], $0x80, v3, vm0, $0xb8;
	[tilespmem:$0x19400] =	vst v63  }
0x1b4: {  	s29 =	simm.s32 $0x1400  }
0x1b5: {  	[hbm4b:s5+s3] =	stream.indirect_vreg.scatter [tilespmem:s29], [sflag:$0x2], $0x80, v3, vm1, $0xb8;
	[tilespmem:$0x19400] =	vst v63  }
0x1b6: {  	v3 =	vld [tilespmem:$0x18190];
	_ =	sdelay $0x4  }
0x1b7: {  	v33 =	vshrl.u32 v3, $0x3  }
0x1b8: {  	v4 =	vmul.u32 $0x18, v33  }
0x1b9: {  	v3 =	vand.u32 $0x7, v3  }
0x1ba: {  	v3 =	vor.u32 v3, v4  }
0x1bb: {  	v4 =	vperm.xlane v3, v0;
	_ =	sdelay $0x1  }
0x1bc: {  	v4 =	vadd.s32 v1, v4;
	_ =	sdelay $0x1  }
0x1bd: {  	v3 =	vperm.xlane v3, v2;
	_ =	sdelay $0x1  }
0x1be: {  	s4 =	simm.s32 $0x1800;
	v3 =	vadd.s32 v1, v3  }
0x1bf: {  	[hbm4b:s2+s3] =	stream.indirect_vreg.scatter [tilespmem:s4], [sflag:$0x2], $0x80, v4, vm0, $0xb8;
	[tilespmem:$0x19400] =	vst v63  }
0x1c0: {  	s6 =	simm.s32 $0x2000  }
0x1c1: {  	[hbm4b:s5+s3] =	stream.indirect_vreg.scatter [tilespmem:s6], [sflag:$0x2], $0x80, v4, vm1, $0xb8;
	[tilespmem:$0x19400] =	vst v63  }
0x1c2: {  	s7 =	simm.s32 $0x2400  }
0x1c3: {  	[hbm4b:s2+s3] =	stream.indirect_vreg.scatter [tilespmem:s7], [sflag:$0x2], $0x80, v3, vm0, $0xb8;
	[tilespmem:$0x19400] =	vst v63  }
0x1c4: {  	s30 =	simm.s32 $0x2C00  }
0x1c5: {  	[hbm4b:s5+s3] =	stream.indirect_vreg.scatter [tilespmem:s30], [sflag:$0x2], $0x80, v3, vm1, $0xb8;
	[tilespmem:$0x19400] =	vst v63  }
0x1c6: {  	v3 =	vld [tilespmem:$0x181A0];
	_ =	sdelay $0x4  }
0x1c7: {  	v34 =	vshrl.u32 v3, $0x3  }
0x1c8: {  	v4 =	vmul.u32 $0x18, v34  }
0x1c9: {  	v3 =	vand.u32 $0x7, v3  }
0x1ca: {  	v3 =	vor.u32 v3, v4  }
0x1cb: {  	v4 =	vperm.xlane v3, v0;
	_ =	sdelay $0x1  }
0x1cc: {  	v4 =	vadd.s32 v1, v4;
	_ =	sdelay $0x1  }
0x1cd: {  	v3 =	vperm.xlane v3, v2;
	_ =	sdelay $0x1  }
0x1ce: {  	s8 =	simm.s32 $0x3000;
	v3 =	vadd.s32 v1, v3  }
0x1cf: {  	[hbm4b:s2+s3] =	stream.indirect_vreg.scatter [tilespmem:s8], [sflag:$0x2], $0x80, v4, vm0, $0xb8;
	[tilespmem:$0x19400] =	vst v63  }
0x1d0: {  	s9 =	simm.s32 $0x3800  }
0x1d1: {  	[hbm4b:s5+s3] =	stream.indirect_vreg.scatter [tilespmem:s9], [sflag:$0x2], $0x80, v4, vm1, $0xb8;
	[tilespmem:$0x19400] =	vst v63  }
0x1d2: {  	s10 =	simm.s32 $0x3C00  }
0x1d3: {  	[hbm4b:s2+s3] =	stream.indirect_vreg.scatter [tilespmem:s10], [sflag:$0x2], $0x80, v3, vm0, $0xb8;
	[tilespmem:$0x19400] =	vst v63  }
0x1d4: {  	s31 =	simm.s32 $0x4400  }
0x1d5: {  	[hbm4b:s5+s3] =	stream.indirect_vreg.scatter [tilespmem:s31], [sflag:$0x2], $0x80, v3, vm1, $0xb8;
	[tilespmem:$0x19400] =	vst v63  }
0x1d6: {  	v3 =	vld [tilespmem:$0x181B0];
	_ =	sdelay $0x4  }
0x1d7: {  	v35 =	vshrl.u32 v3, $0x3  }
0x1d8: {  	v4 =	vmul.u32 $0x18, v35  }
0x1d9: {  	v3 =	vand.u32 $0x7, v3  }
0x1da: {  	v3 =	vor.u32 v3, v4  }
0x1db: {  	v4 =	vperm.xlane v3, v0;
	_ =	sdelay $0x1  }
0x1dc: {  	v4 =	vadd.s32 v1, v4;
	_ =	sdelay $0x1  }
0x1dd: {  	v3 =	vperm.xlane v3, v2;
	_ =	sdelay $0x1  }
0x1de: {  	s11 =	simm.s32 $0x4800;
	v3 =	vadd.s32 v1, v3  }
0x1df: {  	[hbm4b:s2+s3] =	stream.indirect_vreg.scatter [tilespmem:s11], [sflag:$0x2], $0x80, v4, vm0, $0xb8;
	[tilespmem:$0x19400] =	vst v63  }
0x1e0: {  	s12 =	simm.s32 $0x5000  }
0x1e1: {  	[hbm4b:s5+s3] =	stream.indirect_vreg.scatter [tilespmem:s12], [sflag:$0x2], $0x80, v4, vm1, $0xb8;
	[tilespmem:$0x19400] =	vst v63  }
0x1e2: {  	s13 =	simm.s32 $0x5400  }
0x1e3: {  	[hbm4b:s2+s3] =	stream.indirect_vreg.scatter [tilespmem:s13], [sflag:$0x2], $0x80, v3, vm0, $0xb8;
	[tilespmem:$0x19400] =	vst v63  }
0x1e4: {  	s1 =	simm.s32 $0x5C00  }
0x1e5: {  	[hbm4b:s5+s3] =	stream.indirect_vreg.scatter [tilespmem:s1], [sflag:$0x2], $0x80, v3, vm1, $0xb8;
	[tilespmem:$0x19400] =	vst v63  }
0x1e6: {  	v3 =	vld [tilespmem:$0x181C0];
	_ =	sdelay $0x4  }
0x1e7: {  	v36 =	vshrl.u32 v3, $0x3  }
0x1e8: {  	v4 =	vmul.u32 $0x18, v36  }
0x1e9: {  	v3 =	vand.u32 $0x7, v3  }
0x1ea: {  	v3 =	vor.u32 v3, v4  }
0x1eb: {  	v4 =	vperm.xlane v3, v0;
	_ =	sdelay $0x1  }
0x1ec: {  	v4 =	vadd.s32 v1, v4;
	_ =	sdelay $0x1  }
0x1ed: {  	v3 =	vperm.xlane v3, v2;
	_ =	sdelay $0x1  }
0x1ee: {  	s15 =	simm.s32 $0x6000;
	v3 =	vadd.s32 v1, v3  }
0x1ef: {  	[hbm4b:s2+s3] =	stream.indirect_vreg.scatter [tilespmem:s15], [sflag:$0x2], $0x80, v4, vm0, $0xb8;
	[tilespmem:$0x19400] =	vst v63  }
0x1f0: {  	s16 =	simm.s32 $0x6800  }
0x1f1: {  	[hbm4b:s5+s3] =	stream.indirect_vreg.scatter [tilespmem:s16], [sflag:$0x2], $0x80, v4, vm1, $0xb8;
	[tilespmem:$0x19400] =	vst v63  }
0x1f2: {  	s17 =	simm.s32 $0x6C00  }
0x1f3: {  	[hbm4b:s2+s3] =	stream.indirect_vreg.scatter [tilespmem:s17], [sflag:$0x2], $0x80, v3, vm0, $0xb8;
	[tilespmem:$0x19400] =	vst v63  }
0x1f4: {  	s0 =	simm.s32 $0x7400  }
0x1f5: {  	[hbm4b:s5+s3] =	stream.indirect_vreg.scatter [tilespmem:s0], [sflag:$0x2], $0x80, v3, vm1, $0xb8;
	[tilespmem:$0x19400] =	vst v63  }
0x1f6: {  	v3 =	vld [tilespmem:$0x181D0];
	_ =	sdelay $0x4  }
0x1f7: {  	v37 =	vshrl.u32 v3, $0x3  }
0x1f8: {  	v4 =	vmul.u32 $0x18, v37  }
0x1f9: {  	v3 =	vand.u32 $0x7, v3  }
0x1fa: {  	v3 =	vor.u32 v3, v4  }
0x1fb: {  	v4 =	vperm.xlane v3, v0;
	_ =	sdelay $0x1  }
0x1fc: {  	v4 =	vadd.s32 v1, v4;
	_ =	sdelay $0x1  }
0x1fd: {  	v3 =	vperm.xlane v3, v2;
	_ =	sdelay $0x1  }
0x1fe: {  	s18 =	simm.s32 $0x7800;
	v3 =	vadd.s32 v1, v3  }
0x1ff: {  	[hbm4b:s2+s3] =	stream.indirect_vreg.scatter [tilespmem:s18], [sflag:$0x2], $0x80, v4, vm0, $0xb8;
	[tilespmem:$0x19400] =	vst v63  }
0x200: {  	s19 =	simm.s32 $0x8000  }
0x201: {  	[hbm4b:s5+s3] =	stream.indirect_vreg.scatter [tilespmem:s19], [sflag:$0x2], $0x80, v4, vm1, $0xb8;
	[tilespmem:$0x19400] =	vst v63  }
0x202: {  	s20 =	simm.s32 $0x8400  }
0x203: {  	[hbm4b:s2+s3] =	stream.indirect_vreg.scatter [tilespmem:s20], [sflag:$0x2], $0x80, v3, vm0, $0xb8;
	[tilespmem:$0x19400] =	vst v63  }
0x204: {  	s0 =	simm.s32 $0x8C00  }
0x205: {  	[hbm4b:s5+s3] =	stream.indirect_vreg.scatter [tilespmem:s0], [sflag:$0x2], $0x80, v3, vm1, $0xb8;
	[tilespmem:$0x19400] =	vst v63  }
0x206: {  	v3 =	vld [tilespmem:$0x181E0];
	_ =	sdelay $0x4  }
0x207: {  	v38 =	vshrl.u32 v3, $0x3  }
0x208: {  	v4 =	vmul.u32 $0x18, v38  }
0x209: {  	v3 =	vand.u32 $0x7, v3  }
0x20a: {  	v3 =	vor.u32 v3, v4  }
0x20b: {  	v4 =	vperm.xlane v3, v0;
	_ =	sdelay $0x1  }
0x20c: {  	v4 =	vadd.s32 v1, v4;
	_ =	sdelay $0x1  }
0x20d: {  	v3 =	vperm.xlane v3, v2;
	_ =	sdelay $0x1  }
0x20e: {  	s21 =	simm.s32 $0x9000;
	v3 =	vadd.s32 v1, v3  }
0x20f: {  	[hbm4b:s2+s3] =	stream.indirect_vreg.scatter [tilespmem:s21], [sflag:$0x2], $0x80, v4, vm0, $0xb8;
	[tilespmem:$0x19400] =	vst v63  }
0x210: {  	s22 =	simm.s32 $0x9800  }
0x211: {  	[hbm4b:s5+s3] =	stream.indirect_vreg.scatter [tilespmem:s22], [sflag:$0x2], $0x80, v4, vm1, $0xb8;
	[tilespmem:$0x19400] =	vst v63  }
0x212: {  	s23 =	simm.s32 $0x9C00  }
0x213: {  	[hbm4b:s2+s3] =	stream.indirect_vreg.scatter [tilespmem:s23], [sflag:$0x2], $0x80, v3, vm0, $0xb8;
	[tilespmem:$0x19400] =	vst v63  }
0x214: {  	s0 =	simm.s32 $0xA400  }
0x215: {  	[hbm4b:s5+s3] =	stream.indirect_vreg.scatter [tilespmem:s0], [sflag:$0x2], $0x80, v3, vm1, $0xb8;
	[tilespmem:$0x19400] =	vst v63  }
0x216: {  	v3 =	vld [tilespmem:$0x181F0];
	_ =	sdelay $0x4  }
0x217: {  	v39 =	vshrl.u32 v3, $0x3  }
0x218: {  	v4 =	vmul.u32 $0x18, v39  }
0x219: {  	v3 =	vand.u32 $0x7, v3  }
0x21a: {  	v3 =	vor.u32 v3, v4  }
0x21b: {  	v4 =	vperm.xlane v3, v0;
	_ =	sdelay $0x1  }
0x21c: {  	v4 =	vadd.s32 v1, v4;
	_ =	sdelay $0x1  }
0x21d: {  	v3 =	vperm.xlane v3, v2;
	_ =	sdelay $0x1  }
0x21e: {  	s24 =	simm.s32 $0xA800;
	v3 =	vadd.s32 v1, v3  }
0x21f: {  	[hbm4b:s2+s3] =	stream.indirect_vreg.scatter [tilespmem:s24], [sflag:$0x2], $0x80, v4, vm0, $0xb8;
	[tilespmem:$0x19400] =	vst v63  }
0x220: {  	s25 =	simm.s32 $0xB000  }
0x221: {  	[hbm4b:s5+s3] =	stream.indirect_vreg.scatter [tilespmem:s25], [sflag:$0x2], $0x80, v4, vm1, $0xb8;
	[tilespmem:$0x19400] =	vst v63  }
0x222: {  	s26 =	simm.s32 $0xB400  }
0x223: {  	[hbm4b:s2+s3] =	stream.indirect_vreg.scatter [tilespmem:s26], [sflag:$0x2], $0x80, v3, vm0, $0xb8;
	[tilespmem:$0x19400] =	vst v63  }
0x224: {  	s28 =	simm.s32 $0xBC00  }
0x225: {  	[hbm4b:s5+s3] =	stream.indirect_vreg.scatter [tilespmem:s28], [sflag:$0x2], $0x80, v3, vm1, $0xb8;
	[tilespmem:$0x19400] =	vst v63  }
0x226: {  	v3 =	vld [tilespmem:$0x18200];
	_ =	sdelay $0x4  }
0x227: {  	v40 =	vshrl.u32 v3, $0x3  }
0x228: {  	v4 =	vmul.u32 $0x18, v40  }
0x229: {  	v3 =	vand.u32 $0x7, v3  }
0x22a: {  	v3 =	vor.u32 v3, v4  }
0x22b: {  	v4 =	vperm.xlane v3, v0;
	_ =	sdelay $0x1  }
0x22c: {  	v4 =	vadd.s32 v1, v4;
	_ =	sdelay $0x1  }
0x22d: {  	v3 =	vperm.xlane v3, v2;
	_ =	sdelay $0x1  }
0x22e: {  	v3 =	vadd.s32 v1, v3  }
0x22f: {  	[hbm4b:s2+s3] =	stream.indirect_vreg.scatter [tilespmem:s3], [sflag:$0x2], $0x80, v4, vm0, $0xb8;
	[tilespmem:$0x19400] =	vst v63  }
0x230: {  	s0 =	simm.s32 $0x800  }
0x231: {  	[hbm4b:s5+s3] =	stream.indirect_vreg.scatter [tilespmem:s0], [sflag:$0x2], $0x80, v4, vm1, $0xb8;
	[tilespmem:$0x19400] =	vst v63  }
0x232: {  	s0 =	simm.s32 $0xC00  }
0x233: {  	[hbm4b:s2+s3] =	stream.indirect_vreg.scatter [tilespmem:s0], [sflag:$0x2], $0x80, v3, vm0, $0xb8;
	[tilespmem:$0x19400] =	vst v63  }
0x234: {  	s29 =	simm.s32 $0x1400  }
0x235: {  	[hbm4b:s5+s3] =	stream.indirect_vreg.scatter [tilespmem:s29], [sflag:$0x2], $0x80, v3, vm1, $0xb8;
	[tilespmem:$0x19400] =	vst v63  }
0x236: {  	v3 =	vld [tilespmem:$0x18210];
	_ =	sdelay $0x4  }
0x237: {  	v41 =	vshrl.u32 v3, $0x3  }
0x238: {  	v4 =	vmul.u32 $0x18, v41  }
0x239: {  	v3 =	vand.u32 $0x7, v3  }
0x23a: {  	v3 =	vor.u32 v3, v4  }
0x23b: {  	v4 =	vperm.xlane v3, v0;
	_ =	sdelay $0x1  }
0x23c: {  	v4 =	vadd.s32 v1, v4;
	_ =	sdelay $0x1  }
0x23d: {  	v3 =	vperm.xlane v3, v2;
	_ =	sdelay $0x1  }
0x23e: {  	s4 =	simm.s32 $0x1800;
	v3 =	vadd.s32 v1, v3  }
0x23f: {  	[hbm4b:s2+s3] =	stream.indirect_vreg.scatter [tilespmem:s4], [sflag:$0x2], $0x80, v4, vm0, $0xb8;
	[tilespmem:$0x19400] =	vst v63  }
0x240: {  	s6 =	simm.s32 $0x2000  }
0x241: {  	[hbm4b:s5+s3] =	stream.indirect_vreg.scatter [tilespmem:s6], [sflag:$0x2], $0x80, v4, vm1, $0xb8;
	[tilespmem:$0x19400] =	vst v63  }
0x242: {  	s7 =	simm.s32 $0x2400  }
0x243: {  	[hbm4b:s2+s3] =	stream.indirect_vreg.scatter [tilespmem:s7], [sflag:$0x2], $0x80, v3, vm0, $0xb8;
	[tilespmem:$0x19400] =	vst v63  }
0x244: {  	s30 =	simm.s32 $0x2C00  }
0x245: {  	[hbm4b:s5+s3] =	stream.indirect_vreg.scatter [tilespmem:s30], [sflag:$0x2], $0x80, v3, vm1, $0xb8;
	[tilespmem:$0x19400] =	vst v63  }
0x246: {  	v3 =	vld [tilespmem:$0x18220];
	_ =	sdelay $0x4  }
0x247: {  	v42 =	vshrl.u32 v3, $0x3  }
0x248: {  	v4 =	vmul.u32 $0x18, v42  }
0x249: {  	v3 =	vand.u32 $0x7, v3  }
0x24a: {  	v3 =	vor.u32 v3, v4  }
0x24b: {  	v4 =	vperm.xlane v3, v0;
	_ =	sdelay $0x1  }
0x24c: {  	v4 =	vadd.s32 v1, v4;
	_ =	sdelay $0x1  }
0x24d: {  	v3 =	vperm.xlane v3, v2;
	_ =	sdelay $0x1  }
0x24e: {  	s8 =	simm.s32 $0x3000;
	v3 =	vadd.s32 v1, v3  }
0x24f: {  	[hbm4b:s2+s3] =	stream.indirect_vreg.scatter [tilespmem:s8], [sflag:$0x2], $0x80, v4, vm0, $0xb8;
	[tilespmem:$0x19400] =	vst v63  }
0x250: {  	s9 =	simm.s32 $0x3800  }
0x251: {  	[hbm4b:s5+s3] =	stream.indirect_vreg.scatter [tilespmem:s9], [sflag:$0x2], $0x80, v4, vm1, $0xb8;
	[tilespmem:$0x19400] =	vst v63  }
0x252: {  	s10 =	simm.s32 $0x3C00  }
0x253: {  	[hbm4b:s2+s3] =	stream.indirect_vreg.scatter [tilespmem:s10], [sflag:$0x2], $0x80, v3, vm0, $0xb8;
	[tilespmem:$0x19400] =	vst v63  }
0x254: {  	s31 =	simm.s32 $0x4400  }
0x255: {  	[hbm4b:s5+s3] =	stream.indirect_vreg.scatter [tilespmem:s31], [sflag:$0x2], $0x80, v3, vm1, $0xb8;
	[tilespmem:$0x19400] =	vst v63  }
0x256: {  	v3 =	vld [tilespmem:$0x18230];
	_ =	sdelay $0x4  }
0x257: {  	v43 =	vshrl.u32 v3, $0x3  }
0x258: {  	v4 =	vmul.u32 $0x18, v43  }
0x259: {  	v3 =	vand.u32 $0x7, v3  }
0x25a: {  	v3 =	vor.u32 v3, v4  }
0x25b: {  	v4 =	vperm.xlane v3, v0;
	_ =	sdelay $0x1  }
0x25c: {  	v4 =	vadd.s32 v1, v4;
	_ =	sdelay $0x1  }
0x25d: {  	v3 =	vperm.xlane v3, v2;
	_ =	sdelay $0x1  }
0x25e: {  	s11 =	simm.s32 $0x4800;
	v3 =	vadd.s32 v1, v3  }
0x25f: {  	[hbm4b:s2+s3] =	stream.indirect_vreg.scatter [tilespmem:s11], [sflag:$0x2], $0x80, v4, vm0, $0xb8;
	[tilespmem:$0x19400] =	vst v63  }
0x260: {  	s12 =	simm.s32 $0x5000  }
0x261: {  	[hbm4b:s5+s3] =	stream.indirect_vreg.scatter [tilespmem:s12], [sflag:$0x2], $0x80, v4, vm1, $0xb8;
	[tilespmem:$0x19400] =	vst v63  }
0x262: {  	s13 =	simm.s32 $0x5400  }
0x263: {  	[hbm4b:s2+s3] =	stream.indirect_vreg.scatter [tilespmem:s13], [sflag:$0x2], $0x80, v3, vm0, $0xb8;
	[tilespmem:$0x19400] =	vst v63  }
0x264: {  	s1 =	simm.s32 $0x5C00  }
0x265: {  	[hbm4b:s5+s3] =	stream.indirect_vreg.scatter [tilespmem:s1], [sflag:$0x2], $0x80, v3, vm1, $0xb8;
	[tilespmem:$0x19400] =	vst v63  }
0x266: {  	v3 =	vld [tilespmem:$0x18240];
	_ =	sdelay $0x4  }
0x267: {  	v44 =	vshrl.u32 v3, $0x3  }
0x268: {  	v4 =	vmul.u32 $0x18, v44  }
0x269: {  	v3 =	vand.u32 $0x7, v3  }
0x26a: {  	v3 =	vor.u32 v3, v4  }
0x26b: {  	v4 =	vperm.xlane v3, v0;
	_ =	sdelay $0x1  }
0x26c: {  	v4 =	vadd.s32 v1, v4;
	_ =	sdelay $0x1  }
0x26d: {  	v3 =	vperm.xlane v3, v2;
	_ =	sdelay $0x1  }
0x26e: {  	s15 =	simm.s32 $0x6000;
	v3 =	vadd.s32 v1, v3  }
0x26f: {  	[hbm4b:s2+s3] =	stream.indirect_vreg.scatter [tilespmem:s15], [sflag:$0x2], $0x80, v4, vm0, $0xb8;
	[tilespmem:$0x19400] =	vst v63  }
0x270: {  	s16 =	simm.s32 $0x6800  }
0x271: {  	[hbm4b:s5+s3] =	stream.indirect_vreg.scatter [tilespmem:s16], [sflag:$0x2], $0x80, v4, vm1, $0xb8;
	[tilespmem:$0x19400] =	vst v63  }
0x272: {  	s17 =	simm.s32 $0x6C00  }
0x273: {  	[hbm4b:s2+s3] =	stream.indirect_vreg.scatter [tilespmem:s17], [sflag:$0x2], $0x80, v3, vm0, $0xb8;
	[tilespmem:$0x19400] =	vst v63  }
0x274: {  	s12 =	simm.s32 $0x7400  }
0x275: {  	[hbm4b:s5+s3] =	stream.indirect_vreg.scatter [tilespmem:s12], [sflag:$0x2], $0x80, v3, vm1, $0xb8;
	[tilespmem:$0x19400] =	vst v63  }
0x276: {  	v3 =	vld [tilespmem:$0x18250];
	_ =	sdelay $0x4  }
0x277: {  	v45 =	vshrl.u32 v3, $0x3  }
0x278: {  	v4 =	vmul.u32 $0x18, v45  }
0x279: {  	v3 =	vand.u32 $0x7, v3  }
0x27a: {  	v3 =	vor.u32 v3, v4  }
0x27b: {  	v4 =	vperm.xlane v3, v0;
	_ =	sdelay $0x1  }
0x27c: {  	v4 =	vadd.s32 v1, v4;
	_ =	sdelay $0x1  }
0x27d: {  	v3 =	vperm.xlane v3, v2;
	_ =	sdelay $0x1  }
0x27e: {  	s18 =	simm.s32 $0x7800;
	v3 =	vadd.s32 v1, v3  }
0x27f: {  	[hbm4b:s2+s3] =	stream.indirect_vreg.scatter [tilespmem:s18], [sflag:$0x2], $0x80, v4, vm0, $0xb8;
	[tilespmem:$0x19400] =	vst v63  }
0x280: {  	s19 =	simm.s32 $0x8000  }
0x281: {  	[hbm4b:s5+s3] =	stream.indirect_vreg.scatter [tilespmem:s19], [sflag:$0x2], $0x80, v4, vm1, $0xb8;
	[tilespmem:$0x19400] =	vst v63  }
0x282: {  	s20 =	simm.s32 $0x8400  }
0x283: {  	[hbm4b:s2+s3] =	stream.indirect_vreg.scatter [tilespmem:s20], [sflag:$0x2], $0x80, v3, vm0, $0xb8;
	[tilespmem:$0x19400] =	vst v63  }
0x284: {  	s13 =	simm.s32 $0x8C00  }
0x285: {  	[hbm4b:s5+s3] =	stream.indirect_vreg.scatter [tilespmem:s13], [sflag:$0x2], $0x80, v3, vm1, $0xb8;
	[tilespmem:$0x19400] =	vst v63  }
0x286: {  	v3 =	vld [tilespmem:$0x18260];
	_ =	sdelay $0x4  }
0x287: {  	v46 =	vshrl.u32 v3, $0x3  }
0x288: {  	v4 =	vmul.u32 $0x18, v46  }
0x289: {  	v3 =	vand.u32 $0x7, v3  }
0x28a: {  	v3 =	vor.u32 v3, v4  }
0x28b: {  	v4 =	vperm.xlane v3, v0;
	_ =	sdelay $0x1  }
0x28c: {  	v4 =	vadd.s32 v1, v4;
	_ =	sdelay $0x1  }
0x28d: {  	v3 =	vperm.xlane v3, v2;
	_ =	sdelay $0x1  }
0x28e: {  	s21 =	simm.s32 $0x9000;
	v3 =	vadd.s32 v1, v3  }
0x28f: {  	[hbm4b:s2+s3] =	stream.indirect_vreg.scatter [tilespmem:s21], [sflag:$0x2], $0x80, v4, vm0, $0xb8;
	[tilespmem:$0x19400] =	vst v63  }
0x290: {  	s22 =	simm.s32 $0x9800  }
0x291: {  	[hbm4b:s5+s3] =	stream.indirect_vreg.scatter [tilespmem:s22], [sflag:$0x2], $0x80, v4, vm1, $0xb8;
	[tilespmem:$0x19400] =	vst v63  }
0x292: {  	s23 =	simm.s32 $0x9C00  }
0x293: {  	[hbm4b:s2+s3] =	stream.indirect_vreg.scatter [tilespmem:s23], [sflag:$0x2], $0x80, v3, vm0, $0xb8;
	[tilespmem:$0x19400] =	vst v63  }
0x294: {  	s15 =	simm.s32 $0xA400  }
0x295: {  	[hbm4b:s5+s3] =	stream.indirect_vreg.scatter [tilespmem:s15], [sflag:$0x2], $0x80, v3, vm1, $0xb8;
	[tilespmem:$0x19400] =	vst v63  }
0x296: {  	v3 =	vld [tilespmem:$0x18270];
	_ =	sdelay $0x4  }
0x297: {  	v47 =	vshrl.u32 v3, $0x3  }
0x298: {  	v4 =	vmul.u32 $0x18, v47  }
0x299: {  	v3 =	vand.u32 $0x7, v3  }
0x29a: {  	v3 =	vor.u32 v3, v4  }
0x29b: {  	v4 =	vperm.xlane v3, v0;
	_ =	sdelay $0x1  }
0x29c: {  	v4 =	vadd.s32 v1, v4;
	_ =	sdelay $0x1  }
0x29d: {  	v3 =	vperm.xlane v3, v2;
	_ =	sdelay $0x1  }
0x29e: {  	s24 =	simm.s32 $0xA800;
	v3 =	vadd.s32 v1, v3  }
0x29f: {  	[hbm4b:s2+s3] =	stream.indirect_vreg.scatter [tilespmem:s24], [sflag:$0x2], $0x80, v4, vm0, $0xb8;
	[tilespmem:$0x19400] =	vst v63  }
0x2a0: {  	s25 =	simm.s32 $0xB000  }
0x2a1: {  	[hbm4b:s5+s3] =	stream.indirect_vreg.scatter [tilespmem:s25], [sflag:$0x2], $0x80, v4, vm1, $0xb8;
	[tilespmem:$0x19400] =	vst v63  }
0x2a2: {  	s26 =	simm.s32 $0xB400  }
0x2a3: {  	[hbm4b:s2+s3] =	stream.indirect_vreg.scatter [tilespmem:s26], [sflag:$0x2], $0x80, v3, vm0, $0xb8;
	[tilespmem:$0x19400] =	vst v63  }
0x2a4: {  	s28 =	simm.s32 $0xBC00  }
0x2a5: {  	[hbm4b:s5+s3] =	stream.indirect_vreg.scatter [tilespmem:s28], [sflag:$0x2], $0x80, v3, vm1, $0xb8;
	[tilespmem:$0x19400] =	vst v63  }
0x2a6: {  	v3 =	vld [tilespmem:$0x18280];
	_ =	sdelay $0x4  }
0x2a7: {  	v48 =	vshrl.u32 v3, $0x3  }
0x2a8: {  	v4 =	vmul.u32 $0x18, v48  }
0x2a9: {  	v3 =	vand.u32 $0x7, v3  }
0x2aa: {  	v3 =	vor.u32 v3, v4  }
0x2ab: {  	v4 =	vperm.xlane v3, v0;
	_ =	sdelay $0x1  }
0x2ac: {  	v4 =	vadd.s32 v1, v4;
	_ =	sdelay $0x1  }
0x2ad: {  	v3 =	vperm.xlane v3, v2;
	_ =	sdelay $0x1  }
0x2ae: {  	v3 =	vadd.s32 v1, v3  }
0x2af: {  	[hbm4b:s2+s3] =	stream.indirect_vreg.scatter [tilespmem:s3], [sflag:$0x2], $0x80, v4, vm0, $0xb8;
	[tilespmem:$0x19400] =	vst v63  }
0x2b0: {  	s4 =	simm.s32 $0x800  }
0x2b1: {  	[hbm4b:s5+s3] =	stream.indirect_vreg.scatter [tilespmem:s4], [sflag:$0x2], $0x80, v4, vm1, $0xb8;
	[tilespmem:$0x19400] =	vst v63  }
0x2b2: {  	s6 =	simm.s32 $0xC00  }
0x2b3: {  	[hbm4b:s2+s3] =	stream.indirect_vreg.scatter [tilespmem:s6], [sflag:$0x2], $0x80, v3, vm0, $0xb8;
	[tilespmem:$0x19400] =	vst v63  }
0x2b4: {  	s29 =	simm.s32 $0x1400  }
0x2b5: {  	[hbm4b:s5+s3] =	stream.indirect_vreg.scatter [tilespmem:s29], [sflag:$0x2], $0x80, v3, vm1, $0xb8;
	[tilespmem:$0x19400] =	vst v63  }
0x2b6: {  	v3 =	vld [tilespmem:$0x18290];
	_ =	sdelay $0x4  }
0x2b7: {  	v49 =	vshrl.u32 v3, $0x3  }
0x2b8: {  	v4 =	vmul.u32 $0x18, v49  }
0x2b9: {  	v3 =	vand.u32 $0x7, v3  }
0x2ba: {  	v3 =	vor.u32 v3, v4  }
0x2bb: {  	v4 =	vperm.xlane v3, v0;
	_ =	sdelay $0x1  }
0x2bc: {  	v4 =	vadd.s32 v1, v4;
	_ =	sdelay $0x1  }
0x2bd: {  	v3 =	vperm.xlane v3, v2;
	_ =	sdelay $0x1  }
0x2be: {  	s7 =	simm.s32 $0x1800;
	v3 =	vadd.s32 v1, v3  }
0x2bf: {  	[hbm4b:s2+s3] =	stream.indirect_vreg.scatter [tilespmem:s7], [sflag:$0x2], $0x80, v4, vm0, $0xb8;
	[tilespmem:$0x19400] =	vst v63  }
0x2c0: {  	s8 =	simm.s32 $0x2000  }
0x2c1: {  	[hbm4b:s5+s3] =	stream.indirect_vreg.scatter [tilespmem:s8], [sflag:$0x2], $0x80, v4, vm1, $0xb8;
	[tilespmem:$0x19400] =	vst v63  }
0x2c2: {  	s9 =	simm.s32 $0x2400  }
0x2c3: {  	[hbm4b:s2+s3] =	stream.indirect_vreg.scatter [tilespmem:s9], [sflag:$0x2], $0x80, v3, vm0, $0xb8;
	[tilespmem:$0x19400] =	vst v63  }
0x2c4: {  	s30 =	simm.s32 $0x2C00  }
0x2c5: {  	[hbm4b:s5+s3] =	stream.indirect_vreg.scatter [tilespmem:s30], [sflag:$0x2], $0x80, v3, vm1, $0xb8;
	[tilespmem:$0x19400] =	vst v63  }
0x2c6: {  	v3 =	vld [tilespmem:$0x182A0];
	_ =	sdelay $0x4  }
0x2c7: {  	v50 =	vshrl.u32 v3, $0x3  }
0x2c8: {  	v4 =	vmul.u32 $0x18, v50  }
0x2c9: {  	v3 =	vand.u32 $0x7, v3  }
0x2ca: {  	v3 =	vor.u32 v3, v4  }
0x2cb: {  	v4 =	vperm.xlane v3, v0;
	_ =	sdelay $0x1  }
0x2cc: {  	v4 =	vadd.s32 v1, v4;
	_ =	sdelay $0x1  }
0x2cd: {  	v3 =	vperm.xlane v3, v2;
	_ =	sdelay $0x1  }
0x2ce: {  	s10 =	simm.s32 $0x3000;
	v3 =	vadd.s32 v1, v3  }
0x2cf: {  	[hbm4b:s2+s3] =	stream.indirect_vreg.scatter [tilespmem:s10], [sflag:$0x2], $0x80, v4, vm0, $0xb8;
	[tilespmem:$0x19400] =	vst v63  }
0x2d0: {  	s11 =	simm.s32 $0x3800  }
0x2d1: {  	[hbm4b:s5+s3] =	stream.indirect_vreg.scatter [tilespmem:s11], [sflag:$0x2], $0x80, v4, vm1, $0xb8;
	[tilespmem:$0x19400] =	vst v63  }
0x2d2: {  	s12 =	simm.s32 $0x3C00  }
0x2d3: {  	[hbm4b:s2+s3] =	stream.indirect_vreg.scatter [tilespmem:s12], [sflag:$0x2], $0x80, v3, vm0, $0xb8;
	[tilespmem:$0x19400] =	vst v63  }
0x2d4: {  	s31 =	simm.s32 $0x4400  }
0x2d5: {  	[hbm4b:s5+s3] =	stream.indirect_vreg.scatter [tilespmem:s31], [sflag:$0x2], $0x80, v3, vm1, $0xb8;
	[tilespmem:$0x19400] =	vst v63  }
0x2d6: {  	v3 =	vld [tilespmem:$0x182B0];
	_ =	sdelay $0x4  }
0x2d7: {  	v51 =	vshrl.u32 v3, $0x3  }
0x2d8: {  	v4 =	vmul.u32 $0x18, v51  }
0x2d9: {  	v3 =	vand.u32 $0x7, v3  }
0x2da: {  	v3 =	vor.u32 v3, v4  }
0x2db: {  	v4 =	vperm.xlane v3, v0;
	_ =	sdelay $0x1  }
0x2dc: {  	v4 =	vadd.s32 v1, v4;
	_ =	sdelay $0x1  }
0x2dd: {  	v3 =	vperm.xlane v3, v2;
	_ =	sdelay $0x1  }
0x2de: {  	s13 =	simm.s32 $0x4800;
	v3 =	vadd.s32 v1, v3  }
0x2df: {  	[hbm4b:s2+s3] =	stream.indirect_vreg.scatter [tilespmem:s13], [sflag:$0x2], $0x80, v4, vm0, $0xb8;
	[tilespmem:$0x19400] =	vst v63  }
0x2e0: {  	s15 =	simm.s32 $0x5000  }
0x2e1: {  	[hbm4b:s5+s3] =	stream.indirect_vreg.scatter [tilespmem:s15], [sflag:$0x2], $0x80, v4, vm1, $0xb8;
	[tilespmem:$0x19400] =	vst v63  }
0x2e2: {  	s28 =	simm.s32 $0x5400  }
0x2e3: {  	[hbm4b:s2+s3] =	stream.indirect_vreg.scatter [tilespmem:s28], [sflag:$0x2], $0x80, v3, vm0, $0xb8;
	[tilespmem:$0x19400] =	vst v63  }
0x2e4: {  	s1 =	simm.s32 $0x5C00  }
0x2e5: {  	[hbm4b:s5+s3] =	stream.indirect_vreg.scatter [tilespmem:s1], [sflag:$0x2], $0x80, v3, vm1, $0xb8;
	[tilespmem:$0x19400] =	vst v63  }
0x2e6: {  	v3 =	vld [tilespmem:$0x182C0];
	_ =	sdelay $0x4  }
0x2e7: {  	v52 =	vshrl.u32 v3, $0x3  }
0x2e8: {  	v4 =	vmul.u32 $0x18, v52  }
0x2e9: {  	v3 =	vand.u32 $0x7, v3  }
0x2ea: {  	v3 =	vor.u32 v3, v4  }
0x2eb: {  	v4 =	vperm.xlane v3, v0;
	_ =	sdelay $0x1  }
0x2ec: {  	v4 =	vadd.s32 v1, v4;
	_ =	sdelay $0x1  }
0x2ed: {  	v3 =	vperm.xlane v3, v2;
	_ =	sdelay $0x1  }
0x2ee: {  	s0 =	simm.s32 $0x6000;
	v3 =	vadd.s32 v1, v3  }
0x2ef: {  	[hbm4b:s2+s3] =	stream.indirect_vreg.scatter [tilespmem:s0], [sflag:$0x2], $0x80, v4, vm0, $0xb8;
	[tilespmem:$0x19400] =	vst v63  }
0x2f0: {  	s16 =	simm.s32 $0x6800  }
0x2f1: {  	[hbm4b:s5+s3] =	stream.indirect_vreg.scatter [tilespmem:s16], [sflag:$0x2], $0x80, v4, vm1, $0xb8;
	[tilespmem:$0x19400] =	vst v63  }
0x2f2: {  	s17 =	simm.s32 $0x6C00  }
0x2f3: {  	[hbm4b:s2+s3] =	stream.indirect_vreg.scatter [tilespmem:s17], [sflag:$0x2], $0x80, v3, vm0, $0xb8;
	[tilespmem:$0x19400] =	vst v63  }
0x2f4: {  	s1 =	simm.s32 $0x7400  }
0x2f5: {  	[hbm4b:s5+s3] =	stream.indirect_vreg.scatter [tilespmem:s1], [sflag:$0x2], $0x80, v3, vm1, $0xb8;
	[tilespmem:$0x19400] =	vst v63  }
0x2f6: {  	v3 =	vld [tilespmem:$0x182D0];
	_ =	sdelay $0x4  }
0x2f7: {  	v53 =	vshrl.u32 v3, $0x3  }
0x2f8: {  	v4 =	vmul.u32 $0x18, v53  }
0x2f9: {  	v3 =	vand.u32 $0x7, v3  }
0x2fa: {  	v3 =	vor.u32 v3, v4  }
0x2fb: {  	v4 =	vperm.xlane v3, v0;
	_ =	sdelay $0x1  }
0x2fc: {  	v4 =	vadd.s32 v1, v4;
	_ =	sdelay $0x1  }
0x2fd: {  	v3 =	vperm.xlane v3, v2;
	_ =	sdelay $0x1  }
0x2fe: {  	s18 =	simm.s32 $0x7800;
	v3 =	vadd.s32 v1, v3  }
0x2ff: {  	[hbm4b:s2+s3] =	stream.indirect_vreg.scatter [tilespmem:s18], [sflag:$0x2], $0x80, v4, vm0, $0xb8;
	[tilespmem:$0x19400] =	vst v63  }
0x300: {  	s19 =	simm.s32 $0x8000  }
0x301: {  	[hbm4b:s5+s3] =	stream.indirect_vreg.scatter [tilespmem:s19], [sflag:$0x2], $0x80, v4, vm1, $0xb8;
	[tilespmem:$0x19400] =	vst v63  }
0x302: {  	s20 =	simm.s32 $0x8400  }
0x303: {  	[hbm4b:s2+s3] =	stream.indirect_vreg.scatter [tilespmem:s20], [sflag:$0x2], $0x80, v3, vm0, $0xb8;
	[tilespmem:$0x19400] =	vst v63  }
0x304: {  	s0 =	simm.s32 $0x8C00  }
0x305: {  	[hbm4b:s5+s3] =	stream.indirect_vreg.scatter [tilespmem:s0], [sflag:$0x2], $0x80, v3, vm1, $0xb8;
	[tilespmem:$0x19400] =	vst v63  }
0x306: {  	v3 =	vld [tilespmem:$0x182E0];
	_ =	sdelay $0x4  }
0x307: {  	v54 =	vshrl.u32 v3, $0x3  }
0x308: {  	v4 =	vmul.u32 $0x18, v54  }
0x309: {  	v3 =	vand.u32 $0x7, v3  }
0x30a: {  	v3 =	vor.u32 v3, v4  }
0x30b: {  	v4 =	vperm.xlane v3, v0;
	_ =	sdelay $0x1  }
0x30c: {  	v4 =	vadd.s32 v1, v4;
	_ =	sdelay $0x1  }
0x30d: {  	v3 =	vperm.xlane v3, v2;
	_ =	sdelay $0x1  }
0x30e: {  	s21 =	simm.s32 $0x9000;
	v3 =	vadd.s32 v1, v3  }
0x30f: {  	[hbm4b:s2+s3] =	stream.indirect_vreg.scatter [tilespmem:s21], [sflag:$0x2], $0x80, v4, vm0, $0xb8;
	[tilespmem:$0x19400] =	vst v63  }
0x310: {  	s22 =	simm.s32 $0x9800  }
0x311: {  	[hbm4b:s5+s3] =	stream.indirect_vreg.scatter [tilespmem:s22], [sflag:$0x2], $0x80, v4, vm1, $0xb8;
	[tilespmem:$0x19400] =	vst v63  }
0x312: {  	s23 =	simm.s32 $0x9C00  }
0x313: {  	[hbm4b:s2+s3] =	stream.indirect_vreg.scatter [tilespmem:s23], [sflag:$0x2], $0x80, v3, vm0, $0xb8;
	[tilespmem:$0x19400] =	vst v63  }
0x314: {  	s4 =	simm.s32 $0xA400  }
0x315: {  	[hbm4b:s5+s3] =	stream.indirect_vreg.scatter [tilespmem:s4], [sflag:$0x2], $0x80, v3, vm1, $0xb8;
	[tilespmem:$0x19400] =	vst v63  }
0x316: {  	v3 =	vld [tilespmem:$0x182F0];
	_ =	sdelay $0x4  }
0x317: {  	v55 =	vshrl.u32 v3, $0x3  }
0x318: {  	v4 =	vmul.u32 $0x18, v55  }
0x319: {  	v3 =	vand.u32 $0x7, v3  }
0x31a: {  	v3 =	vor.u32 v3, v4  }
0x31b: {  	v4 =	vperm.xlane v3, v0;
	_ =	sdelay $0x1  }
0x31c: {  	v4 =	vadd.s32 v1, v4;
	_ =	sdelay $0x1  }
0x31d: {  	v3 =	vperm.xlane v3, v2;
	_ =	sdelay $0x1  }
0x31e: {  	s24 =	simm.s32 $0xA800;
	v3 =	vadd.s32 v1, v3  }
0x31f: {  	[hbm4b:s2+s3] =	stream.indirect_vreg.scatter [tilespmem:s24], [sflag:$0x2], $0x80, v4, vm0, $0xb8;
	[tilespmem:$0x19400] =	vst v63  }
0x320: {  	s25 =	simm.s32 $0xB000  }
0x321: {  	[hbm4b:s5+s3] =	stream.indirect_vreg.scatter [tilespmem:s25], [sflag:$0x2], $0x80, v4, vm1, $0xb8;
	[tilespmem:$0x19400] =	vst v63  }
0x322: {  	s26 =	simm.s32 $0xB400  }
0x323: {  	[hbm4b:s2+s3] =	stream.indirect_vreg.scatter [tilespmem:s26], [sflag:$0x2], $0x80, v3, vm0, $0xb8;
	[tilespmem:$0x19400] =	vst v63  }
0x324: {  	s1 =	simm.s32 $0xBC00  }
0x325: {  	[hbm4b:s5+s3] =	stream.indirect_vreg.scatter [tilespmem:s1], [sflag:$0x2], $0x80, v3, vm1, $0xb8;
	[tilespmem:$0x19400] =	vst v63  }
0x326: {  	v3 =	vld [tilespmem:$0x18300];
	_ =	sdelay $0x4  }
0x327: {  	v56 =	vshrl.u32 v3, $0x3  }
0x328: {  	v4 =	vmul.u32 $0x18, v56  }
0x329: {  	v3 =	vand.u32 $0x7, v3  }
0x32a: {  	v3 =	vor.u32 v3, v4  }
0x32b: {  	v4 =	vperm.xlane v3, v0;
	_ =	sdelay $0x1  }
0x32c: {  	v4 =	vadd.s32 v1, v4;
	_ =	sdelay $0x1  }
0x32d: {  	v3 =	vperm.xlane v3, v2;
	_ =	sdelay $0x1  }
0x32e: {  	v3 =	vadd.s32 v1, v3  }
0x32f: {  	[hbm4b:s2+s3] =	stream.indirect_vreg.scatter [tilespmem:s3], [sflag:$0x2], $0x80, v4, vm0, $0xb8;
	[tilespmem:$0x19400] =	vst v63  }
0x330: {  	s4 =	simm.s32 $0x800  }
0x331: {  	[hbm4b:s5+s3] =	stream.indirect_vreg.scatter [tilespmem:s4], [sflag:$0x2], $0x80, v4, vm1, $0xb8;
	[tilespmem:$0x19400] =	vst v63  }
0x332: {  	s4 =	simm.s32 $0xC00  }
0x333: {  	[hbm4b:s2+s3] =	stream.indirect_vreg.scatter [tilespmem:s4], [sflag:$0x2], $0x80, v3, vm0, $0xb8;
	[tilespmem:$0x19400] =	vst v63  }
0x334: {  	s29 =	simm.s32 $0x1400  }
0x335: {  	[hbm4b:s5+s3] =	stream.indirect_vreg.scatter [tilespmem:s29], [sflag:$0x2], $0x80, v3, vm1, $0xb8;
	[tilespmem:$0x19400] =	vst v63  }
0x336: {  	v3 =	vld [tilespmem:$0x18310];
	_ =	sdelay $0x4  }
0x337: {  	v57 =	vshrl.u32 v3, $0x3  }
0x338: {  	v4 =	vmul.u32 $0x18, v57  }
0x339: {  	v3 =	vand.u32 $0x7, v3  }
0x33a: {  	v3 =	vor.u32 v3, v4  }
0x33b: {  	v4 =	vperm.xlane v3, v0;
	_ =	sdelay $0x1  }
0x33c: {  	v4 =	vadd.s32 v1, v4;
	_ =	sdelay $0x1  }
0x33d: {  	v3 =	vperm.xlane v3, v2;
	_ =	sdelay $0x1  }
0x33e: {  	s6 =	simm.s32 $0x1800;
	v3 =	vadd.s32 v1, v3  }
0x33f: {  	[hbm4b:s2+s3] =	stream.indirect_vreg.scatter [tilespmem:s6], [sflag:$0x2], $0x80, v4, vm0, $0xb8;
	[tilespmem:$0x19400] =	vst v63  }
0x340: {  	s7 =	simm.s32 $0x2000  }
0x341: {  	[hbm4b:s5+s3] =	stream.indirect_vreg.scatter [tilespmem:s7], [sflag:$0x2], $0x80, v4, vm1, $0xb8;
	[tilespmem:$0x19400] =	vst v63  }
0x342: {  	s8 =	simm.s32 $0x2400  }
0x343: {  	[hbm4b:s2+s3] =	stream.indirect_vreg.scatter [tilespmem:s8], [sflag:$0x2], $0x80, v3, vm0, $0xb8;
	[tilespmem:$0x19400] =	vst v63  }
0x344: {  	s30 =	simm.s32 $0x2C00  }
0x345: {  	[hbm4b:s5+s3] =	stream.indirect_vreg.scatter [tilespmem:s30], [sflag:$0x2], $0x80, v3, vm1, $0xb8;
	[tilespmem:$0x19400] =	vst v63  }
0x346: {  	v3 =	vld [tilespmem:$0x18320];
	_ =	sdelay $0x4  }
0x347: {  	v58 =	vshrl.u32 v3, $0x3  }
0x348: {  	v4 =	vmul.u32 $0x18, v58  }
0x349: {  	v3 =	vand.u32 $0x7, v3  }
0x34a: {  	v3 =	vor.u32 v3, v4  }
0x34b: {  	v4 =	vperm.xlane v3, v0;
	_ =	sdelay $0x1  }
0x34c: {  	v4 =	vadd.s32 v1, v4;
	_ =	sdelay $0x1  }
0x34d: {  	v3 =	vperm.xlane v3, v2;
	_ =	sdelay $0x1  }
0x34e: {  	s9 =	simm.s32 $0x3000;
	v3 =	vadd.s32 v1, v3  }
0x34f: {  	[hbm4b:s2+s3] =	stream.indirect_vreg.scatter [tilespmem:s9], [sflag:$0x2], $0x80, v4, vm0, $0xb8;
	[tilespmem:$0x19400] =	vst v63  }
0x350: {  	s10 =	simm.s32 $0x3800  }
0x351: {  	[hbm4b:s5+s3] =	stream.indirect_vreg.scatter [tilespmem:s10], [sflag:$0x2], $0x80, v4, vm1, $0xb8;
	[tilespmem:$0x19400] =	vst v63  }
0x352: {  	s11 =	simm.s32 $0x3C00  }
0x353: {  	[hbm4b:s2+s3] =	stream.indirect_vreg.scatter [tilespmem:s11], [sflag:$0x2], $0x80, v3, vm0, $0xb8;
	[tilespmem:$0x19400] =	vst v63  }
0x354: {  	s31 =	simm.s32 $0x4400  }
0x355: {  	[hbm4b:s5+s3] =	stream.indirect_vreg.scatter [tilespmem:s31], [sflag:$0x2], $0x80, v3, vm1, $0xb8;
	[tilespmem:$0x19400] =	vst v63  }
0x356: {  	v3 =	vld [tilespmem:$0x18330];
	_ =	sdelay $0x4  }
0x357: {  	v59 =	vshrl.u32 v3, $0x3  }
0x358: {  	v4 =	vmul.u32 $0x18, v59  }
0x359: {  	v3 =	vand.u32 $0x7, v3  }
0x35a: {  	v3 =	vor.u32 v3, v4  }
0x35b: {  	v4 =	vperm.xlane v3, v0;
	_ =	sdelay $0x1  }
0x35c: {  	v4 =	vadd.s32 v1, v4;
	_ =	sdelay $0x1  }
0x35d: {  	v3 =	vperm.xlane v3, v2;
	_ =	sdelay $0x1  }
0x35e: {  	s12 =	simm.s32 $0x4800;
	v3 =	vadd.s32 v1, v3  }
0x35f: {  	[hbm4b:s2+s3] =	stream.indirect_vreg.scatter [tilespmem:s12], [sflag:$0x2], $0x80, v4, vm0, $0xb8;
	[tilespmem:$0x19400] =	vst v63  }
0x360: {  	s13 =	simm.s32 $0x5000  }
0x361: {  	[hbm4b:s5+s3] =	stream.indirect_vreg.scatter [tilespmem:s13], [sflag:$0x2], $0x80, v4, vm1, $0xb8;
	[tilespmem:$0x19400] =	vst v63  }
0x362: {  	s15 =	simm.s32 $0x5400  }
0x363: {  	[hbm4b:s2+s3] =	stream.indirect_vreg.scatter [tilespmem:s15], [sflag:$0x2], $0x80, v3, vm0, $0xb8;
	[tilespmem:$0x19400] =	vst v63  }
0x364: {  	s28 =	simm.s32 $0x5C00  }
0x365: {  	[hbm4b:s5+s3] =	stream.indirect_vreg.scatter [tilespmem:s28], [sflag:$0x2], $0x80, v3, vm1, $0xb8;
	[tilespmem:$0x19400] =	vst v63  }
0x366: {  	v3 =	vld [tilespmem:$0x18340];
	_ =	sdelay $0x4  }
0x367: {  	v60 =	vshrl.u32 v3, $0x3  }
0x368: {  	v4 =	vmul.u32 $0x18, v60  }
0x369: {  	v3 =	vand.u32 $0x7, v3  }
0x36a: {  	v3 =	vor.u32 v3, v4  }
0x36b: {  	v4 =	vperm.xlane v3, v0;
	_ =	sdelay $0x1  }
0x36c: {  	v4 =	vadd.s32 v1, v4;
	_ =	sdelay $0x1  }
0x36d: {  	v3 =	vperm.xlane v3, v2;
	_ =	sdelay $0x1  }
0x36e: {  	s10 =	simm.s32 $0x6000;
	v3 =	vadd.s32 v1, v3  }
0x36f: {  	[hbm4b:s2+s3] =	stream.indirect_vreg.scatter [tilespmem:s10], [sflag:$0x2], $0x80, v4, vm0, $0xb8;
	[tilespmem:$0x19400] =	vst v63  }
0x370: {  	s16 =	simm.s32 $0x6800  }
0x371: {  	[hbm4b:s5+s3] =	stream.indirect_vreg.scatter [tilespmem:s16], [sflag:$0x2], $0x80, v4, vm1, $0xb8;
	[tilespmem:$0x19400] =	vst v63  }
0x372: {  	s17 =	simm.s32 $0x6C00  }
0x373: {  	[hbm4b:s2+s3] =	stream.indirect_vreg.scatter [tilespmem:s17], [sflag:$0x2], $0x80, v3, vm0, $0xb8;
	[tilespmem:$0x19400] =	vst v63  }
0x374: {  	s11 =	simm.s32 $0x7400  }
0x375: {  	[hbm4b:s5+s3] =	stream.indirect_vreg.scatter [tilespmem:s11], [sflag:$0x2], $0x80, v3, vm1, $0xb8;
	[tilespmem:$0x19400] =	vst v63  }
0x376: {  	v3 =	vld [tilespmem:$0x18350];
	_ =	sdelay $0x4  }
0x377: {  	v61 =	vshrl.u32 v3, $0x3  }
0x378: {  	v4 =	vmul.u32 $0x18, v61  }
0x379: {  	v3 =	vand.u32 $0x7, v3  }
0x37a: {  	v3 =	vor.u32 v3, v4  }
0x37b: {  	v4 =	vperm.xlane v3, v0;
	_ =	sdelay $0x1  }
0x37c: {  	v4 =	vadd.s32 v1, v4;
	_ =	sdelay $0x1  }
0x37d: {  	v3 =	vperm.xlane v3, v2;
	_ =	sdelay $0x1  }
0x37e: {  	s18 =	simm.s32 $0x7800;
	v3 =	vadd.s32 v1, v3  }
0x37f: {  	[hbm4b:s2+s3] =	stream.indirect_vreg.scatter [tilespmem:s18], [sflag:$0x2], $0x80, v4, vm0, $0xb8;
	[tilespmem:$0x19400] =	vst v63  }
0x380: {  	s19 =	simm.s32 $0x8000  }
0x381: {  	[hbm4b:s5+s3] =	stream.indirect_vreg.scatter [tilespmem:s19], [sflag:$0x2], $0x80, v4, vm1, $0xb8;
	[tilespmem:$0x19400] =	vst v63  }
0x382: {  	s20 =	simm.s32 $0x8400  }
0x383: {  	[hbm4b:s2+s3] =	stream.indirect_vreg.scatter [tilespmem:s20], [sflag:$0x2], $0x80, v3, vm0, $0xb8;
	[tilespmem:$0x19400] =	vst v63  }
0x384: {  	_ = 	snop  }
0x385: {  	[hbm4b:s5+s3] =	stream.indirect_vreg.scatter [tilespmem:s0], [sflag:$0x2], $0x80, v3, vm1, $0xb8;
	[tilespmem:$0x19400] =	vst v63  }
0x386: {  	v3 =	vld [tilespmem:$0x18360];
	_ =	sdelay $0x4  }
0x387: {  	v62 =	vshrl.u32 v3, $0x3  }
0x388: {  	v4 =	vmul.u32 $0x18, v62  }
0x389: {  	v3 =	vand.u32 $0x7, v3  }
0x38a: {  	v3 =	vor.u32 v3, v4  }
0x38b: {  	v4 =	vperm.xlane v3, v0;
	_ =	sdelay $0x1  }
0x38c: {  	v4 =	vadd.s32 v1, v4;
	_ =	sdelay $0x1  }
0x38d: {  	v3 =	vperm.xlane v3, v2;
	_ =	sdelay $0x1  }
0x38e: {  	s21 =	simm.s32 $0x9000;
	v3 =	vadd.s32 v1, v3  }
0x38f: {  	[hbm4b:s2+s3] =	stream.indirect_vreg.scatter [tilespmem:s21], [sflag:$0x2], $0x80, v4, vm0, $0xb8;
	[tilespmem:$0x19400] =	vst v63  }
0x390: {  	s22 =	simm.s32 $0x9800  }
0x391: {  	[hbm4b:s5+s3] =	stream.indirect_vreg.scatter [tilespmem:s22], [sflag:$0x2], $0x80, v4, vm1, $0xb8;
	[tilespmem:$0x19400] =	vst v63  }
0x392: {  	s23 =	simm.s32 $0x9C00  }
0x393: {  	[hbm4b:s2+s3] =	stream.indirect_vreg.scatter [tilespmem:s23], [sflag:$0x2], $0x80, v3, vm0, $0xb8;
	[tilespmem:$0x19400] =	vst v63  }
0x394: {  	s12 =	simm.s32 $0xA400  }
0x395: {  	[hbm4b:s5+s3] =	stream.indirect_vreg.scatter [tilespmem:s12], [sflag:$0x2], $0x80, v3, vm1, $0xb8;
	[tilespmem:$0x19400] =	vst v63  }
0x396: {  	v3 =	vld [tilespmem:$0x18370];
	_ =	sdelay $0x4  }
0x397: {  	v63 =	vshrl.u32 v3, $0x3  }
0x398: {  	v4 =	vmul.u32 $0x18, v63  }
0x399: {  	v3 =	vand.u32 $0x7, v3  }
0x39a: {  	v3 =	vor.u32 v3, v4  }
0x39b: {  	v4 =	vperm.xlane v3, v0;
	_ =	sdelay $0x1  }
0x39c: {  	v4 =	vadd.s32 v1, v4;
	_ =	sdelay $0x1  }
0x39d: {  	v3 =	vperm.xlane v3, v2;
	_ =	sdelay $0x1  }
0x39e: {  	s24 =	simm.s32 $0xA800;
	v3 =	vadd.s32 v1, v3  }
0x39f: {  	[hbm4b:s2+s3] =	stream.indirect_vreg.scatter [tilespmem:s24], [sflag:$0x2], $0x80, v4, vm0, $0xb8;
	[tilespmem:$0x19400] =	vst v63  }
0x3a0: {  	s25 =	simm.s32 $0xB000  }
0x3a1: {  	[hbm4b:s5+s3] =	stream.indirect_vreg.scatter [tilespmem:s25], [sflag:$0x2], $0x80, v4, vm1, $0xb8;
	[tilespmem:$0x19400] =	vst v63  }
0x3a2: {  	s26 =	simm.s32 $0xB400  }
0x3a3: {  	[hbm4b:s2+s3] =	stream.indirect_vreg.scatter [tilespmem:s26], [sflag:$0x2], $0x80, v3, vm0, $0xb8;
	[tilespmem:$0x19400] =	vst v63  }
0x3a4: {  	s13 =	simm.s32 $0x1  }
0x3a5: {  	[hbm4b:s5+s3] =	stream.indirect_vreg.scatter [tilespmem:s1], [sflag:$0x2], $0x80, v3, vm1, $0xb8;
	[tilespmem:$0x19400] =	vst v63  }
0x3a6: {  	_ =	swait.ge [sflag:s13], $0xC000  }
0x3a7: {  	[sflag:s13] =	ssyncset.done $0x0  }
0x3a8: {  	[sflag:s13] =	ssyncadd.s32 $0xFFFF4000  }
0x3a9: {  	_ =	swait.ge [sflag:s14], $0xC000  }
0x3aa: {  	[sflag:s14] =	ssyncset.done $0x0  }
0x3ab: {  	[sflag:s14] =	ssyncadd.s32 $0xFFFF4000  }
0x3ac: {  	_ =	swait.ge [sflag:s14], $0xC000  }
0x3ad: {  	[sflag:s14] =	ssyncset.done $0x0  }
0x3ae: {  	[sflag:s14] =	ssyncadd.s32 $0xFFFF4000  }
0x3af: {  	_ =	swait.ge [sflag:s14], $0xC000  }
0x3b0: {  	[sflag:s14] =	ssyncset.done $0x0  }
0x3b1: {  	[sflag:s14] =	ssyncadd.s32 $0xFFFF4000  }
0x3b2: {  	_ =	swait.ge [sflag:s14], $0xC000  }
0x3b3: {  	[sflag:s14] =	ssyncset.done $0x0  }
0x3b4: {  	[sflag:s14] =	ssyncadd.s32 $0xFFFF4000  }
0x3b5: {  	_ =	swait.ge [sflag:s14], $0xC000  }
0x3b6: {  	[sflag:s14] =	ssyncset.done $0x0  }
0x3b7: {  	[sflag:s14] =	ssyncadd.s32 $0xFFFF4000  }
0x3b8: {  	_ =	swait.ge [sflag:s14], $0xC000  }
0x3b9: {  	[sflag:s14] =	ssyncset.done $0x0  }
0x3ba: {  	[sflag:s14] =	ssyncadd.s32 $0xFFFF4000  }
0x3bb: {  	_ =	swait.ge [sflag:s14], $0xC000  }
0x3bc: {  	[sflag:s14] =	ssyncset.done $0x0  }
0x3bd: {  	s15 =	rddreg [dreg:$0x9];
	[sflag:s14] =	ssyncadd.s32 $0xFFFF4000  }
0x3be: {  	[tilespmem:s3], [sflag:$0x1] =	stream.linear.gather [hbm4b:s15+s3], $0xC000, $0x38;
	[tilespmem:$0x19400] =	vst v63  }
0x3bf: {  	v3 =	vld [tilespmem:$0x18380];
	_ =	sdelay $0x4  }
0x3c0: {  	v8 =	vshrl.u32 v3, $0x3  }
0x3c1: {  	v4 =	vmul.u32 $0x18, v8  }
0x3c2: {  	v3 =	vand.u32 $0x7, v3  }
0x3c3: {  	v3 =	vor.u32 v3, v4  }
0x3c4: {  	v4 =	vperm.xlane v3, v0;
	_ =	sdelay $0x1  }
0x3c5: {  	v4 =	vadd.s32 v1, v4;
	_ =	sdelay $0x1  }
0x3c6: {  	v3 =	vperm.xlane v3, v2;
	_ =	sdelay $0x1  }
0x3c7: {  	s20 =	simm.s32 $0xC000;
	v3 =	vadd.s32 v1, v3  }
0x3c8: {  	[hbm4b:s2+s3] =	stream.indirect_vreg.scatter [tilespmem:s20], [sflag:$0x2], $0x80, v4, vm0, $0xb8;
	[tilespmem:$0x19400] =	vst v63  }
0x3c9: {  	s16 =	simm.s32 $0xC800  }
0x3ca: {  	[hbm4b:s5+s3] =	stream.indirect_vreg.scatter [tilespmem:s16], [sflag:$0x2], $0x80, v4, vm1, $0xb8;
	[tilespmem:$0x19400] =	vst v63  }
0x3cb: {  	s17 =	simm.s32 $0xCC00  }
0x3cc: {  	[hbm4b:s2+s3] =	stream.indirect_vreg.scatter [tilespmem:s17], [sflag:$0x2], $0x80, v3, vm0, $0xb8;
	[tilespmem:$0x19400] =	vst v63  }
0x3cd: {  	s18 =	simm.s32 $0xD400  }
0x3ce: {  	[hbm4b:s5+s3] =	stream.indirect_vreg.scatter [tilespmem:s18], [sflag:$0x2], $0x80, v3, vm1, $0xb8;
	[tilespmem:$0x19400] =	vst v63  }
0x3cf: {  	v3 =	vld [tilespmem:$0x18390];
	_ =	sdelay $0x4  }
0x3d0: {  	v9 =	vshrl.u32 v3, $0x3  }
0x3d1: {  	v4 =	vmul.u32 $0x18, v9  }
0x3d2: {  	v3 =	vand.u32 $0x7, v3  }
0x3d3: {  	v3 =	vor.u32 v3, v4  }
0x3d4: {  	v4 =	vperm.xlane v3, v0;
	_ =	sdelay $0x1  }
0x3d5: {  	v4 =	vadd.s32 v1, v4;
	_ =	sdelay $0x1  }
0x3d6: {  	v3 =	vperm.xlane v3, v2;
	_ =	sdelay $0x1  }
0x3d7: {  	s19 =	simm.s32 $0xD800;
	v3 =	vadd.s32 v1, v3  }
0x3d8: {  	[hbm4b:s2+s3] =	stream.indirect_vreg.scatter [tilespmem:s19], [sflag:$0x2], $0x80, v4, vm0, $0xb8;
	[tilespmem:$0x19400] =	vst v63  }
0x3d9: {  	s21 =	simm.s32 $0xE000  }
0x3da: {  	[hbm4b:s5+s3] =	stream.indirect_vreg.scatter [tilespmem:s21], [sflag:$0x2], $0x80, v4, vm1, $0xb8;
	[tilespmem:$0x19400] =	vst v63  }
0x3db: {  	s22 =	simm.s32 $0xE400  }
0x3dc: {  	[hbm4b:s2+s3] =	stream.indirect_vreg.scatter [tilespmem:s22], [sflag:$0x2], $0x80, v3, vm0, $0xb8;
	[tilespmem:$0x19400] =	vst v63  }
0x3dd: {  	s23 =	simm.s32 $0xEC00  }
0x3de: {  	[hbm4b:s5+s3] =	stream.indirect_vreg.scatter [tilespmem:s23], [sflag:$0x2], $0x80, v3, vm1, $0xb8;
	[tilespmem:$0x19400] =	vst v63  }
0x3df: {  	v3 =	vld [tilespmem:$0x183A0];
	_ =	sdelay $0x4  }
0x3e0: {  	v10 =	vshrl.u32 v3, $0x3  }
0x3e1: {  	v4 =	vmul.u32 $0x18, v10  }
0x3e2: {  	v3 =	vand.u32 $0x7, v3  }
0x3e3: {  	v3 =	vor.u32 v3, v4  }
0x3e4: {  	v4 =	vperm.xlane v3, v0;
	_ =	sdelay $0x1  }
0x3e5: {  	v4 =	vadd.s32 v1, v4;
	_ =	sdelay $0x1  }
0x3e6: {  	v3 =	vperm.xlane v3, v2;
	_ =	sdelay $0x1  }
0x3e7: {  	s24 =	simm.s32 $0xF000;
	v3 =	vadd.s32 v1, v3  }
0x3e8: {  	[hbm4b:s2+s3] =	stream.indirect_vreg.scatter [tilespmem:s24], [sflag:$0x2], $0x80, v4, vm0, $0xb8;
	[tilespmem:$0x19400] =	vst v63  }
0x3e9: {  	s25 =	simm.s32 $0xF800  }
0x3ea: {  	[hbm4b:s5+s3] =	stream.indirect_vreg.scatter [tilespmem:s25], [sflag:$0x2], $0x80, v4, vm1, $0xb8;
	[tilespmem:$0x19400] =	vst v63  }
0x3eb: {  	s26 =	simm.s32 $0xFC00  }
0x3ec: {  	[hbm4b:s2+s3] =	stream.indirect_vreg.scatter [tilespmem:s26], [sflag:$0x2], $0x80, v3, vm0, $0xb8;
	[tilespmem:$0x19400] =	vst v63  }
0x3ed: {  	s28 =	simm.s32 $0x10400  }
0x3ee: {  	[hbm4b:s5+s3] =	stream.indirect_vreg.scatter [tilespmem:s28], [sflag:$0x2], $0x80, v3, vm1, $0xb8;
	[tilespmem:$0x19400] =	vst v63  }
0x3ef: {  	v3 =	vld [tilespmem:$0x183B0];
	_ =	sdelay $0x4  }
0x3f0: {  	v11 =	vshrl.u32 v3, $0x3  }
0x3f1: {  	v4 =	vmul.u32 $0x18, v11  }
0x3f2: {  	v3 =	vand.u32 $0x7, v3  }
0x3f3: {  	v3 =	vor.u32 v3, v4  }
0x3f4: {  	v4 =	vperm.xlane v3, v0;
	_ =	sdelay $0x1  }
0x3f5: {  	v4 =	vadd.s32 v1, v4;
	_ =	sdelay $0x1  }
0x3f6: {  	v3 =	vperm.xlane v3, v2;
	_ =	sdelay $0x1  }
0x3f7: {  	s29 =	simm.s32 $0x10800;
	v3 =	vadd.s32 v1, v3  }
0x3f8: {  	[hbm4b:s2+s3] =	stream.indirect_vreg.scatter [tilespmem:s29], [sflag:$0x2], $0x80, v4, vm0, $0xb8;
	[tilespmem:$0x19400] =	vst v63  }
0x3f9: {  	s30 =	simm.s32 $0x11000  }
0x3fa: {  	[hbm4b:s5+s3] =	stream.indirect_vreg.scatter [tilespmem:s30], [sflag:$0x2], $0x80, v4, vm1, $0xb8;
	[tilespmem:$0x19400] =	vst v63  }
0x3fb: {  	s31 =	simm.s32 $0x11400  }
0x3fc: {  	[hbm4b:s2+s3] =	stream.indirect_vreg.scatter [tilespmem:s31], [sflag:$0x2], $0x80, v3, vm0, $0xb8;
	[tilespmem:$0x19400] =	vst v63  }
0x3fd: {  	s4 =	simm.s32 $0x11C00  }
0x3fe: {  	[hbm4b:s5+s3] =	stream.indirect_vreg.scatter [tilespmem:s4], [sflag:$0x2], $0x80, v3, vm1, $0xb8;
	[tilespmem:$0x19400] =	vst v63  }
0x3ff: {  	v3 =	vld [tilespmem:$0x183C0];
	_ =	sdelay $0x4  }
0x400: {  	v12 =	vshrl.u32 v3, $0x3  }
0x401: {  	v4 =	vmul.u32 $0x18, v12  }
0x402: {  	v3 =	vand.u32 $0x7, v3  }
0x403: {  	v3 =	vor.u32 v3, v4  }
0x404: {  	v4 =	vperm.xlane v3, v0;
	_ =	sdelay $0x1  }
0x405: {  	v4 =	vadd.s32 v1, v4;
	_ =	sdelay $0x1  }
0x406: {  	v3 =	vperm.xlane v3, v2;
	_ =	sdelay $0x1  }
0x407: {  	s9 =	simm.s32 $0x12000;
	v3 =	vadd.s32 v1, v3  }
0x408: {  	[hbm4b:s2+s3] =	stream.indirect_vreg.scatter [tilespmem:s9], [sflag:$0x2], $0x80, v4, vm0, $0xb8;
	[tilespmem:$0x19400] =	vst v63  }
0x409: {  	s10 =	simm.s32 $0x12800  }
0x40a: {  	[hbm4b:s5+s3] =	stream.indirect_vreg.scatter [tilespmem:s10], [sflag:$0x2], $0x80, v4, vm1, $0xb8;
	[tilespmem:$0x19400] =	vst v63  }
0x40b: {  	s12 =	simm.s32 $0x12C00  }
0x40c: {  	[hbm4b:s2+s3] =	stream.indirect_vreg.scatter [tilespmem:s12], [sflag:$0x2], $0x80, v3, vm0, $0xb8;
	[tilespmem:$0x19400] =	vst v63  }
0x40d: {  	s13 =	simm.s32 $0x13400  }
0x40e: {  	[hbm4b:s5+s3] =	stream.indirect_vreg.scatter [tilespmem:s13], [sflag:$0x2], $0x80, v3, vm1, $0xb8;
	[tilespmem:$0x19400] =	vst v63  }
0x40f: {  	v3 =	vld [tilespmem:$0x183D0];
	_ =	sdelay $0x4  }
0x410: {  	v13 =	vshrl.u32 v3, $0x3  }
0x411: {  	v4 =	vmul.u32 $0x18, v13  }
0x412: {  	v3 =	vand.u32 $0x7, v3  }
0x413: {  	v3 =	vor.u32 v3, v4  }
0x414: {  	v4 =	vperm.xlane v3, v0;
	_ =	sdelay $0x1  }
0x415: {  	v4 =	vadd.s32 v1, v4;
	_ =	sdelay $0x1  }
0x416: {  	v3 =	vperm.xlane v3, v2;
	_ =	sdelay $0x1  }
0x417: {  	s16 =	simm.s32 $0x13800;
	v3 =	vadd.s32 v1, v3  }
0x418: {  	[hbm4b:s2+s3] =	stream.indirect_vreg.scatter [tilespmem:s16], [sflag:$0x2], $0x80, v4, vm0, $0xb8;
	[tilespmem:$0x19400] =	vst v63  }
0x419: {  	s17 =	simm.s32 $0x14000  }
0x41a: {  	[hbm4b:s5+s3] =	stream.indirect_vreg.scatter [tilespmem:s17], [sflag:$0x2], $0x80, v4, vm1, $0xb8;
	[tilespmem:$0x19400] =	vst v63  }
0x41b: {  	s18 =	simm.s32 $0x14400  }
0x41c: {  	[hbm4b:s2+s3] =	stream.indirect_vreg.scatter [tilespmem:s18], [sflag:$0x2], $0x80, v3, vm0, $0xb8;
	[tilespmem:$0x19400] =	vst v63  }
0x41d: {  	s19 =	simm.s32 $0x14C00  }
0x41e: {  	[hbm4b:s5+s3] =	stream.indirect_vreg.scatter [tilespmem:s19], [sflag:$0x2], $0x80, v3, vm1, $0xb8;
	[tilespmem:$0x19400] =	vst v63  }
0x41f: {  	v3 =	vld [tilespmem:$0x183E0];
	_ =	sdelay $0x4  }
0x420: {  	v14 =	vshrl.u32 v3, $0x3  }
0x421: {  	v4 =	vmul.u32 $0x18, v14  }
0x422: {  	v3 =	vand.u32 $0x7, v3  }
0x423: {  	v3 =	vor.u32 v3, v4  }
0x424: {  	v4 =	vperm.xlane v3, v0;
	_ =	sdelay $0x1  }
0x425: {  	v4 =	vadd.s32 v1, v4;
	_ =	sdelay $0x1  }
0x426: {  	v3 =	vperm.xlane v3, v2;
	_ =	sdelay $0x1  }
0x427: {  	s21 =	simm.s32 $0x15000;
	v3 =	vadd.s32 v1, v3  }
0x428: {  	[hbm4b:s2+s3] =	stream.indirect_vreg.scatter [tilespmem:s21], [sflag:$0x2], $0x80, v4, vm0, $0xb8;
	[tilespmem:$0x19400] =	vst v63  }
0x429: {  	s23 =	simm.s32 $0x15800  }
0x42a: {  	[hbm4b:s5+s3] =	stream.indirect_vreg.scatter [tilespmem:s23], [sflag:$0x2], $0x80, v4, vm1, $0xb8;
	[tilespmem:$0x19400] =	vst v63  }
0x42b: {  	s24 =	simm.s32 $0x15C00  }
0x42c: {  	[hbm4b:s2+s3] =	stream.indirect_vreg.scatter [tilespmem:s24], [sflag:$0x2], $0x80, v3, vm0, $0xb8;
	[tilespmem:$0x19400] =	vst v63  }
0x42d: {  	s25 =	simm.s32 $0x16400  }
0x42e: {  	[hbm4b:s5+s3] =	stream.indirect_vreg.scatter [tilespmem:s25], [sflag:$0x2], $0x80, v3, vm1, $0xb8;
	[tilespmem:$0x19400] =	vst v63  }
0x42f: {  	v3 =	vld [tilespmem:$0x183F0];
	_ =	sdelay $0x4  }
0x430: {  	v15 =	vshrl.u32 v3, $0x3  }
0x431: {  	v4 =	vmul.u32 $0x18, v15  }
0x432: {  	v3 =	vand.u32 $0x7, v3  }
0x433: {  	v3 =	vor.u32 v3, v4  }
0x434: {  	v4 =	vperm.xlane v3, v0;
	_ =	sdelay $0x1  }
0x435: {  	v4 =	vadd.s32 v1, v4;
	_ =	sdelay $0x1  }
0x436: {  	v3 =	vperm.xlane v3, v2;
	_ =	sdelay $0x1  }
0x437: {  	s28 =	simm.s32 $0x16800;
	v3 =	vadd.s32 v1, v3  }
0x438: {  	[hbm4b:s2+s3] =	stream.indirect_vreg.scatter [tilespmem:s28], [sflag:$0x2], $0x80, v4, vm0, $0xb8;
	[tilespmem:$0x19400] =	vst v63  }
0x439: {  	s29 =	simm.s32 $0x17000  }
0x43a: {  	[hbm4b:s5+s3] =	stream.indirect_vreg.scatter [tilespmem:s29], [sflag:$0x2], $0x80, v4, vm1, $0xb8;
	[tilespmem:$0x19400] =	vst v63  }
0x43b: {  	s30 =	simm.s32 $0x17400  }
0x43c: {  	[hbm4b:s2+s3] =	stream.indirect_vreg.scatter [tilespmem:s30], [sflag:$0x2], $0x80, v3, vm0, $0xb8;
	[tilespmem:$0x19400] =	vst v63  }
0x43d: {  	s31 =	simm.s32 $0x17C00  }
0x43e: {  	[hbm4b:s5+s3] =	stream.indirect_vreg.scatter [tilespmem:s31], [sflag:$0x2], $0x80, v3, vm1, $0xb8;
	[tilespmem:$0x19400] =	vst v63  }
0x43f: {  	v3 =	vld [tilespmem:$0x18400];
	_ =	sdelay $0x4  }
0x440: {  	v16 =	vshrl.u32 v3, $0x3  }
0x441: {  	v4 =	vmul.u32 $0x18, v16  }
0x442: {  	v3 =	vand.u32 $0x7, v3  }
0x443: {  	v3 =	vor.u32 v3, v4  }
0x444: {  	v4 =	vperm.xlane v3, v0;
	_ =	sdelay $0x1  }
0x445: {  	v4 =	vadd.s32 v1, v4;
	_ =	sdelay $0x1  }
0x446: {  	v3 =	vperm.xlane v3, v2;
	_ =	sdelay $0x1  }
0x447: {  	v3 =	vadd.s32 v1, v3  }
0x448: {  	[hbm4b:s2+s3] =	stream.indirect_vreg.scatter [tilespmem:s20], [sflag:$0x2], $0x80, v4, vm0, $0xb8;
	[tilespmem:$0x19400] =	vst v63  }
0x449: {  	s1 =	simm.s32 $0xC800  }
0x44a: {  	[hbm4b:s5+s3] =	stream.indirect_vreg.scatter [tilespmem:s1], [sflag:$0x2], $0x80, v4, vm1, $0xb8;
	[tilespmem:$0x19400] =	vst v63  }
0x44b: {  	s1 =	simm.s32 $0xCC00  }
0x44c: {  	[hbm4b:s2+s3] =	stream.indirect_vreg.scatter [tilespmem:s1], [sflag:$0x2], $0x80, v3, vm0, $0xb8;
	[tilespmem:$0x19400] =	vst v63  }
0x44d: {  	s6 =	simm.s32 $0xD400  }
0x44e: {  	[hbm4b:s5+s3] =	stream.indirect_vreg.scatter [tilespmem:s6], [sflag:$0x2], $0x80, v3, vm1, $0xb8;
	[tilespmem:$0x19400] =	vst v63  }
0x44f: {  	v3 =	vld [tilespmem:$0x18410];
	_ =	sdelay $0x4  }
0x450: {  	v17 =	vshrl.u32 v3, $0x3  }
0x451: {  	v4 =	vmul.u32 $0x18, v17  }
0x452: {  	v3 =	vand.u32 $0x7, v3  }
0x453: {  	v3 =	vor.u32 v3, v4  }
0x454: {  	v4 =	vperm.xlane v3, v0;
	_ =	sdelay $0x1  }
0x455: {  	v4 =	vadd.s32 v1, v4;
	_ =	sdelay $0x1  }
0x456: {  	v3 =	vperm.xlane v3, v2;
	_ =	sdelay $0x1  }
0x457: {  	s7 =	simm.s32 $0xD800;
	v3 =	vadd.s32 v1, v3  }
0x458: {  	[hbm4b:s2+s3] =	stream.indirect_vreg.scatter [tilespmem:s7], [sflag:$0x2], $0x80, v4, vm0, $0xb8;
	[tilespmem:$0x19400] =	vst v63  }
0x459: {  	s6 =	simm.s32 $0xE000  }
0x45a: {  	[hbm4b:s5+s3] =	stream.indirect_vreg.scatter [tilespmem:s6], [sflag:$0x2], $0x80, v4, vm1, $0xb8;
	[tilespmem:$0x19400] =	vst v63  }
0x45b: {  	s7 =	simm.s32 $0xE400  }
0x45c: {  	[hbm4b:s2+s3] =	stream.indirect_vreg.scatter [tilespmem:s7], [sflag:$0x2], $0x80, v3, vm0, $0xb8;
	[tilespmem:$0x19400] =	vst v63  }
0x45d: {  	s8 =	simm.s32 $0xEC00  }
0x45e: {  	[hbm4b:s5+s3] =	stream.indirect_vreg.scatter [tilespmem:s8], [sflag:$0x2], $0x80, v3, vm1, $0xb8;
	[tilespmem:$0x19400] =	vst v63  }
0x45f: {  	v3 =	vld [tilespmem:$0x18420];
	_ =	sdelay $0x4  }
0x460: {  	v18 =	vshrl.u32 v3, $0x3  }
0x461: {  	v4 =	vmul.u32 $0x18, v18  }
0x462: {  	v3 =	vand.u32 $0x7, v3  }
0x463: {  	v3 =	vor.u32 v3, v4  }
0x464: {  	v4 =	vperm.xlane v3, v0;
	_ =	sdelay $0x1  }
0x465: {  	v4 =	vadd.s32 v1, v4;
	_ =	sdelay $0x1  }
0x466: {  	v3 =	vperm.xlane v3, v2;
	_ =	sdelay $0x1  }
0x467: {  	s8 =	simm.s32 $0xF000;
	v3 =	vadd.s32 v1, v3  }
0x468: {  	[hbm4b:s2+s3] =	stream.indirect_vreg.scatter [tilespmem:s8], [sflag:$0x2], $0x80, v4, vm0, $0xb8;
	[tilespmem:$0x19400] =	vst v63  }
0x469: {  	s9 =	simm.s32 $0xF800  }
0x46a: {  	[hbm4b:s5+s3] =	stream.indirect_vreg.scatter [tilespmem:s9], [sflag:$0x2], $0x80, v4, vm1, $0xb8;
	[tilespmem:$0x19400] =	vst v63  }
0x46b: {  	s10 =	simm.s32 $0xFC00  }
0x46c: {  	[hbm4b:s2+s3] =	stream.indirect_vreg.scatter [tilespmem:s10], [sflag:$0x2], $0x80, v3, vm0, $0xb8;
	[tilespmem:$0x19400] =	vst v63  }
0x46d: {  	s11 =	simm.s32 $0x10400  }
0x46e: {  	[hbm4b:s5+s3] =	stream.indirect_vreg.scatter [tilespmem:s11], [sflag:$0x2], $0x80, v3, vm1, $0xb8;
	[tilespmem:$0x19400] =	vst v63  }
0x46f: {  	v3 =	vld [tilespmem:$0x18430];
	_ =	sdelay $0x4  }
0x470: {  	v19 =	vshrl.u32 v3, $0x3  }
0x471: {  	v4 =	vmul.u32 $0x18, v19  }
0x472: {  	v3 =	vand.u32 $0x7, v3  }
0x473: {  	v3 =	vor.u32 v3, v4  }
0x474: {  	v4 =	vperm.xlane v3, v0;
	_ =	sdelay $0x1  }
0x475: {  	v4 =	vadd.s32 v1, v4;
	_ =	sdelay $0x1  }
0x476: {  	v3 =	vperm.xlane v3, v2;
	_ =	sdelay $0x1  }
0x477: {  	s11 =	simm.s32 $0x10800;
	v3 =	vadd.s32 v1, v3  }
0x478: {  	[hbm4b:s2+s3] =	stream.indirect_vreg.scatter [tilespmem:s11], [sflag:$0x2], $0x80, v4, vm0, $0xb8;
	[tilespmem:$0x19400] =	vst v63  }
0x479: {  	s12 =	simm.s32 $0x11000  }
0x47a: {  	[hbm4b:s5+s3] =	stream.indirect_vreg.scatter [tilespmem:s12], [sflag:$0x2], $0x80, v4, vm1, $0xb8;
	[tilespmem:$0x19400] =	vst v63  }
0x47b: {  	s13 =	simm.s32 $0x11400  }
0x47c: {  	[hbm4b:s2+s3] =	stream.indirect_vreg.scatter [tilespmem:s13], [sflag:$0x2], $0x80, v3, vm0, $0xb8;
	[tilespmem:$0x19400] =	vst v63  }
0x47d: {  	s15 =	simm.s32 $0x11C00  }
0x47e: {  	[hbm4b:s5+s3] =	stream.indirect_vreg.scatter [tilespmem:s15], [sflag:$0x2], $0x80, v3, vm1, $0xb8;
	[tilespmem:$0x19400] =	vst v63  }
0x47f: {  	v3 =	vld [tilespmem:$0x18440];
	_ =	sdelay $0x4  }
0x480: {  	v20 =	vshrl.u32 v3, $0x3  }
0x481: {  	v4 =	vmul.u32 $0x18, v20  }
0x482: {  	v3 =	vand.u32 $0x7, v3  }
0x483: {  	v3 =	vor.u32 v3, v4  }
0x484: {  	v4 =	vperm.xlane v3, v0;
	_ =	sdelay $0x1  }
0x485: {  	v4 =	vadd.s32 v1, v4;
	_ =	sdelay $0x1  }
0x486: {  	v3 =	vperm.xlane v3, v2;
	_ =	sdelay $0x1  }
0x487: {  	s15 =	simm.s32 $0x12000;
	v3 =	vadd.s32 v1, v3  }
0x488: {  	[hbm4b:s2+s3] =	stream.indirect_vreg.scatter [tilespmem:s15], [sflag:$0x2], $0x80, v4, vm0, $0xb8;
	[tilespmem:$0x19400] =	vst v63  }
0x489: {  	s16 =	simm.s32 $0x12800  }
0x48a: {  	[hbm4b:s5+s3] =	stream.indirect_vreg.scatter [tilespmem:s16], [sflag:$0x2], $0x80, v4, vm1, $0xb8;
	[tilespmem:$0x19400] =	vst v63  }
0x48b: {  	s17 =	simm.s32 $0x12C00  }
0x48c: {  	[hbm4b:s2+s3] =	stream.indirect_vreg.scatter [tilespmem:s17], [sflag:$0x2], $0x80, v3, vm0, $0xb8;
	[tilespmem:$0x19400] =	vst v63  }
0x48d: {  	s0 =	simm.s32 $0x13400  }
0x48e: {  	[hbm4b:s5+s3] =	stream.indirect_vreg.scatter [tilespmem:s0], [sflag:$0x2], $0x80, v3, vm1, $0xb8;
	[tilespmem:$0x19400] =	vst v63  }
0x48f: {  	v3 =	vld [tilespmem:$0x18450];
	_ =	sdelay $0x4  }
0x490: {  	v21 =	vshrl.u32 v3, $0x3  }
0x491: {  	v4 =	vmul.u32 $0x18, v21  }
0x492: {  	v3 =	vand.u32 $0x7, v3  }
0x493: {  	v3 =	vor.u32 v3, v4  }
0x494: {  	v4 =	vperm.xlane v3, v0;
	_ =	sdelay $0x1  }
0x495: {  	v4 =	vadd.s32 v1, v4;
	_ =	sdelay $0x1  }
0x496: {  	v3 =	vperm.xlane v3, v2;
	_ =	sdelay $0x1  }
0x497: {  	s18 =	simm.s32 $0x13800;
	v3 =	vadd.s32 v1, v3  }
0x498: {  	[hbm4b:s2+s3] =	stream.indirect_vreg.scatter [tilespmem:s18], [sflag:$0x2], $0x80, v4, vm0, $0xb8;
	[tilespmem:$0x19400] =	vst v63  }
0x499: {  	s19 =	simm.s32 $0x14000  }
0x49a: {  	[hbm4b:s5+s3] =	stream.indirect_vreg.scatter [tilespmem:s19], [sflag:$0x2], $0x80, v4, vm1, $0xb8;
	[tilespmem:$0x19400] =	vst v63  }
0x49b: {  	s21 =	simm.s32 $0x14400  }
0x49c: {  	[hbm4b:s2+s3] =	stream.indirect_vreg.scatter [tilespmem:s21], [sflag:$0x2], $0x80, v3, vm0, $0xb8;
	[tilespmem:$0x19400] =	vst v63  }
0x49d: {  	s22 =	simm.s32 $0x14C00  }
0x49e: {  	[hbm4b:s5+s3] =	stream.indirect_vreg.scatter [tilespmem:s22], [sflag:$0x2], $0x80, v3, vm1, $0xb8;
	[tilespmem:$0x19400] =	vst v63  }
0x49f: {  	v3 =	vld [tilespmem:$0x18460];
	_ =	sdelay $0x4  }
0x4a0: {  	v22 =	vshrl.u32 v3, $0x3  }
0x4a1: {  	v4 =	vmul.u32 $0x18, v22  }
0x4a2: {  	v3 =	vand.u32 $0x7, v3  }
0x4a3: {  	v3 =	vor.u32 v3, v4  }
0x4a4: {  	v4 =	vperm.xlane v3, v0;
	_ =	sdelay $0x1  }
0x4a5: {  	v4 =	vadd.s32 v1, v4;
	_ =	sdelay $0x1  }
0x4a6: {  	v3 =	vperm.xlane v3, v2;
	_ =	sdelay $0x1  }
0x4a7: {  	s22 =	simm.s32 $0x15000;
	v3 =	vadd.s32 v1, v3  }
0x4a8: {  	[hbm4b:s2+s3] =	stream.indirect_vreg.scatter [tilespmem:s22], [sflag:$0x2], $0x80, v4, vm0, $0xb8;
	[tilespmem:$0x19400] =	vst v63  }
0x4a9: {  	s23 =	simm.s32 $0x15800  }
0x4aa: {  	[hbm4b:s5+s3] =	stream.indirect_vreg.scatter [tilespmem:s23], [sflag:$0x2], $0x80, v4, vm1, $0xb8;
	[tilespmem:$0x19400] =	vst v63  }
0x4ab: {  	s24 =	simm.s32 $0x15C00  }
0x4ac: {  	[hbm4b:s2+s3] =	stream.indirect_vreg.scatter [tilespmem:s24], [sflag:$0x2], $0x80, v3, vm0, $0xb8;
	[tilespmem:$0x19400] =	vst v63  }
0x4ad: {  	s26 =	simm.s32 $0x16400  }
0x4ae: {  	[hbm4b:s5+s3] =	stream.indirect_vreg.scatter [tilespmem:s26], [sflag:$0x2], $0x80, v3, vm1, $0xb8;
	[tilespmem:$0x19400] =	vst v63  }
0x4af: {  	v3 =	vld [tilespmem:$0x18470];
	_ =	sdelay $0x4  }
0x4b0: {  	v23 =	vshrl.u32 v3, $0x3  }
0x4b1: {  	v4 =	vmul.u32 $0x18, v23  }
0x4b2: {  	v3 =	vand.u32 $0x7, v3  }
0x4b3: {  	v3 =	vor.u32 v3, v4  }
0x4b4: {  	v4 =	vperm.xlane v3, v0;
	_ =	sdelay $0x1  }
0x4b5: {  	v4 =	vadd.s32 v1, v4;
	_ =	sdelay $0x1  }
0x4b6: {  	v3 =	vperm.xlane v3, v2;
	_ =	sdelay $0x1  }
0x4b7: {  	s25 =	simm.s32 $0x16800;
	v3 =	vadd.s32 v1, v3  }
0x4b8: {  	[hbm4b:s2+s3] =	stream.indirect_vreg.scatter [tilespmem:s25], [sflag:$0x2], $0x80, v4, vm0, $0xb8;
	[tilespmem:$0x19400] =	vst v63  }
0x4b9: {  	s26 =	simm.s32 $0x17000  }
0x4ba: {  	[hbm4b:s5+s3] =	stream.indirect_vreg.scatter [tilespmem:s26], [sflag:$0x2], $0x80, v4, vm1, $0xb8;
	[tilespmem:$0x19400] =	vst v63  }
0x4bb: {  	s28 =	simm.s32 $0x17400  }
0x4bc: {  	[hbm4b:s2+s3] =	stream.indirect_vreg.scatter [tilespmem:s28], [sflag:$0x2], $0x80, v3, vm0, $0xb8;
	[tilespmem:$0x19400] =	vst v63  }
0x4bd: {  	s4 =	simm.s32 $0x17C00  }
0x4be: {  	[hbm4b:s5+s3] =	stream.indirect_vreg.scatter [tilespmem:s4], [sflag:$0x2], $0x80, v3, vm1, $0xb8;
	[tilespmem:$0x19400] =	vst v63  }
0x4bf: {  	v3 =	vld [tilespmem:$0x18480];
	_ =	sdelay $0x4  }
0x4c0: {  	v24 =	vshrl.u32 v3, $0x3  }
0x4c1: {  	v4 =	vmul.u32 $0x18, v24  }
0x4c2: {  	v3 =	vand.u32 $0x7, v3  }
0x4c3: {  	v3 =	vor.u32 v3, v4  }
0x4c4: {  	v4 =	vperm.xlane v3, v0;
	_ =	sdelay $0x1  }
0x4c5: {  	v4 =	vadd.s32 v1, v4;
	_ =	sdelay $0x1  }
0x4c6: {  	v3 =	vperm.xlane v3, v2;
	_ =	sdelay $0x1  }
0x4c7: {  	s20 =	simm.s32 $0xC000;
	v3 =	vadd.s32 v1, v3  }
0x4c8: {  	[hbm4b:s2+s3] =	stream.indirect_vreg.scatter [tilespmem:s20], [sflag:$0x2], $0x80, v4, vm0, $0xb8;
	[tilespmem:$0x19400] =	vst v63  }
0x4c9: {  	s30 =	simm.s32 $0xC800  }
0x4ca: {  	[hbm4b:s5+s3] =	stream.indirect_vreg.scatter [tilespmem:s30], [sflag:$0x2], $0x80, v4, vm1, $0xb8;
	[tilespmem:$0x19400] =	vst v63  }
0x4cb: {  	_ = 	snop  }
0x4cc: {  	[hbm4b:s2+s3] =	stream.indirect_vreg.scatter [tilespmem:s1], [sflag:$0x2], $0x80, v3, vm0, $0xb8;
	[tilespmem:$0x19400] =	vst v63  }
0x4cd: {  	s1 =	simm.s32 $0xD400  }
0x4ce: {  	[hbm4b:s5+s3] =	stream.indirect_vreg.scatter [tilespmem:s1], [sflag:$0x2], $0x80, v3, vm1, $0xb8;
	[tilespmem:$0x19400] =	vst v63  }
0x4cf: {  	v3 =	vld [tilespmem:$0x18490];
	_ =	sdelay $0x4  }
0x4d0: {  	v25 =	vshrl.u32 v3, $0x3  }
0x4d1: {  	v4 =	vmul.u32 $0x18, v25  }
0x4d2: {  	v3 =	vand.u32 $0x7, v3  }
0x4d3: {  	v3 =	vor.u32 v3, v4  }
0x4d4: {  	v4 =	vperm.xlane v3, v0;
	_ =	sdelay $0x1  }
0x4d5: {  	v4 =	vadd.s32 v1, v4;
	_ =	sdelay $0x1  }
0x4d6: {  	v3 =	vperm.xlane v3, v2;
	_ =	sdelay $0x1  }
0x4d7: {  	s31 =	simm.s32 $0xD800;
	v3 =	vadd.s32 v1, v3  }
0x4d8: {  	[hbm4b:s2+s3] =	stream.indirect_vreg.scatter [tilespmem:s31], [sflag:$0x2], $0x80, v4, vm0, $0xb8;
	[tilespmem:$0x19400] =	vst v63  }
0x4d9: {  	_ = 	snop  }
0x4da: {  	[hbm4b:s5+s3] =	stream.indirect_vreg.scatter [tilespmem:s6], [sflag:$0x2], $0x80, v4, vm1, $0xb8;
	[tilespmem:$0x19400] =	vst v63  }
0x4db: {  	_ = 	snop  }
0x4dc: {  	[hbm4b:s2+s3] =	stream.indirect_vreg.scatter [tilespmem:s7], [sflag:$0x2], $0x80, v3, vm0, $0xb8;
	[tilespmem:$0x19400] =	vst v63  }
0x4dd: {  	s29 =	simm.s32 $0xEC00  }
0x4de: {  	[hbm4b:s5+s3] =	stream.indirect_vreg.scatter [tilespmem:s29], [sflag:$0x2], $0x80, v3, vm1, $0xb8;
	[tilespmem:$0x19400] =	vst v63  }
0x4df: {  	v3 =	vld [tilespmem:$0x184A0];
	_ =	sdelay $0x4  }
0x4e0: {  	v26 =	vshrl.u32 v3, $0x3  }
0x4e1: {  	v4 =	vmul.u32 $0x18, v26  }
0x4e2: {  	v3 =	vand.u32 $0x7, v3  }
0x4e3: {  	v3 =	vor.u32 v3, v4  }
0x4e4: {  	v4 =	vperm.xlane v3, v0;
	_ =	sdelay $0x1  }
0x4e5: {  	v4 =	vadd.s32 v1, v4;
	_ =	sdelay $0x1  }
0x4e6: {  	v3 =	vperm.xlane v3, v2;
	_ =	sdelay $0x1  }
0x4e7: {  	v3 =	vadd.s32 v1, v3  }
0x4e8: {  	[hbm4b:s2+s3] =	stream.indirect_vreg.scatter [tilespmem:s8], [sflag:$0x2], $0x80, v4, vm0, $0xb8;
	[tilespmem:$0x19400] =	vst v63  }
0x4e9: {  	_ = 	snop  }
0x4ea: {  	[hbm4b:s5+s3] =	stream.indirect_vreg.scatter [tilespmem:s9], [sflag:$0x2], $0x80, v4, vm1, $0xb8;
	[tilespmem:$0x19400] =	vst v63  }
0x4eb: {  	_ = 	snop  }
0x4ec: {  	[hbm4b:s2+s3] =	stream.indirect_vreg.scatter [tilespmem:s10], [sflag:$0x2], $0x80, v3, vm0, $0xb8;
	[tilespmem:$0x19400] =	vst v63  }
0x4ed: {  	s1 =	simm.s32 $0x10400  }
0x4ee: {  	[hbm4b:s5+s3] =	stream.indirect_vreg.scatter [tilespmem:s1], [sflag:$0x2], $0x80, v3, vm1, $0xb8;
	[tilespmem:$0x19400] =	vst v63  }
0x4ef: {  	v3 =	vld [tilespmem:$0x184B0];
	_ =	sdelay $0x4  }
0x4f0: {  	v27 =	vshrl.u32 v3, $0x3  }
0x4f1: {  	v4 =	vmul.u32 $0x18, v27  }
0x4f2: {  	v3 =	vand.u32 $0x7, v3  }
0x4f3: {  	v3 =	vor.u32 v3, v4  }
0x4f4: {  	v4 =	vperm.xlane v3, v0;
	_ =	sdelay $0x1  }
0x4f5: {  	v4 =	vadd.s32 v1, v4;
	_ =	sdelay $0x1  }
0x4f6: {  	v3 =	vperm.xlane v3, v2;
	_ =	sdelay $0x1  }
0x4f7: {  	v3 =	vadd.s32 v1, v3  }
0x4f8: {  	[hbm4b:s2+s3] =	stream.indirect_vreg.scatter [tilespmem:s11], [sflag:$0x2], $0x80, v4, vm0, $0xb8;
	[tilespmem:$0x19400] =	vst v63  }
0x4f9: {  	_ = 	snop  }
0x4fa: {  	[hbm4b:s5+s3] =	stream.indirect_vreg.scatter [tilespmem:s12], [sflag:$0x2], $0x80, v4, vm1, $0xb8;
	[tilespmem:$0x19400] =	vst v63  }
0x4fb: {  	_ = 	snop  }
0x4fc: {  	[hbm4b:s2+s3] =	stream.indirect_vreg.scatter [tilespmem:s13], [sflag:$0x2], $0x80, v3, vm0, $0xb8;
	[tilespmem:$0x19400] =	vst v63  }
0x4fd: {  	s1 =	simm.s32 $0x11C00  }
0x4fe: {  	[hbm4b:s5+s3] =	stream.indirect_vreg.scatter [tilespmem:s1], [sflag:$0x2], $0x80, v3, vm1, $0xb8;
	[tilespmem:$0x19400] =	vst v63  }
0x4ff: {  	v3 =	vld [tilespmem:$0x184C0];
	_ =	sdelay $0x4  }
0x500: {  	v28 =	vshrl.u32 v3, $0x3  }
0x501: {  	v4 =	vmul.u32 $0x18, v28  }
0x502: {  	v3 =	vand.u32 $0x7, v3  }
0x503: {  	v3 =	vor.u32 v3, v4  }
0x504: {  	v4 =	vperm.xlane v3, v0;
	_ =	sdelay $0x1  }
0x505: {  	v4 =	vadd.s32 v1, v4;
	_ =	sdelay $0x1  }
0x506: {  	v3 =	vperm.xlane v3, v2;
	_ =	sdelay $0x1  }
0x507: {  	v3 =	vadd.s32 v1, v3  }
0x508: {  	[hbm4b:s2+s3] =	stream.indirect_vreg.scatter [tilespmem:s15], [sflag:$0x2], $0x80, v4, vm0, $0xb8;
	[tilespmem:$0x19400] =	vst v63  }
0x509: {  	_ = 	snop  }
0x50a: {  	[hbm4b:s5+s3] =	stream.indirect_vreg.scatter [tilespmem:s16], [sflag:$0x2], $0x80, v4, vm1, $0xb8;
	[tilespmem:$0x19400] =	vst v63  }
0x50b: {  	_ = 	snop  }
0x50c: {  	[hbm4b:s2+s3] =	stream.indirect_vreg.scatter [tilespmem:s17], [sflag:$0x2], $0x80, v3, vm0, $0xb8;
	[tilespmem:$0x19400] =	vst v63  }
0x50d: {  	_ = 	snop  }
0x50e: {  	[hbm4b:s5+s3] =	stream.indirect_vreg.scatter [tilespmem:s0], [sflag:$0x2], $0x80, v3, vm1, $0xb8;
	[tilespmem:$0x19400] =	vst v63  }
0x50f: {  	v3 =	vld [tilespmem:$0x184D0];
	_ =	sdelay $0x4  }
0x510: {  	v29 =	vshrl.u32 v3, $0x3  }
0x511: {  	v4 =	vmul.u32 $0x18, v29  }
0x512: {  	v3 =	vand.u32 $0x7, v3  }
0x513: {  	v3 =	vor.u32 v3, v4  }
0x514: {  	v4 =	vperm.xlane v3, v0;
	_ =	sdelay $0x1  }
0x515: {  	v4 =	vadd.s32 v1, v4;
	_ =	sdelay $0x1  }
0x516: {  	v3 =	vperm.xlane v3, v2;
	_ =	sdelay $0x1  }
0x517: {  	v3 =	vadd.s32 v1, v3  }
0x518: {  	[hbm4b:s2+s3] =	stream.indirect_vreg.scatter [tilespmem:s18], [sflag:$0x2], $0x80, v4, vm0, $0xb8;
	[tilespmem:$0x19400] =	vst v63  }
0x519: {  	_ = 	snop  }
0x51a: {  	[hbm4b:s5+s3] =	stream.indirect_vreg.scatter [tilespmem:s19], [sflag:$0x2], $0x80, v4, vm1, $0xb8;
	[tilespmem:$0x19400] =	vst v63  }
0x51b: {  	_ = 	snop  }
0x51c: {  	[hbm4b:s2+s3] =	stream.indirect_vreg.scatter [tilespmem:s21], [sflag:$0x2], $0x80, v3, vm0, $0xb8;
	[tilespmem:$0x19400] =	vst v63  }
0x51d: {  	s0 =	simm.s32 $0x14C00  }
0x51e: {  	[hbm4b:s5+s3] =	stream.indirect_vreg.scatter [tilespmem:s0], [sflag:$0x2], $0x80, v3, vm1, $0xb8;
	[tilespmem:$0x19400] =	vst v63  }
0x51f: {  	v3 =	vld [tilespmem:$0x184E0];
	_ =	sdelay $0x4  }
0x520: {  	v30 =	vshrl.u32 v3, $0x3  }
0x521: {  	v4 =	vmul.u32 $0x18, v30  }
0x522: {  	v3 =	vand.u32 $0x7, v3  }
0x523: {  	v3 =	vor.u32 v3, v4  }
0x524: {  	v4 =	vperm.xlane v3, v0;
	_ =	sdelay $0x1  }
0x525: {  	v4 =	vadd.s32 v1, v4;
	_ =	sdelay $0x1  }
0x526: {  	v3 =	vperm.xlane v3, v2;
	_ =	sdelay $0x1  }
0x527: {  	v3 =	vadd.s32 v1, v3  }
0x528: {  	[hbm4b:s2+s3] =	stream.indirect_vreg.scatter [tilespmem:s22], [sflag:$0x2], $0x80, v4, vm0, $0xb8;
	[tilespmem:$0x19400] =	vst v63  }
0x529: {  	_ = 	snop  }
0x52a: {  	[hbm4b:s5+s3] =	stream.indirect_vreg.scatter [tilespmem:s23], [sflag:$0x2], $0x80, v4, vm1, $0xb8;
	[tilespmem:$0x19400] =	vst v63  }
0x52b: {  	_ = 	snop  }
0x52c: {  	[hbm4b:s2+s3] =	stream.indirect_vreg.scatter [tilespmem:s24], [sflag:$0x2], $0x80, v3, vm0, $0xb8;
	[tilespmem:$0x19400] =	vst v63  }
0x52d: {  	s0 =	simm.s32 $0x16400  }
0x52e: {  	[hbm4b:s5+s3] =	stream.indirect_vreg.scatter [tilespmem:s0], [sflag:$0x2], $0x80, v3, vm1, $0xb8;
	[tilespmem:$0x19400] =	vst v63  }
0x52f: {  	v3 =	vld [tilespmem:$0x184F0];
	_ =	sdelay $0x4  }
0x530: {  	v31 =	vshrl.u32 v3, $0x3  }
0x531: {  	v4 =	vmul.u32 $0x18, v31  }
0x532: {  	v3 =	vand.u32 $0x7, v3  }
0x533: {  	v3 =	vor.u32 v3, v4  }
0x534: {  	v4 =	vperm.xlane v3, v0;
	_ =	sdelay $0x1  }
0x535: {  	v4 =	vadd.s32 v1, v4;
	_ =	sdelay $0x1  }
0x536: {  	v3 =	vperm.xlane v3, v2;
	_ =	sdelay $0x1  }
0x537: {  	v3 =	vadd.s32 v1, v3  }
0x538: {  	[hbm4b:s2+s3] =	stream.indirect_vreg.scatter [tilespmem:s25], [sflag:$0x2], $0x80, v4, vm0, $0xb8;
	[tilespmem:$0x19400] =	vst v63  }
0x539: {  	_ = 	snop  }
0x53a: {  	[hbm4b:s5+s3] =	stream.indirect_vreg.scatter [tilespmem:s26], [sflag:$0x2], $0x80, v4, vm1, $0xb8;
	[tilespmem:$0x19400] =	vst v63  }
0x53b: {  	_ = 	snop  }
0x53c: {  	[hbm4b:s2+s3] =	stream.indirect_vreg.scatter [tilespmem:s28], [sflag:$0x2], $0x80, v3, vm0, $0xb8;
	[tilespmem:$0x19400] =	vst v63  }
0x53d: {  	s4 =	simm.s32 $0x17C00  }
0x53e: {  	[hbm4b:s5+s3] =	stream.indirect_vreg.scatter [tilespmem:s4], [sflag:$0x2], $0x80, v3, vm1, $0xb8;
	[tilespmem:$0x19400] =	vst v63  }
0x53f: {  	v3 =	vld [tilespmem:$0x18500];
	_ =	sdelay $0x4  }
0x540: {  	v32 =	vshrl.u32 v3, $0x3  }
0x541: {  	v4 =	vmul.u32 $0x18, v32  }
0x542: {  	v3 =	vand.u32 $0x7, v3  }
0x543: {  	v3 =	vor.u32 v3, v4  }
0x544: {  	v4 =	vperm.xlane v3, v0;
	_ =	sdelay $0x1  }
0x545: {  	v4 =	vadd.s32 v1, v4;
	_ =	sdelay $0x1  }
0x546: {  	v3 =	vperm.xlane v3, v2;
	_ =	sdelay $0x1  }
0x547: {  	s20 =	simm.s32 $0xC000;
	v3 =	vadd.s32 v1, v3  }
0x548: {  	[hbm4b:s2+s3] =	stream.indirect_vreg.scatter [tilespmem:s20], [sflag:$0x2], $0x80, v4, vm0, $0xb8;
	[tilespmem:$0x19400] =	vst v63  }
0x549: {  	s0 =	simm.s32 $0xC800  }
0x54a: {  	[hbm4b:s5+s3] =	stream.indirect_vreg.scatter [tilespmem:s0], [sflag:$0x2], $0x80, v4, vm1, $0xb8;
	[tilespmem:$0x19400] =	vst v63  }
0x54b: {  	s0 =	simm.s32 $0xCC00  }
0x54c: {  	[hbm4b:s2+s3] =	stream.indirect_vreg.scatter [tilespmem:s0], [sflag:$0x2], $0x80, v3, vm0, $0xb8;
	[tilespmem:$0x19400] =	vst v63  }
0x54d: {  	s30 =	simm.s32 $0xD400  }
0x54e: {  	[hbm4b:s5+s3] =	stream.indirect_vreg.scatter [tilespmem:s30], [sflag:$0x2], $0x80, v3, vm1, $0xb8;
	[tilespmem:$0x19400] =	vst v63  }
0x54f: {  	v3 =	vld [tilespmem:$0x18510];
	_ =	sdelay $0x4  }
0x550: {  	v33 =	vshrl.u32 v3, $0x3  }
0x551: {  	v4 =	vmul.u32 $0x18, v33  }
0x552: {  	v3 =	vand.u32 $0x7, v3  }
0x553: {  	v3 =	vor.u32 v3, v4  }
0x554: {  	v4 =	vperm.xlane v3, v0;
	_ =	sdelay $0x1  }
0x555: {  	v4 =	vadd.s32 v1, v4;
	_ =	sdelay $0x1  }
0x556: {  	v3 =	vperm.xlane v3, v2;
	_ =	sdelay $0x1  }
0x557: {  	s0 =	simm.s32 $0xD800;
	v3 =	vadd.s32 v1, v3  }
0x558: {  	[hbm4b:s2+s3] =	stream.indirect_vreg.scatter [tilespmem:s0], [sflag:$0x2], $0x80, v4, vm0, $0xb8;
	[tilespmem:$0x19400] =	vst v63  }
0x559: {  	s6 =	simm.s32 $0xE000  }
0x55a: {  	[hbm4b:s5+s3] =	stream.indirect_vreg.scatter [tilespmem:s6], [sflag:$0x2], $0x80, v4, vm1, $0xb8;
	[tilespmem:$0x19400] =	vst v63  }
0x55b: {  	s7 =	simm.s32 $0xE400  }
0x55c: {  	[hbm4b:s2+s3] =	stream.indirect_vreg.scatter [tilespmem:s7], [sflag:$0x2], $0x80, v3, vm0, $0xb8;
	[tilespmem:$0x19400] =	vst v63  }
0x55d: {  	s31 =	simm.s32 $0xEC00  }
0x55e: {  	[hbm4b:s5+s3] =	stream.indirect_vreg.scatter [tilespmem:s31], [sflag:$0x2], $0x80, v3, vm1, $0xb8;
	[tilespmem:$0x19400] =	vst v63  }
0x55f: {  	v3 =	vld [tilespmem:$0x18520];
	_ =	sdelay $0x4  }
0x560: {  	v34 =	vshrl.u32 v3, $0x3  }
0x561: {  	v4 =	vmul.u32 $0x18, v34  }
0x562: {  	v3 =	vand.u32 $0x7, v3  }
0x563: {  	v3 =	vor.u32 v3, v4  }
0x564: {  	v4 =	vperm.xlane v3, v0;
	_ =	sdelay $0x1  }
0x565: {  	v4 =	vadd.s32 v1, v4;
	_ =	sdelay $0x1  }
0x566: {  	v3 =	vperm.xlane v3, v2;
	_ =	sdelay $0x1  }
0x567: {  	s8 =	simm.s32 $0xF000;
	v3 =	vadd.s32 v1, v3  }
0x568: {  	[hbm4b:s2+s3] =	stream.indirect_vreg.scatter [tilespmem:s8], [sflag:$0x2], $0x80, v4, vm0, $0xb8;
	[tilespmem:$0x19400] =	vst v63  }
0x569: {  	s9 =	simm.s32 $0xF800  }
0x56a: {  	[hbm4b:s5+s3] =	stream.indirect_vreg.scatter [tilespmem:s9], [sflag:$0x2], $0x80, v4, vm1, $0xb8;
	[tilespmem:$0x19400] =	vst v63  }
0x56b: {  	s10 =	simm.s32 $0xFC00  }
0x56c: {  	[hbm4b:s2+s3] =	stream.indirect_vreg.scatter [tilespmem:s10], [sflag:$0x2], $0x80, v3, vm0, $0xb8;
	[tilespmem:$0x19400] =	vst v63  }
0x56d: {  	s29 =	simm.s32 $0x10400  }
0x56e: {  	[hbm4b:s5+s3] =	stream.indirect_vreg.scatter [tilespmem:s29], [sflag:$0x2], $0x80, v3, vm1, $0xb8;
	[tilespmem:$0x19400] =	vst v63  }
0x56f: {  	v3 =	vld [tilespmem:$0x18530];
	_ =	sdelay $0x4  }
0x570: {  	v35 =	vshrl.u32 v3, $0x3  }
0x571: {  	v4 =	vmul.u32 $0x18, v35  }
0x572: {  	v3 =	vand.u32 $0x7, v3  }
0x573: {  	v3 =	vor.u32 v3, v4  }
0x574: {  	v4 =	vperm.xlane v3, v0;
	_ =	sdelay $0x1  }
0x575: {  	v4 =	vadd.s32 v1, v4;
	_ =	sdelay $0x1  }
0x576: {  	v3 =	vperm.xlane v3, v2;
	_ =	sdelay $0x1  }
0x577: {  	s11 =	simm.s32 $0x10800;
	v3 =	vadd.s32 v1, v3  }
0x578: {  	[hbm4b:s2+s3] =	stream.indirect_vreg.scatter [tilespmem:s11], [sflag:$0x2], $0x80, v4, vm0, $0xb8;
	[tilespmem:$0x19400] =	vst v63  }
0x579: {  	s12 =	simm.s32 $0x11000  }
0x57a: {  	[hbm4b:s5+s3] =	stream.indirect_vreg.scatter [tilespmem:s12], [sflag:$0x2], $0x80, v4, vm1, $0xb8;
	[tilespmem:$0x19400] =	vst v63  }
0x57b: {  	s13 =	simm.s32 $0x11400  }
0x57c: {  	[hbm4b:s2+s3] =	stream.indirect_vreg.scatter [tilespmem:s13], [sflag:$0x2], $0x80, v3, vm0, $0xb8;
	[tilespmem:$0x19400] =	vst v63  }
0x57d: {  	s0 =	simm.s32 $0x11C00  }
0x57e: {  	[hbm4b:s5+s3] =	stream.indirect_vreg.scatter [tilespmem:s0], [sflag:$0x2], $0x80, v3, vm1, $0xb8;
	[tilespmem:$0x19400] =	vst v63  }
0x57f: {  	v3 =	vld [tilespmem:$0x18540];
	_ =	sdelay $0x4  }
0x580: {  	v36 =	vshrl.u32 v3, $0x3  }
0x581: {  	v4 =	vmul.u32 $0x18, v36  }
0x582: {  	v3 =	vand.u32 $0x7, v3  }
0x583: {  	v3 =	vor.u32 v3, v4  }
0x584: {  	v4 =	vperm.xlane v3, v0;
	_ =	sdelay $0x1  }
0x585: {  	v4 =	vadd.s32 v1, v4;
	_ =	sdelay $0x1  }
0x586: {  	v3 =	vperm.xlane v3, v2;
	_ =	sdelay $0x1  }
0x587: {  	s15 =	simm.s32 $0x12000;
	v3 =	vadd.s32 v1, v3  }
0x588: {  	[hbm4b:s2+s3] =	stream.indirect_vreg.scatter [tilespmem:s15], [sflag:$0x2], $0x80, v4, vm0, $0xb8;
	[tilespmem:$0x19400] =	vst v63  }
0x589: {  	s16 =	simm.s32 $0x12800  }
0x58a: {  	[hbm4b:s5+s3] =	stream.indirect_vreg.scatter [tilespmem:s16], [sflag:$0x2], $0x80, v4, vm1, $0xb8;
	[tilespmem:$0x19400] =	vst v63  }
0x58b: {  	s17 =	simm.s32 $0x12C00  }
0x58c: {  	[hbm4b:s2+s3] =	stream.indirect_vreg.scatter [tilespmem:s17], [sflag:$0x2], $0x80, v3, vm0, $0xb8;
	[tilespmem:$0x19400] =	vst v63  }
0x58d: {  	s0 =	simm.s32 $0x13400  }
0x58e: {  	[hbm4b:s5+s3] =	stream.indirect_vreg.scatter [tilespmem:s0], [sflag:$0x2], $0x80, v3, vm1, $0xb8;
	[tilespmem:$0x19400] =	vst v63  }
0x58f: {  	v3 =	vld [tilespmem:$0x18550];
	_ =	sdelay $0x4  }
0x590: {  	v37 =	vshrl.u32 v3, $0x3  }
0x591: {  	v4 =	vmul.u32 $0x18, v37  }
0x592: {  	v3 =	vand.u32 $0x7, v3  }
0x593: {  	v3 =	vor.u32 v3, v4  }
0x594: {  	v4 =	vperm.xlane v3, v0;
	_ =	sdelay $0x1  }
0x595: {  	v4 =	vadd.s32 v1, v4;
	_ =	sdelay $0x1  }
0x596: {  	v3 =	vperm.xlane v3, v2;
	_ =	sdelay $0x1  }
0x597: {  	s18 =	simm.s32 $0x13800;
	v3 =	vadd.s32 v1, v3  }
0x598: {  	[hbm4b:s2+s3] =	stream.indirect_vreg.scatter [tilespmem:s18], [sflag:$0x2], $0x80, v4, vm0, $0xb8;
	[tilespmem:$0x19400] =	vst v63  }
0x599: {  	s19 =	simm.s32 $0x14000  }
0x59a: {  	[hbm4b:s5+s3] =	stream.indirect_vreg.scatter [tilespmem:s19], [sflag:$0x2], $0x80, v4, vm1, $0xb8;
	[tilespmem:$0x19400] =	vst v63  }
0x59b: {  	s21 =	simm.s32 $0x14400  }
0x59c: {  	[hbm4b:s2+s3] =	stream.indirect_vreg.scatter [tilespmem:s21], [sflag:$0x2], $0x80, v3, vm0, $0xb8;
	[tilespmem:$0x19400] =	vst v63  }
0x59d: {  	s0 =	simm.s32 $0x14C00  }
0x59e: {  	[hbm4b:s5+s3] =	stream.indirect_vreg.scatter [tilespmem:s0], [sflag:$0x2], $0x80, v3, vm1, $0xb8;
	[tilespmem:$0x19400] =	vst v63  }
0x59f: {  	v3 =	vld [tilespmem:$0x18560];
	_ =	sdelay $0x4  }
0x5a0: {  	v38 =	vshrl.u32 v3, $0x3  }
0x5a1: {  	v4 =	vmul.u32 $0x18, v38  }
0x5a2: {  	v3 =	vand.u32 $0x7, v3  }
0x5a3: {  	v3 =	vor.u32 v3, v4  }
0x5a4: {  	v4 =	vperm.xlane v3, v0;
	_ =	sdelay $0x1  }
0x5a5: {  	v4 =	vadd.s32 v1, v4;
	_ =	sdelay $0x1  }
0x5a6: {  	v3 =	vperm.xlane v3, v2;
	_ =	sdelay $0x1  }
0x5a7: {  	s22 =	simm.s32 $0x15000;
	v3 =	vadd.s32 v1, v3  }
0x5a8: {  	[hbm4b:s2+s3] =	stream.indirect_vreg.scatter [tilespmem:s22], [sflag:$0x2], $0x80, v4, vm0, $0xb8;
	[tilespmem:$0x19400] =	vst v63  }
0x5a9: {  	s23 =	simm.s32 $0x15800  }
0x5aa: {  	[hbm4b:s5+s3] =	stream.indirect_vreg.scatter [tilespmem:s23], [sflag:$0x2], $0x80, v4, vm1, $0xb8;
	[tilespmem:$0x19400] =	vst v63  }
0x5ab: {  	s24 =	simm.s32 $0x15C00  }
0x5ac: {  	[hbm4b:s2+s3] =	stream.indirect_vreg.scatter [tilespmem:s24], [sflag:$0x2], $0x80, v3, vm0, $0xb8;
	[tilespmem:$0x19400] =	vst v63  }
0x5ad: {  	s0 =	simm.s32 $0x16400  }
0x5ae: {  	[hbm4b:s5+s3] =	stream.indirect_vreg.scatter [tilespmem:s0], [sflag:$0x2], $0x80, v3, vm1, $0xb8;
	[tilespmem:$0x19400] =	vst v63  }
0x5af: {  	v3 =	vld [tilespmem:$0x18570];
	_ =	sdelay $0x4  }
0x5b0: {  	v39 =	vshrl.u32 v3, $0x3  }
0x5b1: {  	v4 =	vmul.u32 $0x18, v39  }
0x5b2: {  	v3 =	vand.u32 $0x7, v3  }
0x5b3: {  	v3 =	vor.u32 v3, v4  }
0x5b4: {  	v4 =	vperm.xlane v3, v0;
	_ =	sdelay $0x1  }
0x5b5: {  	v4 =	vadd.s32 v1, v4;
	_ =	sdelay $0x1  }
0x5b6: {  	v3 =	vperm.xlane v3, v2;
	_ =	sdelay $0x1  }
0x5b7: {  	s25 =	simm.s32 $0x16800;
	v3 =	vadd.s32 v1, v3  }
0x5b8: {  	[hbm4b:s2+s3] =	stream.indirect_vreg.scatter [tilespmem:s25], [sflag:$0x2], $0x80, v4, vm0, $0xb8;
	[tilespmem:$0x19400] =	vst v63  }
0x5b9: {  	s26 =	simm.s32 $0x17000  }
0x5ba: {  	[hbm4b:s5+s3] =	stream.indirect_vreg.scatter [tilespmem:s26], [sflag:$0x2], $0x80, v4, vm1, $0xb8;
	[tilespmem:$0x19400] =	vst v63  }
0x5bb: {  	s28 =	simm.s32 $0x17400  }
0x5bc: {  	[hbm4b:s2+s3] =	stream.indirect_vreg.scatter [tilespmem:s28], [sflag:$0x2], $0x80, v3, vm0, $0xb8;
	[tilespmem:$0x19400] =	vst v63  }
0x5bd: {  	s4 =	simm.s32 $0x17C00  }
0x5be: {  	[hbm4b:s5+s3] =	stream.indirect_vreg.scatter [tilespmem:s4], [sflag:$0x2], $0x80, v3, vm1, $0xb8;
	[tilespmem:$0x19400] =	vst v63  }
0x5bf: {  	v3 =	vld [tilespmem:$0x18580];
	_ =	sdelay $0x4  }
0x5c0: {  	v40 =	vshrl.u32 v3, $0x3  }
0x5c1: {  	v4 =	vmul.u32 $0x18, v40  }
0x5c2: {  	v3 =	vand.u32 $0x7, v3  }
0x5c3: {  	v3 =	vor.u32 v3, v4  }
0x5c4: {  	v4 =	vperm.xlane v3, v0;
	_ =	sdelay $0x1  }
0x5c5: {  	v4 =	vadd.s32 v1, v4;
	_ =	sdelay $0x1  }
0x5c6: {  	v3 =	vperm.xlane v3, v2;
	_ =	sdelay $0x1  }
0x5c7: {  	s20 =	simm.s32 $0xC000;
	v3 =	vadd.s32 v1, v3  }
0x5c8: {  	[hbm4b:s2+s3] =	stream.indirect_vreg.scatter [tilespmem:s20], [sflag:$0x2], $0x80, v4, vm0, $0xb8;
	[tilespmem:$0x19400] =	vst v63  }
0x5c9: {  	s0 =	simm.s32 $0xC800  }
0x5ca: {  	[hbm4b:s5+s3] =	stream.indirect_vreg.scatter [tilespmem:s0], [sflag:$0x2], $0x80, v4, vm1, $0xb8;
	[tilespmem:$0x19400] =	vst v63  }
0x5cb: {  	s1 =	simm.s32 $0xCC00  }
0x5cc: {  	[hbm4b:s2+s3] =	stream.indirect_vreg.scatter [tilespmem:s1], [sflag:$0x2], $0x80, v3, vm0, $0xb8;
	[tilespmem:$0x19400] =	vst v63  }
0x5cd: {  	s30 =	simm.s32 $0xD400  }
0x5ce: {  	[hbm4b:s5+s3] =	stream.indirect_vreg.scatter [tilespmem:s30], [sflag:$0x2], $0x80, v3, vm1, $0xb8;
	[tilespmem:$0x19400] =	vst v63  }
0x5cf: {  	v3 =	vld [tilespmem:$0x18590];
	_ =	sdelay $0x4  }
0x5d0: {  	v41 =	vshrl.u32 v3, $0x3  }
0x5d1: {  	v4 =	vmul.u32 $0x18, v41  }
0x5d2: {  	v3 =	vand.u32 $0x7, v3  }
0x5d3: {  	v3 =	vor.u32 v3, v4  }
0x5d4: {  	v4 =	vperm.xlane v3, v0;
	_ =	sdelay $0x1  }
0x5d5: {  	v4 =	vadd.s32 v1, v4;
	_ =	sdelay $0x1  }
0x5d6: {  	v3 =	vperm.xlane v3, v2;
	_ =	sdelay $0x1  }
0x5d7: {  	s0 =	simm.s32 $0xD800;
	v3 =	vadd.s32 v1, v3  }
0x5d8: {  	[hbm4b:s2+s3] =	stream.indirect_vreg.scatter [tilespmem:s0], [sflag:$0x2], $0x80, v4, vm0, $0xb8;
	[tilespmem:$0x19400] =	vst v63  }
0x5d9: {  	s6 =	simm.s32 $0xE000  }
0x5da: {  	[hbm4b:s5+s3] =	stream.indirect_vreg.scatter [tilespmem:s6], [sflag:$0x2], $0x80, v4, vm1, $0xb8;
	[tilespmem:$0x19400] =	vst v63  }
0x5db: {  	s7 =	simm.s32 $0xE400  }
0x5dc: {  	[hbm4b:s2+s3] =	stream.indirect_vreg.scatter [tilespmem:s7], [sflag:$0x2], $0x80, v3, vm0, $0xb8;
	[tilespmem:$0x19400] =	vst v63  }
0x5dd: {  	s31 =	simm.s32 $0xEC00  }
0x5de: {  	[hbm4b:s5+s3] =	stream.indirect_vreg.scatter [tilespmem:s31], [sflag:$0x2], $0x80, v3, vm1, $0xb8;
	[tilespmem:$0x19400] =	vst v63  }
0x5df: {  	v3 =	vld [tilespmem:$0x185A0];
	_ =	sdelay $0x4  }
0x5e0: {  	v42 =	vshrl.u32 v3, $0x3  }
0x5e1: {  	v4 =	vmul.u32 $0x18, v42  }
0x5e2: {  	v3 =	vand.u32 $0x7, v3  }
0x5e3: {  	v3 =	vor.u32 v3, v4  }
0x5e4: {  	v4 =	vperm.xlane v3, v0;
	_ =	sdelay $0x1  }
0x5e5: {  	v4 =	vadd.s32 v1, v4;
	_ =	sdelay $0x1  }
0x5e6: {  	v3 =	vperm.xlane v3, v2;
	_ =	sdelay $0x1  }
0x5e7: {  	s8 =	simm.s32 $0xF000;
	v3 =	vadd.s32 v1, v3  }
0x5e8: {  	[hbm4b:s2+s3] =	stream.indirect_vreg.scatter [tilespmem:s8], [sflag:$0x2], $0x80, v4, vm0, $0xb8;
	[tilespmem:$0x19400] =	vst v63  }
0x5e9: {  	s9 =	simm.s32 $0xF800  }
0x5ea: {  	[hbm4b:s5+s3] =	stream.indirect_vreg.scatter [tilespmem:s9], [sflag:$0x2], $0x80, v4, vm1, $0xb8;
	[tilespmem:$0x19400] =	vst v63  }
0x5eb: {  	s10 =	simm.s32 $0xFC00  }
0x5ec: {  	[hbm4b:s2+s3] =	stream.indirect_vreg.scatter [tilespmem:s10], [sflag:$0x2], $0x80, v3, vm0, $0xb8;
	[tilespmem:$0x19400] =	vst v63  }
0x5ed: {  	s29 =	simm.s32 $0x10400  }
0x5ee: {  	[hbm4b:s5+s3] =	stream.indirect_vreg.scatter [tilespmem:s29], [sflag:$0x2], $0x80, v3, vm1, $0xb8;
	[tilespmem:$0x19400] =	vst v63  }
0x5ef: {  	v3 =	vld [tilespmem:$0x185B0];
	_ =	sdelay $0x4  }
0x5f0: {  	v43 =	vshrl.u32 v3, $0x3  }
0x5f1: {  	v4 =	vmul.u32 $0x18, v43  }
0x5f2: {  	v3 =	vand.u32 $0x7, v3  }
0x5f3: {  	v3 =	vor.u32 v3, v4  }
0x5f4: {  	v4 =	vperm.xlane v3, v0;
	_ =	sdelay $0x1  }
0x5f5: {  	v4 =	vadd.s32 v1, v4;
	_ =	sdelay $0x1  }
0x5f6: {  	v3 =	vperm.xlane v3, v2;
	_ =	sdelay $0x1  }
0x5f7: {  	s11 =	simm.s32 $0x10800;
	v3 =	vadd.s32 v1, v3  }
0x5f8: {  	[hbm4b:s2+s3] =	stream.indirect_vreg.scatter [tilespmem:s11], [sflag:$0x2], $0x80, v4, vm0, $0xb8;
	[tilespmem:$0x19400] =	vst v63  }
0x5f9: {  	s12 =	simm.s32 $0x11000  }
0x5fa: {  	[hbm4b:s5+s3] =	stream.indirect_vreg.scatter [tilespmem:s12], [sflag:$0x2], $0x80, v4, vm1, $0xb8;
	[tilespmem:$0x19400] =	vst v63  }
0x5fb: {  	s13 =	simm.s32 $0x11400  }
0x5fc: {  	[hbm4b:s2+s3] =	stream.indirect_vreg.scatter [tilespmem:s13], [sflag:$0x2], $0x80, v3, vm0, $0xb8;
	[tilespmem:$0x19400] =	vst v63  }
0x5fd: {  	s29 =	simm.s32 $0x11C00  }
0x5fe: {  	[hbm4b:s5+s3] =	stream.indirect_vreg.scatter [tilespmem:s29], [sflag:$0x2], $0x80, v3, vm1, $0xb8;
	[tilespmem:$0x19400] =	vst v63  }
0x5ff: {  	v3 =	vld [tilespmem:$0x185C0];
	_ =	sdelay $0x4  }
0x600: {  	v44 =	vshrl.u32 v3, $0x3  }
0x601: {  	v4 =	vmul.u32 $0x18, v44  }
0x602: {  	v3 =	vand.u32 $0x7, v3  }
0x603: {  	v3 =	vor.u32 v3, v4  }
0x604: {  	v4 =	vperm.xlane v3, v0;
	_ =	sdelay $0x1  }
0x605: {  	v4 =	vadd.s32 v1, v4;
	_ =	sdelay $0x1  }
0x606: {  	v3 =	vperm.xlane v3, v2;
	_ =	sdelay $0x1  }
0x607: {  	s15 =	simm.s32 $0x12000;
	v3 =	vadd.s32 v1, v3  }
0x608: {  	[hbm4b:s2+s3] =	stream.indirect_vreg.scatter [tilespmem:s15], [sflag:$0x2], $0x80, v4, vm0, $0xb8;
	[tilespmem:$0x19400] =	vst v63  }
0x609: {  	s16 =	simm.s32 $0x12800  }
0x60a: {  	[hbm4b:s5+s3] =	stream.indirect_vreg.scatter [tilespmem:s16], [sflag:$0x2], $0x80, v4, vm1, $0xb8;
	[tilespmem:$0x19400] =	vst v63  }
0x60b: {  	s17 =	simm.s32 $0x12C00  }
0x60c: {  	[hbm4b:s2+s3] =	stream.indirect_vreg.scatter [tilespmem:s17], [sflag:$0x2], $0x80, v3, vm0, $0xb8;
	[tilespmem:$0x19400] =	vst v63  }
0x60d: {  	s29 =	simm.s32 $0x13400  }
0x60e: {  	[hbm4b:s5+s3] =	stream.indirect_vreg.scatter [tilespmem:s29], [sflag:$0x2], $0x80, v3, vm1, $0xb8;
	[tilespmem:$0x19400] =	vst v63  }
0x60f: {  	v3 =	vld [tilespmem:$0x185D0];
	_ =	sdelay $0x4  }
0x610: {  	v45 =	vshrl.u32 v3, $0x3  }
0x611: {  	v4 =	vmul.u32 $0x18, v45  }
0x612: {  	v3 =	vand.u32 $0x7, v3  }
0x613: {  	v3 =	vor.u32 v3, v4  }
0x614: {  	v4 =	vperm.xlane v3, v0;
	_ =	sdelay $0x1  }
0x615: {  	v4 =	vadd.s32 v1, v4;
	_ =	sdelay $0x1  }
0x616: {  	v3 =	vperm.xlane v3, v2;
	_ =	sdelay $0x1  }
0x617: {  	s18 =	simm.s32 $0x13800;
	v3 =	vadd.s32 v1, v3  }
0x618: {  	[hbm4b:s2+s3] =	stream.indirect_vreg.scatter [tilespmem:s18], [sflag:$0x2], $0x80, v4, vm0, $0xb8;
	[tilespmem:$0x19400] =	vst v63  }
0x619: {  	s19 =	simm.s32 $0x14000  }
0x61a: {  	[hbm4b:s5+s3] =	stream.indirect_vreg.scatter [tilespmem:s19], [sflag:$0x2], $0x80, v4, vm1, $0xb8;
	[tilespmem:$0x19400] =	vst v63  }
0x61b: {  	s21 =	simm.s32 $0x14400  }
0x61c: {  	[hbm4b:s2+s3] =	stream.indirect_vreg.scatter [tilespmem:s21], [sflag:$0x2], $0x80, v3, vm0, $0xb8;
	[tilespmem:$0x19400] =	vst v63  }
0x61d: {  	s29 =	simm.s32 $0x14C00  }
0x61e: {  	[hbm4b:s5+s3] =	stream.indirect_vreg.scatter [tilespmem:s29], [sflag:$0x2], $0x80, v3, vm1, $0xb8;
	[tilespmem:$0x19400] =	vst v63  }
0x61f: {  	v3 =	vld [tilespmem:$0x185E0];
	_ =	sdelay $0x4  }
0x620: {  	v46 =	vshrl.u32 v3, $0x3  }
0x621: {  	v4 =	vmul.u32 $0x18, v46  }
0x622: {  	v3 =	vand.u32 $0x7, v3  }
0x623: {  	v3 =	vor.u32 v3, v4  }
0x624: {  	v4 =	vperm.xlane v3, v0;
	_ =	sdelay $0x1  }
0x625: {  	v4 =	vadd.s32 v1, v4;
	_ =	sdelay $0x1  }
0x626: {  	v3 =	vperm.xlane v3, v2;
	_ =	sdelay $0x1  }
0x627: {  	s22 =	simm.s32 $0x15000;
	v3 =	vadd.s32 v1, v3  }
0x628: {  	[hbm4b:s2+s3] =	stream.indirect_vreg.scatter [tilespmem:s22], [sflag:$0x2], $0x80, v4, vm0, $0xb8;
	[tilespmem:$0x19400] =	vst v63  }
0x629: {  	s23 =	simm.s32 $0x15800  }
0x62a: {  	[hbm4b:s5+s3] =	stream.indirect_vreg.scatter [tilespmem:s23], [sflag:$0x2], $0x80, v4, vm1, $0xb8;
	[tilespmem:$0x19400] =	vst v63  }
0x62b: {  	s24 =	simm.s32 $0x15C00  }
0x62c: {  	[hbm4b:s2+s3] =	stream.indirect_vreg.scatter [tilespmem:s24], [sflag:$0x2], $0x80, v3, vm0, $0xb8;
	[tilespmem:$0x19400] =	vst v63  }
0x62d: {  	s29 =	simm.s32 $0x16400  }
0x62e: {  	[hbm4b:s5+s3] =	stream.indirect_vreg.scatter [tilespmem:s29], [sflag:$0x2], $0x80, v3, vm1, $0xb8;
	[tilespmem:$0x19400] =	vst v63  }
0x62f: {  	v3 =	vld [tilespmem:$0x185F0];
	_ =	sdelay $0x4  }
0x630: {  	v47 =	vshrl.u32 v3, $0x3  }
0x631: {  	v4 =	vmul.u32 $0x18, v47  }
0x632: {  	v3 =	vand.u32 $0x7, v3  }
0x633: {  	v3 =	vor.u32 v3, v4  }
0x634: {  	v4 =	vperm.xlane v3, v0;
	_ =	sdelay $0x1  }
0x635: {  	v4 =	vadd.s32 v1, v4;
	_ =	sdelay $0x1  }
0x636: {  	v3 =	vperm.xlane v3, v2;
	_ =	sdelay $0x1  }
0x637: {  	s25 =	simm.s32 $0x16800;
	v3 =	vadd.s32 v1, v3  }
0x638: {  	[hbm4b:s2+s3] =	stream.indirect_vreg.scatter [tilespmem:s25], [sflag:$0x2], $0x80, v4, vm0, $0xb8;
	[tilespmem:$0x19400] =	vst v63  }
0x639: {  	s26 =	simm.s32 $0x17000  }
0x63a: {  	[hbm4b:s5+s3] =	stream.indirect_vreg.scatter [tilespmem:s26], [sflag:$0x2], $0x80, v4, vm1, $0xb8;
	[tilespmem:$0x19400] =	vst v63  }
0x63b: {  	s28 =	simm.s32 $0x17400  }
0x63c: {  	[hbm4b:s2+s3] =	stream.indirect_vreg.scatter [tilespmem:s28], [sflag:$0x2], $0x80, v3, vm0, $0xb8;
	[tilespmem:$0x19400] =	vst v63  }
0x63d: {  	s4 =	simm.s32 $0x17C00  }
0x63e: {  	[hbm4b:s5+s3] =	stream.indirect_vreg.scatter [tilespmem:s4], [sflag:$0x2], $0x80, v3, vm1, $0xb8;
	[tilespmem:$0x19400] =	vst v63  }
0x63f: {  	v3 =	vld [tilespmem:$0x18600];
	_ =	sdelay $0x4  }
0x640: {  	v48 =	vshrl.u32 v3, $0x3  }
0x641: {  	v4 =	vmul.u32 $0x18, v48  }
0x642: {  	v3 =	vand.u32 $0x7, v3  }
0x643: {  	v3 =	vor.u32 v3, v4  }
0x644: {  	v4 =	vperm.xlane v3, v0;
	_ =	sdelay $0x1  }
0x645: {  	v4 =	vadd.s32 v1, v4;
	_ =	sdelay $0x1  }
0x646: {  	v3 =	vperm.xlane v3, v2;
	_ =	sdelay $0x1  }
0x647: {  	s20 =	simm.s32 $0xC000;
	v3 =	vadd.s32 v1, v3  }
0x648: {  	[hbm4b:s2+s3] =	stream.indirect_vreg.scatter [tilespmem:s20], [sflag:$0x2], $0x80, v4, vm0, $0xb8;
	[tilespmem:$0x19400] =	vst v63  }
0x649: {  	s29 =	simm.s32 $0xC800  }
0x64a: {  	[hbm4b:s5+s3] =	stream.indirect_vreg.scatter [tilespmem:s29], [sflag:$0x2], $0x80, v4, vm1, $0xb8;
	[tilespmem:$0x19400] =	vst v63  }
0x64b: {  	s1 =	simm.s32 $0xCC00  }
0x64c: {  	[hbm4b:s2+s3] =	stream.indirect_vreg.scatter [tilespmem:s1], [sflag:$0x2], $0x80, v3, vm0, $0xb8;
	[tilespmem:$0x19400] =	vst v63  }
0x64d: {  	s30 =	simm.s32 $0xD400  }
0x64e: {  	[hbm4b:s5+s3] =	stream.indirect_vreg.scatter [tilespmem:s30], [sflag:$0x2], $0x80, v3, vm1, $0xb8;
	[tilespmem:$0x19400] =	vst v63  }
0x64f: {  	v3 =	vld [tilespmem:$0x18610];
	_ =	sdelay $0x4  }
0x650: {  	v49 =	vshrl.u32 v3, $0x3  }
0x651: {  	v4 =	vmul.u32 $0x18, v49  }
0x652: {  	v3 =	vand.u32 $0x7, v3  }
0x653: {  	v3 =	vor.u32 v3, v4  }
0x654: {  	v4 =	vperm.xlane v3, v0;
	_ =	sdelay $0x1  }
0x655: {  	v4 =	vadd.s32 v1, v4;
	_ =	sdelay $0x1  }
0x656: {  	v3 =	vperm.xlane v3, v2;
	_ =	sdelay $0x1  }
0x657: {  	s30 =	simm.s32 $0xD800;
	v3 =	vadd.s32 v1, v3  }
0x658: {  	[hbm4b:s2+s3] =	stream.indirect_vreg.scatter [tilespmem:s30], [sflag:$0x2], $0x80, v4, vm0, $0xb8;
	[tilespmem:$0x19400] =	vst v63  }
0x659: {  	s6 =	simm.s32 $0xE000  }
0x65a: {  	[hbm4b:s5+s3] =	stream.indirect_vreg.scatter [tilespmem:s6], [sflag:$0x2], $0x80, v4, vm1, $0xb8;
	[tilespmem:$0x19400] =	vst v63  }
0x65b: {  	s7 =	simm.s32 $0xE400  }
0x65c: {  	[hbm4b:s2+s3] =	stream.indirect_vreg.scatter [tilespmem:s7], [sflag:$0x2], $0x80, v3, vm0, $0xb8;
	[tilespmem:$0x19400] =	vst v63  }
0x65d: {  	s31 =	simm.s32 $0xEC00  }
0x65e: {  	[hbm4b:s5+s3] =	stream.indirect_vreg.scatter [tilespmem:s31], [sflag:$0x2], $0x80, v3, vm1, $0xb8;
	[tilespmem:$0x19400] =	vst v63  }
0x65f: {  	v3 =	vld [tilespmem:$0x18620];
	_ =	sdelay $0x4  }
0x660: {  	v50 =	vshrl.u32 v3, $0x3  }
0x661: {  	v4 =	vmul.u32 $0x18, v50  }
0x662: {  	v3 =	vand.u32 $0x7, v3  }
0x663: {  	v3 =	vor.u32 v3, v4  }
0x664: {  	v4 =	vperm.xlane v3, v0;
	_ =	sdelay $0x1  }
0x665: {  	v4 =	vadd.s32 v1, v4;
	_ =	sdelay $0x1  }
0x666: {  	v3 =	vperm.xlane v3, v2;
	_ =	sdelay $0x1  }
0x667: {  	s8 =	simm.s32 $0xF000;
	v3 =	vadd.s32 v1, v3  }
0x668: {  	[hbm4b:s2+s3] =	stream.indirect_vreg.scatter [tilespmem:s8], [sflag:$0x2], $0x80, v4, vm0, $0xb8;
	[tilespmem:$0x19400] =	vst v63  }
0x669: {  	s9 =	simm.s32 $0xF800  }
0x66a: {  	[hbm4b:s5+s3] =	stream.indirect_vreg.scatter [tilespmem:s9], [sflag:$0x2], $0x80, v4, vm1, $0xb8;
	[tilespmem:$0x19400] =	vst v63  }
0x66b: {  	s10 =	simm.s32 $0xFC00  }
0x66c: {  	[hbm4b:s2+s3] =	stream.indirect_vreg.scatter [tilespmem:s10], [sflag:$0x2], $0x80, v3, vm0, $0xb8;
	[tilespmem:$0x19400] =	vst v63  }
0x66d: {  	s10 =	simm.s32 $0x10400  }
0x66e: {  	[hbm4b:s5+s3] =	stream.indirect_vreg.scatter [tilespmem:s10], [sflag:$0x2], $0x80, v3, vm1, $0xb8;
	[tilespmem:$0x19400] =	vst v63  }
0x66f: {  	v3 =	vld [tilespmem:$0x18630];
	_ =	sdelay $0x4  }
0x670: {  	v51 =	vshrl.u32 v3, $0x3  }
0x671: {  	v4 =	vmul.u32 $0x18, v51  }
0x672: {  	v3 =	vand.u32 $0x7, v3  }
0x673: {  	v3 =	vor.u32 v3, v4  }
0x674: {  	v4 =	vperm.xlane v3, v0;
	_ =	sdelay $0x1  }
0x675: {  	v4 =	vadd.s32 v1, v4;
	_ =	sdelay $0x1  }
0x676: {  	v3 =	vperm.xlane v3, v2;
	_ =	sdelay $0x1  }
0x677: {  	s11 =	simm.s32 $0x10800;
	v3 =	vadd.s32 v1, v3  }
0x678: {  	[hbm4b:s2+s3] =	stream.indirect_vreg.scatter [tilespmem:s11], [sflag:$0x2], $0x80, v4, vm0, $0xb8;
	[tilespmem:$0x19400] =	vst v63  }
0x679: {  	s12 =	simm.s32 $0x11000  }
0x67a: {  	[hbm4b:s5+s3] =	stream.indirect_vreg.scatter [tilespmem:s12], [sflag:$0x2], $0x80, v4, vm1, $0xb8;
	[tilespmem:$0x19400] =	vst v63  }
0x67b: {  	s13 =	simm.s32 $0x11400  }
0x67c: {  	[hbm4b:s2+s3] =	stream.indirect_vreg.scatter [tilespmem:s13], [sflag:$0x2], $0x80, v3, vm0, $0xb8;
	[tilespmem:$0x19400] =	vst v63  }
0x67d: {  	s13 =	simm.s32 $0x11C00  }
0x67e: {  	[hbm4b:s5+s3] =	stream.indirect_vreg.scatter [tilespmem:s13], [sflag:$0x2], $0x80, v3, vm1, $0xb8;
	[tilespmem:$0x19400] =	vst v63  }
0x67f: {  	v3 =	vld [tilespmem:$0x18640];
	_ =	sdelay $0x4  }
0x680: {  	v52 =	vshrl.u32 v3, $0x3  }
0x681: {  	v4 =	vmul.u32 $0x18, v52  }
0x682: {  	v3 =	vand.u32 $0x7, v3  }
0x683: {  	v3 =	vor.u32 v3, v4  }
0x684: {  	v4 =	vperm.xlane v3, v0;
	_ =	sdelay $0x1  }
0x685: {  	v4 =	vadd.s32 v1, v4;
	_ =	sdelay $0x1  }
0x686: {  	v3 =	vperm.xlane v3, v2;
	_ =	sdelay $0x1  }
0x687: {  	s15 =	simm.s32 $0x12000;
	v3 =	vadd.s32 v1, v3  }
0x688: {  	[hbm4b:s2+s3] =	stream.indirect_vreg.scatter [tilespmem:s15], [sflag:$0x2], $0x80, v4, vm0, $0xb8;
	[tilespmem:$0x19400] =	vst v63  }
0x689: {  	s16 =	simm.s32 $0x12800  }
0x68a: {  	[hbm4b:s5+s3] =	stream.indirect_vreg.scatter [tilespmem:s16], [sflag:$0x2], $0x80, v4, vm1, $0xb8;
	[tilespmem:$0x19400] =	vst v63  }
0x68b: {  	s17 =	simm.s32 $0x12C00  }
0x68c: {  	[hbm4b:s2+s3] =	stream.indirect_vreg.scatter [tilespmem:s17], [sflag:$0x2], $0x80, v3, vm0, $0xb8;
	[tilespmem:$0x19400] =	vst v63  }
0x68d: {  	s0 =	simm.s32 $0x13400  }
0x68e: {  	[hbm4b:s5+s3] =	stream.indirect_vreg.scatter [tilespmem:s0], [sflag:$0x2], $0x80, v3, vm1, $0xb8;
	[tilespmem:$0x19400] =	vst v63  }
0x68f: {  	v3 =	vld [tilespmem:$0x18650];
	_ =	sdelay $0x4  }
0x690: {  	v53 =	vshrl.u32 v3, $0x3  }
0x691: {  	v4 =	vmul.u32 $0x18, v53  }
0x692: {  	v3 =	vand.u32 $0x7, v3  }
0x693: {  	v3 =	vor.u32 v3, v4  }
0x694: {  	v4 =	vperm.xlane v3, v0;
	_ =	sdelay $0x1  }
0x695: {  	v4 =	vadd.s32 v1, v4;
	_ =	sdelay $0x1  }
0x696: {  	v3 =	vperm.xlane v3, v2;
	_ =	sdelay $0x1  }
0x697: {  	s18 =	simm.s32 $0x13800;
	v3 =	vadd.s32 v1, v3  }
0x698: {  	[hbm4b:s2+s3] =	stream.indirect_vreg.scatter [tilespmem:s18], [sflag:$0x2], $0x80, v4, vm0, $0xb8;
	[tilespmem:$0x19400] =	vst v63  }
0x699: {  	s19 =	simm.s32 $0x14000  }
0x69a: {  	[hbm4b:s5+s3] =	stream.indirect_vreg.scatter [tilespmem:s19], [sflag:$0x2], $0x80, v4, vm1, $0xb8;
	[tilespmem:$0x19400] =	vst v63  }
0x69b: {  	s21 =	simm.s32 $0x14400  }
0x69c: {  	[hbm4b:s2+s3] =	stream.indirect_vreg.scatter [tilespmem:s21], [sflag:$0x2], $0x80, v3, vm0, $0xb8;
	[tilespmem:$0x19400] =	vst v63  }
0x69d: {  	s21 =	simm.s32 $0x14C00  }
0x69e: {  	[hbm4b:s5+s3] =	stream.indirect_vreg.scatter [tilespmem:s21], [sflag:$0x2], $0x80, v3, vm1, $0xb8;
	[tilespmem:$0x19400] =	vst v63  }
0x69f: {  	v3 =	vld [tilespmem:$0x18660];
	_ =	sdelay $0x4  }
0x6a0: {  	v54 =	vshrl.u32 v3, $0x3  }
0x6a1: {  	v4 =	vmul.u32 $0x18, v54  }
0x6a2: {  	v3 =	vand.u32 $0x7, v3  }
0x6a3: {  	v3 =	vor.u32 v3, v4  }
0x6a4: {  	v4 =	vperm.xlane v3, v0;
	_ =	sdelay $0x1  }
0x6a5: {  	v4 =	vadd.s32 v1, v4;
	_ =	sdelay $0x1  }
0x6a6: {  	v3 =	vperm.xlane v3, v2;
	_ =	sdelay $0x1  }
0x6a7: {  	s22 =	simm.s32 $0x15000;
	v3 =	vadd.s32 v1, v3  }
0x6a8: {  	[hbm4b:s2+s3] =	stream.indirect_vreg.scatter [tilespmem:s22], [sflag:$0x2], $0x80, v4, vm0, $0xb8;
	[tilespmem:$0x19400] =	vst v63  }
0x6a9: {  	s23 =	simm.s32 $0x15800  }
0x6aa: {  	[hbm4b:s5+s3] =	stream.indirect_vreg.scatter [tilespmem:s23], [sflag:$0x2], $0x80, v4, vm1, $0xb8;
	[tilespmem:$0x19400] =	vst v63  }
0x6ab: {  	s24 =	simm.s32 $0x15C00  }
0x6ac: {  	[hbm4b:s2+s3] =	stream.indirect_vreg.scatter [tilespmem:s24], [sflag:$0x2], $0x80, v3, vm0, $0xb8;
	[tilespmem:$0x19400] =	vst v63  }
0x6ad: {  	s24 =	simm.s32 $0x16400  }
0x6ae: {  	[hbm4b:s5+s3] =	stream.indirect_vreg.scatter [tilespmem:s24], [sflag:$0x2], $0x80, v3, vm1, $0xb8;
	[tilespmem:$0x19400] =	vst v63  }
0x6af: {  	v3 =	vld [tilespmem:$0x18670];
	_ =	sdelay $0x4  }
0x6b0: {  	v55 =	vshrl.u32 v3, $0x3  }
0x6b1: {  	v4 =	vmul.u32 $0x18, v55  }
0x6b2: {  	v3 =	vand.u32 $0x7, v3  }
0x6b3: {  	v3 =	vor.u32 v3, v4  }
0x6b4: {  	v4 =	vperm.xlane v3, v0;
	_ =	sdelay $0x1  }
0x6b5: {  	v4 =	vadd.s32 v1, v4;
	_ =	sdelay $0x1  }
0x6b6: {  	v3 =	vperm.xlane v3, v2;
	_ =	sdelay $0x1  }
0x6b7: {  	s25 =	simm.s32 $0x16800;
	v3 =	vadd.s32 v1, v3  }
0x6b8: {  	[hbm4b:s2+s3] =	stream.indirect_vreg.scatter [tilespmem:s25], [sflag:$0x2], $0x80, v4, vm0, $0xb8;
	[tilespmem:$0x19400] =	vst v63  }
0x6b9: {  	s26 =	simm.s32 $0x17000  }
0x6ba: {  	[hbm4b:s5+s3] =	stream.indirect_vreg.scatter [tilespmem:s26], [sflag:$0x2], $0x80, v4, vm1, $0xb8;
	[tilespmem:$0x19400] =	vst v63  }
0x6bb: {  	s28 =	simm.s32 $0x17400  }
0x6bc: {  	[hbm4b:s2+s3] =	stream.indirect_vreg.scatter [tilespmem:s28], [sflag:$0x2], $0x80, v3, vm0, $0xb8;
	[tilespmem:$0x19400] =	vst v63  }
0x6bd: {  	s28 =	simm.s32 $0x17C00  }
0x6be: {  	[hbm4b:s5+s3] =	stream.indirect_vreg.scatter [tilespmem:s28], [sflag:$0x2], $0x80, v3, vm1, $0xb8;
	[tilespmem:$0x19400] =	vst v63  }
0x6bf: {  	v3 =	vld [tilespmem:$0x18680];
	_ =	sdelay $0x4  }
0x6c0: {  	v56 =	vshrl.u32 v3, $0x3  }
0x6c1: {  	v4 =	vmul.u32 $0x18, v56  }
0x6c2: {  	v3 =	vand.u32 $0x7, v3  }
0x6c3: {  	v3 =	vor.u32 v3, v4  }
0x6c4: {  	v4 =	vperm.xlane v3, v0;
	_ =	sdelay $0x1  }
0x6c5: {  	v4 =	vadd.s32 v1, v4;
	_ =	sdelay $0x1  }
0x6c6: {  	v3 =	vperm.xlane v3, v2;
	_ =	sdelay $0x1  }
0x6c7: {  	s20 =	simm.s32 $0xC000;
	v3 =	vadd.s32 v1, v3  }
0x6c8: {  	[hbm4b:s2+s3] =	stream.indirect_vreg.scatter [tilespmem:s20], [sflag:$0x2], $0x80, v4, vm0, $0xb8;
	[tilespmem:$0x19400] =	vst v63  }
0x6c9: {  	s29 =	simm.s32 $0xC800  }
0x6ca: {  	[hbm4b:s5+s3] =	stream.indirect_vreg.scatter [tilespmem:s29], [sflag:$0x2], $0x80, v4, vm1, $0xb8;
	[tilespmem:$0x19400] =	vst v63  }
0x6cb: {  	s4 =	simm.s32 $0xCC00  }
0x6cc: {  	[hbm4b:s2+s3] =	stream.indirect_vreg.scatter [tilespmem:s4], [sflag:$0x2], $0x80, v3, vm0, $0xb8;
	[tilespmem:$0x19400] =	vst v63  }
0x6cd: {  	s1 =	simm.s32 $0xD400  }
0x6ce: {  	[hbm4b:s5+s3] =	stream.indirect_vreg.scatter [tilespmem:s1], [sflag:$0x2], $0x80, v3, vm1, $0xb8;
	[tilespmem:$0x19400] =	vst v63  }
0x6cf: {  	v3 =	vld [tilespmem:$0x18690];
	_ =	sdelay $0x4  }
0x6d0: {  	v57 =	vshrl.u32 v3, $0x3  }
0x6d1: {  	v4 =	vmul.u32 $0x18, v57  }
0x6d2: {  	v3 =	vand.u32 $0x7, v3  }
0x6d3: {  	v3 =	vor.u32 v3, v4  }
0x6d4: {  	v4 =	vperm.xlane v3, v0;
	_ =	sdelay $0x1  }
0x6d5: {  	v4 =	vadd.s32 v1, v4;
	_ =	sdelay $0x1  }
0x6d6: {  	v3 =	vperm.xlane v3, v2;
	_ =	sdelay $0x1  }
0x6d7: {  	s4 =	simm.s32 $0xD800;
	v3 =	vadd.s32 v1, v3  }
0x6d8: {  	[hbm4b:s2+s3] =	stream.indirect_vreg.scatter [tilespmem:s4], [sflag:$0x2], $0x80, v4, vm0, $0xb8;
	[tilespmem:$0x19400] =	vst v63  }
0x6d9: {  	s30 =	simm.s32 $0xE000  }
0x6da: {  	[hbm4b:s5+s3] =	stream.indirect_vreg.scatter [tilespmem:s30], [sflag:$0x2], $0x80, v4, vm1, $0xb8;
	[tilespmem:$0x19400] =	vst v63  }
0x6db: {  	s6 =	simm.s32 $0xE400  }
0x6dc: {  	[hbm4b:s2+s3] =	stream.indirect_vreg.scatter [tilespmem:s6], [sflag:$0x2], $0x80, v3, vm0, $0xb8;
	[tilespmem:$0x19400] =	vst v63  }
0x6dd: {  	s31 =	simm.s32 $0xEC00  }
0x6de: {  	[hbm4b:s5+s3] =	stream.indirect_vreg.scatter [tilespmem:s31], [sflag:$0x2], $0x80, v3, vm1, $0xb8;
	[tilespmem:$0x19400] =	vst v63  }
0x6df: {  	v3 =	vld [tilespmem:$0x186A0];
	_ =	sdelay $0x4  }
0x6e0: {  	v58 =	vshrl.u32 v3, $0x3  }
0x6e1: {  	v4 =	vmul.u32 $0x18, v58  }
0x6e2: {  	v3 =	vand.u32 $0x7, v3  }
0x6e3: {  	v3 =	vor.u32 v3, v4  }
0x6e4: {  	v4 =	vperm.xlane v3, v0;
	_ =	sdelay $0x1  }
0x6e5: {  	v4 =	vadd.s32 v1, v4;
	_ =	sdelay $0x1  }
0x6e6: {  	v3 =	vperm.xlane v3, v2;
	_ =	sdelay $0x1  }
0x6e7: {  	s7 =	simm.s32 $0xF000;
	v3 =	vadd.s32 v1, v3  }
0x6e8: {  	[hbm4b:s2+s3] =	stream.indirect_vreg.scatter [tilespmem:s7], [sflag:$0x2], $0x80, v4, vm0, $0xb8;
	[tilespmem:$0x19400] =	vst v63  }
0x6e9: {  	s8 =	simm.s32 $0xF800  }
0x6ea: {  	[hbm4b:s5+s3] =	stream.indirect_vreg.scatter [tilespmem:s8], [sflag:$0x2], $0x80, v4, vm1, $0xb8;
	[tilespmem:$0x19400] =	vst v63  }
0x6eb: {  	s9 =	simm.s32 $0xFC00  }
0x6ec: {  	[hbm4b:s2+s3] =	stream.indirect_vreg.scatter [tilespmem:s9], [sflag:$0x2], $0x80, v3, vm0, $0xb8;
	[tilespmem:$0x19400] =	vst v63  }
0x6ed: {  	s9 =	simm.s32 $0x10400  }
0x6ee: {  	[hbm4b:s5+s3] =	stream.indirect_vreg.scatter [tilespmem:s9], [sflag:$0x2], $0x80, v3, vm1, $0xb8;
	[tilespmem:$0x19400] =	vst v63  }
0x6ef: {  	v3 =	vld [tilespmem:$0x186B0];
	_ =	sdelay $0x4  }
0x6f0: {  	v59 =	vshrl.u32 v3, $0x3  }
0x6f1: {  	v4 =	vmul.u32 $0x18, v59  }
0x6f2: {  	v3 =	vand.u32 $0x7, v3  }
0x6f3: {  	v3 =	vor.u32 v3, v4  }
0x6f4: {  	v4 =	vperm.xlane v3, v0;
	_ =	sdelay $0x1  }
0x6f5: {  	v4 =	vadd.s32 v1, v4;
	_ =	sdelay $0x1  }
0x6f6: {  	v3 =	vperm.xlane v3, v2;
	_ =	sdelay $0x1  }
0x6f7: {  	s10 =	simm.s32 $0x10800;
	v3 =	vadd.s32 v1, v3  }
0x6f8: {  	[hbm4b:s2+s3] =	stream.indirect_vreg.scatter [tilespmem:s10], [sflag:$0x2], $0x80, v4, vm0, $0xb8;
	[tilespmem:$0x19400] =	vst v63  }
0x6f9: {  	s11 =	simm.s32 $0x11000  }
0x6fa: {  	[hbm4b:s5+s3] =	stream.indirect_vreg.scatter [tilespmem:s11], [sflag:$0x2], $0x80, v4, vm1, $0xb8;
	[tilespmem:$0x19400] =	vst v63  }
0x6fb: {  	s12 =	simm.s32 $0x11400  }
0x6fc: {  	[hbm4b:s2+s3] =	stream.indirect_vreg.scatter [tilespmem:s12], [sflag:$0x2], $0x80, v3, vm0, $0xb8;
	[tilespmem:$0x19400] =	vst v63  }
0x6fd: {  	s12 =	simm.s32 $0x11C00  }
0x6fe: {  	[hbm4b:s5+s3] =	stream.indirect_vreg.scatter [tilespmem:s12], [sflag:$0x2], $0x80, v3, vm1, $0xb8;
	[tilespmem:$0x19400] =	vst v63  }
0x6ff: {  	v3 =	vld [tilespmem:$0x186C0];
	_ =	sdelay $0x4  }
0x700: {  	v60 =	vshrl.u32 v3, $0x3  }
0x701: {  	v4 =	vmul.u32 $0x18, v60  }
0x702: {  	v3 =	vand.u32 $0x7, v3  }
0x703: {  	v3 =	vor.u32 v3, v4  }
0x704: {  	v4 =	vperm.xlane v3, v0;
	_ =	sdelay $0x1  }
0x705: {  	v4 =	vadd.s32 v1, v4;
	_ =	sdelay $0x1  }
0x706: {  	v3 =	vperm.xlane v3, v2;
	_ =	sdelay $0x1  }
0x707: {  	s13 =	simm.s32 $0x12000;
	v3 =	vadd.s32 v1, v3  }
0x708: {  	[hbm4b:s2+s3] =	stream.indirect_vreg.scatter [tilespmem:s13], [sflag:$0x2], $0x80, v4, vm0, $0xb8;
	[tilespmem:$0x19400] =	vst v63  }
0x709: {  	s15 =	simm.s32 $0x12800  }
0x70a: {  	[hbm4b:s5+s3] =	stream.indirect_vreg.scatter [tilespmem:s15], [sflag:$0x2], $0x80, v4, vm1, $0xb8;
	[tilespmem:$0x19400] =	vst v63  }
0x70b: {  	s16 =	simm.s32 $0x12C00  }
0x70c: {  	[hbm4b:s2+s3] =	stream.indirect_vreg.scatter [tilespmem:s16], [sflag:$0x2], $0x80, v3, vm0, $0xb8;
	[tilespmem:$0x19400] =	vst v63  }
0x70d: {  	s0 =	simm.s32 $0x13400  }
0x70e: {  	[hbm4b:s5+s3] =	stream.indirect_vreg.scatter [tilespmem:s0], [sflag:$0x2], $0x80, v3, vm1, $0xb8;
	[tilespmem:$0x19400] =	vst v63  }
0x70f: {  	v3 =	vld [tilespmem:$0x186D0];
	_ =	sdelay $0x4  }
0x710: {  	v61 =	vshrl.u32 v3, $0x3  }
0x711: {  	v4 =	vmul.u32 $0x18, v61  }
0x712: {  	v3 =	vand.u32 $0x7, v3  }
0x713: {  	v3 =	vor.u32 v3, v4  }
0x714: {  	v4 =	vperm.xlane v3, v0;
	_ =	sdelay $0x1  }
0x715: {  	v4 =	vadd.s32 v1, v4;
	_ =	sdelay $0x1  }
0x716: {  	v3 =	vperm.xlane v3, v2;
	_ =	sdelay $0x1  }
0x717: {  	s17 =	simm.s32 $0x13800;
	v3 =	vadd.s32 v1, v3  }
0x718: {  	[hbm4b:s2+s3] =	stream.indirect_vreg.scatter [tilespmem:s17], [sflag:$0x2], $0x80, v4, vm0, $0xb8;
	[tilespmem:$0x19400] =	vst v63  }
0x719: {  	s18 =	simm.s32 $0x14000  }
0x71a: {  	[hbm4b:s5+s3] =	stream.indirect_vreg.scatter [tilespmem:s18], [sflag:$0x2], $0x80, v4, vm1, $0xb8;
	[tilespmem:$0x19400] =	vst v63  }
0x71b: {  	s19 =	simm.s32 $0x14400  }
0x71c: {  	[hbm4b:s2+s3] =	stream.indirect_vreg.scatter [tilespmem:s19], [sflag:$0x2], $0x80, v3, vm0, $0xb8;
	[tilespmem:$0x19400] =	vst v63  }
0x71d: {  	s20 =	simm.s32 $0x14C00  }
0x71e: {  	[hbm4b:s5+s3] =	stream.indirect_vreg.scatter [tilespmem:s20], [sflag:$0x2], $0x80, v3, vm1, $0xb8;
	[tilespmem:$0x19400] =	vst v63  }
0x71f: {  	v3 =	vld [tilespmem:$0x186E0];
	_ =	sdelay $0x4  }
0x720: {  	v62 =	vshrl.u32 v3, $0x3  }
0x721: {  	v4 =	vmul.u32 $0x18, v62  }
0x722: {  	v3 =	vand.u32 $0x7, v3  }
0x723: {  	v3 =	vor.u32 v3, v4  }
0x724: {  	v4 =	vperm.xlane v3, v0;
	_ =	sdelay $0x1  }
0x725: {  	v4 =	vadd.s32 v1, v4;
	_ =	sdelay $0x1  }
0x726: {  	v3 =	vperm.xlane v3, v2;
	_ =	sdelay $0x1  }
0x727: {  	s21 =	simm.s32 $0x15000;
	v3 =	vadd.s32 v1, v3  }
0x728: {  	[hbm4b:s2+s3] =	stream.indirect_vreg.scatter [tilespmem:s21], [sflag:$0x2], $0x80, v4, vm0, $0xb8;
	[tilespmem:$0x19400] =	vst v63  }
0x729: {  	s22 =	simm.s32 $0x15800  }
0x72a: {  	[hbm4b:s5+s3] =	stream.indirect_vreg.scatter [tilespmem:s22], [sflag:$0x2], $0x80, v4, vm1, $0xb8;
	[tilespmem:$0x19400] =	vst v63  }
0x72b: {  	s23 =	simm.s32 $0x15C00  }
0x72c: {  	[hbm4b:s2+s3] =	stream.indirect_vreg.scatter [tilespmem:s23], [sflag:$0x2], $0x80, v3, vm0, $0xb8;
	[tilespmem:$0x19400] =	vst v63  }
0x72d: {  	s21 =	simm.s32 $0x16400  }
0x72e: {  	[hbm4b:s5+s3] =	stream.indirect_vreg.scatter [tilespmem:s21], [sflag:$0x2], $0x80, v3, vm1, $0xb8;
	[tilespmem:$0x19400] =	vst v63  }
0x72f: {  	v3 =	vld [tilespmem:$0x186F0];
	_ =	sdelay $0x4  }
0x730: {  	v63 =	vshrl.u32 v3, $0x3  }
0x731: {  	v4 =	vmul.u32 $0x18, v63  }
0x732: {  	v3 =	vand.u32 $0x7, v3  }
0x733: {  	v3 =	vor.u32 v3, v4  }
0x734: {  	v4 =	vperm.xlane v3, v0;
	_ =	sdelay $0x1  }
0x735: {  	v4 =	vadd.s32 v1, v4;
	_ =	sdelay $0x1  }
0x736: {  	v3 =	vperm.xlane v3, v2;
	_ =	sdelay $0x1  }
0x737: {  	s24 =	simm.s32 $0x16800;
	v3 =	vadd.s32 v1, v3  }
0x738: {  	[hbm4b:s2+s3] =	stream.indirect_vreg.scatter [tilespmem:s24], [sflag:$0x2], $0x80, v4, vm0, $0xb8;
	[tilespmem:$0x19400] =	vst v63  }
0x739: {  	s25 =	simm.s32 $0x17000  }
0x73a: {  	[hbm4b:s5+s3] =	stream.indirect_vreg.scatter [tilespmem:s25], [sflag:$0x2], $0x80, v4, vm1, $0xb8;
	[tilespmem:$0x19400] =	vst v63  }
0x73b: {  	s26 =	simm.s32 $0x17400  }
0x73c: {  	[hbm4b:s2+s3] =	stream.indirect_vreg.scatter [tilespmem:s26], [sflag:$0x2], $0x80, v3, vm0, $0xb8;
	[tilespmem:$0x19400] =	vst v63  }
0x73d: {  	s28 =	simm.s32 $0x17C00;
	s22 =	simm.s32 $0x1  }
0x73e: {  	[hbm4b:s5+s3] =	stream.indirect_vreg.scatter [tilespmem:s28], [sflag:$0x2], $0x80, v3, vm1, $0xb8;
	[tilespmem:$0x19400] =	vst v63  }
0x73f: {  	_ =	swait.ge [sflag:s22], $0xC000  }
0x740: {  	[sflag:s22] =	ssyncset.done $0x0  }
0x741: {  	[sflag:s22] =	ssyncadd.s32 $0xFFFF4000  }
0x742: {  	_ =	swait.ge [sflag:s14], $0xC000  }
0x743: {  	[sflag:s14] =	ssyncset.done $0x0  }
0x744: {  	[sflag:s14] =	ssyncadd.s32 $0xFFFF4000  }
0x745: {  	_ =	swait.ge [sflag:s14], $0xC000  }
0x746: {  	[sflag:s14] =	ssyncset.done $0x0  }
0x747: {  	[sflag:s14] =	ssyncadd.s32 $0xFFFF4000  }
0x748: {  	_ =	swait.ge [sflag:s14], $0xC000  }
0x749: {  	[sflag:s14] =	ssyncset.done $0x0  }
0x74a: {  	[sflag:s14] =	ssyncadd.s32 $0xFFFF4000  }
0x74b: {  	_ =	swait.ge [sflag:s14], $0xC000  }
0x74c: {  	[sflag:s14] =	ssyncset.done $0x0  }
0x74d: {  	[sflag:s14] =	ssyncadd.s32 $0xFFFF4000  }
0x74e: {  	_ =	swait.ge [sflag:s14], $0xC000  }
0x74f: {  	[sflag:s14] =	ssyncset.done $0x0  }
0x750: {  	[sflag:s14] =	ssyncadd.s32 $0xFFFF4000  }
0x751: {  	_ =	swait.ge [sflag:s14], $0xC000  }
0x752: {  	[sflag:s14] =	ssyncset.done $0x0  }
0x753: {  	[sflag:s14] =	ssyncadd.s32 $0xFFFF4000  }
0x754: {  	_ =	swait.ge [sflag:s14], $0xC000  }
0x755: {  	[sflag:s14] =	ssyncset.done $0x0  }
0x756: {  	s24 =	simm.s32 $0xC000;
	s23 =	rddreg [dreg:$0xa];
	[sflag:s14] =	ssyncadd.s32 $0xFFFF4000  }
0x757: {  	[tilespmem:s24], [sflag:$0x1] =	stream.linear.gather [hbm4b:s23+s3], $0xC000, $0x38;
	[tilespmem:$0x19400] =	vst v63  }
0x758: {  	v3 =	vld [tilespmem:$0x18700];
	_ =	sdelay $0x4  }
0x759: {  	v8 =	vshrl.u32 v3, $0x3  }
0x75a: {  	v4 =	vmul.u32 $0x18, v8  }
0x75b: {  	v3 =	vand.u32 $0x7, v3  }
0x75c: {  	v3 =	vor.u32 v3, v4  }
0x75d: {  	v4 =	vperm.xlane v3, v0;
	_ =	sdelay $0x1  }
0x75e: {  	v4 =	vadd.s32 v1, v4;
	_ =	sdelay $0x1  }
0x75f: {  	v3 =	vperm.xlane v3, v2;
	_ =	sdelay $0x1  }
0x760: {  	v3 =	vadd.s32 v1, v3  }
0x761: {  	[hbm4b:s2+s3] =	stream.indirect_vreg.scatter [tilespmem:s3], [sflag:$0x2], $0x80, v4, vm0, $0xb8;
	[tilespmem:$0x19400] =	vst v63  }
0x762: {  	s25 =	simm.s32 $0x800  }
0x763: {  	[hbm4b:s5+s3] =	stream.indirect_vreg.scatter [tilespmem:s25], [sflag:$0x2], $0x80, v4, vm1, $0xb8;
	[tilespmem:$0x19400] =	vst v63  }
0x764: {  	s26 =	simm.s32 $0xC00  }
0x765: {  	[hbm4b:s2+s3] =	stream.indirect_vreg.scatter [tilespmem:s26], [sflag:$0x2], $0x80, v3, vm0, $0xb8;
	[tilespmem:$0x19400] =	vst v63  }
0x766: {  	s28 =	simm.s32 $0x1400  }
0x767: {  	[hbm4b:s5+s3] =	stream.indirect_vreg.scatter [tilespmem:s28], [sflag:$0x2], $0x80, v3, vm1, $0xb8;
	[tilespmem:$0x19400] =	vst v63  }
0x768: {  	v3 =	vld [tilespmem:$0x18710];
	_ =	sdelay $0x4  }
0x769: {  	v9 =	vshrl.u32 v3, $0x3  }
0x76a: {  	v4 =	vmul.u32 $0x18, v9  }
0x76b: {  	v3 =	vand.u32 $0x7, v3  }
0x76c: {  	v3 =	vor.u32 v3, v4  }
0x76d: {  	v4 =	vperm.xlane v3, v0;
	_ =	sdelay $0x1  }
0x76e: {  	v4 =	vadd.s32 v1, v4;
	_ =	sdelay $0x1  }
0x76f: {  	v3 =	vperm.xlane v3, v2;
	_ =	sdelay $0x1  }
0x770: {  	s1 =	simm.s32 $0x1800;
	v3 =	vadd.s32 v1, v3  }
0x771: {  	[hbm4b:s2+s3] =	stream.indirect_vreg.scatter [tilespmem:s1], [sflag:$0x2], $0x80, v4, vm0, $0xb8;
	[tilespmem:$0x19400] =	vst v63  }
0x772: {  	s4 =	simm.s32 $0x2000  }
0x773: {  	[hbm4b:s5+s3] =	stream.indirect_vreg.scatter [tilespmem:s4], [sflag:$0x2], $0x80, v4, vm1, $0xb8;
	[tilespmem:$0x19400] =	vst v63  }
0x774: {  	s6 =	simm.s32 $0x2400  }
0x775: {  	[hbm4b:s2+s3] =	stream.indirect_vreg.scatter [tilespmem:s6], [sflag:$0x2], $0x80, v3, vm0, $0xb8;
	[tilespmem:$0x19400] =	vst v63  }
0x776: {  	s29 =	simm.s32 $0x2C00  }
0x777: {  	[hbm4b:s5+s3] =	stream.indirect_vreg.scatter [tilespmem:s29], [sflag:$0x2], $0x80, v3, vm1, $0xb8;
	[tilespmem:$0x19400] =	vst v63  }
0x778: {  	v3 =	vld [tilespmem:$0x18720];
	_ =	sdelay $0x4  }
0x779: {  	v10 =	vshrl.u32 v3, $0x3  }
0x77a: {  	v4 =	vmul.u32 $0x18, v10  }
0x77b: {  	v3 =	vand.u32 $0x7, v3  }
0x77c: {  	v3 =	vor.u32 v3, v4  }
0x77d: {  	v4 =	vperm.xlane v3, v0;
	_ =	sdelay $0x1  }
0x77e: {  	v4 =	vadd.s32 v1, v4;
	_ =	sdelay $0x1  }
0x77f: {  	v3 =	vperm.xlane v3, v2;
	_ =	sdelay $0x1  }
0x780: {  	s7 =	simm.s32 $0x3000;
	v3 =	vadd.s32 v1, v3  }
0x781: {  	[hbm4b:s2+s3] =	stream.indirect_vreg.scatter [tilespmem:s7], [sflag:$0x2], $0x80, v4, vm0, $0xb8;
	[tilespmem:$0x19400] =	vst v63  }
0x782: {  	s8 =	simm.s32 $0x3800  }
0x783: {  	[hbm4b:s5+s3] =	stream.indirect_vreg.scatter [tilespmem:s8], [sflag:$0x2], $0x80, v4, vm1, $0xb8;
	[tilespmem:$0x19400] =	vst v63  }
0x784: {  	s9 =	simm.s32 $0x3C00  }
0x785: {  	[hbm4b:s2+s3] =	stream.indirect_vreg.scatter [tilespmem:s9], [sflag:$0x2], $0x80, v3, vm0, $0xb8;
	[tilespmem:$0x19400] =	vst v63  }
0x786: {  	s30 =	simm.s32 $0x4400  }
0x787: {  	[hbm4b:s5+s3] =	stream.indirect_vreg.scatter [tilespmem:s30], [sflag:$0x2], $0x80, v3, vm1, $0xb8;
	[tilespmem:$0x19400] =	vst v63  }
0x788: {  	v3 =	vld [tilespmem:$0x18730];
	_ =	sdelay $0x4  }
0x789: {  	v11 =	vshrl.u32 v3, $0x3  }
0x78a: {  	v4 =	vmul.u32 $0x18, v11  }
0x78b: {  	v3 =	vand.u32 $0x7, v3  }
0x78c: {  	v3 =	vor.u32 v3, v4  }
0x78d: {  	v4 =	vperm.xlane v3, v0;
	_ =	sdelay $0x1  }
0x78e: {  	v4 =	vadd.s32 v1, v4;
	_ =	sdelay $0x1  }
0x78f: {  	v3 =	vperm.xlane v3, v2;
	_ =	sdelay $0x1  }
0x790: {  	s10 =	simm.s32 $0x4800;
	v3 =	vadd.s32 v1, v3  }
0x791: {  	[hbm4b:s2+s3] =	stream.indirect_vreg.scatter [tilespmem:s10], [sflag:$0x2], $0x80, v4, vm0, $0xb8;
	[tilespmem:$0x19400] =	vst v63  }
0x792: {  	s11 =	simm.s32 $0x5000  }
0x793: {  	[hbm4b:s5+s3] =	stream.indirect_vreg.scatter [tilespmem:s11], [sflag:$0x2], $0x80, v4, vm1, $0xb8;
	[tilespmem:$0x19400] =	vst v63  }
0x794: {  	s12 =	simm.s32 $0x5400  }
0x795: {  	[hbm4b:s2+s3] =	stream.indirect_vreg.scatter [tilespmem:s12], [sflag:$0x2], $0x80, v3, vm0, $0xb8;
	[tilespmem:$0x19400] =	vst v63  }
0x796: {  	s28 =	simm.s32 $0x5C00  }
0x797: {  	[hbm4b:s5+s3] =	stream.indirect_vreg.scatter [tilespmem:s28], [sflag:$0x2], $0x80, v3, vm1, $0xb8;
	[tilespmem:$0x19400] =	vst v63  }
0x798: {  	v3 =	vld [tilespmem:$0x18740];
	_ =	sdelay $0x4  }
0x799: {  	v12 =	vshrl.u32 v3, $0x3  }
0x79a: {  	v4 =	vmul.u32 $0x18, v12  }
0x79b: {  	v3 =	vand.u32 $0x7, v3  }
0x79c: {  	v3 =	vor.u32 v3, v4  }
0x79d: {  	v4 =	vperm.xlane v3, v0;
	_ =	sdelay $0x1  }
0x79e: {  	v4 =	vadd.s32 v1, v4;
	_ =	sdelay $0x1  }
0x79f: {  	v3 =	vperm.xlane v3, v2;
	_ =	sdelay $0x1  }
0x7a0: {  	s13 =	simm.s32 $0x6000;
	v3 =	vadd.s32 v1, v3  }
0x7a1: {  	[hbm4b:s2+s3] =	stream.indirect_vreg.scatter [tilespmem:s13], [sflag:$0x2], $0x80, v4, vm0, $0xb8;
	[tilespmem:$0x19400] =	vst v63  }
0x7a2: {  	s15 =	simm.s32 $0x6800  }
0x7a3: {  	[hbm4b:s5+s3] =	stream.indirect_vreg.scatter [tilespmem:s15], [sflag:$0x2], $0x80, v4, vm1, $0xb8;
	[tilespmem:$0x19400] =	vst v63  }
0x7a4: {  	s16 =	simm.s32 $0x6C00  }
0x7a5: {  	[hbm4b:s2+s3] =	stream.indirect_vreg.scatter [tilespmem:s16], [sflag:$0x2], $0x80, v3, vm0, $0xb8;
	[tilespmem:$0x19400] =	vst v63  }
0x7a6: {  	s29 =	simm.s32 $0x7400  }
0x7a7: {  	[hbm4b:s5+s3] =	stream.indirect_vreg.scatter [tilespmem:s29], [sflag:$0x2], $0x80, v3, vm1, $0xb8;
	[tilespmem:$0x19400] =	vst v63  }
0x7a8: {  	v3 =	vld [tilespmem:$0x18750];
	_ =	sdelay $0x4  }
0x7a9: {  	v13 =	vshrl.u32 v3, $0x3  }
0x7aa: {  	v4 =	vmul.u32 $0x18, v13  }
0x7ab: {  	v3 =	vand.u32 $0x7, v3  }
0x7ac: {  	v3 =	vor.u32 v3, v4  }
0x7ad: {  	v4 =	vperm.xlane v3, v0;
	_ =	sdelay $0x1  }
0x7ae: {  	v4 =	vadd.s32 v1, v4;
	_ =	sdelay $0x1  }
0x7af: {  	v3 =	vperm.xlane v3, v2;
	_ =	sdelay $0x1  }
0x7b0: {  	s17 =	simm.s32 $0x7800;
	v3 =	vadd.s32 v1, v3  }
0x7b1: {  	[hbm4b:s2+s3] =	stream.indirect_vreg.scatter [tilespmem:s17], [sflag:$0x2], $0x80, v4, vm0, $0xb8;
	[tilespmem:$0x19400] =	vst v63  }
0x7b2: {  	s18 =	simm.s32 $0x8000  }
0x7b3: {  	[hbm4b:s5+s3] =	stream.indirect_vreg.scatter [tilespmem:s18], [sflag:$0x2], $0x80, v4, vm1, $0xb8;
	[tilespmem:$0x19400] =	vst v63  }
0x7b4: {  	s19 =	simm.s32 $0x8400  }
0x7b5: {  	[hbm4b:s2+s3] =	stream.indirect_vreg.scatter [tilespmem:s19], [sflag:$0x2], $0x80, v3, vm0, $0xb8;
	[tilespmem:$0x19400] =	vst v63  }
0x7b6: {  	s30 =	simm.s32 $0x8C00  }
0x7b7: {  	[hbm4b:s5+s3] =	stream.indirect_vreg.scatter [tilespmem:s30], [sflag:$0x2], $0x80, v3, vm1, $0xb8;
	[tilespmem:$0x19400] =	vst v63  }
0x7b8: {  	v3 =	vld [tilespmem:$0x18760];
	_ =	sdelay $0x4  }
0x7b9: {  	v14 =	vshrl.u32 v3, $0x3  }
0x7ba: {  	v4 =	vmul.u32 $0x18, v14  }
0x7bb: {  	v3 =	vand.u32 $0x7, v3  }
0x7bc: {  	v3 =	vor.u32 v3, v4  }
0x7bd: {  	v4 =	vperm.xlane v3, v0;
	_ =	sdelay $0x1  }
0x7be: {  	v4 =	vadd.s32 v1, v4;
	_ =	sdelay $0x1  }
0x7bf: {  	v3 =	vperm.xlane v3, v2;
	_ =	sdelay $0x1  }
0x7c0: {  	s21 =	simm.s32 $0x9000;
	v3 =	vadd.s32 v1, v3  }
0x7c1: {  	[hbm4b:s2+s3] =	stream.indirect_vreg.scatter [tilespmem:s21], [sflag:$0x2], $0x80, v4, vm0, $0xb8;
	[tilespmem:$0x19400] =	vst v63  }
0x7c2: {  	s22 =	simm.s32 $0x9800  }
0x7c3: {  	[hbm4b:s5+s3] =	stream.indirect_vreg.scatter [tilespmem:s22], [sflag:$0x2], $0x80, v4, vm1, $0xb8;
	[tilespmem:$0x19400] =	vst v63  }
0x7c4: {  	s23 =	simm.s32 $0x9C00  }
0x7c5: {  	[hbm4b:s2+s3] =	stream.indirect_vreg.scatter [tilespmem:s23], [sflag:$0x2], $0x80, v3, vm0, $0xb8;
	[tilespmem:$0x19400] =	vst v63  }
0x7c6: {  	s31 =	simm.s32 $0xA400  }
0x7c7: {  	[hbm4b:s5+s3] =	stream.indirect_vreg.scatter [tilespmem:s31], [sflag:$0x2], $0x80, v3, vm1, $0xb8;
	[tilespmem:$0x19400] =	vst v63  }
0x7c8: {  	v3 =	vld [tilespmem:$0x18770];
	_ =	sdelay $0x4  }
0x7c9: {  	v15 =	vshrl.u32 v3, $0x3  }
0x7ca: {  	v4 =	vmul.u32 $0x18, v15  }
0x7cb: {  	v3 =	vand.u32 $0x7, v3  }
0x7cc: {  	v3 =	vor.u32 v3, v4  }
0x7cd: {  	v4 =	vperm.xlane v3, v0;
	_ =	sdelay $0x1  }
0x7ce: {  	v4 =	vadd.s32 v1, v4;
	_ =	sdelay $0x1  }
0x7cf: {  	v3 =	vperm.xlane v3, v2;
	_ =	sdelay $0x1  }
0x7d0: {  	s24 =	simm.s32 $0xA800;
	v3 =	vadd.s32 v1, v3  }
0x7d1: {  	[hbm4b:s2+s3] =	stream.indirect_vreg.scatter [tilespmem:s24], [sflag:$0x2], $0x80, v4, vm0, $0xb8;
	[tilespmem:$0x19400] =	vst v63  }
0x7d2: {  	s25 =	simm.s32 $0xB000  }
0x7d3: {  	[hbm4b:s5+s3] =	stream.indirect_vreg.scatter [tilespmem:s25], [sflag:$0x2], $0x80, v4, vm1, $0xb8;
	[tilespmem:$0x19400] =	vst v63  }
0x7d4: {  	s26 =	simm.s32 $0xB400  }
0x7d5: {  	[hbm4b:s2+s3] =	stream.indirect_vreg.scatter [tilespmem:s26], [sflag:$0x2], $0x80, v3, vm0, $0xb8;
	[tilespmem:$0x19400] =	vst v63  }
0x7d6: {  	s20 =	simm.s32 $0xBC00  }
0x7d7: {  	[hbm4b:s5+s3] =	stream.indirect_vreg.scatter [tilespmem:s20], [sflag:$0x2], $0x80, v3, vm1, $0xb8;
	[tilespmem:$0x19400] =	vst v63  }
0x7d8: {  	v3 =	vld [tilespmem:$0x18780];
	_ =	sdelay $0x4  }
0x7d9: {  	v16 =	vshrl.u32 v3, $0x3  }
0x7da: {  	v4 =	vmul.u32 $0x18, v16  }
0x7db: {  	v3 =	vand.u32 $0x7, v3  }
0x7dc: {  	v3 =	vor.u32 v3, v4  }
0x7dd: {  	v4 =	vperm.xlane v3, v0;
	_ =	sdelay $0x1  }
0x7de: {  	v4 =	vadd.s32 v1, v4;
	_ =	sdelay $0x1  }
0x7df: {  	v3 =	vperm.xlane v3, v2;
	_ =	sdelay $0x1  }
0x7e0: {  	v3 =	vadd.s32 v1, v3  }
0x7e1: {  	[hbm4b:s2+s3] =	stream.indirect_vreg.scatter [tilespmem:s3], [sflag:$0x2], $0x80, v4, vm0, $0xb8;
	[tilespmem:$0x19400] =	vst v63  }
0x7e2: {  	s0 =	simm.s32 $0x800  }
0x7e3: {  	[hbm4b:s5+s3] =	stream.indirect_vreg.scatter [tilespmem:s0], [sflag:$0x2], $0x80, v4, vm1, $0xb8;
	[tilespmem:$0x19400] =	vst v63  }
0x7e4: {  	s0 =	simm.s32 $0xC00  }
0x7e5: {  	[hbm4b:s2+s3] =	stream.indirect_vreg.scatter [tilespmem:s0], [sflag:$0x2], $0x80, v3, vm0, $0xb8;
	[tilespmem:$0x19400] =	vst v63  }
0x7e6: {  	s0 =	simm.s32 $0x1400  }
0x7e7: {  	[hbm4b:s5+s3] =	stream.indirect_vreg.scatter [tilespmem:s0], [sflag:$0x2], $0x80, v3, vm1, $0xb8;
	[tilespmem:$0x19400] =	vst v63  }
0x7e8: {  	v3 =	vld [tilespmem:$0x18790];
	_ =	sdelay $0x4  }
0x7e9: {  	v17 =	vshrl.u32 v3, $0x3  }
0x7ea: {  	v4 =	vmul.u32 $0x18, v17  }
0x7eb: {  	v3 =	vand.u32 $0x7, v3  }
0x7ec: {  	v3 =	vor.u32 v3, v4  }
0x7ed: {  	v4 =	vperm.xlane v3, v0;
	_ =	sdelay $0x1  }
0x7ee: {  	v4 =	vadd.s32 v1, v4;
	_ =	sdelay $0x1  }
0x7ef: {  	v3 =	vperm.xlane v3, v2;
	_ =	sdelay $0x1  }
0x7f0: {  	v3 =	vadd.s32 v1, v3  }
0x7f1: {  	[hbm4b:s2+s3] =	stream.indirect_vreg.scatter [tilespmem:s1], [sflag:$0x2], $0x80, v4, vm0, $0xb8;
	[tilespmem:$0x19400] =	vst v63  }
0x7f2: {  	_ = 	snop  }
0x7f3: {  	[hbm4b:s5+s3] =	stream.indirect_vreg.scatter [tilespmem:s4], [sflag:$0x2], $0x80, v4, vm1, $0xb8;
	[tilespmem:$0x19400] =	vst v63  }
0x7f4: {  	_ = 	snop  }
0x7f5: {  	[hbm4b:s2+s3] =	stream.indirect_vreg.scatter [tilespmem:s6], [sflag:$0x2], $0x80, v3, vm0, $0xb8;
	[tilespmem:$0x19400] =	vst v63  }
0x7f6: {  	s0 =	simm.s32 $0x2C00  }
0x7f7: {  	[hbm4b:s5+s3] =	stream.indirect_vreg.scatter [tilespmem:s0], [sflag:$0x2], $0x80, v3, vm1, $0xb8;
	[tilespmem:$0x19400] =	vst v63  }
0x7f8: {  	v3 =	vld [tilespmem:$0x187A0];
	_ =	sdelay $0x4  }
0x7f9: {  	v18 =	vshrl.u32 v3, $0x3  }
0x7fa: {  	v4 =	vmul.u32 $0x18, v18  }
0x7fb: {  	v3 =	vand.u32 $0x7, v3  }
0x7fc: {  	v3 =	vor.u32 v3, v4  }
0x7fd: {  	v4 =	vperm.xlane v3, v0;
	_ =	sdelay $0x1  }
0x7fe: {  	v4 =	vadd.s32 v1, v4;
	_ =	sdelay $0x1  }
0x7ff: {  	v3 =	vperm.xlane v3, v2;
	_ =	sdelay $0x1  }
0x800: {  	v3 =	vadd.s32 v1, v3  }
0x801: {  	[hbm4b:s2+s3] =	stream.indirect_vreg.scatter [tilespmem:s7], [sflag:$0x2], $0x80, v4, vm0, $0xb8;
	[tilespmem:$0x19400] =	vst v63  }
0x802: {  	_ = 	snop  }
0x803: {  	[hbm4b:s5+s3] =	stream.indirect_vreg.scatter [tilespmem:s8], [sflag:$0x2], $0x80, v4, vm1, $0xb8;
	[tilespmem:$0x19400] =	vst v63  }
0x804: {  	_ = 	snop  }
0x805: {  	[hbm4b:s2+s3] =	stream.indirect_vreg.scatter [tilespmem:s9], [sflag:$0x2], $0x80, v3, vm0, $0xb8;
	[tilespmem:$0x19400] =	vst v63  }
0x806: {  	s0 =	simm.s32 $0x4400  }
0x807: {  	[hbm4b:s5+s3] =	stream.indirect_vreg.scatter [tilespmem:s0], [sflag:$0x2], $0x80, v3, vm1, $0xb8;
	[tilespmem:$0x19400] =	vst v63  }
0x808: {  	v3 =	vld [tilespmem:$0x187B0];
	_ =	sdelay $0x4  }
0x809: {  	v19 =	vshrl.u32 v3, $0x3  }
0x80a: {  	v4 =	vmul.u32 $0x18, v19  }
0x80b: {  	v3 =	vand.u32 $0x7, v3  }
0x80c: {  	v3 =	vor.u32 v3, v4  }
0x80d: {  	v4 =	vperm.xlane v3, v0;
	_ =	sdelay $0x1  }
0x80e: {  	v4 =	vadd.s32 v1, v4;
	_ =	sdelay $0x1  }
0x80f: {  	v3 =	vperm.xlane v3, v2;
	_ =	sdelay $0x1  }
0x810: {  	v3 =	vadd.s32 v1, v3  }
0x811: {  	[hbm4b:s2+s3] =	stream.indirect_vreg.scatter [tilespmem:s10], [sflag:$0x2], $0x80, v4, vm0, $0xb8;
	[tilespmem:$0x19400] =	vst v63  }
0x812: {  	_ = 	snop  }
0x813: {  	[hbm4b:s5+s3] =	stream.indirect_vreg.scatter [tilespmem:s11], [sflag:$0x2], $0x80, v4, vm1, $0xb8;
	[tilespmem:$0x19400] =	vst v63  }
0x814: {  	_ = 	snop  }
0x815: {  	[hbm4b:s2+s3] =	stream.indirect_vreg.scatter [tilespmem:s12], [sflag:$0x2], $0x80, v3, vm0, $0xb8;
	[tilespmem:$0x19400] =	vst v63  }
0x816: {  	_ = 	snop  }
0x817: {  	[hbm4b:s5+s3] =	stream.indirect_vreg.scatter [tilespmem:s28], [sflag:$0x2], $0x80, v3, vm1, $0xb8;
	[tilespmem:$0x19400] =	vst v63  }
0x818: {  	v3 =	vld [tilespmem:$0x187C0];
	_ =	sdelay $0x4  }
0x819: {  	v20 =	vshrl.u32 v3, $0x3  }
0x81a: {  	v4 =	vmul.u32 $0x18, v20  }
0x81b: {  	v3 =	vand.u32 $0x7, v3  }
0x81c: {  	v3 =	vor.u32 v3, v4  }
0x81d: {  	v4 =	vperm.xlane v3, v0;
	_ =	sdelay $0x1  }
0x81e: {  	v4 =	vadd.s32 v1, v4;
	_ =	sdelay $0x1  }
0x81f: {  	v3 =	vperm.xlane v3, v2;
	_ =	sdelay $0x1  }
0x820: {  	v3 =	vadd.s32 v1, v3  }
0x821: {  	[hbm4b:s2+s3] =	stream.indirect_vreg.scatter [tilespmem:s13], [sflag:$0x2], $0x80, v4, vm0, $0xb8;
	[tilespmem:$0x19400] =	vst v63  }
0x822: {  	_ = 	snop  }
0x823: {  	[hbm4b:s5+s3] =	stream.indirect_vreg.scatter [tilespmem:s15], [sflag:$0x2], $0x80, v4, vm1, $0xb8;
	[tilespmem:$0x19400] =	vst v63  }
0x824: {  	_ = 	snop  }
0x825: {  	[hbm4b:s2+s3] =	stream.indirect_vreg.scatter [tilespmem:s16], [sflag:$0x2], $0x80, v3, vm0, $0xb8;
	[tilespmem:$0x19400] =	vst v63  }
0x826: {  	_ = 	snop  }
0x827: {  	[hbm4b:s5+s3] =	stream.indirect_vreg.scatter [tilespmem:s29], [sflag:$0x2], $0x80, v3, vm1, $0xb8;
	[tilespmem:$0x19400] =	vst v63  }
0x828: {  	v3 =	vld [tilespmem:$0x187D0];
	_ =	sdelay $0x4  }
0x829: {  	v21 =	vshrl.u32 v3, $0x3  }
0x82a: {  	v4 =	vmul.u32 $0x18, v21  }
0x82b: {  	v3 =	vand.u32 $0x7, v3  }
0x82c: {  	v3 =	vor.u32 v3, v4  }
0x82d: {  	v4 =	vperm.xlane v3, v0;
	_ =	sdelay $0x1  }
0x82e: {  	v4 =	vadd.s32 v1, v4;
	_ =	sdelay $0x1  }
0x82f: {  	v3 =	vperm.xlane v3, v2;
	_ =	sdelay $0x1  }
0x830: {  	v3 =	vadd.s32 v1, v3  }
0x831: {  	[hbm4b:s2+s3] =	stream.indirect_vreg.scatter [tilespmem:s17], [sflag:$0x2], $0x80, v4, vm0, $0xb8;
	[tilespmem:$0x19400] =	vst v63  }
0x832: {  	_ = 	snop  }
0x833: {  	[hbm4b:s5+s3] =	stream.indirect_vreg.scatter [tilespmem:s18], [sflag:$0x2], $0x80, v4, vm1, $0xb8;
	[tilespmem:$0x19400] =	vst v63  }
0x834: {  	_ = 	snop  }
0x835: {  	[hbm4b:s2+s3] =	stream.indirect_vreg.scatter [tilespmem:s19], [sflag:$0x2], $0x80, v3, vm0, $0xb8;
	[tilespmem:$0x19400] =	vst v63  }
0x836: {  	_ = 	snop  }
0x837: {  	[hbm4b:s5+s3] =	stream.indirect_vreg.scatter [tilespmem:s30], [sflag:$0x2], $0x80, v3, vm1, $0xb8;
	[tilespmem:$0x19400] =	vst v63  }
0x838: {  	v3 =	vld [tilespmem:$0x187E0];
	_ =	sdelay $0x4  }
0x839: {  	v22 =	vshrl.u32 v3, $0x3  }
0x83a: {  	v4 =	vmul.u32 $0x18, v22  }
0x83b: {  	v3 =	vand.u32 $0x7, v3  }
0x83c: {  	v3 =	vor.u32 v3, v4  }
0x83d: {  	v4 =	vperm.xlane v3, v0;
	_ =	sdelay $0x1  }
0x83e: {  	v4 =	vadd.s32 v1, v4;
	_ =	sdelay $0x1  }
0x83f: {  	v3 =	vperm.xlane v3, v2;
	_ =	sdelay $0x1  }
0x840: {  	v3 =	vadd.s32 v1, v3  }
0x841: {  	[hbm4b:s2+s3] =	stream.indirect_vreg.scatter [tilespmem:s21], [sflag:$0x2], $0x80, v4, vm0, $0xb8;
	[tilespmem:$0x19400] =	vst v63  }
0x842: {  	_ = 	snop  }
0x843: {  	[hbm4b:s5+s3] =	stream.indirect_vreg.scatter [tilespmem:s22], [sflag:$0x2], $0x80, v4, vm1, $0xb8;
	[tilespmem:$0x19400] =	vst v63  }
0x844: {  	_ = 	snop  }
0x845: {  	[hbm4b:s2+s3] =	stream.indirect_vreg.scatter [tilespmem:s23], [sflag:$0x2], $0x80, v3, vm0, $0xb8;
	[tilespmem:$0x19400] =	vst v63  }
0x846: {  	_ = 	snop  }
0x847: {  	[hbm4b:s5+s3] =	stream.indirect_vreg.scatter [tilespmem:s31], [sflag:$0x2], $0x80, v3, vm1, $0xb8;
	[tilespmem:$0x19400] =	vst v63  }
0x848: {  	v3 =	vld [tilespmem:$0x187F0];
	_ =	sdelay $0x4  }
0x849: {  	v23 =	vshrl.u32 v3, $0x3  }
0x84a: {  	v4 =	vmul.u32 $0x18, v23  }
0x84b: {  	v3 =	vand.u32 $0x7, v3  }
0x84c: {  	v3 =	vor.u32 v3, v4  }
0x84d: {  	v4 =	vperm.xlane v3, v0;
	_ =	sdelay $0x1  }
0x84e: {  	v4 =	vadd.s32 v1, v4;
	_ =	sdelay $0x1  }
0x84f: {  	v3 =	vperm.xlane v3, v2;
	_ =	sdelay $0x1  }
0x850: {  	v3 =	vadd.s32 v1, v3  }
0x851: {  	[hbm4b:s2+s3] =	stream.indirect_vreg.scatter [tilespmem:s24], [sflag:$0x2], $0x80, v4, vm0, $0xb8;
	[tilespmem:$0x19400] =	vst v63  }
0x852: {  	_ = 	snop  }
0x853: {  	[hbm4b:s5+s3] =	stream.indirect_vreg.scatter [tilespmem:s25], [sflag:$0x2], $0x80, v4, vm1, $0xb8;
	[tilespmem:$0x19400] =	vst v63  }
0x854: {  	_ = 	snop  }
0x855: {  	[hbm4b:s2+s3] =	stream.indirect_vreg.scatter [tilespmem:s26], [sflag:$0x2], $0x80, v3, vm0, $0xb8;
	[tilespmem:$0x19400] =	vst v63  }
0x856: {  	_ = 	snop  }
0x857: {  	[hbm4b:s5+s3] =	stream.indirect_vreg.scatter [tilespmem:s20], [sflag:$0x2], $0x80, v3, vm1, $0xb8;
	[tilespmem:$0x19400] =	vst v63  }
0x858: {  	v3 =	vld [tilespmem:$0x18800];
	_ =	sdelay $0x4  }
0x859: {  	v24 =	vshrl.u32 v3, $0x3  }
0x85a: {  	v4 =	vmul.u32 $0x18, v24  }
0x85b: {  	v3 =	vand.u32 $0x7, v3  }
0x85c: {  	v3 =	vor.u32 v3, v4  }
0x85d: {  	v4 =	vperm.xlane v3, v0;
	_ =	sdelay $0x1  }
0x85e: {  	v4 =	vadd.s32 v1, v4;
	_ =	sdelay $0x1  }
0x85f: {  	v3 =	vperm.xlane v3, v2;
	_ =	sdelay $0x1  }
0x860: {  	v3 =	vadd.s32 v1, v3  }
0x861: {  	[hbm4b:s2+s3] =	stream.indirect_vreg.scatter [tilespmem:s3], [sflag:$0x2], $0x80, v4, vm0, $0xb8;
	[tilespmem:$0x19400] =	vst v63  }
0x862: {  	s0 =	simm.s32 $0x800  }
0x863: {  	[hbm4b:s5+s3] =	stream.indirect_vreg.scatter [tilespmem:s0], [sflag:$0x2], $0x80, v4, vm1, $0xb8;
	[tilespmem:$0x19400] =	vst v63  }
0x864: {  	s0 =	simm.s32 $0xC00  }
0x865: {  	[hbm4b:s2+s3] =	stream.indirect_vreg.scatter [tilespmem:s0], [sflag:$0x2], $0x80, v3, vm0, $0xb8;
	[tilespmem:$0x19400] =	vst v63  }
0x866: {  	s0 =	simm.s32 $0x1400  }
0x867: {  	[hbm4b:s5+s3] =	stream.indirect_vreg.scatter [tilespmem:s0], [sflag:$0x2], $0x80, v3, vm1, $0xb8;
	[tilespmem:$0x19400] =	vst v63  }
0x868: {  	v3 =	vld [tilespmem:$0x18810];
	_ =	sdelay $0x4  }
0x869: {  	v25 =	vshrl.u32 v3, $0x3  }
0x86a: {  	v4 =	vmul.u32 $0x18, v25  }
0x86b: {  	v3 =	vand.u32 $0x7, v3  }
0x86c: {  	v3 =	vor.u32 v3, v4  }
0x86d: {  	v4 =	vperm.xlane v3, v0;
	_ =	sdelay $0x1  }
0x86e: {  	v4 =	vadd.s32 v1, v4;
	_ =	sdelay $0x1  }
0x86f: {  	v3 =	vperm.xlane v3, v2;
	_ =	sdelay $0x1  }
0x870: {  	s1 =	simm.s32 $0x1800;
	v3 =	vadd.s32 v1, v3  }
0x871: {  	[hbm4b:s2+s3] =	stream.indirect_vreg.scatter [tilespmem:s1], [sflag:$0x2], $0x80, v4, vm0, $0xb8;
	[tilespmem:$0x19400] =	vst v63  }
0x872: {  	s4 =	simm.s32 $0x2000  }
0x873: {  	[hbm4b:s5+s3] =	stream.indirect_vreg.scatter [tilespmem:s4], [sflag:$0x2], $0x80, v4, vm1, $0xb8;
	[tilespmem:$0x19400] =	vst v63  }
0x874: {  	s6 =	simm.s32 $0x2400  }
0x875: {  	[hbm4b:s2+s3] =	stream.indirect_vreg.scatter [tilespmem:s6], [sflag:$0x2], $0x80, v3, vm0, $0xb8;
	[tilespmem:$0x19400] =	vst v63  }
0x876: {  	s0 =	simm.s32 $0x2C00  }
0x877: {  	[hbm4b:s5+s3] =	stream.indirect_vreg.scatter [tilespmem:s0], [sflag:$0x2], $0x80, v3, vm1, $0xb8;
	[tilespmem:$0x19400] =	vst v63  }
0x878: {  	v3 =	vld [tilespmem:$0x18820];
	_ =	sdelay $0x4  }
0x879: {  	v26 =	vshrl.u32 v3, $0x3  }
0x87a: {  	v4 =	vmul.u32 $0x18, v26  }
0x87b: {  	v3 =	vand.u32 $0x7, v3  }
0x87c: {  	v3 =	vor.u32 v3, v4  }
0x87d: {  	v4 =	vperm.xlane v3, v0;
	_ =	sdelay $0x1  }
0x87e: {  	v4 =	vadd.s32 v1, v4;
	_ =	sdelay $0x1  }
0x87f: {  	v3 =	vperm.xlane v3, v2;
	_ =	sdelay $0x1  }
0x880: {  	s7 =	simm.s32 $0x3000;
	v3 =	vadd.s32 v1, v3  }
0x881: {  	[hbm4b:s2+s3] =	stream.indirect_vreg.scatter [tilespmem:s7], [sflag:$0x2], $0x80, v4, vm0, $0xb8;
	[tilespmem:$0x19400] =	vst v63  }
0x882: {  	s8 =	simm.s32 $0x3800  }
0x883: {  	[hbm4b:s5+s3] =	stream.indirect_vreg.scatter [tilespmem:s8], [sflag:$0x2], $0x80, v4, vm1, $0xb8;
	[tilespmem:$0x19400] =	vst v63  }
0x884: {  	s9 =	simm.s32 $0x3C00  }
0x885: {  	[hbm4b:s2+s3] =	stream.indirect_vreg.scatter [tilespmem:s9], [sflag:$0x2], $0x80, v3, vm0, $0xb8;
	[tilespmem:$0x19400] =	vst v63  }
0x886: {  	s0 =	simm.s32 $0x4400  }
0x887: {  	[hbm4b:s5+s3] =	stream.indirect_vreg.scatter [tilespmem:s0], [sflag:$0x2], $0x80, v3, vm1, $0xb8;
	[tilespmem:$0x19400] =	vst v63  }
0x888: {  	v3 =	vld [tilespmem:$0x18830];
	_ =	sdelay $0x4  }
0x889: {  	v27 =	vshrl.u32 v3, $0x3  }
0x88a: {  	v4 =	vmul.u32 $0x18, v27  }
0x88b: {  	v3 =	vand.u32 $0x7, v3  }
0x88c: {  	v3 =	vor.u32 v3, v4  }
0x88d: {  	v4 =	vperm.xlane v3, v0;
	_ =	sdelay $0x1  }
0x88e: {  	v4 =	vadd.s32 v1, v4;
	_ =	sdelay $0x1  }
0x88f: {  	v3 =	vperm.xlane v3, v2;
	_ =	sdelay $0x1  }
0x890: {  	s10 =	simm.s32 $0x4800;
	v3 =	vadd.s32 v1, v3  }
0x891: {  	[hbm4b:s2+s3] =	stream.indirect_vreg.scatter [tilespmem:s10], [sflag:$0x2], $0x80, v4, vm0, $0xb8;
	[tilespmem:$0x19400] =	vst v63  }
0x892: {  	s11 =	simm.s32 $0x5000  }
0x893: {  	[hbm4b:s5+s3] =	stream.indirect_vreg.scatter [tilespmem:s11], [sflag:$0x2], $0x80, v4, vm1, $0xb8;
	[tilespmem:$0x19400] =	vst v63  }
0x894: {  	s12 =	simm.s32 $0x5400  }
0x895: {  	[hbm4b:s2+s3] =	stream.indirect_vreg.scatter [tilespmem:s12], [sflag:$0x2], $0x80, v3, vm0, $0xb8;
	[tilespmem:$0x19400] =	vst v63  }
0x896: {  	s28 =	simm.s32 $0x5C00  }
0x897: {  	[hbm4b:s5+s3] =	stream.indirect_vreg.scatter [tilespmem:s28], [sflag:$0x2], $0x80, v3, vm1, $0xb8;
	[tilespmem:$0x19400] =	vst v63  }
0x898: {  	v3 =	vld [tilespmem:$0x18840];
	_ =	sdelay $0x4  }
0x899: {  	v28 =	vshrl.u32 v3, $0x3  }
0x89a: {  	v4 =	vmul.u32 $0x18, v28  }
0x89b: {  	v3 =	vand.u32 $0x7, v3  }
0x89c: {  	v3 =	vor.u32 v3, v4  }
0x89d: {  	v4 =	vperm.xlane v3, v0;
	_ =	sdelay $0x1  }
0x89e: {  	v4 =	vadd.s32 v1, v4;
	_ =	sdelay $0x1  }
0x89f: {  	v3 =	vperm.xlane v3, v2;
	_ =	sdelay $0x1  }
0x8a0: {  	s13 =	simm.s32 $0x6000;
	v3 =	vadd.s32 v1, v3  }
0x8a1: {  	[hbm4b:s2+s3] =	stream.indirect_vreg.scatter [tilespmem:s13], [sflag:$0x2], $0x80, v4, vm0, $0xb8;
	[tilespmem:$0x19400] =	vst v63  }
0x8a2: {  	s15 =	simm.s32 $0x6800  }
0x8a3: {  	[hbm4b:s5+s3] =	stream.indirect_vreg.scatter [tilespmem:s15], [sflag:$0x2], $0x80, v4, vm1, $0xb8;
	[tilespmem:$0x19400] =	vst v63  }
0x8a4: {  	s16 =	simm.s32 $0x6C00  }
0x8a5: {  	[hbm4b:s2+s3] =	stream.indirect_vreg.scatter [tilespmem:s16], [sflag:$0x2], $0x80, v3, vm0, $0xb8;
	[tilespmem:$0x19400] =	vst v63  }
0x8a6: {  	s29 =	simm.s32 $0x7400  }
0x8a7: {  	[hbm4b:s5+s3] =	stream.indirect_vreg.scatter [tilespmem:s29], [sflag:$0x2], $0x80, v3, vm1, $0xb8;
	[tilespmem:$0x19400] =	vst v63  }
0x8a8: {  	v3 =	vld [tilespmem:$0x18850];
	_ =	sdelay $0x4  }
0x8a9: {  	v29 =	vshrl.u32 v3, $0x3  }
0x8aa: {  	v4 =	vmul.u32 $0x18, v29  }
0x8ab: {  	v3 =	vand.u32 $0x7, v3  }
0x8ac: {  	v3 =	vor.u32 v3, v4  }
0x8ad: {  	v4 =	vperm.xlane v3, v0;
	_ =	sdelay $0x1  }
0x8ae: {  	v4 =	vadd.s32 v1, v4;
	_ =	sdelay $0x1  }
0x8af: {  	v3 =	vperm.xlane v3, v2;
	_ =	sdelay $0x1  }
0x8b0: {  	s17 =	simm.s32 $0x7800;
	v3 =	vadd.s32 v1, v3  }
0x8b1: {  	[hbm4b:s2+s3] =	stream.indirect_vreg.scatter [tilespmem:s17], [sflag:$0x2], $0x80, v4, vm0, $0xb8;
	[tilespmem:$0x19400] =	vst v63  }
0x8b2: {  	s18 =	simm.s32 $0x8000  }
0x8b3: {  	[hbm4b:s5+s3] =	stream.indirect_vreg.scatter [tilespmem:s18], [sflag:$0x2], $0x80, v4, vm1, $0xb8;
	[tilespmem:$0x19400] =	vst v63  }
0x8b4: {  	s19 =	simm.s32 $0x8400  }
0x8b5: {  	[hbm4b:s2+s3] =	stream.indirect_vreg.scatter [tilespmem:s19], [sflag:$0x2], $0x80, v3, vm0, $0xb8;
	[tilespmem:$0x19400] =	vst v63  }
0x8b6: {  	s30 =	simm.s32 $0x8C00  }
0x8b7: {  	[hbm4b:s5+s3] =	stream.indirect_vreg.scatter [tilespmem:s30], [sflag:$0x2], $0x80, v3, vm1, $0xb8;
	[tilespmem:$0x19400] =	vst v63  }
0x8b8: {  	v3 =	vld [tilespmem:$0x18860];
	_ =	sdelay $0x4  }
0x8b9: {  	v30 =	vshrl.u32 v3, $0x3  }
0x8ba: {  	v4 =	vmul.u32 $0x18, v30  }
0x8bb: {  	v3 =	vand.u32 $0x7, v3  }
0x8bc: {  	v3 =	vor.u32 v3, v4  }
0x8bd: {  	v4 =	vperm.xlane v3, v0;
	_ =	sdelay $0x1  }
0x8be: {  	v4 =	vadd.s32 v1, v4;
	_ =	sdelay $0x1  }
0x8bf: {  	v3 =	vperm.xlane v3, v2;
	_ =	sdelay $0x1  }
0x8c0: {  	s21 =	simm.s32 $0x9000;
	v3 =	vadd.s32 v1, v3  }
0x8c1: {  	[hbm4b:s2+s3] =	stream.indirect_vreg.scatter [tilespmem:s21], [sflag:$0x2], $0x80, v4, vm0, $0xb8;
	[tilespmem:$0x19400] =	vst v63  }
0x8c2: {  	s22 =	simm.s32 $0x9800  }
0x8c3: {  	[hbm4b:s5+s3] =	stream.indirect_vreg.scatter [tilespmem:s22], [sflag:$0x2], $0x80, v4, vm1, $0xb8;
	[tilespmem:$0x19400] =	vst v63  }
0x8c4: {  	s23 =	simm.s32 $0x9C00  }
0x8c5: {  	[hbm4b:s2+s3] =	stream.indirect_vreg.scatter [tilespmem:s23], [sflag:$0x2], $0x80, v3, vm0, $0xb8;
	[tilespmem:$0x19400] =	vst v63  }
0x8c6: {  	s31 =	simm.s32 $0xA400  }
0x8c7: {  	[hbm4b:s5+s3] =	stream.indirect_vreg.scatter [tilespmem:s31], [sflag:$0x2], $0x80, v3, vm1, $0xb8;
	[tilespmem:$0x19400] =	vst v63  }
0x8c8: {  	v3 =	vld [tilespmem:$0x18870];
	_ =	sdelay $0x4  }
0x8c9: {  	v31 =	vshrl.u32 v3, $0x3  }
0x8ca: {  	v4 =	vmul.u32 $0x18, v31  }
0x8cb: {  	v3 =	vand.u32 $0x7, v3  }
0x8cc: {  	v3 =	vor.u32 v3, v4  }
0x8cd: {  	v4 =	vperm.xlane v3, v0;
	_ =	sdelay $0x1  }
0x8ce: {  	v4 =	vadd.s32 v1, v4;
	_ =	sdelay $0x1  }
0x8cf: {  	v3 =	vperm.xlane v3, v2;
	_ =	sdelay $0x1  }
0x8d0: {  	s24 =	simm.s32 $0xA800;
	v3 =	vadd.s32 v1, v3  }
0x8d1: {  	[hbm4b:s2+s3] =	stream.indirect_vreg.scatter [tilespmem:s24], [sflag:$0x2], $0x80, v4, vm0, $0xb8;
	[tilespmem:$0x19400] =	vst v63  }
0x8d2: {  	s25 =	simm.s32 $0xB000  }
0x8d3: {  	[hbm4b:s5+s3] =	stream.indirect_vreg.scatter [tilespmem:s25], [sflag:$0x2], $0x80, v4, vm1, $0xb8;
	[tilespmem:$0x19400] =	vst v63  }
0x8d4: {  	s26 =	simm.s32 $0xB400  }
0x8d5: {  	[hbm4b:s2+s3] =	stream.indirect_vreg.scatter [tilespmem:s26], [sflag:$0x2], $0x80, v3, vm0, $0xb8;
	[tilespmem:$0x19400] =	vst v63  }
0x8d6: {  	s20 =	simm.s32 $0xBC00  }
0x8d7: {  	[hbm4b:s5+s3] =	stream.indirect_vreg.scatter [tilespmem:s20], [sflag:$0x2], $0x80, v3, vm1, $0xb8;
	[tilespmem:$0x19400] =	vst v63  }
0x8d8: {  	v3 =	vld [tilespmem:$0x18880];
	_ =	sdelay $0x4  }
0x8d9: {  	v32 =	vshrl.u32 v3, $0x3  }
0x8da: {  	v4 =	vmul.u32 $0x18, v32  }
0x8db: {  	v3 =	vand.u32 $0x7, v3  }
0x8dc: {  	v3 =	vor.u32 v3, v4  }
0x8dd: {  	v4 =	vperm.xlane v3, v0;
	_ =	sdelay $0x1  }
0x8de: {  	v4 =	vadd.s32 v1, v4;
	_ =	sdelay $0x1  }
0x8df: {  	v3 =	vperm.xlane v3, v2;
	_ =	sdelay $0x1  }
0x8e0: {  	v3 =	vadd.s32 v1, v3  }
0x8e1: {  	[hbm4b:s2+s3] =	stream.indirect_vreg.scatter [tilespmem:s3], [sflag:$0x2], $0x80, v4, vm0, $0xb8;
	[tilespmem:$0x19400] =	vst v63  }
0x8e2: {  	s0 =	simm.s32 $0x800  }
0x8e3: {  	[hbm4b:s5+s3] =	stream.indirect_vreg.scatter [tilespmem:s0], [sflag:$0x2], $0x80, v4, vm1, $0xb8;
	[tilespmem:$0x19400] =	vst v63  }
0x8e4: {  	s0 =	simm.s32 $0xC00  }
0x8e5: {  	[hbm4b:s2+s3] =	stream.indirect_vreg.scatter [tilespmem:s0], [sflag:$0x2], $0x80, v3, vm0, $0xb8;
	[tilespmem:$0x19400] =	vst v63  }
0x8e6: {  	s0 =	simm.s32 $0x1400  }
0x8e7: {  	[hbm4b:s5+s3] =	stream.indirect_vreg.scatter [tilespmem:s0], [sflag:$0x2], $0x80, v3, vm1, $0xb8;
	[tilespmem:$0x19400] =	vst v63  }
0x8e8: {  	v3 =	vld [tilespmem:$0x18890];
	_ =	sdelay $0x4  }
0x8e9: {  	v33 =	vshrl.u32 v3, $0x3  }
0x8ea: {  	v4 =	vmul.u32 $0x18, v33  }
0x8eb: {  	v3 =	vand.u32 $0x7, v3  }
0x8ec: {  	v3 =	vor.u32 v3, v4  }
0x8ed: {  	v4 =	vperm.xlane v3, v0;
	_ =	sdelay $0x1  }
0x8ee: {  	v4 =	vadd.s32 v1, v4;
	_ =	sdelay $0x1  }
0x8ef: {  	v3 =	vperm.xlane v3, v2;
	_ =	sdelay $0x1  }
0x8f0: {  	s1 =	simm.s32 $0x1800;
	v3 =	vadd.s32 v1, v3  }
0x8f1: {  	[hbm4b:s2+s3] =	stream.indirect_vreg.scatter [tilespmem:s1], [sflag:$0x2], $0x80, v4, vm0, $0xb8;
	[tilespmem:$0x19400] =	vst v63  }
0x8f2: {  	s4 =	simm.s32 $0x2000  }
0x8f3: {  	[hbm4b:s5+s3] =	stream.indirect_vreg.scatter [tilespmem:s4], [sflag:$0x2], $0x80, v4, vm1, $0xb8;
	[tilespmem:$0x19400] =	vst v63  }
0x8f4: {  	s6 =	simm.s32 $0x2400  }
0x8f5: {  	[hbm4b:s2+s3] =	stream.indirect_vreg.scatter [tilespmem:s6], [sflag:$0x2], $0x80, v3, vm0, $0xb8;
	[tilespmem:$0x19400] =	vst v63  }
0x8f6: {  	s0 =	simm.s32 $0x2C00  }
0x8f7: {  	[hbm4b:s5+s3] =	stream.indirect_vreg.scatter [tilespmem:s0], [sflag:$0x2], $0x80, v3, vm1, $0xb8;
	[tilespmem:$0x19400] =	vst v63  }
0x8f8: {  	v3 =	vld [tilespmem:$0x188A0];
	_ =	sdelay $0x4  }
0x8f9: {  	v34 =	vshrl.u32 v3, $0x3  }
0x8fa: {  	v4 =	vmul.u32 $0x18, v34  }
0x8fb: {  	v3 =	vand.u32 $0x7, v3  }
0x8fc: {  	v3 =	vor.u32 v3, v4  }
0x8fd: {  	v4 =	vperm.xlane v3, v0;
	_ =	sdelay $0x1  }
0x8fe: {  	v4 =	vadd.s32 v1, v4;
	_ =	sdelay $0x1  }
0x8ff: {  	v3 =	vperm.xlane v3, v2;
	_ =	sdelay $0x1  }
0x900: {  	s7 =	simm.s32 $0x3000;
	v3 =	vadd.s32 v1, v3  }
0x901: {  	[hbm4b:s2+s3] =	stream.indirect_vreg.scatter [tilespmem:s7], [sflag:$0x2], $0x80, v4, vm0, $0xb8;
	[tilespmem:$0x19400] =	vst v63  }
0x902: {  	s8 =	simm.s32 $0x3800  }
0x903: {  	[hbm4b:s5+s3] =	stream.indirect_vreg.scatter [tilespmem:s8], [sflag:$0x2], $0x80, v4, vm1, $0xb8;
	[tilespmem:$0x19400] =	vst v63  }
0x904: {  	s9 =	simm.s32 $0x3C00  }
0x905: {  	[hbm4b:s2+s3] =	stream.indirect_vreg.scatter [tilespmem:s9], [sflag:$0x2], $0x80, v3, vm0, $0xb8;
	[tilespmem:$0x19400] =	vst v63  }
0x906: {  	s0 =	simm.s32 $0x4400  }
0x907: {  	[hbm4b:s5+s3] =	stream.indirect_vreg.scatter [tilespmem:s0], [sflag:$0x2], $0x80, v3, vm1, $0xb8;
	[tilespmem:$0x19400] =	vst v63  }
0x908: {  	v3 =	vld [tilespmem:$0x188B0];
	_ =	sdelay $0x4  }
0x909: {  	v35 =	vshrl.u32 v3, $0x3  }
0x90a: {  	v4 =	vmul.u32 $0x18, v35  }
0x90b: {  	v3 =	vand.u32 $0x7, v3  }
0x90c: {  	v3 =	vor.u32 v3, v4  }
0x90d: {  	v4 =	vperm.xlane v3, v0;
	_ =	sdelay $0x1  }
0x90e: {  	v4 =	vadd.s32 v1, v4;
	_ =	sdelay $0x1  }
0x90f: {  	v3 =	vperm.xlane v3, v2;
	_ =	sdelay $0x1  }
0x910: {  	s10 =	simm.s32 $0x4800;
	v3 =	vadd.s32 v1, v3  }
0x911: {  	[hbm4b:s2+s3] =	stream.indirect_vreg.scatter [tilespmem:s10], [sflag:$0x2], $0x80, v4, vm0, $0xb8;
	[tilespmem:$0x19400] =	vst v63  }
0x912: {  	s11 =	simm.s32 $0x5000  }
0x913: {  	[hbm4b:s5+s3] =	stream.indirect_vreg.scatter [tilespmem:s11], [sflag:$0x2], $0x80, v4, vm1, $0xb8;
	[tilespmem:$0x19400] =	vst v63  }
0x914: {  	s12 =	simm.s32 $0x5400  }
0x915: {  	[hbm4b:s2+s3] =	stream.indirect_vreg.scatter [tilespmem:s12], [sflag:$0x2], $0x80, v3, vm0, $0xb8;
	[tilespmem:$0x19400] =	vst v63  }
0x916: {  	s28 =	simm.s32 $0x5C00  }
0x917: {  	[hbm4b:s5+s3] =	stream.indirect_vreg.scatter [tilespmem:s28], [sflag:$0x2], $0x80, v3, vm1, $0xb8;
	[tilespmem:$0x19400] =	vst v63  }
0x918: {  	v3 =	vld [tilespmem:$0x188C0];
	_ =	sdelay $0x4  }
0x919: {  	v36 =	vshrl.u32 v3, $0x3  }
0x91a: {  	v4 =	vmul.u32 $0x18, v36  }
0x91b: {  	v3 =	vand.u32 $0x7, v3  }
0x91c: {  	v3 =	vor.u32 v3, v4  }
0x91d: {  	v4 =	vperm.xlane v3, v0;
	_ =	sdelay $0x1  }
0x91e: {  	v4 =	vadd.s32 v1, v4;
	_ =	sdelay $0x1  }
0x91f: {  	v3 =	vperm.xlane v3, v2;
	_ =	sdelay $0x1  }
0x920: {  	s13 =	simm.s32 $0x6000;
	v3 =	vadd.s32 v1, v3  }
0x921: {  	[hbm4b:s2+s3] =	stream.indirect_vreg.scatter [tilespmem:s13], [sflag:$0x2], $0x80, v4, vm0, $0xb8;
	[tilespmem:$0x19400] =	vst v63  }
0x922: {  	s15 =	simm.s32 $0x6800  }
0x923: {  	[hbm4b:s5+s3] =	stream.indirect_vreg.scatter [tilespmem:s15], [sflag:$0x2], $0x80, v4, vm1, $0xb8;
	[tilespmem:$0x19400] =	vst v63  }
0x924: {  	s16 =	simm.s32 $0x6C00  }
0x925: {  	[hbm4b:s2+s3] =	stream.indirect_vreg.scatter [tilespmem:s16], [sflag:$0x2], $0x80, v3, vm0, $0xb8;
	[tilespmem:$0x19400] =	vst v63  }
0x926: {  	s29 =	simm.s32 $0x7400  }
0x927: {  	[hbm4b:s5+s3] =	stream.indirect_vreg.scatter [tilespmem:s29], [sflag:$0x2], $0x80, v3, vm1, $0xb8;
	[tilespmem:$0x19400] =	vst v63  }
0x928: {  	v3 =	vld [tilespmem:$0x188D0];
	_ =	sdelay $0x4  }
0x929: {  	v37 =	vshrl.u32 v3, $0x3  }
0x92a: {  	v4 =	vmul.u32 $0x18, v37  }
0x92b: {  	v3 =	vand.u32 $0x7, v3  }
0x92c: {  	v3 =	vor.u32 v3, v4  }
0x92d: {  	v4 =	vperm.xlane v3, v0;
	_ =	sdelay $0x1  }
0x92e: {  	v4 =	vadd.s32 v1, v4;
	_ =	sdelay $0x1  }
0x92f: {  	v3 =	vperm.xlane v3, v2;
	_ =	sdelay $0x1  }
0x930: {  	s17 =	simm.s32 $0x7800;
	v3 =	vadd.s32 v1, v3  }
0x931: {  	[hbm4b:s2+s3] =	stream.indirect_vreg.scatter [tilespmem:s17], [sflag:$0x2], $0x80, v4, vm0, $0xb8;
	[tilespmem:$0x19400] =	vst v63  }
0x932: {  	s18 =	simm.s32 $0x8000  }
0x933: {  	[hbm4b:s5+s3] =	stream.indirect_vreg.scatter [tilespmem:s18], [sflag:$0x2], $0x80, v4, vm1, $0xb8;
	[tilespmem:$0x19400] =	vst v63  }
0x934: {  	s19 =	simm.s32 $0x8400  }
0x935: {  	[hbm4b:s2+s3] =	stream.indirect_vreg.scatter [tilespmem:s19], [sflag:$0x2], $0x80, v3, vm0, $0xb8;
	[tilespmem:$0x19400] =	vst v63  }
0x936: {  	s30 =	simm.s32 $0x8C00  }
0x937: {  	[hbm4b:s5+s3] =	stream.indirect_vreg.scatter [tilespmem:s30], [sflag:$0x2], $0x80, v3, vm1, $0xb8;
	[tilespmem:$0x19400] =	vst v63  }
0x938: {  	v3 =	vld [tilespmem:$0x188E0];
	_ =	sdelay $0x4  }
0x939: {  	v38 =	vshrl.u32 v3, $0x3  }
0x93a: {  	v4 =	vmul.u32 $0x18, v38  }
0x93b: {  	v3 =	vand.u32 $0x7, v3  }
0x93c: {  	v3 =	vor.u32 v3, v4  }
0x93d: {  	v4 =	vperm.xlane v3, v0;
	_ =	sdelay $0x1  }
0x93e: {  	v4 =	vadd.s32 v1, v4;
	_ =	sdelay $0x1  }
0x93f: {  	v3 =	vperm.xlane v3, v2;
	_ =	sdelay $0x1  }
0x940: {  	s21 =	simm.s32 $0x9000;
	v3 =	vadd.s32 v1, v3  }
0x941: {  	[hbm4b:s2+s3] =	stream.indirect_vreg.scatter [tilespmem:s21], [sflag:$0x2], $0x80, v4, vm0, $0xb8;
	[tilespmem:$0x19400] =	vst v63  }
0x942: {  	s22 =	simm.s32 $0x9800  }
0x943: {  	[hbm4b:s5+s3] =	stream.indirect_vreg.scatter [tilespmem:s22], [sflag:$0x2], $0x80, v4, vm1, $0xb8;
	[tilespmem:$0x19400] =	vst v63  }
0x944: {  	s23 =	simm.s32 $0x9C00  }
0x945: {  	[hbm4b:s2+s3] =	stream.indirect_vreg.scatter [tilespmem:s23], [sflag:$0x2], $0x80, v3, vm0, $0xb8;
	[tilespmem:$0x19400] =	vst v63  }
0x946: {  	s31 =	simm.s32 $0xA400  }
0x947: {  	[hbm4b:s5+s3] =	stream.indirect_vreg.scatter [tilespmem:s31], [sflag:$0x2], $0x80, v3, vm1, $0xb8;
	[tilespmem:$0x19400] =	vst v63  }
0x948: {  	v3 =	vld [tilespmem:$0x188F0];
	_ =	sdelay $0x4  }
0x949: {  	v39 =	vshrl.u32 v3, $0x3  }
0x94a: {  	v4 =	vmul.u32 $0x18, v39  }
0x94b: {  	v3 =	vand.u32 $0x7, v3  }
0x94c: {  	v3 =	vor.u32 v3, v4  }
0x94d: {  	v4 =	vperm.xlane v3, v0;
	_ =	sdelay $0x1  }
0x94e: {  	v4 =	vadd.s32 v1, v4;
	_ =	sdelay $0x1  }
0x94f: {  	v3 =	vperm.xlane v3, v2;
	_ =	sdelay $0x1  }
0x950: {  	s24 =	simm.s32 $0xA800;
	v3 =	vadd.s32 v1, v3  }
0x951: {  	[hbm4b:s2+s3] =	stream.indirect_vreg.scatter [tilespmem:s24], [sflag:$0x2], $0x80, v4, vm0, $0xb8;
	[tilespmem:$0x19400] =	vst v63  }
0x952: {  	s25 =	simm.s32 $0xB000  }
0x953: {  	[hbm4b:s5+s3] =	stream.indirect_vreg.scatter [tilespmem:s25], [sflag:$0x2], $0x80, v4, vm1, $0xb8;
	[tilespmem:$0x19400] =	vst v63  }
0x954: {  	s26 =	simm.s32 $0xB400  }
0x955: {  	[hbm4b:s2+s3] =	stream.indirect_vreg.scatter [tilespmem:s26], [sflag:$0x2], $0x80, v3, vm0, $0xb8;
	[tilespmem:$0x19400] =	vst v63  }
0x956: {  	s20 =	simm.s32 $0xBC00  }
0x957: {  	[hbm4b:s5+s3] =	stream.indirect_vreg.scatter [tilespmem:s20], [sflag:$0x2], $0x80, v3, vm1, $0xb8;
	[tilespmem:$0x19400] =	vst v63  }
0x958: {  	v3 =	vld [tilespmem:$0x18900];
	_ =	sdelay $0x4  }
0x959: {  	v40 =	vshrl.u32 v3, $0x3  }
0x95a: {  	v4 =	vmul.u32 $0x18, v40  }
0x95b: {  	v3 =	vand.u32 $0x7, v3  }
0x95c: {  	v3 =	vor.u32 v3, v4  }
0x95d: {  	v4 =	vperm.xlane v3, v0;
	_ =	sdelay $0x1  }
0x95e: {  	v4 =	vadd.s32 v1, v4;
	_ =	sdelay $0x1  }
0x95f: {  	v3 =	vperm.xlane v3, v2;
	_ =	sdelay $0x1  }
0x960: {  	v3 =	vadd.s32 v1, v3  }
0x961: {  	[hbm4b:s2+s3] =	stream.indirect_vreg.scatter [tilespmem:s3], [sflag:$0x2], $0x80, v4, vm0, $0xb8;
	[tilespmem:$0x19400] =	vst v63  }
0x962: {  	s31 =	simm.s32 $0x800  }
0x963: {  	[hbm4b:s5+s3] =	stream.indirect_vreg.scatter [tilespmem:s31], [sflag:$0x2], $0x80, v4, vm1, $0xb8;
	[tilespmem:$0x19400] =	vst v63  }
0x964: {  	s0 =	simm.s32 $0xC00  }
0x965: {  	[hbm4b:s2+s3] =	stream.indirect_vreg.scatter [tilespmem:s0], [sflag:$0x2], $0x80, v3, vm0, $0xb8;
	[tilespmem:$0x19400] =	vst v63  }
0x966: {  	s0 =	simm.s32 $0x1400  }
0x967: {  	[hbm4b:s5+s3] =	stream.indirect_vreg.scatter [tilespmem:s0], [sflag:$0x2], $0x80, v3, vm1, $0xb8;
	[tilespmem:$0x19400] =	vst v63  }
0x968: {  	v3 =	vld [tilespmem:$0x18910];
	_ =	sdelay $0x4  }
0x969: {  	v41 =	vshrl.u32 v3, $0x3  }
0x96a: {  	v4 =	vmul.u32 $0x18, v41  }
0x96b: {  	v3 =	vand.u32 $0x7, v3  }
0x96c: {  	v3 =	vor.u32 v3, v4  }
0x96d: {  	v4 =	vperm.xlane v3, v0;
	_ =	sdelay $0x1  }
0x96e: {  	v4 =	vadd.s32 v1, v4;
	_ =	sdelay $0x1  }
0x96f: {  	v3 =	vperm.xlane v3, v2;
	_ =	sdelay $0x1  }
0x970: {  	s1 =	simm.s32 $0x1800;
	v3 =	vadd.s32 v1, v3  }
0x971: {  	[hbm4b:s2+s3] =	stream.indirect_vreg.scatter [tilespmem:s1], [sflag:$0x2], $0x80, v4, vm0, $0xb8;
	[tilespmem:$0x19400] =	vst v63  }
0x972: {  	s4 =	simm.s32 $0x2000  }
0x973: {  	[hbm4b:s5+s3] =	stream.indirect_vreg.scatter [tilespmem:s4], [sflag:$0x2], $0x80, v4, vm1, $0xb8;
	[tilespmem:$0x19400] =	vst v63  }
0x974: {  	s6 =	simm.s32 $0x2400  }
0x975: {  	[hbm4b:s2+s3] =	stream.indirect_vreg.scatter [tilespmem:s6], [sflag:$0x2], $0x80, v3, vm0, $0xb8;
	[tilespmem:$0x19400] =	vst v63  }
0x976: {  	s0 =	simm.s32 $0x2C00  }
0x977: {  	[hbm4b:s5+s3] =	stream.indirect_vreg.scatter [tilespmem:s0], [sflag:$0x2], $0x80, v3, vm1, $0xb8;
	[tilespmem:$0x19400] =	vst v63  }
0x978: {  	v3 =	vld [tilespmem:$0x18920];
	_ =	sdelay $0x4  }
0x979: {  	v42 =	vshrl.u32 v3, $0x3  }
0x97a: {  	v4 =	vmul.u32 $0x18, v42  }
0x97b: {  	v3 =	vand.u32 $0x7, v3  }
0x97c: {  	v3 =	vor.u32 v3, v4  }
0x97d: {  	v4 =	vperm.xlane v3, v0;
	_ =	sdelay $0x1  }
0x97e: {  	v4 =	vadd.s32 v1, v4;
	_ =	sdelay $0x1  }
0x97f: {  	v3 =	vperm.xlane v3, v2;
	_ =	sdelay $0x1  }
0x980: {  	s7 =	simm.s32 $0x3000;
	v3 =	vadd.s32 v1, v3  }
0x981: {  	[hbm4b:s2+s3] =	stream.indirect_vreg.scatter [tilespmem:s7], [sflag:$0x2], $0x80, v4, vm0, $0xb8;
	[tilespmem:$0x19400] =	vst v63  }
0x982: {  	s8 =	simm.s32 $0x3800  }
0x983: {  	[hbm4b:s5+s3] =	stream.indirect_vreg.scatter [tilespmem:s8], [sflag:$0x2], $0x80, v4, vm1, $0xb8;
	[tilespmem:$0x19400] =	vst v63  }
0x984: {  	s9 =	simm.s32 $0x3C00  }
0x985: {  	[hbm4b:s2+s3] =	stream.indirect_vreg.scatter [tilespmem:s9], [sflag:$0x2], $0x80, v3, vm0, $0xb8;
	[tilespmem:$0x19400] =	vst v63  }
0x986: {  	s0 =	simm.s32 $0x4400  }
0x987: {  	[hbm4b:s5+s3] =	stream.indirect_vreg.scatter [tilespmem:s0], [sflag:$0x2], $0x80, v3, vm1, $0xb8;
	[tilespmem:$0x19400] =	vst v63  }
0x988: {  	v3 =	vld [tilespmem:$0x18930];
	_ =	sdelay $0x4  }
0x989: {  	v43 =	vshrl.u32 v3, $0x3  }
0x98a: {  	v4 =	vmul.u32 $0x18, v43  }
0x98b: {  	v3 =	vand.u32 $0x7, v3  }
0x98c: {  	v3 =	vor.u32 v3, v4  }
0x98d: {  	v4 =	vperm.xlane v3, v0;
	_ =	sdelay $0x1  }
0x98e: {  	v4 =	vadd.s32 v1, v4;
	_ =	sdelay $0x1  }
0x98f: {  	v3 =	vperm.xlane v3, v2;
	_ =	sdelay $0x1  }
0x990: {  	s10 =	simm.s32 $0x4800;
	v3 =	vadd.s32 v1, v3  }
0x991: {  	[hbm4b:s2+s3] =	stream.indirect_vreg.scatter [tilespmem:s10], [sflag:$0x2], $0x80, v4, vm0, $0xb8;
	[tilespmem:$0x19400] =	vst v63  }
0x992: {  	s11 =	simm.s32 $0x5000  }
0x993: {  	[hbm4b:s5+s3] =	stream.indirect_vreg.scatter [tilespmem:s11], [sflag:$0x2], $0x80, v4, vm1, $0xb8;
	[tilespmem:$0x19400] =	vst v63  }
0x994: {  	s12 =	simm.s32 $0x5400  }
0x995: {  	[hbm4b:s2+s3] =	stream.indirect_vreg.scatter [tilespmem:s12], [sflag:$0x2], $0x80, v3, vm0, $0xb8;
	[tilespmem:$0x19400] =	vst v63  }
0x996: {  	s0 =	simm.s32 $0x5C00  }
0x997: {  	[hbm4b:s5+s3] =	stream.indirect_vreg.scatter [tilespmem:s0], [sflag:$0x2], $0x80, v3, vm1, $0xb8;
	[tilespmem:$0x19400] =	vst v63  }
0x998: {  	v3 =	vld [tilespmem:$0x18940];
	_ =	sdelay $0x4  }
0x999: {  	v44 =	vshrl.u32 v3, $0x3  }
0x99a: {  	v4 =	vmul.u32 $0x18, v44  }
0x99b: {  	v3 =	vand.u32 $0x7, v3  }
0x99c: {  	v3 =	vor.u32 v3, v4  }
0x99d: {  	v4 =	vperm.xlane v3, v0;
	_ =	sdelay $0x1  }
0x99e: {  	v4 =	vadd.s32 v1, v4;
	_ =	sdelay $0x1  }
0x99f: {  	v3 =	vperm.xlane v3, v2;
	_ =	sdelay $0x1  }
0x9a0: {  	s13 =	simm.s32 $0x6000;
	v3 =	vadd.s32 v1, v3  }
0x9a1: {  	[hbm4b:s2+s3] =	stream.indirect_vreg.scatter [tilespmem:s13], [sflag:$0x2], $0x80, v4, vm0, $0xb8;
	[tilespmem:$0x19400] =	vst v63  }
0x9a2: {  	s15 =	simm.s32 $0x6800  }
0x9a3: {  	[hbm4b:s5+s3] =	stream.indirect_vreg.scatter [tilespmem:s15], [sflag:$0x2], $0x80, v4, vm1, $0xb8;
	[tilespmem:$0x19400] =	vst v63  }
0x9a4: {  	s16 =	simm.s32 $0x6C00  }
0x9a5: {  	[hbm4b:s2+s3] =	stream.indirect_vreg.scatter [tilespmem:s16], [sflag:$0x2], $0x80, v3, vm0, $0xb8;
	[tilespmem:$0x19400] =	vst v63  }
0x9a6: {  	s29 =	simm.s32 $0x7400  }
0x9a7: {  	[hbm4b:s5+s3] =	stream.indirect_vreg.scatter [tilespmem:s29], [sflag:$0x2], $0x80, v3, vm1, $0xb8;
	[tilespmem:$0x19400] =	vst v63  }
0x9a8: {  	v3 =	vld [tilespmem:$0x18950];
	_ =	sdelay $0x4  }
0x9a9: {  	v45 =	vshrl.u32 v3, $0x3  }
0x9aa: {  	v4 =	vmul.u32 $0x18, v45  }
0x9ab: {  	v3 =	vand.u32 $0x7, v3  }
0x9ac: {  	v3 =	vor.u32 v3, v4  }
0x9ad: {  	v4 =	vperm.xlane v3, v0;
	_ =	sdelay $0x1  }
0x9ae: {  	v4 =	vadd.s32 v1, v4;
	_ =	sdelay $0x1  }
0x9af: {  	v3 =	vperm.xlane v3, v2;
	_ =	sdelay $0x1  }
0x9b0: {  	s17 =	simm.s32 $0x7800;
	v3 =	vadd.s32 v1, v3  }
0x9b1: {  	[hbm4b:s2+s3] =	stream.indirect_vreg.scatter [tilespmem:s17], [sflag:$0x2], $0x80, v4, vm0, $0xb8;
	[tilespmem:$0x19400] =	vst v63  }
0x9b2: {  	s18 =	simm.s32 $0x8000  }
0x9b3: {  	[hbm4b:s5+s3] =	stream.indirect_vreg.scatter [tilespmem:s18], [sflag:$0x2], $0x80, v4, vm1, $0xb8;
	[tilespmem:$0x19400] =	vst v63  }
0x9b4: {  	s19 =	simm.s32 $0x8400  }
0x9b5: {  	[hbm4b:s2+s3] =	stream.indirect_vreg.scatter [tilespmem:s19], [sflag:$0x2], $0x80, v3, vm0, $0xb8;
	[tilespmem:$0x19400] =	vst v63  }
0x9b6: {  	s30 =	simm.s32 $0x8C00  }
0x9b7: {  	[hbm4b:s5+s3] =	stream.indirect_vreg.scatter [tilespmem:s30], [sflag:$0x2], $0x80, v3, vm1, $0xb8;
	[tilespmem:$0x19400] =	vst v63  }
0x9b8: {  	v3 =	vld [tilespmem:$0x18960];
	_ =	sdelay $0x4  }
0x9b9: {  	v46 =	vshrl.u32 v3, $0x3  }
0x9ba: {  	v4 =	vmul.u32 $0x18, v46  }
0x9bb: {  	v3 =	vand.u32 $0x7, v3  }
0x9bc: {  	v3 =	vor.u32 v3, v4  }
0x9bd: {  	v4 =	vperm.xlane v3, v0;
	_ =	sdelay $0x1  }
0x9be: {  	v4 =	vadd.s32 v1, v4;
	_ =	sdelay $0x1  }
0x9bf: {  	v3 =	vperm.xlane v3, v2;
	_ =	sdelay $0x1  }
0x9c0: {  	s21 =	simm.s32 $0x9000;
	v3 =	vadd.s32 v1, v3  }
0x9c1: {  	[hbm4b:s2+s3] =	stream.indirect_vreg.scatter [tilespmem:s21], [sflag:$0x2], $0x80, v4, vm0, $0xb8;
	[tilespmem:$0x19400] =	vst v63  }
0x9c2: {  	s22 =	simm.s32 $0x9800  }
0x9c3: {  	[hbm4b:s5+s3] =	stream.indirect_vreg.scatter [tilespmem:s22], [sflag:$0x2], $0x80, v4, vm1, $0xb8;
	[tilespmem:$0x19400] =	vst v63  }
0x9c4: {  	s23 =	simm.s32 $0x9C00  }
0x9c5: {  	[hbm4b:s2+s3] =	stream.indirect_vreg.scatter [tilespmem:s23], [sflag:$0x2], $0x80, v3, vm0, $0xb8;
	[tilespmem:$0x19400] =	vst v63  }
0x9c6: {  	s28 =	simm.s32 $0xA400  }
0x9c7: {  	[hbm4b:s5+s3] =	stream.indirect_vreg.scatter [tilespmem:s28], [sflag:$0x2], $0x80, v3, vm1, $0xb8;
	[tilespmem:$0x19400] =	vst v63  }
0x9c8: {  	v3 =	vld [tilespmem:$0x18970];
	_ =	sdelay $0x4  }
0x9c9: {  	v47 =	vshrl.u32 v3, $0x3  }
0x9ca: {  	v4 =	vmul.u32 $0x18, v47  }
0x9cb: {  	v3 =	vand.u32 $0x7, v3  }
0x9cc: {  	v3 =	vor.u32 v3, v4  }
0x9cd: {  	v4 =	vperm.xlane v3, v0;
	_ =	sdelay $0x1  }
0x9ce: {  	v4 =	vadd.s32 v1, v4;
	_ =	sdelay $0x1  }
0x9cf: {  	v3 =	vperm.xlane v3, v2;
	_ =	sdelay $0x1  }
0x9d0: {  	s24 =	simm.s32 $0xA800;
	v3 =	vadd.s32 v1, v3  }
0x9d1: {  	[hbm4b:s2+s3] =	stream.indirect_vreg.scatter [tilespmem:s24], [sflag:$0x2], $0x80, v4, vm0, $0xb8;
	[tilespmem:$0x19400] =	vst v63  }
0x9d2: {  	s25 =	simm.s32 $0xB000  }
0x9d3: {  	[hbm4b:s5+s3] =	stream.indirect_vreg.scatter [tilespmem:s25], [sflag:$0x2], $0x80, v4, vm1, $0xb8;
	[tilespmem:$0x19400] =	vst v63  }
0x9d4: {  	s26 =	simm.s32 $0xB400  }
0x9d5: {  	[hbm4b:s2+s3] =	stream.indirect_vreg.scatter [tilespmem:s26], [sflag:$0x2], $0x80, v3, vm0, $0xb8;
	[tilespmem:$0x19400] =	vst v63  }
0x9d6: {  	s20 =	simm.s32 $0xBC00  }
0x9d7: {  	[hbm4b:s5+s3] =	stream.indirect_vreg.scatter [tilespmem:s20], [sflag:$0x2], $0x80, v3, vm1, $0xb8;
	[tilespmem:$0x19400] =	vst v63  }
0x9d8: {  	v3 =	vld [tilespmem:$0x18980];
	_ =	sdelay $0x4  }
0x9d9: {  	v48 =	vshrl.u32 v3, $0x3  }
0x9da: {  	v4 =	vmul.u32 $0x18, v48  }
0x9db: {  	v3 =	vand.u32 $0x7, v3  }
0x9dc: {  	v3 =	vor.u32 v3, v4  }
0x9dd: {  	v4 =	vperm.xlane v3, v0;
	_ =	sdelay $0x1  }
0x9de: {  	v4 =	vadd.s32 v1, v4;
	_ =	sdelay $0x1  }
0x9df: {  	v3 =	vperm.xlane v3, v2;
	_ =	sdelay $0x1  }
0x9e0: {  	v3 =	vadd.s32 v1, v3  }
0x9e1: {  	[hbm4b:s2+s3] =	stream.indirect_vreg.scatter [tilespmem:s3], [sflag:$0x2], $0x80, v4, vm0, $0xb8;
	[tilespmem:$0x19400] =	vst v63  }
0x9e2: {  	s31 =	simm.s32 $0x800  }
0x9e3: {  	[hbm4b:s5+s3] =	stream.indirect_vreg.scatter [tilespmem:s31], [sflag:$0x2], $0x80, v4, vm1, $0xb8;
	[tilespmem:$0x19400] =	vst v63  }
0x9e4: {  	s30 =	simm.s32 $0xC00  }
0x9e5: {  	[hbm4b:s2+s3] =	stream.indirect_vreg.scatter [tilespmem:s30], [sflag:$0x2], $0x80, v3, vm0, $0xb8;
	[tilespmem:$0x19400] =	vst v63  }
0x9e6: {  	s31 =	simm.s32 $0x1400  }
0x9e7: {  	[hbm4b:s5+s3] =	stream.indirect_vreg.scatter [tilespmem:s31], [sflag:$0x2], $0x80, v3, vm1, $0xb8;
	[tilespmem:$0x19400] =	vst v63  }
0x9e8: {  	v3 =	vld [tilespmem:$0x18990];
	_ =	sdelay $0x4  }
0x9e9: {  	v49 =	vshrl.u32 v3, $0x3  }
0x9ea: {  	v4 =	vmul.u32 $0x18, v49  }
0x9eb: {  	v3 =	vand.u32 $0x7, v3  }
0x9ec: {  	v3 =	vor.u32 v3, v4  }
0x9ed: {  	v4 =	vperm.xlane v3, v0;
	_ =	sdelay $0x1  }
0x9ee: {  	v4 =	vadd.s32 v1, v4;
	_ =	sdelay $0x1  }
0x9ef: {  	v3 =	vperm.xlane v3, v2;
	_ =	sdelay $0x1  }
0x9f0: {  	s1 =	simm.s32 $0x1800;
	v3 =	vadd.s32 v1, v3  }
0x9f1: {  	[hbm4b:s2+s3] =	stream.indirect_vreg.scatter [tilespmem:s1], [sflag:$0x2], $0x80, v4, vm0, $0xb8;
	[tilespmem:$0x19400] =	vst v63  }
0x9f2: {  	s4 =	simm.s32 $0x2000  }
0x9f3: {  	[hbm4b:s5+s3] =	stream.indirect_vreg.scatter [tilespmem:s4], [sflag:$0x2], $0x80, v4, vm1, $0xb8;
	[tilespmem:$0x19400] =	vst v63  }
0x9f4: {  	s6 =	simm.s32 $0x2400  }
0x9f5: {  	[hbm4b:s2+s3] =	stream.indirect_vreg.scatter [tilespmem:s6], [sflag:$0x2], $0x80, v3, vm0, $0xb8;
	[tilespmem:$0x19400] =	vst v63  }
0x9f6: {  	s28 =	simm.s32 $0x2C00  }
0x9f7: {  	[hbm4b:s5+s3] =	stream.indirect_vreg.scatter [tilespmem:s28], [sflag:$0x2], $0x80, v3, vm1, $0xb8;
	[tilespmem:$0x19400] =	vst v63  }
0x9f8: {  	v3 =	vld [tilespmem:$0x189A0];
	_ =	sdelay $0x4  }
0x9f9: {  	v50 =	vshrl.u32 v3, $0x3  }
0x9fa: {  	v4 =	vmul.u32 $0x18, v50  }
0x9fb: {  	v3 =	vand.u32 $0x7, v3  }
0x9fc: {  	v3 =	vor.u32 v3, v4  }
0x9fd: {  	v4 =	vperm.xlane v3, v0;
	_ =	sdelay $0x1  }
0x9fe: {  	v4 =	vadd.s32 v1, v4;
	_ =	sdelay $0x1  }
0x9ff: {  	v3 =	vperm.xlane v3, v2;
	_ =	sdelay $0x1  }
0xa00: {  	s7 =	simm.s32 $0x3000;
	v3 =	vadd.s32 v1, v3  }
0xa01: {  	[hbm4b:s2+s3] =	stream.indirect_vreg.scatter [tilespmem:s7], [sflag:$0x2], $0x80, v4, vm0, $0xb8;
	[tilespmem:$0x19400] =	vst v63  }
0xa02: {  	s8 =	simm.s32 $0x3800  }
0xa03: {  	[hbm4b:s5+s3] =	stream.indirect_vreg.scatter [tilespmem:s8], [sflag:$0x2], $0x80, v4, vm1, $0xb8;
	[tilespmem:$0x19400] =	vst v63  }
0xa04: {  	s9 =	simm.s32 $0x3C00  }
0xa05: {  	[hbm4b:s2+s3] =	stream.indirect_vreg.scatter [tilespmem:s9], [sflag:$0x2], $0x80, v3, vm0, $0xb8;
	[tilespmem:$0x19400] =	vst v63  }
0xa06: {  	s31 =	simm.s32 $0x4400  }
0xa07: {  	[hbm4b:s5+s3] =	stream.indirect_vreg.scatter [tilespmem:s31], [sflag:$0x2], $0x80, v3, vm1, $0xb8;
	[tilespmem:$0x19400] =	vst v63  }
0xa08: {  	v3 =	vld [tilespmem:$0x189B0];
	_ =	sdelay $0x4  }
0xa09: {  	v51 =	vshrl.u32 v3, $0x3  }
0xa0a: {  	v4 =	vmul.u32 $0x18, v51  }
0xa0b: {  	v3 =	vand.u32 $0x7, v3  }
0xa0c: {  	v3 =	vor.u32 v3, v4  }
0xa0d: {  	v4 =	vperm.xlane v3, v0;
	_ =	sdelay $0x1  }
0xa0e: {  	v4 =	vadd.s32 v1, v4;
	_ =	sdelay $0x1  }
0xa0f: {  	v3 =	vperm.xlane v3, v2;
	_ =	sdelay $0x1  }
0xa10: {  	s10 =	simm.s32 $0x4800;
	v3 =	vadd.s32 v1, v3  }
0xa11: {  	[hbm4b:s2+s3] =	stream.indirect_vreg.scatter [tilespmem:s10], [sflag:$0x2], $0x80, v4, vm0, $0xb8;
	[tilespmem:$0x19400] =	vst v63  }
0xa12: {  	s11 =	simm.s32 $0x5000  }
0xa13: {  	[hbm4b:s5+s3] =	stream.indirect_vreg.scatter [tilespmem:s11], [sflag:$0x2], $0x80, v4, vm1, $0xb8;
	[tilespmem:$0x19400] =	vst v63  }
0xa14: {  	s12 =	simm.s32 $0x5400  }
0xa15: {  	[hbm4b:s2+s3] =	stream.indirect_vreg.scatter [tilespmem:s12], [sflag:$0x2], $0x80, v3, vm0, $0xb8;
	[tilespmem:$0x19400] =	vst v63  }
0xa16: {  	s28 =	simm.s32 $0x5C00  }
0xa17: {  	[hbm4b:s5+s3] =	stream.indirect_vreg.scatter [tilespmem:s28], [sflag:$0x2], $0x80, v3, vm1, $0xb8;
	[tilespmem:$0x19400] =	vst v63  }
0xa18: {  	v3 =	vld [tilespmem:$0x189C0];
	_ =	sdelay $0x4  }
0xa19: {  	v52 =	vshrl.u32 v3, $0x3  }
0xa1a: {  	v4 =	vmul.u32 $0x18, v52  }
0xa1b: {  	v3 =	vand.u32 $0x7, v3  }
0xa1c: {  	v3 =	vor.u32 v3, v4  }
0xa1d: {  	v4 =	vperm.xlane v3, v0;
	_ =	sdelay $0x1  }
0xa1e: {  	v4 =	vadd.s32 v1, v4;
	_ =	sdelay $0x1  }
0xa1f: {  	v3 =	vperm.xlane v3, v2;
	_ =	sdelay $0x1  }
0xa20: {  	s13 =	simm.s32 $0x6000;
	v3 =	vadd.s32 v1, v3  }
0xa21: {  	[hbm4b:s2+s3] =	stream.indirect_vreg.scatter [tilespmem:s13], [sflag:$0x2], $0x80, v4, vm0, $0xb8;
	[tilespmem:$0x19400] =	vst v63  }
0xa22: {  	s15 =	simm.s32 $0x6800  }
0xa23: {  	[hbm4b:s5+s3] =	stream.indirect_vreg.scatter [tilespmem:s15], [sflag:$0x2], $0x80, v4, vm1, $0xb8;
	[tilespmem:$0x19400] =	vst v63  }
0xa24: {  	s16 =	simm.s32 $0x6C00  }
0xa25: {  	[hbm4b:s2+s3] =	stream.indirect_vreg.scatter [tilespmem:s16], [sflag:$0x2], $0x80, v3, vm0, $0xb8;
	[tilespmem:$0x19400] =	vst v63  }
0xa26: {  	s29 =	simm.s32 $0x7400  }
0xa27: {  	[hbm4b:s5+s3] =	stream.indirect_vreg.scatter [tilespmem:s29], [sflag:$0x2], $0x80, v3, vm1, $0xb8;
	[tilespmem:$0x19400] =	vst v63  }
0xa28: {  	v3 =	vld [tilespmem:$0x189D0];
	_ =	sdelay $0x4  }
0xa29: {  	v53 =	vshrl.u32 v3, $0x3  }
0xa2a: {  	v4 =	vmul.u32 $0x18, v53  }
0xa2b: {  	v3 =	vand.u32 $0x7, v3  }
0xa2c: {  	v3 =	vor.u32 v3, v4  }
0xa2d: {  	v4 =	vperm.xlane v3, v0;
	_ =	sdelay $0x1  }
0xa2e: {  	v4 =	vadd.s32 v1, v4;
	_ =	sdelay $0x1  }
0xa2f: {  	v3 =	vperm.xlane v3, v2;
	_ =	sdelay $0x1  }
0xa30: {  	s17 =	simm.s32 $0x7800;
	v3 =	vadd.s32 v1, v3  }
0xa31: {  	[hbm4b:s2+s3] =	stream.indirect_vreg.scatter [tilespmem:s17], [sflag:$0x2], $0x80, v4, vm0, $0xb8;
	[tilespmem:$0x19400] =	vst v63  }
0xa32: {  	s18 =	simm.s32 $0x8000  }
0xa33: {  	[hbm4b:s5+s3] =	stream.indirect_vreg.scatter [tilespmem:s18], [sflag:$0x2], $0x80, v4, vm1, $0xb8;
	[tilespmem:$0x19400] =	vst v63  }
0xa34: {  	s19 =	simm.s32 $0x8400  }
0xa35: {  	[hbm4b:s2+s3] =	stream.indirect_vreg.scatter [tilespmem:s19], [sflag:$0x2], $0x80, v3, vm0, $0xb8;
	[tilespmem:$0x19400] =	vst v63  }
0xa36: {  	s29 =	simm.s32 $0x8C00  }
0xa37: {  	[hbm4b:s5+s3] =	stream.indirect_vreg.scatter [tilespmem:s29], [sflag:$0x2], $0x80, v3, vm1, $0xb8;
	[tilespmem:$0x19400] =	vst v63  }
0xa38: {  	v3 =	vld [tilespmem:$0x189E0];
	_ =	sdelay $0x4  }
0xa39: {  	v54 =	vshrl.u32 v3, $0x3  }
0xa3a: {  	v4 =	vmul.u32 $0x18, v54  }
0xa3b: {  	v3 =	vand.u32 $0x7, v3  }
0xa3c: {  	v3 =	vor.u32 v3, v4  }
0xa3d: {  	v4 =	vperm.xlane v3, v0;
	_ =	sdelay $0x1  }
0xa3e: {  	v4 =	vadd.s32 v1, v4;
	_ =	sdelay $0x1  }
0xa3f: {  	v3 =	vperm.xlane v3, v2;
	_ =	sdelay $0x1  }
0xa40: {  	s21 =	simm.s32 $0x9000;
	v3 =	vadd.s32 v1, v3  }
0xa41: {  	[hbm4b:s2+s3] =	stream.indirect_vreg.scatter [tilespmem:s21], [sflag:$0x2], $0x80, v4, vm0, $0xb8;
	[tilespmem:$0x19400] =	vst v63  }
0xa42: {  	s22 =	simm.s32 $0x9800  }
0xa43: {  	[hbm4b:s5+s3] =	stream.indirect_vreg.scatter [tilespmem:s22], [sflag:$0x2], $0x80, v4, vm1, $0xb8;
	[tilespmem:$0x19400] =	vst v63  }
0xa44: {  	s23 =	simm.s32 $0x9C00  }
0xa45: {  	[hbm4b:s2+s3] =	stream.indirect_vreg.scatter [tilespmem:s23], [sflag:$0x2], $0x80, v3, vm0, $0xb8;
	[tilespmem:$0x19400] =	vst v63  }
0xa46: {  	s29 =	simm.s32 $0xA400  }
0xa47: {  	[hbm4b:s5+s3] =	stream.indirect_vreg.scatter [tilespmem:s29], [sflag:$0x2], $0x80, v3, vm1, $0xb8;
	[tilespmem:$0x19400] =	vst v63  }
0xa48: {  	v3 =	vld [tilespmem:$0x189F0];
	_ =	sdelay $0x4  }
0xa49: {  	v55 =	vshrl.u32 v3, $0x3  }
0xa4a: {  	v4 =	vmul.u32 $0x18, v55  }
0xa4b: {  	v3 =	vand.u32 $0x7, v3  }
0xa4c: {  	v3 =	vor.u32 v3, v4  }
0xa4d: {  	v4 =	vperm.xlane v3, v0;
	_ =	sdelay $0x1  }
0xa4e: {  	v4 =	vadd.s32 v1, v4;
	_ =	sdelay $0x1  }
0xa4f: {  	v3 =	vperm.xlane v3, v2;
	_ =	sdelay $0x1  }
0xa50: {  	s24 =	simm.s32 $0xA800;
	v3 =	vadd.s32 v1, v3  }
0xa51: {  	[hbm4b:s2+s3] =	stream.indirect_vreg.scatter [tilespmem:s24], [sflag:$0x2], $0x80, v4, vm0, $0xb8;
	[tilespmem:$0x19400] =	vst v63  }
0xa52: {  	s25 =	simm.s32 $0xB000  }
0xa53: {  	[hbm4b:s5+s3] =	stream.indirect_vreg.scatter [tilespmem:s25], [sflag:$0x2], $0x80, v4, vm1, $0xb8;
	[tilespmem:$0x19400] =	vst v63  }
0xa54: {  	s26 =	simm.s32 $0xB400  }
0xa55: {  	[hbm4b:s2+s3] =	stream.indirect_vreg.scatter [tilespmem:s26], [sflag:$0x2], $0x80, v3, vm0, $0xb8;
	[tilespmem:$0x19400] =	vst v63  }
0xa56: {  	s26 =	simm.s32 $0xBC00  }
0xa57: {  	[hbm4b:s5+s3] =	stream.indirect_vreg.scatter [tilespmem:s26], [sflag:$0x2], $0x80, v3, vm1, $0xb8;
	[tilespmem:$0x19400] =	vst v63  }
0xa58: {  	v3 =	vld [tilespmem:$0x18A00];
	_ =	sdelay $0x4  }
0xa59: {  	v56 =	vshrl.u32 v3, $0x3  }
0xa5a: {  	v4 =	vmul.u32 $0x18, v56  }
0xa5b: {  	v3 =	vand.u32 $0x7, v3  }
0xa5c: {  	v3 =	vor.u32 v3, v4  }
0xa5d: {  	v4 =	vperm.xlane v3, v0;
	_ =	sdelay $0x1  }
0xa5e: {  	v4 =	vadd.s32 v1, v4;
	_ =	sdelay $0x1  }
0xa5f: {  	v3 =	vperm.xlane v3, v2;
	_ =	sdelay $0x1  }
0xa60: {  	v3 =	vadd.s32 v1, v3  }
0xa61: {  	[hbm4b:s2+s3] =	stream.indirect_vreg.scatter [tilespmem:s3], [sflag:$0x2], $0x80, v4, vm0, $0xb8;
	[tilespmem:$0x19400] =	vst v63  }
0xa62: {  	s20 =	simm.s32 $0x800  }
0xa63: {  	[hbm4b:s5+s3] =	stream.indirect_vreg.scatter [tilespmem:s20], [sflag:$0x2], $0x80, v4, vm1, $0xb8;
	[tilespmem:$0x19400] =	vst v63  }
0xa64: {  	s30 =	simm.s32 $0xC00  }
0xa65: {  	[hbm4b:s2+s3] =	stream.indirect_vreg.scatter [tilespmem:s30], [sflag:$0x2], $0x80, v3, vm0, $0xb8;
	[tilespmem:$0x19400] =	vst v63  }
0xa66: {  	s30 =	simm.s32 $0x1400  }
0xa67: {  	[hbm4b:s5+s3] =	stream.indirect_vreg.scatter [tilespmem:s30], [sflag:$0x2], $0x80, v3, vm1, $0xb8;
	[tilespmem:$0x19400] =	vst v63  }
0xa68: {  	v3 =	vld [tilespmem:$0x18A10];
	_ =	sdelay $0x4  }
0xa69: {  	v57 =	vshrl.u32 v3, $0x3  }
0xa6a: {  	v4 =	vmul.u32 $0x18, v57  }
0xa6b: {  	v3 =	vand.u32 $0x7, v3  }
0xa6c: {  	v3 =	vor.u32 v3, v4  }
0xa6d: {  	v4 =	vperm.xlane v3, v0;
	_ =	sdelay $0x1  }
0xa6e: {  	v4 =	vadd.s32 v1, v4;
	_ =	sdelay $0x1  }
0xa6f: {  	v3 =	vperm.xlane v3, v2;
	_ =	sdelay $0x1  }
0xa70: {  	s0 =	simm.s32 $0x1800;
	v3 =	vadd.s32 v1, v3  }
0xa71: {  	[hbm4b:s2+s3] =	stream.indirect_vreg.scatter [tilespmem:s0], [sflag:$0x2], $0x80, v4, vm0, $0xb8;
	[tilespmem:$0x19400] =	vst v63  }
0xa72: {  	s1 =	simm.s32 $0x2000  }
0xa73: {  	[hbm4b:s5+s3] =	stream.indirect_vreg.scatter [tilespmem:s1], [sflag:$0x2], $0x80, v4, vm1, $0xb8;
	[tilespmem:$0x19400] =	vst v63  }
0xa74: {  	s4 =	simm.s32 $0x2400  }
0xa75: {  	[hbm4b:s2+s3] =	stream.indirect_vreg.scatter [tilespmem:s4], [sflag:$0x2], $0x80, v3, vm0, $0xb8;
	[tilespmem:$0x19400] =	vst v63  }
0xa76: {  	s4 =	simm.s32 $0x2C00  }
0xa77: {  	[hbm4b:s5+s3] =	stream.indirect_vreg.scatter [tilespmem:s4], [sflag:$0x2], $0x80, v3, vm1, $0xb8;
	[tilespmem:$0x19400] =	vst v63  }
0xa78: {  	v3 =	vld [tilespmem:$0x18A20];
	_ =	sdelay $0x4  }
0xa79: {  	v58 =	vshrl.u32 v3, $0x3  }
0xa7a: {  	v4 =	vmul.u32 $0x18, v58  }
0xa7b: {  	v3 =	vand.u32 $0x7, v3  }
0xa7c: {  	v3 =	vor.u32 v3, v4  }
0xa7d: {  	v4 =	vperm.xlane v3, v0;
	_ =	sdelay $0x1  }
0xa7e: {  	v4 =	vadd.s32 v1, v4;
	_ =	sdelay $0x1  }
0xa7f: {  	v3 =	vperm.xlane v3, v2;
	_ =	sdelay $0x1  }
0xa80: {  	s6 =	simm.s32 $0x3000;
	v3 =	vadd.s32 v1, v3  }
0xa81: {  	[hbm4b:s2+s3] =	stream.indirect_vreg.scatter [tilespmem:s6], [sflag:$0x2], $0x80, v4, vm0, $0xb8;
	[tilespmem:$0x19400] =	vst v63  }
0xa82: {  	s7 =	simm.s32 $0x3800  }
0xa83: {  	[hbm4b:s5+s3] =	stream.indirect_vreg.scatter [tilespmem:s7], [sflag:$0x2], $0x80, v4, vm1, $0xb8;
	[tilespmem:$0x19400] =	vst v63  }
0xa84: {  	s8 =	simm.s32 $0x3C00  }
0xa85: {  	[hbm4b:s2+s3] =	stream.indirect_vreg.scatter [tilespmem:s8], [sflag:$0x2], $0x80, v3, vm0, $0xb8;
	[tilespmem:$0x19400] =	vst v63  }
0xa86: {  	s8 =	simm.s32 $0x4400  }
0xa87: {  	[hbm4b:s5+s3] =	stream.indirect_vreg.scatter [tilespmem:s8], [sflag:$0x2], $0x80, v3, vm1, $0xb8;
	[tilespmem:$0x19400] =	vst v63  }
0xa88: {  	v3 =	vld [tilespmem:$0x18A30];
	_ =	sdelay $0x4  }
0xa89: {  	v59 =	vshrl.u32 v3, $0x3  }
0xa8a: {  	v4 =	vmul.u32 $0x18, v59  }
0xa8b: {  	v3 =	vand.u32 $0x7, v3  }
0xa8c: {  	v3 =	vor.u32 v3, v4  }
0xa8d: {  	v4 =	vperm.xlane v3, v0;
	_ =	sdelay $0x1  }
0xa8e: {  	v4 =	vadd.s32 v1, v4;
	_ =	sdelay $0x1  }
0xa8f: {  	v3 =	vperm.xlane v3, v2;
	_ =	sdelay $0x1  }
0xa90: {  	s9 =	simm.s32 $0x4800;
	v3 =	vadd.s32 v1, v3  }
0xa91: {  	[hbm4b:s2+s3] =	stream.indirect_vreg.scatter [tilespmem:s9], [sflag:$0x2], $0x80, v4, vm0, $0xb8;
	[tilespmem:$0x19400] =	vst v63  }
0xa92: {  	s10 =	simm.s32 $0x5000  }
0xa93: {  	[hbm4b:s5+s3] =	stream.indirect_vreg.scatter [tilespmem:s10], [sflag:$0x2], $0x80, v4, vm1, $0xb8;
	[tilespmem:$0x19400] =	vst v63  }
0xa94: {  	s11 =	simm.s32 $0x5400  }
0xa95: {  	[hbm4b:s2+s3] =	stream.indirect_vreg.scatter [tilespmem:s11], [sflag:$0x2], $0x80, v3, vm0, $0xb8;
	[tilespmem:$0x19400] =	vst v63  }
0xa96: {  	s31 =	simm.s32 $0x5C00  }
0xa97: {  	[hbm4b:s5+s3] =	stream.indirect_vreg.scatter [tilespmem:s31], [sflag:$0x2], $0x80, v3, vm1, $0xb8;
	[tilespmem:$0x19400] =	vst v63  }
0xa98: {  	v3 =	vld [tilespmem:$0x18A40];
	_ =	sdelay $0x4  }
0xa99: {  	v60 =	vshrl.u32 v3, $0x3  }
0xa9a: {  	v4 =	vmul.u32 $0x18, v60  }
0xa9b: {  	v3 =	vand.u32 $0x7, v3  }
0xa9c: {  	v3 =	vor.u32 v3, v4  }
0xa9d: {  	v4 =	vperm.xlane v3, v0;
	_ =	sdelay $0x1  }
0xa9e: {  	v4 =	vadd.s32 v1, v4;
	_ =	sdelay $0x1  }
0xa9f: {  	v3 =	vperm.xlane v3, v2;
	_ =	sdelay $0x1  }
0xaa0: {  	s12 =	simm.s32 $0x6000;
	v3 =	vadd.s32 v1, v3  }
0xaa1: {  	[hbm4b:s2+s3] =	stream.indirect_vreg.scatter [tilespmem:s12], [sflag:$0x2], $0x80, v4, vm0, $0xb8;
	[tilespmem:$0x19400] =	vst v63  }
0xaa2: {  	s13 =	simm.s32 $0x6800  }
0xaa3: {  	[hbm4b:s5+s3] =	stream.indirect_vreg.scatter [tilespmem:s13], [sflag:$0x2], $0x80, v4, vm1, $0xb8;
	[tilespmem:$0x19400] =	vst v63  }
0xaa4: {  	s15 =	simm.s32 $0x6C00  }
0xaa5: {  	[hbm4b:s2+s3] =	stream.indirect_vreg.scatter [tilespmem:s15], [sflag:$0x2], $0x80, v3, vm0, $0xb8;
	[tilespmem:$0x19400] =	vst v63  }
0xaa6: {  	s28 =	simm.s32 $0x7400  }
0xaa7: {  	[hbm4b:s5+s3] =	stream.indirect_vreg.scatter [tilespmem:s28], [sflag:$0x2], $0x80, v3, vm1, $0xb8;
	[tilespmem:$0x19400] =	vst v63  }
0xaa8: {  	v3 =	vld [tilespmem:$0x18A50];
	_ =	sdelay $0x4  }
0xaa9: {  	v61 =	vshrl.u32 v3, $0x3  }
0xaaa: {  	v4 =	vmul.u32 $0x18, v61  }
0xaab: {  	v3 =	vand.u32 $0x7, v3  }
0xaac: {  	v3 =	vor.u32 v3, v4  }
0xaad: {  	v4 =	vperm.xlane v3, v0;
	_ =	sdelay $0x1  }
0xaae: {  	v4 =	vadd.s32 v1, v4;
	_ =	sdelay $0x1  }
0xaaf: {  	v3 =	vperm.xlane v3, v2;
	_ =	sdelay $0x1  }
0xab0: {  	s16 =	simm.s32 $0x7800;
	v3 =	vadd.s32 v1, v3  }
0xab1: {  	[hbm4b:s2+s3] =	stream.indirect_vreg.scatter [tilespmem:s16], [sflag:$0x2], $0x80, v4, vm0, $0xb8;
	[tilespmem:$0x19400] =	vst v63  }
0xab2: {  	s17 =	simm.s32 $0x8000  }
0xab3: {  	[hbm4b:s5+s3] =	stream.indirect_vreg.scatter [tilespmem:s17], [sflag:$0x2], $0x80, v4, vm1, $0xb8;
	[tilespmem:$0x19400] =	vst v63  }
0xab4: {  	s18 =	simm.s32 $0x8400  }
0xab5: {  	[hbm4b:s2+s3] =	stream.indirect_vreg.scatter [tilespmem:s18], [sflag:$0x2], $0x80, v3, vm0, $0xb8;
	[tilespmem:$0x19400] =	vst v63  }
0xab6: {  	s20 =	simm.s32 $0x8C00  }
0xab7: {  	[hbm4b:s5+s3] =	stream.indirect_vreg.scatter [tilespmem:s20], [sflag:$0x2], $0x80, v3, vm1, $0xb8;
	[tilespmem:$0x19400] =	vst v63  }
0xab8: {  	v3 =	vld [tilespmem:$0x18A60];
	_ =	sdelay $0x4  }
0xab9: {  	v62 =	vshrl.u32 v3, $0x3  }
0xaba: {  	v4 =	vmul.u32 $0x18, v62  }
0xabb: {  	v3 =	vand.u32 $0x7, v3  }
0xabc: {  	v3 =	vor.u32 v3, v4  }
0xabd: {  	v4 =	vperm.xlane v3, v0;
	_ =	sdelay $0x1  }
0xabe: {  	v4 =	vadd.s32 v1, v4;
	_ =	sdelay $0x1  }
0xabf: {  	v3 =	vperm.xlane v3, v2;
	_ =	sdelay $0x1  }
0xac0: {  	s19 =	simm.s32 $0x9000;
	v3 =	vadd.s32 v1, v3  }
0xac1: {  	[hbm4b:s2+s3] =	stream.indirect_vreg.scatter [tilespmem:s19], [sflag:$0x2], $0x80, v4, vm0, $0xb8;
	[tilespmem:$0x19400] =	vst v63  }
0xac2: {  	s21 =	simm.s32 $0x9800  }
0xac3: {  	[hbm4b:s5+s3] =	stream.indirect_vreg.scatter [tilespmem:s21], [sflag:$0x2], $0x80, v4, vm1, $0xb8;
	[tilespmem:$0x19400] =	vst v63  }
0xac4: {  	s22 =	simm.s32 $0x9C00  }
0xac5: {  	[hbm4b:s2+s3] =	stream.indirect_vreg.scatter [tilespmem:s22], [sflag:$0x2], $0x80, v3, vm0, $0xb8;
	[tilespmem:$0x19400] =	vst v63  }
0xac6: {  	s29 =	simm.s32 $0xA400  }
0xac7: {  	[hbm4b:s5+s3] =	stream.indirect_vreg.scatter [tilespmem:s29], [sflag:$0x2], $0x80, v3, vm1, $0xb8;
	[tilespmem:$0x19400] =	vst v63  }
0xac8: {  	v3 =	vld [tilespmem:$0x18A70];
	_ =	sdelay $0x4  }
0xac9: {  	v63 =	vshrl.u32 v3, $0x3  }
0xaca: {  	v4 =	vmul.u32 $0x18, v63  }
0xacb: {  	v3 =	vand.u32 $0x7, v3  }
0xacc: {  	v3 =	vor.u32 v3, v4  }
0xacd: {  	v4 =	vperm.xlane v3, v0;
	_ =	sdelay $0x1  }
0xace: {  	v4 =	vadd.s32 v1, v4;
	_ =	sdelay $0x1  }
0xacf: {  	v3 =	vperm.xlane v3, v2;
	_ =	sdelay $0x1  }
0xad0: {  	s23 =	simm.s32 $0xA800;
	v3 =	vadd.s32 v1, v3  }
0xad1: {  	[hbm4b:s2+s3] =	stream.indirect_vreg.scatter [tilespmem:s23], [sflag:$0x2], $0x80, v4, vm0, $0xb8;
	[tilespmem:$0x19400] =	vst v63  }
0xad2: {  	s24 =	simm.s32 $0xB000  }
0xad3: {  	[hbm4b:s5+s3] =	stream.indirect_vreg.scatter [tilespmem:s24], [sflag:$0x2], $0x80, v4, vm1, $0xb8;
	[tilespmem:$0x19400] =	vst v63  }
0xad4: {  	s25 =	simm.s32 $0xB400  }
0xad5: {  	[hbm4b:s2+s3] =	stream.indirect_vreg.scatter [tilespmem:s25], [sflag:$0x2], $0x80, v3, vm0, $0xb8;
	[tilespmem:$0x19400] =	vst v63  }
0xad6: {  	s26 =	simm.s32 $0xBC00;
	s22 =	simm.s32 $0x1  }
0xad7: {  	[hbm4b:s5+s3] =	stream.indirect_vreg.scatter [tilespmem:s26], [sflag:$0x2], $0x80, v3, vm1, $0xb8;
	[tilespmem:$0x19400] =	vst v63  }
0xad8: {  	_ =	swait.ge [sflag:s22], $0xC000  }
0xad9: {  	[sflag:s22] =	ssyncset.done $0x0  }
0xada: {  	[sflag:s22] =	ssyncadd.s32 $0xFFFF4000  }
0xadb: {  	v3 =	vld [tilespmem:$0x18A80];
	_ =	sdelay $0x4  }
0xadc: {  	v8 =	vshrl.u32 v3, $0x3  }
0xadd: {  	v4 =	vmul.u32 $0x18, v8  }
0xade: {  	v3 =	vand.u32 $0x7, v3  }
0xadf: {  	v3 =	vor.u32 v3, v4  }
0xae0: {  	v4 =	vperm.xlane v3, v0;
	_ =	sdelay $0x1  }
0xae1: {  	v4 =	vadd.s32 v1, v4;
	_ =	sdelay $0x1  }
0xae2: {  	v3 =	vperm.xlane v3, v2;
	_ =	sdelay $0x1  }
0xae3: {  	s23 =	simm.s32 $0xC000;
	v3 =	vadd.s32 v1, v3  }
0xae4: {  	[hbm4b:s2+s3] =	stream.indirect_vreg.scatter [tilespmem:s23], [sflag:$0x2], $0x80, v4, vm0, $0xb8;
	[tilespmem:$0x19400] =	vst v63  }
0xae5: {  	s24 =	simm.s32 $0xC800  }
0xae6: {  	[hbm4b:s5+s3] =	stream.indirect_vreg.scatter [tilespmem:s24], [sflag:$0x2], $0x80, v4, vm1, $0xb8;
	[tilespmem:$0x19400] =	vst v63  }
0xae7: {  	s1 =	simm.s32 $0xCC00  }
0xae8: {  	[hbm4b:s2+s3] =	stream.indirect_vreg.scatter [tilespmem:s1], [sflag:$0x2], $0x80, v3, vm0, $0xb8;
	[tilespmem:$0x19400] =	vst v63  }
0xae9: {  	s28 =	simm.s32 $0xD400  }
0xaea: {  	[hbm4b:s5+s3] =	stream.indirect_vreg.scatter [tilespmem:s28], [sflag:$0x2], $0x80, v3, vm1, $0xb8;
	[tilespmem:$0x19400] =	vst v63  }
0xaeb: {  	v3 =	vld [tilespmem:$0x18A90];
	_ =	sdelay $0x4  }
0xaec: {  	v9 =	vshrl.u32 v3, $0x3  }
0xaed: {  	v4 =	vmul.u32 $0x18, v9  }
0xaee: {  	v3 =	vand.u32 $0x7, v3  }
0xaef: {  	v3 =	vor.u32 v3, v4  }
0xaf0: {  	v4 =	vperm.xlane v3, v0;
	_ =	sdelay $0x1  }
0xaf1: {  	v4 =	vadd.s32 v1, v4;
	_ =	sdelay $0x1  }
0xaf2: {  	v3 =	vperm.xlane v3, v2;
	_ =	sdelay $0x1  }
0xaf3: {  	s4 =	simm.s32 $0xD800;
	v3 =	vadd.s32 v1, v3  }
0xaf4: {  	[hbm4b:s2+s3] =	stream.indirect_vreg.scatter [tilespmem:s4], [sflag:$0x2], $0x80, v4, vm0, $0xb8;
	[tilespmem:$0x19400] =	vst v63  }
0xaf5: {  	s6 =	simm.s32 $0xE000  }
0xaf6: {  	[hbm4b:s5+s3] =	stream.indirect_vreg.scatter [tilespmem:s6], [sflag:$0x2], $0x80, v4, vm1, $0xb8;
	[tilespmem:$0x19400] =	vst v63  }
0xaf7: {  	s7 =	simm.s32 $0xE400  }
0xaf8: {  	[hbm4b:s2+s3] =	stream.indirect_vreg.scatter [tilespmem:s7], [sflag:$0x2], $0x80, v3, vm0, $0xb8;
	[tilespmem:$0x19400] =	vst v63  }
0xaf9: {  	s29 =	simm.s32 $0xEC00  }
0xafa: {  	[hbm4b:s5+s3] =	stream.indirect_vreg.scatter [tilespmem:s29], [sflag:$0x2], $0x80, v3, vm1, $0xb8;
	[tilespmem:$0x19400] =	vst v63  }
0xafb: {  	v3 =	vld [tilespmem:$0x18AA0];
	_ =	sdelay $0x4  }
0xafc: {  	v10 =	vshrl.u32 v3, $0x3  }
0xafd: {  	v4 =	vmul.u32 $0x18, v10  }
0xafe: {  	v3 =	vand.u32 $0x7, v3  }
0xaff: {  	v3 =	vor.u32 v3, v4  }
0xb00: {  	v4 =	vperm.xlane v3, v0;
	_ =	sdelay $0x1  }
0xb01: {  	v4 =	vadd.s32 v1, v4;
	_ =	sdelay $0x1  }
0xb02: {  	v3 =	vperm.xlane v3, v2;
	_ =	sdelay $0x1  }
0xb03: {  	s8 =	simm.s32 $0xF000;
	v3 =	vadd.s32 v1, v3  }
0xb04: {  	[hbm4b:s2+s3] =	stream.indirect_vreg.scatter [tilespmem:s8], [sflag:$0x2], $0x80, v4, vm0, $0xb8;
	[tilespmem:$0x19400] =	vst v63  }
0xb05: {  	s9 =	simm.s32 $0xF800  }
0xb06: {  	[hbm4b:s5+s3] =	stream.indirect_vreg.scatter [tilespmem:s9], [sflag:$0x2], $0x80, v4, vm1, $0xb8;
	[tilespmem:$0x19400] =	vst v63  }
0xb07: {  	s10 =	simm.s32 $0xFC00  }
0xb08: {  	[hbm4b:s2+s3] =	stream.indirect_vreg.scatter [tilespmem:s10], [sflag:$0x2], $0x80, v3, vm0, $0xb8;
	[tilespmem:$0x19400] =	vst v63  }
0xb09: {  	s30 =	simm.s32 $0x10400  }
0xb0a: {  	[hbm4b:s5+s3] =	stream.indirect_vreg.scatter [tilespmem:s30], [sflag:$0x2], $0x80, v3, vm1, $0xb8;
	[tilespmem:$0x19400] =	vst v63  }
0xb0b: {  	v3 =	vld [tilespmem:$0x18AB0];
	_ =	sdelay $0x4  }
0xb0c: {  	v11 =	vshrl.u32 v3, $0x3  }
0xb0d: {  	v4 =	vmul.u32 $0x18, v11  }
0xb0e: {  	v3 =	vand.u32 $0x7, v3  }
0xb0f: {  	v3 =	vor.u32 v3, v4  }
0xb10: {  	v4 =	vperm.xlane v3, v0;
	_ =	sdelay $0x1  }
0xb11: {  	v4 =	vadd.s32 v1, v4;
	_ =	sdelay $0x1  }
0xb12: {  	v3 =	vperm.xlane v3, v2;
	_ =	sdelay $0x1  }
0xb13: {  	s11 =	simm.s32 $0x10800;
	v3 =	vadd.s32 v1, v3  }
0xb14: {  	[hbm4b:s2+s3] =	stream.indirect_vreg.scatter [tilespmem:s11], [sflag:$0x2], $0x80, v4, vm0, $0xb8;
	[tilespmem:$0x19400] =	vst v63  }
0xb15: {  	s12 =	simm.s32 $0x11000  }
0xb16: {  	[hbm4b:s5+s3] =	stream.indirect_vreg.scatter [tilespmem:s12], [sflag:$0x2], $0x80, v4, vm1, $0xb8;
	[tilespmem:$0x19400] =	vst v63  }
0xb17: {  	s13 =	simm.s32 $0x11400  }
0xb18: {  	[hbm4b:s2+s3] =	stream.indirect_vreg.scatter [tilespmem:s13], [sflag:$0x2], $0x80, v3, vm0, $0xb8;
	[tilespmem:$0x19400] =	vst v63  }
0xb19: {  	s31 =	simm.s32 $0x11C00  }
0xb1a: {  	[hbm4b:s5+s3] =	stream.indirect_vreg.scatter [tilespmem:s31], [sflag:$0x2], $0x80, v3, vm1, $0xb8;
	[tilespmem:$0x19400] =	vst v63  }
0xb1b: {  	v3 =	vld [tilespmem:$0x18AC0];
	_ =	sdelay $0x4  }
0xb1c: {  	v12 =	vshrl.u32 v3, $0x3  }
0xb1d: {  	v4 =	vmul.u32 $0x18, v12  }
0xb1e: {  	v3 =	vand.u32 $0x7, v3  }
0xb1f: {  	v3 =	vor.u32 v3, v4  }
0xb20: {  	v4 =	vperm.xlane v3, v0;
	_ =	sdelay $0x1  }
0xb21: {  	v4 =	vadd.s32 v1, v4;
	_ =	sdelay $0x1  }
0xb22: {  	v3 =	vperm.xlane v3, v2;
	_ =	sdelay $0x1  }
0xb23: {  	s15 =	simm.s32 $0x12000;
	v3 =	vadd.s32 v1, v3  }
0xb24: {  	[hbm4b:s2+s3] =	stream.indirect_vreg.scatter [tilespmem:s15], [sflag:$0x2], $0x80, v4, vm0, $0xb8;
	[tilespmem:$0x19400] =	vst v63  }
0xb25: {  	s16 =	simm.s32 $0x12800  }
0xb26: {  	[hbm4b:s5+s3] =	stream.indirect_vreg.scatter [tilespmem:s16], [sflag:$0x2], $0x80, v4, vm1, $0xb8;
	[tilespmem:$0x19400] =	vst v63  }
0xb27: {  	s17 =	simm.s32 $0x12C00  }
0xb28: {  	[hbm4b:s2+s3] =	stream.indirect_vreg.scatter [tilespmem:s17], [sflag:$0x2], $0x80, v3, vm0, $0xb8;
	[tilespmem:$0x19400] =	vst v63  }
0xb29: {  	s25 =	simm.s32 $0x13400  }
0xb2a: {  	[hbm4b:s5+s3] =	stream.indirect_vreg.scatter [tilespmem:s25], [sflag:$0x2], $0x80, v3, vm1, $0xb8;
	[tilespmem:$0x19400] =	vst v63  }
0xb2b: {  	v3 =	vld [tilespmem:$0x18AD0];
	_ =	sdelay $0x4  }
0xb2c: {  	v13 =	vshrl.u32 v3, $0x3  }
0xb2d: {  	v4 =	vmul.u32 $0x18, v13  }
0xb2e: {  	v3 =	vand.u32 $0x7, v3  }
0xb2f: {  	v3 =	vor.u32 v3, v4  }
0xb30: {  	v4 =	vperm.xlane v3, v0;
	_ =	sdelay $0x1  }
0xb31: {  	v4 =	vadd.s32 v1, v4;
	_ =	sdelay $0x1  }
0xb32: {  	v3 =	vperm.xlane v3, v2;
	_ =	sdelay $0x1  }
0xb33: {  	s18 =	simm.s32 $0x13800;
	v3 =	vadd.s32 v1, v3  }
0xb34: {  	[hbm4b:s2+s3] =	stream.indirect_vreg.scatter [tilespmem:s18], [sflag:$0x2], $0x80, v4, vm0, $0xb8;
	[tilespmem:$0x19400] =	vst v63  }
0xb35: {  	s19 =	simm.s32 $0x14000  }
0xb36: {  	[hbm4b:s5+s3] =	stream.indirect_vreg.scatter [tilespmem:s19], [sflag:$0x2], $0x80, v4, vm1, $0xb8;
	[tilespmem:$0x19400] =	vst v63  }
0xb37: {  	s20 =	simm.s32 $0x14400  }
0xb38: {  	[hbm4b:s2+s3] =	stream.indirect_vreg.scatter [tilespmem:s20], [sflag:$0x2], $0x80, v3, vm0, $0xb8;
	[tilespmem:$0x19400] =	vst v63  }
0xb39: {  	s26 =	simm.s32 $0x14C00  }
0xb3a: {  	[hbm4b:s5+s3] =	stream.indirect_vreg.scatter [tilespmem:s26], [sflag:$0x2], $0x80, v3, vm1, $0xb8;
	[tilespmem:$0x19400] =	vst v63  }
0xb3b: {  	v3 =	vld [tilespmem:$0x18AE0];
	_ =	sdelay $0x4  }
0xb3c: {  	v14 =	vshrl.u32 v3, $0x3  }
0xb3d: {  	v4 =	vmul.u32 $0x18, v14  }
0xb3e: {  	v3 =	vand.u32 $0x7, v3  }
0xb3f: {  	v3 =	vor.u32 v3, v4  }
0xb40: {  	v4 =	vperm.xlane v3, v0;
	_ =	sdelay $0x1  }
0xb41: {  	v4 =	vadd.s32 v1, v4;
	_ =	sdelay $0x1  }
0xb42: {  	v3 =	vperm.xlane v3, v2;
	_ =	sdelay $0x1  }
0xb43: {  	s21 =	simm.s32 $0x15000;
	v3 =	vadd.s32 v1, v3  }
0xb44: {  	[hbm4b:s2+s3] =	stream.indirect_vreg.scatter [tilespmem:s21], [sflag:$0x2], $0x80, v4, vm0, $0xb8;
	[tilespmem:$0x19400] =	vst v63  }
0xb45: {  	s22 =	simm.s32 $0x15800  }
0xb46: {  	[hbm4b:s5+s3] =	stream.indirect_vreg.scatter [tilespmem:s22], [sflag:$0x2], $0x80, v4, vm1, $0xb8;
	[tilespmem:$0x19400] =	vst v63  }
0xb47: {  	s23 =	simm.s32 $0x15C00  }
0xb48: {  	[hbm4b:s2+s3] =	stream.indirect_vreg.scatter [tilespmem:s23], [sflag:$0x2], $0x80, v3, vm0, $0xb8;
	[tilespmem:$0x19400] =	vst v63  }
0xb49: {  	s0 =	simm.s32 $0x16400  }
0xb4a: {  	[hbm4b:s5+s3] =	stream.indirect_vreg.scatter [tilespmem:s0], [sflag:$0x2], $0x80, v3, vm1, $0xb8;
	[tilespmem:$0x19400] =	vst v63  }
0xb4b: {  	v3 =	vld [tilespmem:$0x18AF0];
	_ =	sdelay $0x4  }
0xb4c: {  	v15 =	vshrl.u32 v3, $0x3  }
0xb4d: {  	v4 =	vmul.u32 $0x18, v15  }
0xb4e: {  	v3 =	vand.u32 $0x7, v3  }
0xb4f: {  	v3 =	vor.u32 v3, v4  }
0xb50: {  	v4 =	vperm.xlane v3, v0;
	_ =	sdelay $0x1  }
0xb51: {  	v4 =	vadd.s32 v1, v4;
	_ =	sdelay $0x1  }
0xb52: {  	v3 =	vperm.xlane v3, v2;
	_ =	sdelay $0x1  }
0xb53: {  	s24 =	simm.s32 $0x16800;
	v3 =	vadd.s32 v1, v3  }
0xb54: {  	[hbm4b:s2+s3] =	stream.indirect_vreg.scatter [tilespmem:s24], [sflag:$0x2], $0x80, v4, vm0, $0xb8;
	[tilespmem:$0x19400] =	vst v63  }
0xb55: {  	s25 =	simm.s32 $0x17000  }
0xb56: {  	[hbm4b:s5+s3] =	stream.indirect_vreg.scatter [tilespmem:s25], [sflag:$0x2], $0x80, v4, vm1, $0xb8;
	[tilespmem:$0x19400] =	vst v63  }
0xb57: {  	s26 =	simm.s32 $0x17400  }
0xb58: {  	[hbm4b:s2+s3] =	stream.indirect_vreg.scatter [tilespmem:s26], [sflag:$0x2], $0x80, v3, vm0, $0xb8;
	[tilespmem:$0x19400] =	vst v63  }
0xb59: {  	s0 =	simm.s32 $0x17C00  }
0xb5a: {  	[hbm4b:s5+s3] =	stream.indirect_vreg.scatter [tilespmem:s0], [sflag:$0x2], $0x80, v3, vm1, $0xb8;
	[tilespmem:$0x19400] =	vst v63  }
0xb5b: {  	v3 =	vld [tilespmem:$0x18B00];
	_ =	sdelay $0x4  }
0xb5c: {  	v16 =	vshrl.u32 v3, $0x3  }
0xb5d: {  	v4 =	vmul.u32 $0x18, v16  }
0xb5e: {  	v3 =	vand.u32 $0x7, v3  }
0xb5f: {  	v3 =	vor.u32 v3, v4  }
0xb60: {  	v4 =	vperm.xlane v3, v0;
	_ =	sdelay $0x1  }
0xb61: {  	v4 =	vadd.s32 v1, v4;
	_ =	sdelay $0x1  }
0xb62: {  	v3 =	vperm.xlane v3, v2;
	_ =	sdelay $0x1  }
0xb63: {  	s0 =	simm.s32 $0xC000;
	v3 =	vadd.s32 v1, v3  }
0xb64: {  	[hbm4b:s2+s3] =	stream.indirect_vreg.scatter [tilespmem:s0], [sflag:$0x2], $0x80, v4, vm0, $0xb8;
	[tilespmem:$0x19400] =	vst v63  }
0xb65: {  	s0 =	simm.s32 $0xC800  }
0xb66: {  	[hbm4b:s5+s3] =	stream.indirect_vreg.scatter [tilespmem:s0], [sflag:$0x2], $0x80, v4, vm1, $0xb8;
	[tilespmem:$0x19400] =	vst v63  }
0xb67: {  	_ = 	snop  }
0xb68: {  	[hbm4b:s2+s3] =	stream.indirect_vreg.scatter [tilespmem:s1], [sflag:$0x2], $0x80, v3, vm0, $0xb8;
	[tilespmem:$0x19400] =	vst v63  }
0xb69: {  	_ = 	snop  }
0xb6a: {  	[hbm4b:s5+s3] =	stream.indirect_vreg.scatter [tilespmem:s28], [sflag:$0x2], $0x80, v3, vm1, $0xb8;
	[tilespmem:$0x19400] =	vst v63  }
0xb6b: {  	v3 =	vld [tilespmem:$0x18B10];
	_ =	sdelay $0x4  }
0xb6c: {  	v17 =	vshrl.u32 v3, $0x3  }
0xb6d: {  	v4 =	vmul.u32 $0x18, v17  }
0xb6e: {  	v3 =	vand.u32 $0x7, v3  }
0xb6f: {  	v3 =	vor.u32 v3, v4  }
0xb70: {  	v4 =	vperm.xlane v3, v0;
	_ =	sdelay $0x1  }
0xb71: {  	v4 =	vadd.s32 v1, v4;
	_ =	sdelay $0x1  }
0xb72: {  	v3 =	vperm.xlane v3, v2;
	_ =	sdelay $0x1  }
0xb73: {  	v3 =	vadd.s32 v1, v3  }
0xb74: {  	[hbm4b:s2+s3] =	stream.indirect_vreg.scatter [tilespmem:s4], [sflag:$0x2], $0x80, v4, vm0, $0xb8;
	[tilespmem:$0x19400] =	vst v63  }
0xb75: {  	_ = 	snop  }
0xb76: {  	[hbm4b:s5+s3] =	stream.indirect_vreg.scatter [tilespmem:s6], [sflag:$0x2], $0x80, v4, vm1, $0xb8;
	[tilespmem:$0x19400] =	vst v63  }
0xb77: {  	_ = 	snop  }
0xb78: {  	[hbm4b:s2+s3] =	stream.indirect_vreg.scatter [tilespmem:s7], [sflag:$0x2], $0x80, v3, vm0, $0xb8;
	[tilespmem:$0x19400] =	vst v63  }
0xb79: {  	_ = 	snop  }
0xb7a: {  	[hbm4b:s5+s3] =	stream.indirect_vreg.scatter [tilespmem:s29], [sflag:$0x2], $0x80, v3, vm1, $0xb8;
	[tilespmem:$0x19400] =	vst v63  }
0xb7b: {  	v3 =	vld [tilespmem:$0x18B20];
	_ =	sdelay $0x4  }
0xb7c: {  	v18 =	vshrl.u32 v3, $0x3  }
0xb7d: {  	v4 =	vmul.u32 $0x18, v18  }
0xb7e: {  	v3 =	vand.u32 $0x7, v3  }
0xb7f: {  	v3 =	vor.u32 v3, v4  }
0xb80: {  	v4 =	vperm.xlane v3, v0;
	_ =	sdelay $0x1  }
0xb81: {  	v4 =	vadd.s32 v1, v4;
	_ =	sdelay $0x1  }
0xb82: {  	v3 =	vperm.xlane v3, v2;
	_ =	sdelay $0x1  }
0xb83: {  	v3 =	vadd.s32 v1, v3  }
0xb84: {  	[hbm4b:s2+s3] =	stream.indirect_vreg.scatter [tilespmem:s8], [sflag:$0x2], $0x80, v4, vm0, $0xb8;
	[tilespmem:$0x19400] =	vst v63  }
0xb85: {  	_ = 	snop  }
0xb86: {  	[hbm4b:s5+s3] =	stream.indirect_vreg.scatter [tilespmem:s9], [sflag:$0x2], $0x80, v4, vm1, $0xb8;
	[tilespmem:$0x19400] =	vst v63  }
0xb87: {  	_ = 	snop  }
0xb88: {  	[hbm4b:s2+s3] =	stream.indirect_vreg.scatter [tilespmem:s10], [sflag:$0x2], $0x80, v3, vm0, $0xb8;
	[tilespmem:$0x19400] =	vst v63  }
0xb89: {  	_ = 	snop  }
0xb8a: {  	[hbm4b:s5+s3] =	stream.indirect_vreg.scatter [tilespmem:s30], [sflag:$0x2], $0x80, v3, vm1, $0xb8;
	[tilespmem:$0x19400] =	vst v63  }
0xb8b: {  	v3 =	vld [tilespmem:$0x18B30];
	_ =	sdelay $0x4  }
0xb8c: {  	v19 =	vshrl.u32 v3, $0x3  }
0xb8d: {  	v4 =	vmul.u32 $0x18, v19  }
0xb8e: {  	v3 =	vand.u32 $0x7, v3  }
0xb8f: {  	v3 =	vor.u32 v3, v4  }
0xb90: {  	v4 =	vperm.xlane v3, v0;
	_ =	sdelay $0x1  }
0xb91: {  	v4 =	vadd.s32 v1, v4;
	_ =	sdelay $0x1  }
0xb92: {  	v3 =	vperm.xlane v3, v2;
	_ =	sdelay $0x1  }
0xb93: {  	v3 =	vadd.s32 v1, v3  }
0xb94: {  	[hbm4b:s2+s3] =	stream.indirect_vreg.scatter [tilespmem:s11], [sflag:$0x2], $0x80, v4, vm0, $0xb8;
	[tilespmem:$0x19400] =	vst v63  }
0xb95: {  	_ = 	snop  }
0xb96: {  	[hbm4b:s5+s3] =	stream.indirect_vreg.scatter [tilespmem:s12], [sflag:$0x2], $0x80, v4, vm1, $0xb8;
	[tilespmem:$0x19400] =	vst v63  }
0xb97: {  	_ = 	snop  }
0xb98: {  	[hbm4b:s2+s3] =	stream.indirect_vreg.scatter [tilespmem:s13], [sflag:$0x2], $0x80, v3, vm0, $0xb8;
	[tilespmem:$0x19400] =	vst v63  }
0xb99: {  	_ = 	snop  }
0xb9a: {  	[hbm4b:s5+s3] =	stream.indirect_vreg.scatter [tilespmem:s31], [sflag:$0x2], $0x80, v3, vm1, $0xb8;
	[tilespmem:$0x19400] =	vst v63  }
0xb9b: {  	v3 =	vld [tilespmem:$0x18B40];
	_ =	sdelay $0x4  }
0xb9c: {  	v20 =	vshrl.u32 v3, $0x3  }
0xb9d: {  	v4 =	vmul.u32 $0x18, v20  }
0xb9e: {  	v3 =	vand.u32 $0x7, v3  }
0xb9f: {  	v3 =	vor.u32 v3, v4  }
0xba0: {  	v4 =	vperm.xlane v3, v0;
	_ =	sdelay $0x1  }
0xba1: {  	v4 =	vadd.s32 v1, v4;
	_ =	sdelay $0x1  }
0xba2: {  	v3 =	vperm.xlane v3, v2;
	_ =	sdelay $0x1  }
0xba3: {  	v3 =	vadd.s32 v1, v3  }
0xba4: {  	[hbm4b:s2+s3] =	stream.indirect_vreg.scatter [tilespmem:s15], [sflag:$0x2], $0x80, v4, vm0, $0xb8;
	[tilespmem:$0x19400] =	vst v63  }
0xba5: {  	_ = 	snop  }
0xba6: {  	[hbm4b:s5+s3] =	stream.indirect_vreg.scatter [tilespmem:s16], [sflag:$0x2], $0x80, v4, vm1, $0xb8;
	[tilespmem:$0x19400] =	vst v63  }
0xba7: {  	_ = 	snop  }
0xba8: {  	[hbm4b:s2+s3] =	stream.indirect_vreg.scatter [tilespmem:s17], [sflag:$0x2], $0x80, v3, vm0, $0xb8;
	[tilespmem:$0x19400] =	vst v63  }
0xba9: {  	s0 =	simm.s32 $0x13400  }
0xbaa: {  	[hbm4b:s5+s3] =	stream.indirect_vreg.scatter [tilespmem:s0], [sflag:$0x2], $0x80, v3, vm1, $0xb8;
	[tilespmem:$0x19400] =	vst v63  }
0xbab: {  	v3 =	vld [tilespmem:$0x18B50];
	_ =	sdelay $0x4  }
0xbac: {  	v21 =	vshrl.u32 v3, $0x3  }
0xbad: {  	v4 =	vmul.u32 $0x18, v21  }
0xbae: {  	v3 =	vand.u32 $0x7, v3  }
0xbaf: {  	v3 =	vor.u32 v3, v4  }
0xbb0: {  	v4 =	vperm.xlane v3, v0;
	_ =	sdelay $0x1  }
0xbb1: {  	v4 =	vadd.s32 v1, v4;
	_ =	sdelay $0x1  }
0xbb2: {  	v3 =	vperm.xlane v3, v2;
	_ =	sdelay $0x1  }
0xbb3: {  	v3 =	vadd.s32 v1, v3  }
0xbb4: {  	[hbm4b:s2+s3] =	stream.indirect_vreg.scatter [tilespmem:s18], [sflag:$0x2], $0x80, v4, vm0, $0xb8;
	[tilespmem:$0x19400] =	vst v63  }
0xbb5: {  	_ = 	snop  }
0xbb6: {  	[hbm4b:s5+s3] =	stream.indirect_vreg.scatter [tilespmem:s19], [sflag:$0x2], $0x80, v4, vm1, $0xb8;
	[tilespmem:$0x19400] =	vst v63  }
0xbb7: {  	_ = 	snop  }
0xbb8: {  	[hbm4b:s2+s3] =	stream.indirect_vreg.scatter [tilespmem:s20], [sflag:$0x2], $0x80, v3, vm0, $0xb8;
	[tilespmem:$0x19400] =	vst v63  }
0xbb9: {  	s0 =	simm.s32 $0x14C00  }
0xbba: {  	[hbm4b:s5+s3] =	stream.indirect_vreg.scatter [tilespmem:s0], [sflag:$0x2], $0x80, v3, vm1, $0xb8;
	[tilespmem:$0x19400] =	vst v63  }
0xbbb: {  	v3 =	vld [tilespmem:$0x18B60];
	_ =	sdelay $0x4  }
0xbbc: {  	v22 =	vshrl.u32 v3, $0x3  }
0xbbd: {  	v4 =	vmul.u32 $0x18, v22  }
0xbbe: {  	v3 =	vand.u32 $0x7, v3  }
0xbbf: {  	v3 =	vor.u32 v3, v4  }
0xbc0: {  	v4 =	vperm.xlane v3, v0;
	_ =	sdelay $0x1  }
0xbc1: {  	v4 =	vadd.s32 v1, v4;
	_ =	sdelay $0x1  }
0xbc2: {  	v3 =	vperm.xlane v3, v2;
	_ =	sdelay $0x1  }
0xbc3: {  	v3 =	vadd.s32 v1, v3  }
0xbc4: {  	[hbm4b:s2+s3] =	stream.indirect_vreg.scatter [tilespmem:s21], [sflag:$0x2], $0x80, v4, vm0, $0xb8;
	[tilespmem:$0x19400] =	vst v63  }
0xbc5: {  	_ = 	snop  }
0xbc6: {  	[hbm4b:s5+s3] =	stream.indirect_vreg.scatter [tilespmem:s22], [sflag:$0x2], $0x80, v4, vm1, $0xb8;
	[tilespmem:$0x19400] =	vst v63  }
0xbc7: {  	_ = 	snop  }
0xbc8: {  	[hbm4b:s2+s3] =	stream.indirect_vreg.scatter [tilespmem:s23], [sflag:$0x2], $0x80, v3, vm0, $0xb8;
	[tilespmem:$0x19400] =	vst v63  }
0xbc9: {  	s0 =	simm.s32 $0x16400  }
0xbca: {  	[hbm4b:s5+s3] =	stream.indirect_vreg.scatter [tilespmem:s0], [sflag:$0x2], $0x80, v3, vm1, $0xb8;
	[tilespmem:$0x19400] =	vst v63  }
0xbcb: {  	v3 =	vld [tilespmem:$0x18B70];
	_ =	sdelay $0x4  }
0xbcc: {  	v23 =	vshrl.u32 v3, $0x3  }
0xbcd: {  	v4 =	vmul.u32 $0x18, v23  }
0xbce: {  	v3 =	vand.u32 $0x7, v3  }
0xbcf: {  	v3 =	vor.u32 v3, v4  }
0xbd0: {  	v4 =	vperm.xlane v3, v0;
	_ =	sdelay $0x1  }
0xbd1: {  	v4 =	vadd.s32 v1, v4;
	_ =	sdelay $0x1  }
0xbd2: {  	v3 =	vperm.xlane v3, v2;
	_ =	sdelay $0x1  }
0xbd3: {  	v3 =	vadd.s32 v1, v3  }
0xbd4: {  	[hbm4b:s2+s3] =	stream.indirect_vreg.scatter [tilespmem:s24], [sflag:$0x2], $0x80, v4, vm0, $0xb8;
	[tilespmem:$0x19400] =	vst v63  }
0xbd5: {  	_ = 	snop  }
0xbd6: {  	[hbm4b:s5+s3] =	stream.indirect_vreg.scatter [tilespmem:s25], [sflag:$0x2], $0x80, v4, vm1, $0xb8;
	[tilespmem:$0x19400] =	vst v63  }
0xbd7: {  	_ = 	snop  }
0xbd8: {  	[hbm4b:s2+s3] =	stream.indirect_vreg.scatter [tilespmem:s26], [sflag:$0x2], $0x80, v3, vm0, $0xb8;
	[tilespmem:$0x19400] =	vst v63  }
0xbd9: {  	s0 =	simm.s32 $0x17C00  }
0xbda: {  	[hbm4b:s5+s3] =	stream.indirect_vreg.scatter [tilespmem:s0], [sflag:$0x2], $0x80, v3, vm1, $0xb8;
	[tilespmem:$0x19400] =	vst v63  }
0xbdb: {  	v3 =	vld [tilespmem:$0x18B80];
	_ =	sdelay $0x4  }
0xbdc: {  	v24 =	vshrl.u32 v3, $0x3  }
0xbdd: {  	v4 =	vmul.u32 $0x18, v24  }
0xbde: {  	v3 =	vand.u32 $0x7, v3  }
0xbdf: {  	v3 =	vor.u32 v3, v4  }
0xbe0: {  	v4 =	vperm.xlane v3, v0;
	_ =	sdelay $0x1  }
0xbe1: {  	v4 =	vadd.s32 v1, v4;
	_ =	sdelay $0x1  }
0xbe2: {  	v3 =	vperm.xlane v3, v2;
	_ =	sdelay $0x1  }
0xbe3: {  	s0 =	simm.s32 $0xC000;
	v3 =	vadd.s32 v1, v3  }
0xbe4: {  	[hbm4b:s2+s3] =	stream.indirect_vreg.scatter [tilespmem:s0], [sflag:$0x2], $0x80, v4, vm0, $0xb8;
	[tilespmem:$0x19400] =	vst v63  }
0xbe5: {  	s0 =	simm.s32 $0xC800  }
0xbe6: {  	[hbm4b:s5+s3] =	stream.indirect_vreg.scatter [tilespmem:s0], [sflag:$0x2], $0x80, v4, vm1, $0xb8;
	[tilespmem:$0x19400] =	vst v63  }
0xbe7: {  	s1 =	simm.s32 $0xCC00  }
0xbe8: {  	[hbm4b:s2+s3] =	stream.indirect_vreg.scatter [tilespmem:s1], [sflag:$0x2], $0x80, v3, vm0, $0xb8;
	[tilespmem:$0x19400] =	vst v63  }
0xbe9: {  	s28 =	simm.s32 $0xD400  }
0xbea: {  	[hbm4b:s5+s3] =	stream.indirect_vreg.scatter [tilespmem:s28], [sflag:$0x2], $0x80, v3, vm1, $0xb8;
	[tilespmem:$0x19400] =	vst v63  }
0xbeb: {  	v3 =	vld [tilespmem:$0x18B90];
	_ =	sdelay $0x4  }
0xbec: {  	v25 =	vshrl.u32 v3, $0x3  }
0xbed: {  	v4 =	vmul.u32 $0x18, v25  }
0xbee: {  	v3 =	vand.u32 $0x7, v3  }
0xbef: {  	v3 =	vor.u32 v3, v4  }
0xbf0: {  	v4 =	vperm.xlane v3, v0;
	_ =	sdelay $0x1  }
0xbf1: {  	v4 =	vadd.s32 v1, v4;
	_ =	sdelay $0x1  }
0xbf2: {  	v3 =	vperm.xlane v3, v2;
	_ =	sdelay $0x1  }
0xbf3: {  	s4 =	simm.s32 $0xD800;
	v3 =	vadd.s32 v1, v3  }
0xbf4: {  	[hbm4b:s2+s3] =	stream.indirect_vreg.scatter [tilespmem:s4], [sflag:$0x2], $0x80, v4, vm0, $0xb8;
	[tilespmem:$0x19400] =	vst v63  }
0xbf5: {  	s6 =	simm.s32 $0xE000  }
0xbf6: {  	[hbm4b:s5+s3] =	stream.indirect_vreg.scatter [tilespmem:s6], [sflag:$0x2], $0x80, v4, vm1, $0xb8;
	[tilespmem:$0x19400] =	vst v63  }
0xbf7: {  	s7 =	simm.s32 $0xE400  }
0xbf8: {  	[hbm4b:s2+s3] =	stream.indirect_vreg.scatter [tilespmem:s7], [sflag:$0x2], $0x80, v3, vm0, $0xb8;
	[tilespmem:$0x19400] =	vst v63  }
0xbf9: {  	s29 =	simm.s32 $0xEC00  }
0xbfa: {  	[hbm4b:s5+s3] =	stream.indirect_vreg.scatter [tilespmem:s29], [sflag:$0x2], $0x80, v3, vm1, $0xb8;
	[tilespmem:$0x19400] =	vst v63  }
0xbfb: {  	v3 =	vld [tilespmem:$0x18BA0];
	_ =	sdelay $0x4  }
0xbfc: {  	v26 =	vshrl.u32 v3, $0x3  }
0xbfd: {  	v4 =	vmul.u32 $0x18, v26  }
0xbfe: {  	v3 =	vand.u32 $0x7, v3  }
0xbff: {  	v3 =	vor.u32 v3, v4  }
0xc00: {  	v4 =	vperm.xlane v3, v0;
	_ =	sdelay $0x1  }
0xc01: {  	v4 =	vadd.s32 v1, v4;
	_ =	sdelay $0x1  }
0xc02: {  	v3 =	vperm.xlane v3, v2;
	_ =	sdelay $0x1  }
0xc03: {  	s8 =	simm.s32 $0xF000;
	v3 =	vadd.s32 v1, v3  }
0xc04: {  	[hbm4b:s2+s3] =	stream.indirect_vreg.scatter [tilespmem:s8], [sflag:$0x2], $0x80, v4, vm0, $0xb8;
	[tilespmem:$0x19400] =	vst v63  }
0xc05: {  	s9 =	simm.s32 $0xF800  }
0xc06: {  	[hbm4b:s5+s3] =	stream.indirect_vreg.scatter [tilespmem:s9], [sflag:$0x2], $0x80, v4, vm1, $0xb8;
	[tilespmem:$0x19400] =	vst v63  }
0xc07: {  	s10 =	simm.s32 $0xFC00  }
0xc08: {  	[hbm4b:s2+s3] =	stream.indirect_vreg.scatter [tilespmem:s10], [sflag:$0x2], $0x80, v3, vm0, $0xb8;
	[tilespmem:$0x19400] =	vst v63  }
0xc09: {  	s30 =	simm.s32 $0x10400  }
0xc0a: {  	[hbm4b:s5+s3] =	stream.indirect_vreg.scatter [tilespmem:s30], [sflag:$0x2], $0x80, v3, vm1, $0xb8;
	[tilespmem:$0x19400] =	vst v63  }
0xc0b: {  	v3 =	vld [tilespmem:$0x18BB0];
	_ =	sdelay $0x4  }
0xc0c: {  	v27 =	vshrl.u32 v3, $0x3  }
0xc0d: {  	v4 =	vmul.u32 $0x18, v27  }
0xc0e: {  	v3 =	vand.u32 $0x7, v3  }
0xc0f: {  	v3 =	vor.u32 v3, v4  }
0xc10: {  	v4 =	vperm.xlane v3, v0;
	_ =	sdelay $0x1  }
0xc11: {  	v4 =	vadd.s32 v1, v4;
	_ =	sdelay $0x1  }
0xc12: {  	v3 =	vperm.xlane v3, v2;
	_ =	sdelay $0x1  }
0xc13: {  	s11 =	simm.s32 $0x10800;
	v3 =	vadd.s32 v1, v3  }
0xc14: {  	[hbm4b:s2+s3] =	stream.indirect_vreg.scatter [tilespmem:s11], [sflag:$0x2], $0x80, v4, vm0, $0xb8;
	[tilespmem:$0x19400] =	vst v63  }
0xc15: {  	s12 =	simm.s32 $0x11000  }
0xc16: {  	[hbm4b:s5+s3] =	stream.indirect_vreg.scatter [tilespmem:s12], [sflag:$0x2], $0x80, v4, vm1, $0xb8;
	[tilespmem:$0x19400] =	vst v63  }
0xc17: {  	s13 =	simm.s32 $0x11400  }
0xc18: {  	[hbm4b:s2+s3] =	stream.indirect_vreg.scatter [tilespmem:s13], [sflag:$0x2], $0x80, v3, vm0, $0xb8;
	[tilespmem:$0x19400] =	vst v63  }
0xc19: {  	s31 =	simm.s32 $0x11C00  }
0xc1a: {  	[hbm4b:s5+s3] =	stream.indirect_vreg.scatter [tilespmem:s31], [sflag:$0x2], $0x80, v3, vm1, $0xb8;
	[tilespmem:$0x19400] =	vst v63  }
0xc1b: {  	v3 =	vld [tilespmem:$0x18BC0];
	_ =	sdelay $0x4  }
0xc1c: {  	v28 =	vshrl.u32 v3, $0x3  }
0xc1d: {  	v4 =	vmul.u32 $0x18, v28  }
0xc1e: {  	v3 =	vand.u32 $0x7, v3  }
0xc1f: {  	v3 =	vor.u32 v3, v4  }
0xc20: {  	v4 =	vperm.xlane v3, v0;
	_ =	sdelay $0x1  }
0xc21: {  	v4 =	vadd.s32 v1, v4;
	_ =	sdelay $0x1  }
0xc22: {  	v3 =	vperm.xlane v3, v2;
	_ =	sdelay $0x1  }
0xc23: {  	s15 =	simm.s32 $0x12000;
	v3 =	vadd.s32 v1, v3  }
0xc24: {  	[hbm4b:s2+s3] =	stream.indirect_vreg.scatter [tilespmem:s15], [sflag:$0x2], $0x80, v4, vm0, $0xb8;
	[tilespmem:$0x19400] =	vst v63  }
0xc25: {  	s16 =	simm.s32 $0x12800  }
0xc26: {  	[hbm4b:s5+s3] =	stream.indirect_vreg.scatter [tilespmem:s16], [sflag:$0x2], $0x80, v4, vm1, $0xb8;
	[tilespmem:$0x19400] =	vst v63  }
0xc27: {  	s17 =	simm.s32 $0x12C00  }
0xc28: {  	[hbm4b:s2+s3] =	stream.indirect_vreg.scatter [tilespmem:s17], [sflag:$0x2], $0x80, v3, vm0, $0xb8;
	[tilespmem:$0x19400] =	vst v63  }
0xc29: {  	s1 =	simm.s32 $0x13400  }
0xc2a: {  	[hbm4b:s5+s3] =	stream.indirect_vreg.scatter [tilespmem:s1], [sflag:$0x2], $0x80, v3, vm1, $0xb8;
	[tilespmem:$0x19400] =	vst v63  }
0xc2b: {  	v3 =	vld [tilespmem:$0x18BD0];
	_ =	sdelay $0x4  }
0xc2c: {  	v29 =	vshrl.u32 v3, $0x3  }
0xc2d: {  	v4 =	vmul.u32 $0x18, v29  }
0xc2e: {  	v3 =	vand.u32 $0x7, v3  }
0xc2f: {  	v3 =	vor.u32 v3, v4  }
0xc30: {  	v4 =	vperm.xlane v3, v0;
	_ =	sdelay $0x1  }
0xc31: {  	v4 =	vadd.s32 v1, v4;
	_ =	sdelay $0x1  }
0xc32: {  	v3 =	vperm.xlane v3, v2;
	_ =	sdelay $0x1  }
0xc33: {  	s18 =	simm.s32 $0x13800;
	v3 =	vadd.s32 v1, v3  }
0xc34: {  	[hbm4b:s2+s3] =	stream.indirect_vreg.scatter [tilespmem:s18], [sflag:$0x2], $0x80, v4, vm0, $0xb8;
	[tilespmem:$0x19400] =	vst v63  }
0xc35: {  	s19 =	simm.s32 $0x14000  }
0xc36: {  	[hbm4b:s5+s3] =	stream.indirect_vreg.scatter [tilespmem:s19], [sflag:$0x2], $0x80, v4, vm1, $0xb8;
	[tilespmem:$0x19400] =	vst v63  }
0xc37: {  	s20 =	simm.s32 $0x14400  }
0xc38: {  	[hbm4b:s2+s3] =	stream.indirect_vreg.scatter [tilespmem:s20], [sflag:$0x2], $0x80, v3, vm0, $0xb8;
	[tilespmem:$0x19400] =	vst v63  }
0xc39: {  	s1 =	simm.s32 $0x14C00  }
0xc3a: {  	[hbm4b:s5+s3] =	stream.indirect_vreg.scatter [tilespmem:s1], [sflag:$0x2], $0x80, v3, vm1, $0xb8;
	[tilespmem:$0x19400] =	vst v63  }
0xc3b: {  	v3 =	vld [tilespmem:$0x18BE0];
	_ =	sdelay $0x4  }
0xc3c: {  	v30 =	vshrl.u32 v3, $0x3  }
0xc3d: {  	v4 =	vmul.u32 $0x18, v30  }
0xc3e: {  	v3 =	vand.u32 $0x7, v3  }
0xc3f: {  	v3 =	vor.u32 v3, v4  }
0xc40: {  	v4 =	vperm.xlane v3, v0;
	_ =	sdelay $0x1  }
0xc41: {  	v4 =	vadd.s32 v1, v4;
	_ =	sdelay $0x1  }
0xc42: {  	v3 =	vperm.xlane v3, v2;
	_ =	sdelay $0x1  }
0xc43: {  	s21 =	simm.s32 $0x15000;
	v3 =	vadd.s32 v1, v3  }
0xc44: {  	[hbm4b:s2+s3] =	stream.indirect_vreg.scatter [tilespmem:s21], [sflag:$0x2], $0x80, v4, vm0, $0xb8;
	[tilespmem:$0x19400] =	vst v63  }
0xc45: {  	s22 =	simm.s32 $0x15800  }
0xc46: {  	[hbm4b:s5+s3] =	stream.indirect_vreg.scatter [tilespmem:s22], [sflag:$0x2], $0x80, v4, vm1, $0xb8;
	[tilespmem:$0x19400] =	vst v63  }
0xc47: {  	s23 =	simm.s32 $0x15C00  }
0xc48: {  	[hbm4b:s2+s3] =	stream.indirect_vreg.scatter [tilespmem:s23], [sflag:$0x2], $0x80, v3, vm0, $0xb8;
	[tilespmem:$0x19400] =	vst v63  }
0xc49: {  	s0 =	simm.s32 $0x16400  }
0xc4a: {  	[hbm4b:s5+s3] =	stream.indirect_vreg.scatter [tilespmem:s0], [sflag:$0x2], $0x80, v3, vm1, $0xb8;
	[tilespmem:$0x19400] =	vst v63  }
0xc4b: {  	v3 =	vld [tilespmem:$0x18BF0];
	_ =	sdelay $0x4  }
0xc4c: {  	v31 =	vshrl.u32 v3, $0x3  }
0xc4d: {  	v4 =	vmul.u32 $0x18, v31  }
0xc4e: {  	v3 =	vand.u32 $0x7, v3  }
0xc4f: {  	v3 =	vor.u32 v3, v4  }
0xc50: {  	v4 =	vperm.xlane v3, v0;
	_ =	sdelay $0x1  }
0xc51: {  	v4 =	vadd.s32 v1, v4;
	_ =	sdelay $0x1  }
0xc52: {  	v3 =	vperm.xlane v3, v2;
	_ =	sdelay $0x1  }
0xc53: {  	s24 =	simm.s32 $0x16800;
	v3 =	vadd.s32 v1, v3  }
0xc54: {  	[hbm4b:s2+s3] =	stream.indirect_vreg.scatter [tilespmem:s24], [sflag:$0x2], $0x80, v4, vm0, $0xb8;
	[tilespmem:$0x19400] =	vst v63  }
0xc55: {  	s25 =	simm.s32 $0x17000  }
0xc56: {  	[hbm4b:s5+s3] =	stream.indirect_vreg.scatter [tilespmem:s25], [sflag:$0x2], $0x80, v4, vm1, $0xb8;
	[tilespmem:$0x19400] =	vst v63  }
0xc57: {  	s26 =	simm.s32 $0x17400  }
0xc58: {  	[hbm4b:s2+s3] =	stream.indirect_vreg.scatter [tilespmem:s26], [sflag:$0x2], $0x80, v3, vm0, $0xb8;
	[tilespmem:$0x19400] =	vst v63  }
0xc59: {  	s0 =	simm.s32 $0x17C00  }
0xc5a: {  	[hbm4b:s5+s3] =	stream.indirect_vreg.scatter [tilespmem:s0], [sflag:$0x2], $0x80, v3, vm1, $0xb8;
	[tilespmem:$0x19400] =	vst v63  }
0xc5b: {  	v3 =	vld [tilespmem:$0x18C00];
	_ =	sdelay $0x4  }
0xc5c: {  	v32 =	vshrl.u32 v3, $0x3  }
0xc5d: {  	v4 =	vmul.u32 $0x18, v32  }
0xc5e: {  	v3 =	vand.u32 $0x7, v3  }
0xc5f: {  	v3 =	vor.u32 v3, v4  }
0xc60: {  	v4 =	vperm.xlane v3, v0;
	_ =	sdelay $0x1  }
0xc61: {  	v4 =	vadd.s32 v1, v4;
	_ =	sdelay $0x1  }
0xc62: {  	v3 =	vperm.xlane v3, v2;
	_ =	sdelay $0x1  }
0xc63: {  	s0 =	simm.s32 $0xC000;
	v3 =	vadd.s32 v1, v3  }
0xc64: {  	[hbm4b:s2+s3] =	stream.indirect_vreg.scatter [tilespmem:s0], [sflag:$0x2], $0x80, v4, vm0, $0xb8;
	[tilespmem:$0x19400] =	vst v63  }
0xc65: {  	s0 =	simm.s32 $0xC800  }
0xc66: {  	[hbm4b:s5+s3] =	stream.indirect_vreg.scatter [tilespmem:s0], [sflag:$0x2], $0x80, v4, vm1, $0xb8;
	[tilespmem:$0x19400] =	vst v63  }
0xc67: {  	s0 =	simm.s32 $0xCC00  }
0xc68: {  	[hbm4b:s2+s3] =	stream.indirect_vreg.scatter [tilespmem:s0], [sflag:$0x2], $0x80, v3, vm0, $0xb8;
	[tilespmem:$0x19400] =	vst v63  }
0xc69: {  	s28 =	simm.s32 $0xD400  }
0xc6a: {  	[hbm4b:s5+s3] =	stream.indirect_vreg.scatter [tilespmem:s28], [sflag:$0x2], $0x80, v3, vm1, $0xb8;
	[tilespmem:$0x19400] =	vst v63  }
0xc6b: {  	v3 =	vld [tilespmem:$0x18C10];
	_ =	sdelay $0x4  }
0xc6c: {  	v33 =	vshrl.u32 v3, $0x3  }
0xc6d: {  	v4 =	vmul.u32 $0x18, v33  }
0xc6e: {  	v3 =	vand.u32 $0x7, v3  }
0xc6f: {  	v3 =	vor.u32 v3, v4  }
0xc70: {  	v4 =	vperm.xlane v3, v0;
	_ =	sdelay $0x1  }
0xc71: {  	v4 =	vadd.s32 v1, v4;
	_ =	sdelay $0x1  }
0xc72: {  	v3 =	vperm.xlane v3, v2;
	_ =	sdelay $0x1  }
0xc73: {  	s4 =	simm.s32 $0xD800;
	v3 =	vadd.s32 v1, v3  }
0xc74: {  	[hbm4b:s2+s3] =	stream.indirect_vreg.scatter [tilespmem:s4], [sflag:$0x2], $0x80, v4, vm0, $0xb8;
	[tilespmem:$0x19400] =	vst v63  }
0xc75: {  	s6 =	simm.s32 $0xE000  }
0xc76: {  	[hbm4b:s5+s3] =	stream.indirect_vreg.scatter [tilespmem:s6], [sflag:$0x2], $0x80, v4, vm1, $0xb8;
	[tilespmem:$0x19400] =	vst v63  }
0xc77: {  	s7 =	simm.s32 $0xE400  }
0xc78: {  	[hbm4b:s2+s3] =	stream.indirect_vreg.scatter [tilespmem:s7], [sflag:$0x2], $0x80, v3, vm0, $0xb8;
	[tilespmem:$0x19400] =	vst v63  }
0xc79: {  	s29 =	simm.s32 $0xEC00  }
0xc7a: {  	[hbm4b:s5+s3] =	stream.indirect_vreg.scatter [tilespmem:s29], [sflag:$0x2], $0x80, v3, vm1, $0xb8;
	[tilespmem:$0x19400] =	vst v63  }
0xc7b: {  	v3 =	vld [tilespmem:$0x18C20];
	_ =	sdelay $0x4  }
0xc7c: {  	v34 =	vshrl.u32 v3, $0x3  }
0xc7d: {  	v4 =	vmul.u32 $0x18, v34  }
0xc7e: {  	v3 =	vand.u32 $0x7, v3  }
0xc7f: {  	v3 =	vor.u32 v3, v4  }
0xc80: {  	v4 =	vperm.xlane v3, v0;
	_ =	sdelay $0x1  }
0xc81: {  	v4 =	vadd.s32 v1, v4;
	_ =	sdelay $0x1  }
0xc82: {  	v3 =	vperm.xlane v3, v2;
	_ =	sdelay $0x1  }
0xc83: {  	s8 =	simm.s32 $0xF000;
	v3 =	vadd.s32 v1, v3  }
0xc84: {  	[hbm4b:s2+s3] =	stream.indirect_vreg.scatter [tilespmem:s8], [sflag:$0x2], $0x80, v4, vm0, $0xb8;
	[tilespmem:$0x19400] =	vst v63  }
0xc85: {  	s9 =	simm.s32 $0xF800  }
0xc86: {  	[hbm4b:s5+s3] =	stream.indirect_vreg.scatter [tilespmem:s9], [sflag:$0x2], $0x80, v4, vm1, $0xb8;
	[tilespmem:$0x19400] =	vst v63  }
0xc87: {  	s10 =	simm.s32 $0xFC00  }
0xc88: {  	[hbm4b:s2+s3] =	stream.indirect_vreg.scatter [tilespmem:s10], [sflag:$0x2], $0x80, v3, vm0, $0xb8;
	[tilespmem:$0x19400] =	vst v63  }
0xc89: {  	s30 =	simm.s32 $0x10400  }
0xc8a: {  	[hbm4b:s5+s3] =	stream.indirect_vreg.scatter [tilespmem:s30], [sflag:$0x2], $0x80, v3, vm1, $0xb8;
	[tilespmem:$0x19400] =	vst v63  }
0xc8b: {  	v3 =	vld [tilespmem:$0x18C30];
	_ =	sdelay $0x4  }
0xc8c: {  	v35 =	vshrl.u32 v3, $0x3  }
0xc8d: {  	v4 =	vmul.u32 $0x18, v35  }
0xc8e: {  	v3 =	vand.u32 $0x7, v3  }
0xc8f: {  	v3 =	vor.u32 v3, v4  }
0xc90: {  	v4 =	vperm.xlane v3, v0;
	_ =	sdelay $0x1  }
0xc91: {  	v4 =	vadd.s32 v1, v4;
	_ =	sdelay $0x1  }
0xc92: {  	v3 =	vperm.xlane v3, v2;
	_ =	sdelay $0x1  }
0xc93: {  	s11 =	simm.s32 $0x10800;
	v3 =	vadd.s32 v1, v3  }
0xc94: {  	[hbm4b:s2+s3] =	stream.indirect_vreg.scatter [tilespmem:s11], [sflag:$0x2], $0x80, v4, vm0, $0xb8;
	[tilespmem:$0x19400] =	vst v63  }
0xc95: {  	s12 =	simm.s32 $0x11000  }
0xc96: {  	[hbm4b:s5+s3] =	stream.indirect_vreg.scatter [tilespmem:s12], [sflag:$0x2], $0x80, v4, vm1, $0xb8;
	[tilespmem:$0x19400] =	vst v63  }
0xc97: {  	s13 =	simm.s32 $0x11400  }
0xc98: {  	[hbm4b:s2+s3] =	stream.indirect_vreg.scatter [tilespmem:s13], [sflag:$0x2], $0x80, v3, vm0, $0xb8;
	[tilespmem:$0x19400] =	vst v63  }
0xc99: {  	s31 =	simm.s32 $0x11C00  }
0xc9a: {  	[hbm4b:s5+s3] =	stream.indirect_vreg.scatter [tilespmem:s31], [sflag:$0x2], $0x80, v3, vm1, $0xb8;
	[tilespmem:$0x19400] =	vst v63  }
0xc9b: {  	v3 =	vld [tilespmem:$0x18C40];
	_ =	sdelay $0x4  }
0xc9c: {  	v36 =	vshrl.u32 v3, $0x3  }
0xc9d: {  	v4 =	vmul.u32 $0x18, v36  }
0xc9e: {  	v3 =	vand.u32 $0x7, v3  }
0xc9f: {  	v3 =	vor.u32 v3, v4  }
0xca0: {  	v4 =	vperm.xlane v3, v0;
	_ =	sdelay $0x1  }
0xca1: {  	v4 =	vadd.s32 v1, v4;
	_ =	sdelay $0x1  }
0xca2: {  	v3 =	vperm.xlane v3, v2;
	_ =	sdelay $0x1  }
0xca3: {  	s15 =	simm.s32 $0x12000;
	v3 =	vadd.s32 v1, v3  }
0xca4: {  	[hbm4b:s2+s3] =	stream.indirect_vreg.scatter [tilespmem:s15], [sflag:$0x2], $0x80, v4, vm0, $0xb8;
	[tilespmem:$0x19400] =	vst v63  }
0xca5: {  	s16 =	simm.s32 $0x12800  }
0xca6: {  	[hbm4b:s5+s3] =	stream.indirect_vreg.scatter [tilespmem:s16], [sflag:$0x2], $0x80, v4, vm1, $0xb8;
	[tilespmem:$0x19400] =	vst v63  }
0xca7: {  	s17 =	simm.s32 $0x12C00  }
0xca8: {  	[hbm4b:s2+s3] =	stream.indirect_vreg.scatter [tilespmem:s17], [sflag:$0x2], $0x80, v3, vm0, $0xb8;
	[tilespmem:$0x19400] =	vst v63  }
0xca9: {  	s4 =	simm.s32 $0x13400  }
0xcaa: {  	[hbm4b:s5+s3] =	stream.indirect_vreg.scatter [tilespmem:s4], [sflag:$0x2], $0x80, v3, vm1, $0xb8;
	[tilespmem:$0x19400] =	vst v63  }
0xcab: {  	v3 =	vld [tilespmem:$0x18C50];
	_ =	sdelay $0x4  }
0xcac: {  	v37 =	vshrl.u32 v3, $0x3  }
0xcad: {  	v4 =	vmul.u32 $0x18, v37  }
0xcae: {  	v3 =	vand.u32 $0x7, v3  }
0xcaf: {  	v3 =	vor.u32 v3, v4  }
0xcb0: {  	v4 =	vperm.xlane v3, v0;
	_ =	sdelay $0x1  }
0xcb1: {  	v4 =	vadd.s32 v1, v4;
	_ =	sdelay $0x1  }
0xcb2: {  	v3 =	vperm.xlane v3, v2;
	_ =	sdelay $0x1  }
0xcb3: {  	s18 =	simm.s32 $0x13800;
	v3 =	vadd.s32 v1, v3  }
0xcb4: {  	[hbm4b:s2+s3] =	stream.indirect_vreg.scatter [tilespmem:s18], [sflag:$0x2], $0x80, v4, vm0, $0xb8;
	[tilespmem:$0x19400] =	vst v63  }
0xcb5: {  	s19 =	simm.s32 $0x14000  }
0xcb6: {  	[hbm4b:s5+s3] =	stream.indirect_vreg.scatter [tilespmem:s19], [sflag:$0x2], $0x80, v4, vm1, $0xb8;
	[tilespmem:$0x19400] =	vst v63  }
0xcb7: {  	s20 =	simm.s32 $0x14400  }
0xcb8: {  	[hbm4b:s2+s3] =	stream.indirect_vreg.scatter [tilespmem:s20], [sflag:$0x2], $0x80, v3, vm0, $0xb8;
	[tilespmem:$0x19400] =	vst v63  }
0xcb9: {  	s1 =	simm.s32 $0x14C00  }
0xcba: {  	[hbm4b:s5+s3] =	stream.indirect_vreg.scatter [tilespmem:s1], [sflag:$0x2], $0x80, v3, vm1, $0xb8;
	[tilespmem:$0x19400] =	vst v63  }
0xcbb: {  	v3 =	vld [tilespmem:$0x18C60];
	_ =	sdelay $0x4  }
0xcbc: {  	v38 =	vshrl.u32 v3, $0x3  }
0xcbd: {  	v4 =	vmul.u32 $0x18, v38  }
0xcbe: {  	v3 =	vand.u32 $0x7, v3  }
0xcbf: {  	v3 =	vor.u32 v3, v4  }
0xcc0: {  	v4 =	vperm.xlane v3, v0;
	_ =	sdelay $0x1  }
0xcc1: {  	v4 =	vadd.s32 v1, v4;
	_ =	sdelay $0x1  }
0xcc2: {  	v3 =	vperm.xlane v3, v2;
	_ =	sdelay $0x1  }
0xcc3: {  	s1 =	simm.s32 $0x15000;
	v3 =	vadd.s32 v1, v3  }
0xcc4: {  	[hbm4b:s2+s3] =	stream.indirect_vreg.scatter [tilespmem:s1], [sflag:$0x2], $0x80, v4, vm0, $0xb8;
	[tilespmem:$0x19400] =	vst v63  }
0xcc5: {  	s21 =	simm.s32 $0x15800  }
0xcc6: {  	[hbm4b:s5+s3] =	stream.indirect_vreg.scatter [tilespmem:s21], [sflag:$0x2], $0x80, v4, vm1, $0xb8;
	[tilespmem:$0x19400] =	vst v63  }
0xcc7: {  	s22 =	simm.s32 $0x15C00  }
0xcc8: {  	[hbm4b:s2+s3] =	stream.indirect_vreg.scatter [tilespmem:s22], [sflag:$0x2], $0x80, v3, vm0, $0xb8;
	[tilespmem:$0x19400] =	vst v63  }
0xcc9: {  	s0 =	simm.s32 $0x16400  }
0xcca: {  	[hbm4b:s5+s3] =	stream.indirect_vreg.scatter [tilespmem:s0], [sflag:$0x2], $0x80, v3, vm1, $0xb8;
	[tilespmem:$0x19400] =	vst v63  }
0xccb: {  	v3 =	vld [tilespmem:$0x18C70];
	_ =	sdelay $0x4  }
0xccc: {  	v39 =	vshrl.u32 v3, $0x3  }
0xccd: {  	v4 =	vmul.u32 $0x18, v39  }
0xcce: {  	v3 =	vand.u32 $0x7, v3  }
0xccf: {  	v3 =	vor.u32 v3, v4  }
0xcd0: {  	v4 =	vperm.xlane v3, v0;
	_ =	sdelay $0x1  }
0xcd1: {  	v4 =	vadd.s32 v1, v4;
	_ =	sdelay $0x1  }
0xcd2: {  	v3 =	vperm.xlane v3, v2;
	_ =	sdelay $0x1  }
0xcd3: {  	s23 =	simm.s32 $0x16800;
	v3 =	vadd.s32 v1, v3  }
0xcd4: {  	[hbm4b:s2+s3] =	stream.indirect_vreg.scatter [tilespmem:s23], [sflag:$0x2], $0x80, v4, vm0, $0xb8;
	[tilespmem:$0x19400] =	vst v63  }
0xcd5: {  	s24 =	simm.s32 $0x17000  }
0xcd6: {  	[hbm4b:s5+s3] =	stream.indirect_vreg.scatter [tilespmem:s24], [sflag:$0x2], $0x80, v4, vm1, $0xb8;
	[tilespmem:$0x19400] =	vst v63  }
0xcd7: {  	s25 =	simm.s32 $0x17400  }
0xcd8: {  	[hbm4b:s2+s3] =	stream.indirect_vreg.scatter [tilespmem:s25], [sflag:$0x2], $0x80, v3, vm0, $0xb8;
	[tilespmem:$0x19400] =	vst v63  }
0xcd9: {  	s26 =	simm.s32 $0x17C00  }
0xcda: {  	[hbm4b:s5+s3] =	stream.indirect_vreg.scatter [tilespmem:s26], [sflag:$0x2], $0x80, v3, vm1, $0xb8;
	[tilespmem:$0x19400] =	vst v63  }
0xcdb: {  	v3 =	vld [tilespmem:$0x18C80];
	_ =	sdelay $0x4  }
0xcdc: {  	v40 =	vshrl.u32 v3, $0x3  }
0xcdd: {  	v4 =	vmul.u32 $0x18, v40  }
0xcde: {  	v3 =	vand.u32 $0x7, v3  }
0xcdf: {  	v3 =	vor.u32 v3, v4  }
0xce0: {  	v4 =	vperm.xlane v3, v0;
	_ =	sdelay $0x1  }
0xce1: {  	v4 =	vadd.s32 v1, v4;
	_ =	sdelay $0x1  }
0xce2: {  	v3 =	vperm.xlane v3, v2;
	_ =	sdelay $0x1  }
0xce3: {  	s26 =	simm.s32 $0xC000;
	v3 =	vadd.s32 v1, v3  }
0xce4: {  	[hbm4b:s2+s3] =	stream.indirect_vreg.scatter [tilespmem:s26], [sflag:$0x2], $0x80, v4, vm0, $0xb8;
	[tilespmem:$0x19400] =	vst v63  }
0xce5: {  	s0 =	simm.s32 $0xC800  }
0xce6: {  	[hbm4b:s5+s3] =	stream.indirect_vreg.scatter [tilespmem:s0], [sflag:$0x2], $0x80, v4, vm1, $0xb8;
	[tilespmem:$0x19400] =	vst v63  }
0xce7: {  	s0 =	simm.s32 $0xCC00  }
0xce8: {  	[hbm4b:s2+s3] =	stream.indirect_vreg.scatter [tilespmem:s0], [sflag:$0x2], $0x80, v3, vm0, $0xb8;
	[tilespmem:$0x19400] =	vst v63  }
0xce9: {  	s0 =	simm.s32 $0xD400  }
0xcea: {  	[hbm4b:s5+s3] =	stream.indirect_vreg.scatter [tilespmem:s0], [sflag:$0x2], $0x80, v3, vm1, $0xb8;
	[tilespmem:$0x19400] =	vst v63  }
0xceb: {  	v3 =	vld [tilespmem:$0x18C90];
	_ =	sdelay $0x4  }
0xcec: {  	v41 =	vshrl.u32 v3, $0x3  }
0xced: {  	v4 =	vmul.u32 $0x18, v41  }
0xcee: {  	v3 =	vand.u32 $0x7, v3  }
0xcef: {  	v3 =	vor.u32 v3, v4  }
0xcf0: {  	v4 =	vperm.xlane v3, v0;
	_ =	sdelay $0x1  }
0xcf1: {  	v4 =	vadd.s32 v1, v4;
	_ =	sdelay $0x1  }
0xcf2: {  	v3 =	vperm.xlane v3, v2;
	_ =	sdelay $0x1  }
0xcf3: {  	s28 =	simm.s32 $0xD800;
	v3 =	vadd.s32 v1, v3  }
0xcf4: {  	[hbm4b:s2+s3] =	stream.indirect_vreg.scatter [tilespmem:s28], [sflag:$0x2], $0x80, v4, vm0, $0xb8;
	[tilespmem:$0x19400] =	vst v63  }
0xcf5: {  	s6 =	simm.s32 $0xE000  }
0xcf6: {  	[hbm4b:s5+s3] =	stream.indirect_vreg.scatter [tilespmem:s6], [sflag:$0x2], $0x80, v4, vm1, $0xb8;
	[tilespmem:$0x19400] =	vst v63  }
0xcf7: {  	s7 =	simm.s32 $0xE400  }
0xcf8: {  	[hbm4b:s2+s3] =	stream.indirect_vreg.scatter [tilespmem:s7], [sflag:$0x2], $0x80, v3, vm0, $0xb8;
	[tilespmem:$0x19400] =	vst v63  }
0xcf9: {  	s29 =	simm.s32 $0xEC00  }
0xcfa: {  	[hbm4b:s5+s3] =	stream.indirect_vreg.scatter [tilespmem:s29], [sflag:$0x2], $0x80, v3, vm1, $0xb8;
	[tilespmem:$0x19400] =	vst v63  }
0xcfb: {  	v3 =	vld [tilespmem:$0x18CA0];
	_ =	sdelay $0x4  }
0xcfc: {  	v42 =	vshrl.u32 v3, $0x3  }
0xcfd: {  	v4 =	vmul.u32 $0x18, v42  }
0xcfe: {  	v3 =	vand.u32 $0x7, v3  }
0xcff: {  	v3 =	vor.u32 v3, v4  }
0xd00: {  	v4 =	vperm.xlane v3, v0;
	_ =	sdelay $0x1  }
0xd01: {  	v4 =	vadd.s32 v1, v4;
	_ =	sdelay $0x1  }
0xd02: {  	v3 =	vperm.xlane v3, v2;
	_ =	sdelay $0x1  }
0xd03: {  	s8 =	simm.s32 $0xF000;
	v3 =	vadd.s32 v1, v3  }
0xd04: {  	[hbm4b:s2+s3] =	stream.indirect_vreg.scatter [tilespmem:s8], [sflag:$0x2], $0x80, v4, vm0, $0xb8;
	[tilespmem:$0x19400] =	vst v63  }
0xd05: {  	s9 =	simm.s32 $0xF800  }
0xd06: {  	[hbm4b:s5+s3] =	stream.indirect_vreg.scatter [tilespmem:s9], [sflag:$0x2], $0x80, v4, vm1, $0xb8;
	[tilespmem:$0x19400] =	vst v63  }
0xd07: {  	s10 =	simm.s32 $0xFC00  }
0xd08: {  	[hbm4b:s2+s3] =	stream.indirect_vreg.scatter [tilespmem:s10], [sflag:$0x2], $0x80, v3, vm0, $0xb8;
	[tilespmem:$0x19400] =	vst v63  }
0xd09: {  	s30 =	simm.s32 $0x10400  }
0xd0a: {  	[hbm4b:s5+s3] =	stream.indirect_vreg.scatter [tilespmem:s30], [sflag:$0x2], $0x80, v3, vm1, $0xb8;
	[tilespmem:$0x19400] =	vst v63  }
0xd0b: {  	v3 =	vld [tilespmem:$0x18CB0];
	_ =	sdelay $0x4  }
0xd0c: {  	v43 =	vshrl.u32 v3, $0x3  }
0xd0d: {  	v4 =	vmul.u32 $0x18, v43  }
0xd0e: {  	v3 =	vand.u32 $0x7, v3  }
0xd0f: {  	v3 =	vor.u32 v3, v4  }
0xd10: {  	v4 =	vperm.xlane v3, v0;
	_ =	sdelay $0x1  }
0xd11: {  	v4 =	vadd.s32 v1, v4;
	_ =	sdelay $0x1  }
0xd12: {  	v3 =	vperm.xlane v3, v2;
	_ =	sdelay $0x1  }
0xd13: {  	s11 =	simm.s32 $0x10800;
	v3 =	vadd.s32 v1, v3  }
0xd14: {  	[hbm4b:s2+s3] =	stream.indirect_vreg.scatter [tilespmem:s11], [sflag:$0x2], $0x80, v4, vm0, $0xb8;
	[tilespmem:$0x19400] =	vst v63  }
0xd15: {  	s12 =	simm.s32 $0x11000  }
0xd16: {  	[hbm4b:s5+s3] =	stream.indirect_vreg.scatter [tilespmem:s12], [sflag:$0x2], $0x80, v4, vm1, $0xb8;
	[tilespmem:$0x19400] =	vst v63  }
0xd17: {  	s13 =	simm.s32 $0x11400  }
0xd18: {  	[hbm4b:s2+s3] =	stream.indirect_vreg.scatter [tilespmem:s13], [sflag:$0x2], $0x80, v3, vm0, $0xb8;
	[tilespmem:$0x19400] =	vst v63  }
0xd19: {  	s31 =	simm.s32 $0x11C00  }
0xd1a: {  	[hbm4b:s5+s3] =	stream.indirect_vreg.scatter [tilespmem:s31], [sflag:$0x2], $0x80, v3, vm1, $0xb8;
	[tilespmem:$0x19400] =	vst v63  }
0xd1b: {  	v3 =	vld [tilespmem:$0x18CC0];
	_ =	sdelay $0x4  }
0xd1c: {  	v44 =	vshrl.u32 v3, $0x3  }
0xd1d: {  	v4 =	vmul.u32 $0x18, v44  }
0xd1e: {  	v3 =	vand.u32 $0x7, v3  }
0xd1f: {  	v3 =	vor.u32 v3, v4  }
0xd20: {  	v4 =	vperm.xlane v3, v0;
	_ =	sdelay $0x1  }
0xd21: {  	v4 =	vadd.s32 v1, v4;
	_ =	sdelay $0x1  }
0xd22: {  	v3 =	vperm.xlane v3, v2;
	_ =	sdelay $0x1  }
0xd23: {  	s15 =	simm.s32 $0x12000;
	v3 =	vadd.s32 v1, v3  }
0xd24: {  	[hbm4b:s2+s3] =	stream.indirect_vreg.scatter [tilespmem:s15], [sflag:$0x2], $0x80, v4, vm0, $0xb8;
	[tilespmem:$0x19400] =	vst v63  }
0xd25: {  	s16 =	simm.s32 $0x12800  }
0xd26: {  	[hbm4b:s5+s3] =	stream.indirect_vreg.scatter [tilespmem:s16], [sflag:$0x2], $0x80, v4, vm1, $0xb8;
	[tilespmem:$0x19400] =	vst v63  }
0xd27: {  	s17 =	simm.s32 $0x12C00  }
0xd28: {  	[hbm4b:s2+s3] =	stream.indirect_vreg.scatter [tilespmem:s17], [sflag:$0x2], $0x80, v3, vm0, $0xb8;
	[tilespmem:$0x19400] =	vst v63  }
0xd29: {  	s17 =	simm.s32 $0x13400  }
0xd2a: {  	[hbm4b:s5+s3] =	stream.indirect_vreg.scatter [tilespmem:s17], [sflag:$0x2], $0x80, v3, vm1, $0xb8;
	[tilespmem:$0x19400] =	vst v63  }
0xd2b: {  	v3 =	vld [tilespmem:$0x18CD0];
	_ =	sdelay $0x4  }
0xd2c: {  	v45 =	vshrl.u32 v3, $0x3  }
0xd2d: {  	v4 =	vmul.u32 $0x18, v45  }
0xd2e: {  	v3 =	vand.u32 $0x7, v3  }
0xd2f: {  	v3 =	vor.u32 v3, v4  }
0xd30: {  	v4 =	vperm.xlane v3, v0;
	_ =	sdelay $0x1  }
0xd31: {  	v4 =	vadd.s32 v1, v4;
	_ =	sdelay $0x1  }
0xd32: {  	v3 =	vperm.xlane v3, v2;
	_ =	sdelay $0x1  }
0xd33: {  	s18 =	simm.s32 $0x13800;
	v3 =	vadd.s32 v1, v3  }
0xd34: {  	[hbm4b:s2+s3] =	stream.indirect_vreg.scatter [tilespmem:s18], [sflag:$0x2], $0x80, v4, vm0, $0xb8;
	[tilespmem:$0x19400] =	vst v63  }
0xd35: {  	s19 =	simm.s32 $0x14000  }
0xd36: {  	[hbm4b:s5+s3] =	stream.indirect_vreg.scatter [tilespmem:s19], [sflag:$0x2], $0x80, v4, vm1, $0xb8;
	[tilespmem:$0x19400] =	vst v63  }
0xd37: {  	s20 =	simm.s32 $0x14400  }
0xd38: {  	[hbm4b:s2+s3] =	stream.indirect_vreg.scatter [tilespmem:s20], [sflag:$0x2], $0x80, v3, vm0, $0xb8;
	[tilespmem:$0x19400] =	vst v63  }
0xd39: {  	s4 =	simm.s32 $0x14C00  }
0xd3a: {  	[hbm4b:s5+s3] =	stream.indirect_vreg.scatter [tilespmem:s4], [sflag:$0x2], $0x80, v3, vm1, $0xb8;
	[tilespmem:$0x19400] =	vst v63  }
0xd3b: {  	v3 =	vld [tilespmem:$0x18CE0];
	_ =	sdelay $0x4  }
0xd3c: {  	v46 =	vshrl.u32 v3, $0x3  }
0xd3d: {  	v4 =	vmul.u32 $0x18, v46  }
0xd3e: {  	v3 =	vand.u32 $0x7, v3  }
0xd3f: {  	v3 =	vor.u32 v3, v4  }
0xd40: {  	v4 =	vperm.xlane v3, v0;
	_ =	sdelay $0x1  }
0xd41: {  	v4 =	vadd.s32 v1, v4;
	_ =	sdelay $0x1  }
0xd42: {  	v3 =	vperm.xlane v3, v2;
	_ =	sdelay $0x1  }
0xd43: {  	s20 =	simm.s32 $0x15000;
	v3 =	vadd.s32 v1, v3  }
0xd44: {  	[hbm4b:s2+s3] =	stream.indirect_vreg.scatter [tilespmem:s20], [sflag:$0x2], $0x80, v4, vm0, $0xb8;
	[tilespmem:$0x19400] =	vst v63  }
0xd45: {  	s1 =	simm.s32 $0x15800  }
0xd46: {  	[hbm4b:s5+s3] =	stream.indirect_vreg.scatter [tilespmem:s1], [sflag:$0x2], $0x80, v4, vm1, $0xb8;
	[tilespmem:$0x19400] =	vst v63  }
0xd47: {  	s21 =	simm.s32 $0x15C00  }
0xd48: {  	[hbm4b:s2+s3] =	stream.indirect_vreg.scatter [tilespmem:s21], [sflag:$0x2], $0x80, v3, vm0, $0xb8;
	[tilespmem:$0x19400] =	vst v63  }
0xd49: {  	s21 =	simm.s32 $0x16400  }
0xd4a: {  	[hbm4b:s5+s3] =	stream.indirect_vreg.scatter [tilespmem:s21], [sflag:$0x2], $0x80, v3, vm1, $0xb8;
	[tilespmem:$0x19400] =	vst v63  }
0xd4b: {  	v3 =	vld [tilespmem:$0x18CF0];
	_ =	sdelay $0x4  }
0xd4c: {  	v47 =	vshrl.u32 v3, $0x3  }
0xd4d: {  	v4 =	vmul.u32 $0x18, v47  }
0xd4e: {  	v3 =	vand.u32 $0x7, v3  }
0xd4f: {  	v3 =	vor.u32 v3, v4  }
0xd50: {  	v4 =	vperm.xlane v3, v0;
	_ =	sdelay $0x1  }
0xd51: {  	v4 =	vadd.s32 v1, v4;
	_ =	sdelay $0x1  }
0xd52: {  	v3 =	vperm.xlane v3, v2;
	_ =	sdelay $0x1  }
0xd53: {  	s22 =	simm.s32 $0x16800;
	v3 =	vadd.s32 v1, v3  }
0xd54: {  	[hbm4b:s2+s3] =	stream.indirect_vreg.scatter [tilespmem:s22], [sflag:$0x2], $0x80, v4, vm0, $0xb8;
	[tilespmem:$0x19400] =	vst v63  }
0xd55: {  	s23 =	simm.s32 $0x17000  }
0xd56: {  	[hbm4b:s5+s3] =	stream.indirect_vreg.scatter [tilespmem:s23], [sflag:$0x2], $0x80, v4, vm1, $0xb8;
	[tilespmem:$0x19400] =	vst v63  }
0xd57: {  	s24 =	simm.s32 $0x17400  }
0xd58: {  	[hbm4b:s2+s3] =	stream.indirect_vreg.scatter [tilespmem:s24], [sflag:$0x2], $0x80, v3, vm0, $0xb8;
	[tilespmem:$0x19400] =	vst v63  }
0xd59: {  	s25 =	simm.s32 $0x17C00  }
0xd5a: {  	[hbm4b:s5+s3] =	stream.indirect_vreg.scatter [tilespmem:s25], [sflag:$0x2], $0x80, v3, vm1, $0xb8;
	[tilespmem:$0x19400] =	vst v63  }
0xd5b: {  	v3 =	vld [tilespmem:$0x18D00];
	_ =	sdelay $0x4  }
0xd5c: {  	v48 =	vshrl.u32 v3, $0x3  }
0xd5d: {  	v4 =	vmul.u32 $0x18, v48  }
0xd5e: {  	v3 =	vand.u32 $0x7, v3  }
0xd5f: {  	v3 =	vor.u32 v3, v4  }
0xd60: {  	v4 =	vperm.xlane v3, v0;
	_ =	sdelay $0x1  }
0xd61: {  	v4 =	vadd.s32 v1, v4;
	_ =	sdelay $0x1  }
0xd62: {  	v3 =	vperm.xlane v3, v2;
	_ =	sdelay $0x1  }
0xd63: {  	s1 =	simm.s32 $0xC000;
	v3 =	vadd.s32 v1, v3  }
0xd64: {  	[hbm4b:s2+s3] =	stream.indirect_vreg.scatter [tilespmem:s1], [sflag:$0x2], $0x80, v4, vm0, $0xb8;
	[tilespmem:$0x19400] =	vst v63  }
0xd65: {  	s8 =	simm.s32 $0xC800  }
0xd66: {  	[hbm4b:s5+s3] =	stream.indirect_vreg.scatter [tilespmem:s8], [sflag:$0x2], $0x80, v4, vm1, $0xb8;
	[tilespmem:$0x19400] =	vst v63  }
0xd67: {  	s26 =	simm.s32 $0xCC00  }
0xd68: {  	[hbm4b:s2+s3] =	stream.indirect_vreg.scatter [tilespmem:s26], [sflag:$0x2], $0x80, v3, vm0, $0xb8;
	[tilespmem:$0x19400] =	vst v63  }
0xd69: {  	s9 =	simm.s32 $0xD400  }
0xd6a: {  	[hbm4b:s5+s3] =	stream.indirect_vreg.scatter [tilespmem:s9], [sflag:$0x2], $0x80, v3, vm1, $0xb8;
	[tilespmem:$0x19400] =	vst v63  }
0xd6b: {  	v3 =	vld [tilespmem:$0x18D10];
	_ =	sdelay $0x4  }
0xd6c: {  	v49 =	vshrl.u32 v3, $0x3  }
0xd6d: {  	v4 =	vmul.u32 $0x18, v49  }
0xd6e: {  	v3 =	vand.u32 $0x7, v3  }
0xd6f: {  	v3 =	vor.u32 v3, v4  }
0xd70: {  	v4 =	vperm.xlane v3, v0;
	_ =	sdelay $0x1  }
0xd71: {  	v4 =	vadd.s32 v1, v4;
	_ =	sdelay $0x1  }
0xd72: {  	v3 =	vperm.xlane v3, v2;
	_ =	sdelay $0x1  }
0xd73: {  	s11 =	simm.s32 $0xD800;
	v3 =	vadd.s32 v1, v3  }
0xd74: {  	[hbm4b:s2+s3] =	stream.indirect_vreg.scatter [tilespmem:s11], [sflag:$0x2], $0x80, v4, vm0, $0xb8;
	[tilespmem:$0x19400] =	vst v63  }
0xd75: {  	s28 =	simm.s32 $0xE000  }
0xd76: {  	[hbm4b:s5+s3] =	stream.indirect_vreg.scatter [tilespmem:s28], [sflag:$0x2], $0x80, v4, vm1, $0xb8;
	[tilespmem:$0x19400] =	vst v63  }
0xd77: {  	s12 =	simm.s32 $0xE400  }
0xd78: {  	[hbm4b:s2+s3] =	stream.indirect_vreg.scatter [tilespmem:s12], [sflag:$0x2], $0x80, v3, vm0, $0xb8;
	[tilespmem:$0x19400] =	vst v63  }
0xd79: {  	s15 =	simm.s32 $0xEC00  }
0xd7a: {  	[hbm4b:s5+s3] =	stream.indirect_vreg.scatter [tilespmem:s15], [sflag:$0x2], $0x80, v3, vm1, $0xb8;
	[tilespmem:$0x19400] =	vst v63  }
0xd7b: {  	v3 =	vld [tilespmem:$0x18D20];
	_ =	sdelay $0x4  }
0xd7c: {  	v50 =	vshrl.u32 v3, $0x3  }
0xd7d: {  	v4 =	vmul.u32 $0x18, v50  }
0xd7e: {  	v3 =	vand.u32 $0x7, v3  }
0xd7f: {  	v3 =	vor.u32 v3, v4  }
0xd80: {  	v4 =	vperm.xlane v3, v0;
	_ =	sdelay $0x1  }
0xd81: {  	v4 =	vadd.s32 v1, v4;
	_ =	sdelay $0x1  }
0xd82: {  	v3 =	vperm.xlane v3, v2;
	_ =	sdelay $0x1  }
0xd83: {  	s29 =	simm.s32 $0xF000;
	v3 =	vadd.s32 v1, v3  }
0xd84: {  	[hbm4b:s2+s3] =	stream.indirect_vreg.scatter [tilespmem:s29], [sflag:$0x2], $0x80, v4, vm0, $0xb8;
	[tilespmem:$0x19400] =	vst v63  }
0xd85: {  	s16 =	simm.s32 $0xF800  }
0xd86: {  	[hbm4b:s5+s3] =	stream.indirect_vreg.scatter [tilespmem:s16], [sflag:$0x2], $0x80, v4, vm1, $0xb8;
	[tilespmem:$0x19400] =	vst v63  }
0xd87: {  	s18 =	simm.s32 $0xFC00  }
0xd88: {  	[hbm4b:s2+s3] =	stream.indirect_vreg.scatter [tilespmem:s18], [sflag:$0x2], $0x80, v3, vm0, $0xb8;
	[tilespmem:$0x19400] =	vst v63  }
0xd89: {  	s19 =	simm.s32 $0x10400  }
0xd8a: {  	[hbm4b:s5+s3] =	stream.indirect_vreg.scatter [tilespmem:s19], [sflag:$0x2], $0x80, v3, vm1, $0xb8;
	[tilespmem:$0x19400] =	vst v63  }
0xd8b: {  	v3 =	vld [tilespmem:$0x18D30];
	_ =	sdelay $0x4  }
0xd8c: {  	v51 =	vshrl.u32 v3, $0x3  }
0xd8d: {  	v4 =	vmul.u32 $0x18, v51  }
0xd8e: {  	v3 =	vand.u32 $0x7, v3  }
0xd8f: {  	v3 =	vor.u32 v3, v4  }
0xd90: {  	v4 =	vperm.xlane v3, v0;
	_ =	sdelay $0x1  }
0xd91: {  	v4 =	vadd.s32 v1, v4;
	_ =	sdelay $0x1  }
0xd92: {  	v3 =	vperm.xlane v3, v2;
	_ =	sdelay $0x1  }
0xd93: {  	s30 =	simm.s32 $0x10800;
	v3 =	vadd.s32 v1, v3  }
0xd94: {  	[hbm4b:s2+s3] =	stream.indirect_vreg.scatter [tilespmem:s30], [sflag:$0x2], $0x80, v4, vm0, $0xb8;
	[tilespmem:$0x19400] =	vst v63  }
0xd95: {  	s20 =	simm.s32 $0x11000  }
0xd96: {  	[hbm4b:s5+s3] =	stream.indirect_vreg.scatter [tilespmem:s20], [sflag:$0x2], $0x80, v4, vm1, $0xb8;
	[tilespmem:$0x19400] =	vst v63  }
0xd97: {  	s21 =	simm.s32 $0x11400  }
0xd98: {  	[hbm4b:s2+s3] =	stream.indirect_vreg.scatter [tilespmem:s21], [sflag:$0x2], $0x80, v3, vm0, $0xb8;
	[tilespmem:$0x19400] =	vst v63  }
0xd99: {  	s26 =	simm.s32 $0x11C00  }
0xd9a: {  	[hbm4b:s5+s3] =	stream.indirect_vreg.scatter [tilespmem:s26], [sflag:$0x2], $0x80, v3, vm1, $0xb8;
	[tilespmem:$0x19400] =	vst v63  }
0xd9b: {  	v3 =	vld [tilespmem:$0x18D40];
	_ =	sdelay $0x4  }
0xd9c: {  	v52 =	vshrl.u32 v3, $0x3  }
0xd9d: {  	v4 =	vmul.u32 $0x18, v52  }
0xd9e: {  	v3 =	vand.u32 $0x7, v3  }
0xd9f: {  	v3 =	vor.u32 v3, v4  }
0xda0: {  	v4 =	vperm.xlane v3, v0;
	_ =	sdelay $0x1  }
0xda1: {  	v4 =	vadd.s32 v1, v4;
	_ =	sdelay $0x1  }
0xda2: {  	v3 =	vperm.xlane v3, v2;
	_ =	sdelay $0x1  }
0xda3: {  	s31 =	simm.s32 $0x12000;
	v3 =	vadd.s32 v1, v3  }
0xda4: {  	[hbm4b:s2+s3] =	stream.indirect_vreg.scatter [tilespmem:s31], [sflag:$0x2], $0x80, v4, vm0, $0xb8;
	[tilespmem:$0x19400] =	vst v63  }
0xda5: {  	s31 =	simm.s32 $0x12800  }
0xda6: {  	[hbm4b:s5+s3] =	stream.indirect_vreg.scatter [tilespmem:s31], [sflag:$0x2], $0x80, v4, vm1, $0xb8;
	[tilespmem:$0x19400] =	vst v63  }
0xda7: {  	s18 =	simm.s32 $0x12C00  }
0xda8: {  	[hbm4b:s2+s3] =	stream.indirect_vreg.scatter [tilespmem:s18], [sflag:$0x2], $0x80, v3, vm0, $0xb8;
	[tilespmem:$0x19400] =	vst v63  }
0xda9: {  	s19 =	simm.s32 $0x13400  }
0xdaa: {  	[hbm4b:s5+s3] =	stream.indirect_vreg.scatter [tilespmem:s19], [sflag:$0x2], $0x80, v3, vm1, $0xb8;
	[tilespmem:$0x19400] =	vst v63  }
0xdab: {  	v3 =	vld [tilespmem:$0x18D50];
	_ =	sdelay $0x4  }
0xdac: {  	v53 =	vshrl.u32 v3, $0x3  }
0xdad: {  	v4 =	vmul.u32 $0x18, v53  }
0xdae: {  	v3 =	vand.u32 $0x7, v3  }
0xdaf: {  	v3 =	vor.u32 v3, v4  }
0xdb0: {  	v4 =	vperm.xlane v3, v0;
	_ =	sdelay $0x1  }
0xdb1: {  	v4 =	vadd.s32 v1, v4;
	_ =	sdelay $0x1  }
0xdb2: {  	v3 =	vperm.xlane v3, v2;
	_ =	sdelay $0x1  }
0xdb3: {  	s20 =	simm.s32 $0x13800;
	v3 =	vadd.s32 v1, v3  }
0xdb4: {  	[hbm4b:s2+s3] =	stream.indirect_vreg.scatter [tilespmem:s20], [sflag:$0x2], $0x80, v4, vm0, $0xb8;
	[tilespmem:$0x19400] =	vst v63  }
0xdb5: {  	s21 =	simm.s32 $0x14000  }
0xdb6: {  	[hbm4b:s5+s3] =	stream.indirect_vreg.scatter [tilespmem:s21], [sflag:$0x2], $0x80, v4, vm1, $0xb8;
	[tilespmem:$0x19400] =	vst v63  }
0xdb7: {  	s26 =	simm.s32 $0x14400  }
0xdb8: {  	[hbm4b:s2+s3] =	stream.indirect_vreg.scatter [tilespmem:s26], [sflag:$0x2], $0x80, v3, vm0, $0xb8;
	[tilespmem:$0x19400] =	vst v63  }
0xdb9: {  	s6 =	simm.s32 $0x14C00  }
0xdba: {  	[hbm4b:s5+s3] =	stream.indirect_vreg.scatter [tilespmem:s6], [sflag:$0x2], $0x80, v3, vm1, $0xb8;
	[tilespmem:$0x19400] =	vst v63  }
0xdbb: {  	v3 =	vld [tilespmem:$0x18D60];
	_ =	sdelay $0x4  }
0xdbc: {  	v54 =	vshrl.u32 v3, $0x3  }
0xdbd: {  	v4 =	vmul.u32 $0x18, v54  }
0xdbe: {  	v3 =	vand.u32 $0x7, v3  }
0xdbf: {  	v3 =	vor.u32 v3, v4  }
0xdc0: {  	v4 =	vperm.xlane v3, v0;
	_ =	sdelay $0x1  }
0xdc1: {  	v4 =	vadd.s32 v1, v4;
	_ =	sdelay $0x1  }
0xdc2: {  	v3 =	vperm.xlane v3, v2;
	_ =	sdelay $0x1  }
0xdc3: {  	s4 =	simm.s32 $0x15000;
	v3 =	vadd.s32 v1, v3  }
0xdc4: {  	[hbm4b:s2+s3] =	stream.indirect_vreg.scatter [tilespmem:s4], [sflag:$0x2], $0x80, v4, vm0, $0xb8;
	[tilespmem:$0x19400] =	vst v63  }
0xdc5: {  	s7 =	simm.s32 $0x15800  }
0xdc6: {  	[hbm4b:s5+s3] =	stream.indirect_vreg.scatter [tilespmem:s7], [sflag:$0x2], $0x80, v4, vm1, $0xb8;
	[tilespmem:$0x19400] =	vst v63  }
0xdc7: {  	s10 =	simm.s32 $0x15C00  }
0xdc8: {  	[hbm4b:s2+s3] =	stream.indirect_vreg.scatter [tilespmem:s10], [sflag:$0x2], $0x80, v3, vm0, $0xb8;
	[tilespmem:$0x19400] =	vst v63  }
0xdc9: {  	s10 =	simm.s32 $0x16400  }
0xdca: {  	[hbm4b:s5+s3] =	stream.indirect_vreg.scatter [tilespmem:s10], [sflag:$0x2], $0x80, v3, vm1, $0xb8;
	[tilespmem:$0x19400] =	vst v63  }
0xdcb: {  	v3 =	vld [tilespmem:$0x18D70];
	_ =	sdelay $0x4  }
0xdcc: {  	v55 =	vshrl.u32 v3, $0x3  }
0xdcd: {  	v4 =	vmul.u32 $0x18, v55  }
0xdce: {  	v3 =	vand.u32 $0x7, v3  }
0xdcf: {  	v3 =	vor.u32 v3, v4  }
0xdd0: {  	v4 =	vperm.xlane v3, v0;
	_ =	sdelay $0x1  }
0xdd1: {  	v4 =	vadd.s32 v1, v4;
	_ =	sdelay $0x1  }
0xdd2: {  	v3 =	vperm.xlane v3, v2;
	_ =	sdelay $0x1  }
0xdd3: {  	s22 =	simm.s32 $0x16800;
	v3 =	vadd.s32 v1, v3  }
0xdd4: {  	[hbm4b:s2+s3] =	stream.indirect_vreg.scatter [tilespmem:s22], [sflag:$0x2], $0x80, v4, vm0, $0xb8;
	[tilespmem:$0x19400] =	vst v63  }
0xdd5: {  	s23 =	simm.s32 $0x17000  }
0xdd6: {  	[hbm4b:s5+s3] =	stream.indirect_vreg.scatter [tilespmem:s23], [sflag:$0x2], $0x80, v4, vm1, $0xb8;
	[tilespmem:$0x19400] =	vst v63  }
0xdd7: {  	s24 =	simm.s32 $0x17400  }
0xdd8: {  	[hbm4b:s2+s3] =	stream.indirect_vreg.scatter [tilespmem:s24], [sflag:$0x2], $0x80, v3, vm0, $0xb8;
	[tilespmem:$0x19400] =	vst v63  }
0xdd9: {  	s24 =	simm.s32 $0x17C00  }
0xdda: {  	[hbm4b:s5+s3] =	stream.indirect_vreg.scatter [tilespmem:s24], [sflag:$0x2], $0x80, v3, vm1, $0xb8;
	[tilespmem:$0x19400] =	vst v63  }
0xddb: {  	v3 =	vld [tilespmem:$0x18D80];
	_ =	sdelay $0x4  }
0xddc: {  	v56 =	vshrl.u32 v3, $0x3  }
0xddd: {  	v4 =	vmul.u32 $0x18, v56  }
0xdde: {  	v3 =	vand.u32 $0x7, v3  }
0xddf: {  	v3 =	vor.u32 v3, v4  }
0xde0: {  	v4 =	vperm.xlane v3, v0;
	_ =	sdelay $0x1  }
0xde1: {  	v4 =	vadd.s32 v1, v4;
	_ =	sdelay $0x1  }
0xde2: {  	v3 =	vperm.xlane v3, v2;
	_ =	sdelay $0x1  }
0xde3: {  	s24 =	simm.s32 $0xC000;
	v3 =	vadd.s32 v1, v3  }
0xde4: {  	[hbm4b:s2+s3] =	stream.indirect_vreg.scatter [tilespmem:s24], [sflag:$0x2], $0x80, v4, vm0, $0xb8;
	[tilespmem:$0x19400] =	vst v63  }
0xde5: {  	s0 =	simm.s32 $0xC800  }
0xde6: {  	[hbm4b:s5+s3] =	stream.indirect_vreg.scatter [tilespmem:s0], [sflag:$0x2], $0x80, v4, vm1, $0xb8;
	[tilespmem:$0x19400] =	vst v63  }
0xde7: {  	s25 =	simm.s32 $0xCC00  }
0xde8: {  	[hbm4b:s2+s3] =	stream.indirect_vreg.scatter [tilespmem:s25], [sflag:$0x2], $0x80, v3, vm0, $0xb8;
	[tilespmem:$0x19400] =	vst v63  }
0xde9: {  	s17 =	simm.s32 $0xD400  }
0xdea: {  	[hbm4b:s5+s3] =	stream.indirect_vreg.scatter [tilespmem:s17], [sflag:$0x2], $0x80, v3, vm1, $0xb8;
	[tilespmem:$0x19400] =	vst v63  }
0xdeb: {  	v3 =	vld [tilespmem:$0x18D90];
	_ =	sdelay $0x4  }
0xdec: {  	v57 =	vshrl.u32 v3, $0x3  }
0xded: {  	v4 =	vmul.u32 $0x18, v57  }
0xdee: {  	v3 =	vand.u32 $0x7, v3  }
0xdef: {  	v3 =	vor.u32 v3, v4  }
0xdf0: {  	v4 =	vperm.xlane v3, v0;
	_ =	sdelay $0x1  }
0xdf1: {  	v4 =	vadd.s32 v1, v4;
	_ =	sdelay $0x1  }
0xdf2: {  	v3 =	vperm.xlane v3, v2;
	_ =	sdelay $0x1  }
0xdf3: {  	s13 =	simm.s32 $0xD800;
	v3 =	vadd.s32 v1, v3  }
0xdf4: {  	[hbm4b:s2+s3] =	stream.indirect_vreg.scatter [tilespmem:s13], [sflag:$0x2], $0x80, v4, vm0, $0xb8;
	[tilespmem:$0x19400] =	vst v63  }
0xdf5: {  	s8 =	simm.s32 $0xE000  }
0xdf6: {  	[hbm4b:s5+s3] =	stream.indirect_vreg.scatter [tilespmem:s8], [sflag:$0x2], $0x80, v4, vm1, $0xb8;
	[tilespmem:$0x19400] =	vst v63  }
0xdf7: {  	s28 =	simm.s32 $0xE400  }
0xdf8: {  	[hbm4b:s2+s3] =	stream.indirect_vreg.scatter [tilespmem:s28], [sflag:$0x2], $0x80, v3, vm0, $0xb8;
	[tilespmem:$0x19400] =	vst v63  }
0xdf9: {  	s24 =	simm.s32 $0xEC00  }
0xdfa: {  	[hbm4b:s5+s3] =	stream.indirect_vreg.scatter [tilespmem:s24], [sflag:$0x2], $0x80, v3, vm1, $0xb8;
	[tilespmem:$0x19400] =	vst v63  }
0xdfb: {  	v3 =	vld [tilespmem:$0x18DA0];
	_ =	sdelay $0x4  }
0xdfc: {  	v58 =	vshrl.u32 v3, $0x3  }
0xdfd: {  	v4 =	vmul.u32 $0x18, v58  }
0xdfe: {  	v3 =	vand.u32 $0x7, v3  }
0xdff: {  	v3 =	vor.u32 v3, v4  }
0xe00: {  	v4 =	vperm.xlane v3, v0;
	_ =	sdelay $0x1  }
0xe01: {  	v4 =	vadd.s32 v1, v4;
	_ =	sdelay $0x1  }
0xe02: {  	v3 =	vperm.xlane v3, v2;
	_ =	sdelay $0x1  }
0xe03: {  	s9 =	simm.s32 $0xF000;
	v3 =	vadd.s32 v1, v3  }
0xe04: {  	[hbm4b:s2+s3] =	stream.indirect_vreg.scatter [tilespmem:s9], [sflag:$0x2], $0x80, v4, vm0, $0xb8;
	[tilespmem:$0x19400] =	vst v63  }
0xe05: {  	s29 =	simm.s32 $0xF800  }
0xe06: {  	[hbm4b:s5+s3] =	stream.indirect_vreg.scatter [tilespmem:s29], [sflag:$0x2], $0x80, v4, vm1, $0xb8;
	[tilespmem:$0x19400] =	vst v63  }
0xe07: {  	s11 =	simm.s32 $0xFC00  }
0xe08: {  	[hbm4b:s2+s3] =	stream.indirect_vreg.scatter [tilespmem:s11], [sflag:$0x2], $0x80, v3, vm0, $0xb8;
	[tilespmem:$0x19400] =	vst v63  }
0xe09: {  	s25 =	simm.s32 $0x10400  }
0xe0a: {  	[hbm4b:s5+s3] =	stream.indirect_vreg.scatter [tilespmem:s25], [sflag:$0x2], $0x80, v3, vm1, $0xb8;
	[tilespmem:$0x19400] =	vst v63  }
0xe0b: {  	v3 =	vld [tilespmem:$0x18DB0];
	_ =	sdelay $0x4  }
0xe0c: {  	v59 =	vshrl.u32 v3, $0x3  }
0xe0d: {  	v4 =	vmul.u32 $0x18, v59  }
0xe0e: {  	v3 =	vand.u32 $0x7, v3  }
0xe0f: {  	v3 =	vor.u32 v3, v4  }
0xe10: {  	v4 =	vperm.xlane v3, v0;
	_ =	sdelay $0x1  }
0xe11: {  	v4 =	vadd.s32 v1, v4;
	_ =	sdelay $0x1  }
0xe12: {  	v3 =	vperm.xlane v3, v2;
	_ =	sdelay $0x1  }
0xe13: {  	s12 =	simm.s32 $0x10800;
	v3 =	vadd.s32 v1, v3  }
0xe14: {  	[hbm4b:s2+s3] =	stream.indirect_vreg.scatter [tilespmem:s12], [sflag:$0x2], $0x80, v4, vm0, $0xb8;
	[tilespmem:$0x19400] =	vst v63  }
0xe15: {  	s30 =	simm.s32 $0x11000  }
0xe16: {  	[hbm4b:s5+s3] =	stream.indirect_vreg.scatter [tilespmem:s30], [sflag:$0x2], $0x80, v4, vm1, $0xb8;
	[tilespmem:$0x19400] =	vst v63  }
0xe17: {  	s15 =	simm.s32 $0x11400  }
0xe18: {  	[hbm4b:s2+s3] =	stream.indirect_vreg.scatter [tilespmem:s15], [sflag:$0x2], $0x80, v3, vm0, $0xb8;
	[tilespmem:$0x19400] =	vst v63  }
0xe19: {  	s28 =	simm.s32 $0x11C00  }
0xe1a: {  	[hbm4b:s5+s3] =	stream.indirect_vreg.scatter [tilespmem:s28], [sflag:$0x2], $0x80, v3, vm1, $0xb8;
	[tilespmem:$0x19400] =	vst v63  }
0xe1b: {  	v3 =	vld [tilespmem:$0x18DC0];
	_ =	sdelay $0x4  }
0xe1c: {  	v60 =	vshrl.u32 v3, $0x3  }
0xe1d: {  	v4 =	vmul.u32 $0x18, v60  }
0xe1e: {  	v3 =	vand.u32 $0x7, v3  }
0xe1f: {  	v3 =	vor.u32 v3, v4  }
0xe20: {  	v4 =	vperm.xlane v3, v0;
	_ =	sdelay $0x1  }
0xe21: {  	v4 =	vadd.s32 v1, v4;
	_ =	sdelay $0x1  }
0xe22: {  	v3 =	vperm.xlane v3, v2;
	_ =	sdelay $0x1  }
0xe23: {  	s16 =	simm.s32 $0x12000;
	v3 =	vadd.s32 v1, v3  }
0xe24: {  	[hbm4b:s2+s3] =	stream.indirect_vreg.scatter [tilespmem:s16], [sflag:$0x2], $0x80, v4, vm0, $0xb8;
	[tilespmem:$0x19400] =	vst v63  }
0xe25: {  	s31 =	simm.s32 $0x12800  }
0xe26: {  	[hbm4b:s5+s3] =	stream.indirect_vreg.scatter [tilespmem:s31], [sflag:$0x2], $0x80, v4, vm1, $0xb8;
	[tilespmem:$0x19400] =	vst v63  }
0xe27: {  	s18 =	simm.s32 $0x12C00  }
0xe28: {  	[hbm4b:s2+s3] =	stream.indirect_vreg.scatter [tilespmem:s18], [sflag:$0x2], $0x80, v3, vm0, $0xb8;
	[tilespmem:$0x19400] =	vst v63  }
0xe29: {  	s29 =	simm.s32 $0x13400  }
0xe2a: {  	[hbm4b:s5+s3] =	stream.indirect_vreg.scatter [tilespmem:s29], [sflag:$0x2], $0x80, v3, vm1, $0xb8;
	[tilespmem:$0x19400] =	vst v63  }
0xe2b: {  	v3 =	vld [tilespmem:$0x18DD0];
	_ =	sdelay $0x4  }
0xe2c: {  	v61 =	vshrl.u32 v3, $0x3  }
0xe2d: {  	v4 =	vmul.u32 $0x18, v61  }
0xe2e: {  	v3 =	vand.u32 $0x7, v3  }
0xe2f: {  	v3 =	vor.u32 v3, v4  }
0xe30: {  	v4 =	vperm.xlane v3, v0;
	_ =	sdelay $0x1  }
0xe31: {  	v4 =	vadd.s32 v1, v4;
	_ =	sdelay $0x1  }
0xe32: {  	v3 =	vperm.xlane v3, v2;
	_ =	sdelay $0x1  }
0xe33: {  	s19 =	simm.s32 $0x13800;
	v3 =	vadd.s32 v1, v3  }
0xe34: {  	[hbm4b:s2+s3] =	stream.indirect_vreg.scatter [tilespmem:s19], [sflag:$0x2], $0x80, v4, vm0, $0xb8;
	[tilespmem:$0x19400] =	vst v63  }
0xe35: {  	s20 =	simm.s32 $0x14000  }
0xe36: {  	[hbm4b:s5+s3] =	stream.indirect_vreg.scatter [tilespmem:s20], [sflag:$0x2], $0x80, v4, vm1, $0xb8;
	[tilespmem:$0x19400] =	vst v63  }
0xe37: {  	s21 =	simm.s32 $0x14400  }
0xe38: {  	[hbm4b:s2+s3] =	stream.indirect_vreg.scatter [tilespmem:s21], [sflag:$0x2], $0x80, v3, vm0, $0xb8;
	[tilespmem:$0x19400] =	vst v63  }
0xe39: {  	s1 =	simm.s32 $0x14C00  }
0xe3a: {  	[hbm4b:s5+s3] =	stream.indirect_vreg.scatter [tilespmem:s1], [sflag:$0x2], $0x80, v3, vm1, $0xb8;
	[tilespmem:$0x19400] =	vst v63  }
0xe3b: {  	v3 =	vld [tilespmem:$0x18DE0];
	_ =	sdelay $0x4  }
0xe3c: {  	v62 =	vshrl.u32 v3, $0x3  }
0xe3d: {  	v4 =	vmul.u32 $0x18, v62  }
0xe3e: {  	v3 =	vand.u32 $0x7, v3  }
0xe3f: {  	v3 =	vor.u32 v3, v4  }
0xe40: {  	v4 =	vperm.xlane v3, v0;
	_ =	sdelay $0x1  }
0xe41: {  	v4 =	vadd.s32 v1, v4;
	_ =	sdelay $0x1  }
0xe42: {  	v3 =	vperm.xlane v3, v2;
	_ =	sdelay $0x1  }
0xe43: {  	s26 =	simm.s32 $0x15000;
	v3 =	vadd.s32 v1, v3  }
0xe44: {  	[hbm4b:s2+s3] =	stream.indirect_vreg.scatter [tilespmem:s26], [sflag:$0x2], $0x80, v4, vm0, $0xb8;
	[tilespmem:$0x19400] =	vst v63  }
0xe45: {  	s4 =	simm.s32 $0x15800  }
0xe46: {  	[hbm4b:s5+s3] =	stream.indirect_vreg.scatter [tilespmem:s4], [sflag:$0x2], $0x80, v4, vm1, $0xb8;
	[tilespmem:$0x19400] =	vst v63  }
0xe47: {  	s6 =	simm.s32 $0x15C00  }
0xe48: {  	[hbm4b:s2+s3] =	stream.indirect_vreg.scatter [tilespmem:s6], [sflag:$0x2], $0x80, v3, vm0, $0xb8;
	[tilespmem:$0x19400] =	vst v63  }
0xe49: {  	s30 =	simm.s32 $0x16400  }
0xe4a: {  	[hbm4b:s5+s3] =	stream.indirect_vreg.scatter [tilespmem:s30], [sflag:$0x2], $0x80, v3, vm1, $0xb8;
	[tilespmem:$0x19400] =	vst v63  }
0xe4b: {  	v3 =	vld [tilespmem:$0x18DF0];
	_ =	sdelay $0x4  }
0xe4c: {  	v63 =	vshrl.u32 v3, $0x3  }
0xe4d: {  	v4 =	vmul.u32 $0x18, v63  }
0xe4e: {  	v3 =	vand.u32 $0x7, v3  }
0xe4f: {  	v3 =	vor.u32 v3, v4  }
0xe50: {  	v4 =	vperm.xlane v3, v0;
	_ =	sdelay $0x1  }
0xe51: {  	v4 =	vadd.s32 v1, v4;
	_ =	sdelay $0x1  }
0xe52: {  	v3 =	vperm.xlane v3, v2;
	_ =	sdelay $0x1  }
0xe53: {  	s7 =	simm.s32 $0x16800;
	v3 =	vadd.s32 v1, v3  }
0xe54: {  	[hbm4b:s2+s3] =	stream.indirect_vreg.scatter [tilespmem:s7], [sflag:$0x2], $0x80, v4, vm0, $0xb8;
	[tilespmem:$0x19400] =	vst v63  }
0xe55: {  	s10 =	simm.s32 $0x17000  }
0xe56: {  	[hbm4b:s5+s3] =	stream.indirect_vreg.scatter [tilespmem:s10], [sflag:$0x2], $0x80, v4, vm1, $0xb8;
	[tilespmem:$0x19400] =	vst v63  }
0xe57: {  	s22 =	simm.s32 $0x17400  }
0xe58: {  	[hbm4b:s2+s3] =	stream.indirect_vreg.scatter [tilespmem:s22], [sflag:$0x2], $0x80, v3, vm0, $0xb8;
	[tilespmem:$0x19400] =	vst v63  }
0xe59: {  	s23 =	simm.s32 $0x17C00  }
0xe5a: {  	[hbm4b:s5+s3] =	stream.indirect_vreg.scatter [tilespmem:s23], [sflag:$0x2], $0x80, v3, vm1, $0xb8;
	[tilespmem:$0x19400] =	vst v63  }
0xe5b: {  	_ =	swait.ge [sflag:s14], $0xC000  }
0xe5c: {  	[sflag:s14] =	ssyncset.done $0x0  }
0xe5d: {  	[sflag:s14] =	ssyncadd.s32 $0xFFFF4000  }
0xe5e: {  	_ =	swait.ge [sflag:s14], $0xC000  }
0xe5f: {  	[sflag:s14] =	ssyncset.done $0x0  }
0xe60: {  	[sflag:s14] =	ssyncadd.s32 $0xFFFF4000  }
0xe61: {  	_ =	swait.ge [sflag:s14], $0xC000  }
0xe62: {  	[sflag:s14] =	ssyncset.done $0x0  }
0xe63: {  	[sflag:s14] =	ssyncadd.s32 $0xFFFF4000  }
0xe64: {  	_ =	swait.ge [sflag:s14], $0xC000  }
0xe65: {  	[sflag:s14] =	ssyncset.done $0x0  }
0xe66: {  	[sflag:s14] =	ssyncadd.s32 $0xFFFF4000  }
0xe67: {  	_ =	swait.ge [sflag:s14], $0xC000  }
0xe68: {  	[sflag:s14] =	ssyncset.done $0x0  }
0xe69: {  	[sflag:s14] =	ssyncadd.s32 $0xFFFF4000  }
0xe6a: {  	_ =	swait.ge [sflag:s14], $0xC000  }
0xe6b: {  	[sflag:s14] =	ssyncset.done $0x0  }
0xe6c: {  	[sflag:s14] =	ssyncadd.s32 $0xFFFF4000  }
0xe6d: {  	_ =	swait.ge [sflag:s14], $0xC000  }
0xe6e: {  	[sflag:s14] =	ssyncset.done $0x0  }
0xe6f: {  	[sflag:s14] =	ssyncadd.s32 $0xFFFF4000  }
0xe70: {  	_ =	swait.ge [sflag:s14], $0xC000  }
0xe71: {  	[sflag:s14] =	ssyncset.done $0x0  }
0xe72: {  	[sflag:s14] =	ssyncadd.s32 $0xFFFF4000  }
0xe73: {  	_ =	swait.ge [sflag:s14], $0xC000  }
0xe74: {  	[sflag:s14] =	ssyncset.done $0x0  }
0xe75: {  	[sflag:s14] =	ssyncadd.s32 $0xFFFF4000  }
0xe76: {  	_ =	swait.ge [sflag:s14], $0xC000  }
0xe77: {  	[sflag:s14] =	ssyncset.done $0x0  }
0xe78: {  	[sflag:s14] =	ssyncadd.s32 $0xFFFF4000  }
0xe79: {  	_ =	swait.ge [sflag:s14], $0xC000  }
0xe7a: {  	[sflag:s14] =	ssyncset.done $0x0  }
0xe7b: {  	[sflag:s14] =	ssyncadd.s32 $0xFFFF4000  }
0xe7c: {  	_ =	swait.ge [sflag:s14], $0xC000  }
0xe7d: {  	[sflag:s14] =	ssyncset.done $0x0  }
0xe7e: {  	[sflag:s14] =	ssyncadd.s32 $0xFFFF4000  }
0xe7f: {  	_ =	swait.ge [sflag:s14], $0xC000  }
0xe80: {  	[sflag:s14] =	ssyncset.done $0x0  }
0xe81: {  	[sflag:s14] =	ssyncadd.s32 $0xFFFF4000  }
0xe82: {  	_ =	swait.ge [sflag:s14], $0xC000  }
0xe83: {  	s31 =	rddreg [dreg:$0xd]  }
0xe84: {  	s0 =	sadd.s32 $0xFFFFFFFF, s31  }
0xe85: {  	p1 =	sne.s32 s0, $0x0  }
.Ltmp0:
0xe86: {  	_ = 	snop;
	(pc) =	sbr.rel @p1 .LBB2_1-.Ltmp0, $3  }
0xe87: {  	_ =	sdelay $0x1  }
0xe88: {  	[sflag:s14] =	ssyncset.done $0x0  }
0xe89: {  	[sflag:s14] =	ssyncadd.s32 $0xFFFF4000;
	s1 =	smov.u32 s0  }
0xe8a: {  	_ =	sfence.sel $0x180000  }
0xe8b: {  	[bflag:$0x0] =	sbarrier.arrive $0xFFFF  }
0xe8c: {  	_ =	strace $0x90000047  }
0xe8d: {  	s0 =	stileid.u32;
	[bflag:$0x2] =	sbarrier.arrive $0xFFFF  }
0xe8e: {  	p0 =	sne.s32 s0, $0x0;
	s0 =	rddreg [dreg:$0x4]  }
0xe8f: {  	s0 =	sadd.s32 @!p0 $0x100000, s0  }
0xe90: {  	[sflag:s0] =	ssyncadd.tile.s32 @!p0 $0x1;
	_ =	shalt  }
.Lfunc_end2:
_tile_overlayer_lowered:
.L_overlay_start_2:
0xe91: {  	(tag) =	ssettag $0x2  }
0xe92: {  	s0 =	rddreg [dreg:$0x0];
	s2 =	stileid.u32  }
0xe93: {  	s1 =	rddreg [dreg:$0x1];
	p0 =	sne.s32 s2, $0x0  }
0xe94: {  	s3 =	rddreg [dreg:$0x2];
	[bflag:$0x3] =	sbarrier.arrive $0xFFFF;
	s2 =	simm.s32 @!p0 $0x1C03  }
0xe95: {  	[timem:s3], [sflag:s2] =	dma.local @!p0 [hbm:s0], s1  }
0xe96: {  	s0 =	simm.s32 @!p0 $0x3  }
0xe97: {  	_ =	swait.ge @!p0 [sflag:s0], s1  }
0xe98: {  	s1 =	ssub.s32 @!p0 $0x0, s1;
	[sflag:s0] =	ssyncset.done @!p0 $0x0  }
0xe99: {  	[sflag:s0] =	ssyncadd.s32 @!p0 s1  }
0xe9a: {  	[bflag:$0x3] =	sbarrier.arrive $0xFFFF  }
0xe9b: {  	_ =	shalt  }

</sc_bundles>
